<compile_context>
chip_gen: v7x
topology: tpu7x:2x2x1
jax: 0.10.2.dev20260603
libtpu: 0.0.44.dev20260713+nightly
codegen_flags: <defaults>
</compile_context>

<pallas_src>
import functools

import jax
import jax.numpy as jnp
from jax import lax
from jax.experimental import pallas as pl
from jax.experimental.pallas import tpu as pltpu
from jax.experimental.pallas import tpu_sc as plsc

N = 10000
E = 320000
D = 128
H = 128
C = 10
G = 64
ALPHA = 0.01

NC = 2
NS = 16
NW = NC * NS
CHUNK = 128
NB = 2
E_PAD = 327680
ROWS_PT = E_PAD // NW // CHUNK
SCHUNKS = ROWS_PT // NB
R_PAD = 10240
RPT = R_PAD // NS


def _sc_mesh():
    return plsc.VectorSubcoreMesh(core_axis_name="c", subcore_axis_name="s")


def _deg_body(dst_h, ones_h, zero_h, out_h, deg_sh, ones_v, didx, _sem):
    c = lax.axis_index("c")
    s = lax.axis_index("s")
    wid = s * NC + c
    pltpu.sync_copy(ones_h, ones_v)
    pltpu.sync_copy(zero_h.at[pl.ds(s * RPT, RPT)], deg_sh.at[pl.ds(s * RPT, RPT)])
    plsc.subcore_barrier()

    def body(i, carry):
        rb = wid * ROWS_PT + i * NB
        pltpu.sync_copy(dst_h.at[pl.ds(rb, NB)], didx)
        for j in range(NB):
            pltpu.sync_copy(ones_v, deg_sh.at[didx.at[j]], add=True)
        return carry

    lax.fori_loop(0, SCHUNKS, body, 0)
    plsc.subcore_barrier()
    pltpu.sync_copy(deg_sh.at[pl.ds(s * RPT, RPT)],
                    out_h.at[c, pl.ds(s * RPT, RPT)])


def _sc_degree(dst2, ones128, zeros128):
    return pl.kernel(
        _deg_body,
        out_type=jax.ShapeDtypeStruct((NC, R_PAD, H), jnp.float32),
        mesh=_sc_mesh(),
        scratch_types=[
            pltpu.VMEM_SHARED((R_PAD, H), jnp.float32),
            pltpu.VMEM((CHUNK, H), jnp.float32),
            pltpu.VMEM((NB, CHUNK), jnp.int32),
            pltpu.SemaphoreType.DMA,
        ],
    )(dst2, ones128, zeros128)


FAST_C = 1
A_ROWS = 152
B_ROWS = 2 * ROWS_PT - A_ROWS
IB = 40


def _agg_body(g_h, src_h, dst_h, zero_h, out_h, agg_sh, buf, sidx, didx,
              gsem, ssem):
    c = lax.axis_index("c")
    s = lax.axis_index("s")
    fast = c == FAST_C
    base = pl.multiple_of(jnp.where(fast, s * A_ROWS, NS * A_ROWS + s * B_ROWS), 8)
    nchunks = jnp.where(fast, A_ROWS, B_ROWS)
    pltpu.sync_copy(zero_h.at[pl.ds(s * RPT, RPT)], agg_sh.at[pl.ds(s * RPT, RPT)])
    pltpu.sync_copy(src_h.at[pl.ds(base, IB)], sidx)
    pltpu.sync_copy(dst_h.at[pl.ds(base, IB)], didx)
    plsc.subcore_barrier()
    pltpu.async_copy(g_h.at[sidx.at[0]], buf.at[0], gsem)

    def body(it, carry):
        for b in range(2):
            i = it * 2 + b
            r = lax.rem(i, IB)
            pltpu.make_async_copy(g_h.at[sidx.at[r]], buf.at[b], gsem).wait()
            @pl.when((r == IB - 1) & (i + 1 < nchunks))
            def _():
                pltpu.sync_copy(
                    src_h.at[pl.ds(pl.multiple_of(base + i + 1, 8), IB)], sidx)
            @pl.when(i > 0)
            def _():
                pltpu.make_async_copy(
                    buf.at[1 - b], agg_sh.at[didx.at[0]], ssem).wait()
            @pl.when((r == 0) & (i > 0))
            def _():
                pltpu.sync_copy(
                    dst_h.at[pl.ds(pl.multiple_of(base + i, 8), IB)], didx)
            pltpu.async_copy(buf.at[b], agg_sh.at[didx.at[r]], ssem, add=True)
            @pl.when(i + 1 < nchunks)
            def _():
                rn = lax.rem(i + 1, IB)
                pltpu.async_copy(g_h.at[sidx.at[rn]], buf.at[1 - b], gsem)
        return carry

    lax.fori_loop(0, lax.div(nchunks, 2), body, 0)
    pltpu.make_async_copy(buf.at[1], agg_sh.at[didx.at[0]], ssem).wait()
    plsc.subcore_barrier()
    pltpu.sync_copy(agg_sh.at[pl.ds(s * RPT, RPT)],
                    out_h.at[c, pl.ds(s * RPT, RPT)])


def _sc_aggregate(g, src2, dst2, zeros128):
    return pl.kernel(
        _agg_body,
        out_type=jax.ShapeDtypeStruct((NC, R_PAD, H), jnp.float32),
        mesh=_sc_mesh(),
        scratch_types=[
            pltpu.VMEM_SHARED((R_PAD, H), jnp.float32),
            pltpu.VMEM((2, CHUNK, H), jnp.float32),
            pltpu.VMEM((IB, CHUNK), jnp.int32),
            pltpu.VMEM((IB, CHUNK), jnp.int32),
            pltpu.SemaphoreType.DMA,
            pltpu.SemaphoreType.DMA,
        ],
    )(g, src2, dst2, zeros128)


BLK = 1000
NBLK = N // BLK


def _tc0_body(x_ref, w_ref, b_ref, degs_ref, dinv_ref, g_ref):
    deg = degs_ref[0, :, 0:1] + degs_ref[1, :, 0:1] + 1.0
    dinv = lax.rsqrt(deg)
    dinv_ref[...] = dinv
    h = jnp.dot(x_ref[...], w_ref[...], preferred_element_type=jnp.float32)
    g_ref[...] = (h + b_ref[...]) * dinv


def _tc0(x, w, b, degs):
    return pl.pallas_call(
        _tc0_body,
        grid=(NBLK,),
        in_specs=[
            pl.BlockSpec((BLK, D), lambda i: (i, 0)),
            pl.BlockSpec((D, H), lambda i: (0, 0)),
            pl.BlockSpec((1, H), lambda i: (0, 0)),
            pl.BlockSpec((NC, BLK, H), lambda i: (0, i, 0)),
        ],
        out_specs=[
            pl.BlockSpec((BLK, 1), lambda i: (i, 0)),
            pl.BlockSpec((BLK, H), lambda i: (i, 0)),
        ],
        out_shape=[
            jax.ShapeDtypeStruct((N, 1), jnp.float32),
            jax.ShapeDtypeStruct((N, H), jnp.float32),
        ],
    )(x, w, b, degs)


def _leaky(y):
    return jnp.where(y >= 0, y, ALPHA * y)


def _tc_mid_body(a_ref, gp_ref, dinv_ref, w_ref, b_ref, x_ref, g_ref):
    dinv = dinv_ref[...]
    y = (a_ref[0] + a_ref[1] + gp_ref[...]) * dinv
    xo = _leaky(y)
    x_ref[...] = xo
    h = jnp.dot(xo, w_ref[...], preferred_element_type=jnp.float32)
    g_ref[...] = (h + b_ref[...]) * dinv


def _tc_mid(aggs, g_prev, dinv, w, b):
    return pl.pallas_call(
        _tc_mid_body,
        grid=(NBLK,),
        in_specs=[
            pl.BlockSpec((NC, BLK, H), lambda i: (0, i, 0)),
            pl.BlockSpec((BLK, H), lambda i: (i, 0)),
            pl.BlockSpec((BLK, 1), lambda i: (i, 0)),
            pl.BlockSpec((H, H), lambda i: (0, 0)),
            pl.BlockSpec((1, H), lambda i: (0, 0)),
        ],
        out_specs=[
            pl.BlockSpec((BLK, H), lambda i: (i, 0)),
            pl.BlockSpec((BLK, H), lambda i: (i, 0)),
        ],
        out_shape=[
            jax.ShapeDtypeStruct((N, H), jnp.float32),
            jax.ShapeDtypeStruct((N, H), jnp.float32),
        ],
    )(aggs, g_prev, dinv, w, b)


def _tc_l3_body(a_ref, gp_ref, dinv_ref, x0_ref, w_ref, b_ref,
                x2_ref, x3_ref, g_ref):
    dinv = dinv_ref[...]
    y = (a_ref[0] + a_ref[1] + gp_ref[...]) * dinv
    x2 = _leaky(y)
    x2_ref[...] = x2
    x3 = x0_ref[...] + x2
    x3_ref[...] = x3
    h = jnp.dot(x3, w_ref[...], preferred_element_type=jnp.float32)
    g_ref[...] = (h + b_ref[...]) * dinv


def _tc_l3(aggs, g_prev, dinv, x0, w, b):
    return pl.pallas_call(
        _tc_l3_body,
        grid=(NBLK,),
        in_specs=[
            pl.BlockSpec((NC, BLK, H), lambda i: (0, i, 0)),
            pl.BlockSpec((BLK, H), lambda i: (i, 0)),
            pl.BlockSpec((BLK, 1), lambda i: (i, 0)),
            pl.BlockSpec((BLK, H), lambda i: (i, 0)),
            pl.BlockSpec((H, H), lambda i: (0, 0)),
            pl.BlockSpec((1, H), lambda i: (0, 0)),
        ],
        out_specs=[
            pl.BlockSpec((BLK, H), lambda i: (i, 0)),
            pl.BlockSpec((BLK, H), lambda i: (i, 0)),
            pl.BlockSpec((BLK, H), lambda i: (i, 0)),
        ],
        out_shape=[
            jax.ShapeDtypeStruct((N, H), jnp.float32),
            jax.ShapeDtypeStruct((N, H), jnp.float32),
            jax.ShapeDtypeStruct((N, H), jnp.float32),
        ],
    )(aggs, g_prev, dinv, x0, w, b)


NEG = -3.0e38


def _final_body(a_ref, gp_ref, dinv_ref, x1_ref, x2_ref, x3_ref, batch_ref,
                wm1_ref, bm1_ref, gamma_ref, beta_ref, wm2_ref, bm2_ref,
                out_ref, xt_ref):
    def xt_blk(i, carry):
        sl = pl.ds(i * BLK, BLK)
        y = (a_ref[0, sl, :] + a_ref[1, sl, :] + gp_ref[sl, :]) * dinv_ref[sl, :]
        xt_ref[sl, :] = _leaky(y)
        return carry

    lax.fori_loop(0, NBLK, xt_blk, 0)

    def pool(src_ref):
        def blk(i, acc):
            sl = pl.ds(i * BLK, BLK)
            rows = src_ref[sl, :]
            b = batch_ref[sl, :]
            glo = jnp.min(b)
            ghi = jnp.max(b)

            def gl(g, acc):
                m = b == g
                v = jnp.max(jnp.where(m, rows, NEG), axis=0, keepdims=True)
                sel = lax.broadcasted_iota(jnp.int32, (G, 1), 0) == g
                return jnp.where(sel, jnp.maximum(acc, v), acc)

            return lax.fori_loop(glo, ghi + 1, gl, acc)

        return lax.fori_loop(0, NBLK, blk, jnp.full((G, H), NEG, jnp.float32))

    pooled = jnp.concatenate(
        [pool(xt_ref), pool(x1_ref), pool(x2_ref), pool(x3_ref)], axis=1)

    h = jnp.dot(pooled, wm1_ref[...], preferred_element_type=jnp.float32)
    h = h + bm1_ref[...]
    mean = jnp.mean(h, axis=0, keepdims=True)
    var = jnp.mean((h - mean) ** 2, axis=0, keepdims=True)
    h = (h - mean) * lax.rsqrt(var + 1e-5) * gamma_ref[...] + beta_ref[...]
    h = jnp.maximum(h, 0.0)
    out_ref[...] = jnp.dot(h, wm2_ref[...], preferred_element_type=jnp.float32) + bm2_ref[...]


def _tc_final(aggs, g3, dinv, x1, x2, x3, batch2, wm1, bm1, gamma, beta, wm2, bm2):
    return pl.pallas_call(
        _final_body,
        out_shape=jax.ShapeDtypeStruct((G, C), jnp.float32),
        scratch_shapes=[pltpu.VMEM((N, H), jnp.float32)],
    )(aggs, g3, dinv, x1, x2, x3, batch2,
      wm1, bm1, gamma, beta, wm2, bm2)


def kernel(x, edge_index, batch, W0, b0, W1, b1, W2, b2, W3, b3,
           Wm1, bm1, gamma, beta, Wm2, bm2):
    pad = E_PAD - E
    src2 = jnp.concatenate(
        [edge_index[0], jnp.zeros((pad,), jnp.int32)]).reshape(E_PAD // CHUNK, CHUNK)
    dst2 = jnp.concatenate(
        [edge_index[1], jnp.full((pad,), N, jnp.int32)]).reshape(E_PAD // CHUNK, CHUNK)
    zeros128 = jnp.zeros((R_PAD, H), jnp.float32)
    ones128 = jnp.ones((CHUNK, H), jnp.float32)
    batch2 = batch.reshape(N, 1)
    b0r, b1r, b2r, b3r = (v.reshape(1, H) for v in (b0, b1, b2, b3))
    bm1r = bm1.reshape(1, H)
    gammar = gamma.reshape(1, H)
    betar = beta.reshape(1, H)
    bm2r = bm2.reshape(1, C)

    degs = _sc_degree(dst2, ones128, zeros128)
    dinv, g0 = _tc0(x, W0, b0r, degs)
    a0 = _sc_aggregate(g0, src2, dst2, zeros128)
    x0, g1 = _tc_mid(a0, g0, dinv, W1, b1r)
    a1 = _sc_aggregate(g1, src2, dst2, zeros128)
    x1, g2 = _tc_mid(a1, g1, dinv, W2, b2r)
    a2 = _sc_aggregate(g2, src2, dst2, zeros128)
    x2, x3, g3 = _tc_l3(a2, g2, dinv, x0, W3, b3r)
    a3 = _sc_aggregate(g3, src2, dst2, zeros128)
    return _tc_final(a3, g3, dinv, x1, x2, x3, batch2,
                     Wm1, bm1r, gammar, betar, Wm2, bm2r)

# --- scband reference (transcript-rebuilt; emitter-appended) ---
"""Pipeline reference for scband-gconv-net-82197084111195 (READ-ONLY COPY).

The authoritative reference and input builder live on the scoring server;
editing this copy changes nothing except your own understanding.
"""

import jax, jax.numpy as jnp
import numpy as np

N = 10000
E = 320000
D = 128
H = 128
C = 10
G = 64
ALPHA = 0.01


def setup_inputs(seed: int = 0) -> dict:
    key = jax.random.key(seed)
    ks = jax.random.split(key, 16)
    inp = {}
    inp["x"] = jax.random.normal(ks[0], (N, D), dtype=jnp.float32)
    inp["edge_index"] = jax.random.randint(ks[1], (2, E), 0, N, dtype=jnp.int32)
    inp["batch"] = jnp.sort(jax.random.randint(ks[2], (N,), 0, G, dtype=jnp.int32))

    def lin(k, fi, fo):
        s = 1.0 / np.sqrt(fi)
        return jax.random.uniform(k, (fi, fo), minval=-s, maxval=s, dtype=jnp.float32)

    inp["W0"] = lin(ks[3], D, H); inp["b0"] = jnp.zeros((H,), jnp.float32)
    inp["W1"] = lin(ks[4], H, H); inp["b1"] = jnp.zeros((H,), jnp.float32)
    inp["W2"] = lin(ks[5], H, H); inp["b2"] = jnp.zeros((H,), jnp.float32)
    inp["W3"] = lin(ks[6], H, H); inp["b3"] = jnp.zeros((H,), jnp.float32)
    inp["Wm1"] = lin(ks[7], 4 * H, H); inp["bm1"] = jnp.zeros((H,), jnp.float32)
    inp["gamma"] = jnp.ones((H,), jnp.float32); inp["beta"] = jnp.zeros((H,), jnp.float32)
    inp["Wm2"] = lin(ks[8], H, C); inp["bm2"] = jnp.zeros((C,), jnp.float32)
    return inp


def _gcn(x, W, b, src, dst, norm):
    # GCNLayer: linear -> sym-normalized neighborhood aggregation (with self loops) -> leaky_relu(alpha)
    h = x @ W + b
    msg = h[src] * norm[:, None]
    out = jax.ops.segment_sum(msg, dst, num_segments=N)
    return jnp.where(out >= 0, out, ALPHA * out)


def reference(x, edge_index, batch, W0, b0, W1, b1, W2, b2, W3, b3, Wm1, bm1, gamma, beta, Wm2, bm2):
    loop = jnp.arange(N, dtype=edge_index.dtype)
    src = jnp.concatenate([edge_index[0], loop])
    dst = jnp.concatenate([edge_index[1], loop])
    deg = jnp.zeros((N,), jnp.float32).at[dst].add(1.0)
    dinv = jax.lax.rsqrt(deg)
    norm = dinv[src] * dinv[dst]

    x0 = _gcn(x, W0, b0, src, dst, norm)   # init_graph
    x1 = _gcn(x0, W1, b1, src, dst, norm)  # head
    x2 = _gcn(x1, W2, b2, src, dst, norm)  # body
    x3 = x0 + x2
    xt = _gcn(x3, W3, b3, src, dst, norm)  # tail
    xc = jnp.concatenate([xt, x1, x2, x3], axis=1)

    pooled = jax.ops.segment_max(xc, batch, num_segments=G)  # global_max_pool

    h = pooled @ Wm1 + bm1
    mean = jnp.mean(h, axis=0)
    var = jnp.var(h, axis=0)
    h = (h - mean) * jax.lax.rsqrt(var + 1e-5) * gamma + beta  # BatchNorm1d (batch stats)
    h = jnp.maximum(h, 0.0)
    return h @ Wm2 + bm2


if False:  # reference __main__ guard neutralized (emitter)
    out = reference(**setup_inputs())
    print(out.shape)

if __name__ == "__main__":
    import jax
    _d = setup_inputs()
    print(jax.jit(kernel)(*tuple(_d.values())))

</pallas_src>

<mosaic_0001>
#map = affine_map<(d0, d1) -> (0, 0)>
#map1 = affine_map<(d0, d1) -> (0, 0, 0)>
module attributes {stable_mosaic.version = 14 : i64} {
  func.func @_agg_body(%arg0: i32, %arg1: i32, %arg2: memref<10000x128xf32, #tpu.memory_space<hbm>>, %arg3: memref<2560x128xi32, #tpu.memory_space<hbm>>, %arg4: memref<2560x128xi32, #tpu.memory_space<hbm>>, %arg5: memref<10240x128xf32, #tpu.memory_space<hbm>>, %arg6: memref<2x10240x128xf32, #tpu.memory_space<hbm>>, %arg7: memref<10240x128xf32, #tpu.memory_space<vmem_shared>>, %arg8: memref<2x128x128xf32, #tpu.memory_space<vmem>>, %arg9: memref<40x128xi32, #tpu.memory_space<vmem>>, %arg10: memref<40x128xi32, #tpu.memory_space<vmem>>, %arg11: memref<!tpu.dma_semaphore, #tpu.memory_space<semaphore_mem>>, %arg12: memref<!tpu.dma_semaphore, #tpu.memory_space<semaphore_mem>>) attributes {dimension_semantics = [#tpu.dimension_semantics<core_parallel>, #tpu.dimension_semantics<subcore_parallel>], iteration_bounds = array<i64: 2, 16>, scalar_prefetch = 0 : i64, scratch_operands = 6 : i64, tpu.core_type = #tpu.core_type<sc_vector_subcore>, window_params = [{transform_indices = #map}, {transform_indices = #map}, {transform_indices = #map}, {transform_indices = #map}, {transform_indices = #map1}]} {
    %eq3A = arith.constant 1 : i32
    %eq3A_0 = arith.cmpi eq, %arg0, %eq3A : i32
    %mul3A = arith.constant 152 : i32
    %mul3A_1 = arith.muli %arg1, %mul3A : i32
    %mul3A_2 = arith.constant 8 : i32
    %mul3A_3 = arith.muli %arg1, %mul3A_2 : i32
    %add3A = arith.constant 2432 : i32
    %add3A_4 = arith.addi %add3A, %mul3A_3 : i32
    %select_n3A = arith.select %eq3A_0, %mul3A_1, %add3A_4 : i32
    %multiple_of3A = tpu.assume_multiple %select_n3A, 8 : i32
    %jit3A = arith.constant 152 : i32
    %jit3A_5 = arith.constant 8 : i32
    %select_n3A_6 = arith.select %eq3A_0, %jit3A, %jit3A_5 : i32
    %mul3A_7 = arith.constant 640 : i32
    %mul3A_8 = arith.muli %arg1, %mul3A_7 : i32
    %mul3A_9 = arith.constant 640 : i32
    %mul3A_10 = arith.muli %arg1, %mul3A_9 : i32
    "tpu.region"() ({
      %run_scoped3A = tpu.sem_alloc : memref<!tpu.dma_semaphore, #tpu.memory_space<semaphore_mem>>
      %dma_start3A_48 = arith.constant 0 : i32
      %dma_start3A_49 = tpu.memref_slice %arg7[%mul3A_10, %dma_start3A_48] : memref<10240x128xf32, #tpu.memory_space<vmem_shared>> -> memref<640x128xf32, #tpu.memory_space<vmem_shared>>
      %dma_start3A_50 = arith.constant 0 : i32
      %dma_start3A_51 = tpu.memref_slice %arg5[%mul3A_8, %dma_start3A_50] : memref<10240x128xf32, #tpu.memory_space<hbm>> -> memref<640x128xf32, #tpu.memory_space<hbm>>
      tpu.enqueue_dma source(%dma_start3A_51 : memref<640x128xf32, #tpu.memory_space<hbm>>) target(%dma_start3A_49 : memref<640x128xf32, #tpu.memory_space<vmem_shared>>) target_semaphore(%run_scoped3A : memref<!tpu.dma_semaphore, #tpu.memory_space<semaphore_mem>>)
      %dma_wait3A_52 = arith.constant 0 : i32
      %dma_wait3A_53 = tpu.memref_slice %arg7[%mul3A_10, %dma_wait3A_52] : memref<10240x128xf32, #tpu.memory_space<vmem_shared>> -> memref<640x128xf32, #tpu.memory_space<vmem_shared>>
      %dma_wait3A_54 = arith.constant 0 : i32
      %dma_wait3A_55 = tpu.memref_slice %arg5[%mul3A_8, %dma_wait3A_54] : memref<10240x128xf32, #tpu.memory_space<hbm>> -> memref<640x128xf32, #tpu.memory_space<hbm>>
      tpu.wait_dma2 semaphore(%run_scoped3A : memref<!tpu.dma_semaphore, #tpu.memory_space<semaphore_mem>>) src(%dma_wait3A_55 : memref<640x128xf32, #tpu.memory_space<hbm>>) dst(%dma_wait3A_53 : memref<640x128xf32, #tpu.memory_space<vmem_shared>>)
      tpu.yield
    }) : () -> ()
    "tpu.region"() ({
      %run_scoped3A = tpu.sem_alloc : memref<!tpu.dma_semaphore, #tpu.memory_space<semaphore_mem>>
      %dma_start3A_48 = arith.constant 0 : i32
      %dma_start3A_49 = tpu.memref_slice %arg3[%multiple_of3A, %dma_start3A_48] : memref<2560x128xi32, #tpu.memory_space<hbm>> -> memref<40x128xi32, #tpu.memory_space<hbm>>
      %dma_start3A_50 = arith.constant 0 : i32
      %dma_start3A_51 = tpu.memref_slice %arg3[%multiple_of3A, %dma_start3A_50] : memref<2560x128xi32, #tpu.memory_space<hbm>> -> memref<40x128xi32, #tpu.memory_space<hbm>>
      tpu.enqueue_dma source(%dma_start3A_51 : memref<40x128xi32, #tpu.memory_space<hbm>>) target(%arg9 : memref<40x128xi32, #tpu.memory_space<vmem>>) target_semaphore(%run_scoped3A : memref<!tpu.dma_semaphore, #tpu.memory_space<semaphore_mem>>)
      %dma_wait3A_52 = arith.constant 0 : i32
      %dma_wait3A_53 = tpu.memref_slice %arg3[%multiple_of3A, %dma_wait3A_52] : memref<2560x128xi32, #tpu.memory_space<hbm>> -> memref<40x128xi32, #tpu.memory_space<hbm>>
      %dma_wait3A_54 = arith.constant 0 : i32
      %dma_wait3A_55 = tpu.memref_slice %arg3[%multiple_of3A, %dma_wait3A_54] : memref<2560x128xi32, #tpu.memory_space<hbm>> -> memref<40x128xi32, #tpu.memory_space<hbm>>
      tpu.wait_dma2 semaphore(%run_scoped3A : memref<!tpu.dma_semaphore, #tpu.memory_space<semaphore_mem>>) src(%dma_wait3A_55 : memref<40x128xi32, #tpu.memory_space<hbm>>) dst(%arg9 : memref<40x128xi32, #tpu.memory_space<vmem>>)
      tpu.yield
    }) : () -> ()
    "tpu.region"() ({
      %run_scoped3A = tpu.sem_alloc : memref<!tpu.dma_semaphore, #tpu.memory_space<semaphore_mem>>
      %dma_start3A_48 = arith.constant 0 : i32
      %dma_start3A_49 = tpu.memref_slice %arg4[%multiple_of3A, %dma_start3A_48] : memref<2560x128xi32, #tpu.memory_space<hbm>> -> memref<40x128xi32, #tpu.memory_space<hbm>>
      %dma_start3A_50 = arith.constant 0 : i32
      %dma_start3A_51 = tpu.memref_slice %arg4[%multiple_of3A, %dma_start3A_50] : memref<2560x128xi32, #tpu.memory_space<hbm>> -> memref<40x128xi32, #tpu.memory_space<hbm>>
      tpu.enqueue_dma source(%dma_start3A_51 : memref<40x128xi32, #tpu.memory_space<hbm>>) target(%arg10 : memref<40x128xi32, #tpu.memory_space<vmem>>) target_semaphore(%run_scoped3A : memref<!tpu.dma_semaphore, #tpu.memory_space<semaphore_mem>>)
      %dma_wait3A_52 = arith.constant 0 : i32
      %dma_wait3A_53 = tpu.memref_slice %arg4[%multiple_of3A, %dma_wait3A_52] : memref<2560x128xi32, #tpu.memory_space<hbm>> -> memref<40x128xi32, #tpu.memory_space<hbm>>
      %dma_wait3A_54 = arith.constant 0 : i32
      %dma_wait3A_55 = tpu.memref_slice %arg4[%multiple_of3A, %dma_wait3A_54] : memref<2560x128xi32, #tpu.memory_space<hbm>> -> memref<40x128xi32, #tpu.memory_space<hbm>>
      tpu.wait_dma2 semaphore(%run_scoped3A : memref<!tpu.dma_semaphore, #tpu.memory_space<semaphore_mem>>) src(%dma_wait3A_55 : memref<40x128xi32, #tpu.memory_space<hbm>>) dst(%arg10 : memref<40x128xi32, #tpu.memory_space<vmem>>)
      tpu.yield
    }) : () -> ()
    %barrier3A = arith.constant 0 : index
    tpu.barrier barrier_id(%barrier3A)
    %dma_start3A = arith.constant 0 : i32
    %dma_start3A_11 = arith.constant 0 : i32
    %dma_start3A_12 = arith.constant 0 : i32
    %dma_start3A_13 = arith.constant 0 : i32
    %dma_start3A_14 = tpu.memref_slice %arg8[%dma_start3A_11, %dma_start3A_12, %dma_start3A_13] : memref<2x128x128xf32, #tpu.memory_space<vmem>> -> memref<1x128x128xf32, #tpu.memory_space<vmem>>
    %dma_start3A_15 = tpu.memref_squeeze %dma_start3A_14 : memref<1x128x128xf32, #tpu.memory_space<vmem>> -> memref<128x128xf32, #tpu.memory_space<vmem>>
    %dma_start3A_16 = arith.constant 0 : i32
    %dma_start3A_17 = tpu.memref_slice %arg9[%dma_start3A, %dma_start3A_16] : memref<40x128xi32, #tpu.memory_space<vmem>> -> memref<1x128xi32, #tpu.memory_space<vmem>>
    %dma_start3A_18 = tpu.memref_squeeze %dma_start3A_17 : memref<1x128xi32, #tpu.memory_space<vmem>> -> memref<128xi32, #tpu.memory_space<vmem>>
    %dma_start3A_19 = arith.constant 0 : i32
    %dma_start3A_20 = arith.constant 0 : i32
    %dma_start3A_21 = tpu.memref_slice %arg2[%dma_start3A_19, %dma_start3A_20] : memref<10000x128xf32, #tpu.memory_space<hbm>> -> memref<10000x128xf32, #tpu.memory_space<hbm>>
    tpu.enqueue_indirect_dma source(%dma_start3A_21 : memref<10000x128xf32, #tpu.memory_space<hbm>>) target(%dma_start3A_15 : memref<128x128xf32, #tpu.memory_space<vmem>>) offsets(%dma_start3A_18 : memref<128xi32, #tpu.memory_space<vmem>>) semaphore(%arg11 : memref<!tpu.dma_semaphore, #tpu.memory_space<semaphore_mem>>)
    %div3A = arith.constant 2 : i32
    %div3A_22 = arith.divsi %select_n3A_6, %div3A : i32
    %while3A = arith.constant 0 : i32
    %while3A_23 = arith.constant 0 : i32
    %while3A_24 = arith.subi %div3A_22, %while3A_23 : i32
    %while3A_25 = arith.addi %while3A_23, %while3A_24 : i32
    %while3A_26 = arith.constant 1 : i32
    %while3A_27 = arith.divsi %while3A_24, %while3A_26 : i32
    %while3A_28 = arith.muli %while3A_27, %while3A_26 : i32
    %while3A_29 = arith.addi %while3A_23, %while3A_28 : i32
    %while3A_30 = arith.constant 1 : i32
    scf.for %while3A_48 = %while3A_23 to %while3A_29 step %while3A_30  : i32 {
      %mul3A_49 = arith.constant 2 : i32
      %mul3A_50 = arith.muli %while3A_48, %mul3A_49 : i32
      %add3A_51 = arith.constant 0 : i32
      %add3A_52 = arith.addi %mul3A_50, %add3A_51 : i32
      %rem3A = arith.constant 40 : i32
      %rem3A_53 = arith.remsi %add3A_52, %rem3A : i32
      %dma_wait3A_54 = arith.constant 0 : i32
      %dma_wait3A_55 = arith.constant 0 : i32
      %dma_wait3A_56 = arith.constant 0 : i32
      %dma_wait3A_57 = tpu.memref_slice %arg8[%dma_wait3A_54, %dma_wait3A_55, %dma_wait3A_56] : memref<2x128x128xf32, #tpu.memory_space<vmem>> -> memref<1x128x128xf32, #tpu.memory_space<vmem>>
      %dma_wait3A_58 = tpu.memref_squeeze %dma_wait3A_57 : memref<1x128x128xf32, #tpu.memory_space<vmem>> -> memref<128x128xf32, #tpu.memory_space<vmem>>
      %dma_wait3A_59 = arith.constant 0 : i32
      %dma_wait3A_60 = tpu.memref_slice %arg9[%rem3A_53, %dma_wait3A_59] : memref<40x128xi32, #tpu.memory_space<vmem>> -> memref<1x128xi32, #tpu.memory_space<vmem>>
      %dma_wait3A_61 = tpu.memref_squeeze %dma_wait3A_60 : memref<1x128xi32, #tpu.memory_space<vmem>> -> memref<128xi32, #tpu.memory_space<vmem>>
      %dma_wait3A_62 = arith.constant 0 : i32
      %dma_wait3A_63 = arith.constant 0 : i32
      %dma_wait3A_64 = tpu.memref_slice %arg2[%dma_wait3A_62, %dma_wait3A_63] : memref<10000x128xf32, #tpu.memory_space<hbm>> -> memref<10000x128xf32, #tpu.memory_space<hbm>>
      tpu.wait_indirect_dma semaphore(%arg11 : memref<!tpu.dma_semaphore, #tpu.memory_space<semaphore_mem>>) src(%dma_wait3A_64 : memref<10000x128xf32, #tpu.memory_space<hbm>>) dst(%dma_wait3A_58 : memref<128x128xf32, #tpu.memory_space<vmem>>)
      %eq3A_65 = arith.constant 39 : i32
      %eq3A_66 = arith.cmpi eq, %rem3A_53, %eq3A_65 : i32
      %add3A_67 = arith.constant 1 : i32
      %add3A_68 = arith.addi %add3A_52, %add3A_67 : i32
      %lt3A = arith.cmpi slt, %add3A_68, %select_n3A_6 : i32
      %and3A = arith.andi %eq3A_66, %lt3A : i1
      %convert_element_type3A = arith.extui %and3A : i1 to i32
      %cond3A = arith.constant 0 : i32
      %cond3A_69 = arith.cmpi ne, %convert_element_type3A, %cond3A : i32
      scf.if %cond3A_69 {
        %add3A_155 = arith.addi %multiple_of3A, %add3A_52 : i32
        %add3A_156 = arith.constant 1 : i32
        %add3A_157 = arith.addi %add3A_155, %add3A_156 : i32
        %multiple_of3A_158 = tpu.assume_multiple %add3A_157, 8 : i32
        "tpu.region"() ({
          %run_scoped3A = tpu.sem_alloc : memref<!tpu.dma_semaphore, #tpu.memory_space<semaphore_mem>>
          %dma_start3A_159 = arith.constant 0 : i32
          %dma_start3A_160 = tpu.memref_slice %arg3[%multiple_of3A_158, %dma_start3A_159] : memref<2560x128xi32, #tpu.memory_space<hbm>> -> memref<40x128xi32, #tpu.memory_space<hbm>>
          %dma_start3A_161 = arith.constant 0 : i32
          %dma_start3A_162 = tpu.memref_slice %arg3[%multiple_of3A_158, %dma_start3A_161] : memref<2560x128xi32, #tpu.memory_space<hbm>> -> memref<40x128xi32, #tpu.memory_space<hbm>>
          tpu.enqueue_dma source(%dma_start3A_162 : memref<40x128xi32, #tpu.memory_space<hbm>>) target(%arg9 : memref<40x128xi32, #tpu.memory_space<vmem>>) target_semaphore(%run_scoped3A : memref<!tpu.dma_semaphore, #tpu.memory_space<semaphore_mem>>)
          %dma_wait3A_163 = arith.constant 0 : i32
          %dma_wait3A_164 = tpu.memref_slice %arg3[%multiple_of3A_158, %dma_wait3A_163] : memref<2560x128xi32, #tpu.memory_space<hbm>> -> memref<40x128xi32, #tpu.memory_space<hbm>>
          %dma_wait3A_165 = arith.constant 0 : i32
          %dma_wait3A_166 = tpu.memref_slice %arg3[%multiple_of3A_158, %dma_wait3A_165] : memref<2560x128xi32, #tpu.memory_space<hbm>> -> memref<40x128xi32, #tpu.memory_space<hbm>>
          tpu.wait_dma2 semaphore(%run_scoped3A : memref<!tpu.dma_semaphore, #tpu.memory_space<semaphore_mem>>) src(%dma_wait3A_166 : memref<40x128xi32, #tpu.memory_space<hbm>>) dst(%arg9 : memref<40x128xi32, #tpu.memory_space<vmem>>)
          tpu.yield
        }) : () -> ()
      } else {
      }
      %gt3A = arith.constant 0 : i32
      %gt3A_70 = arith.cmpi sgt, %add3A_52, %gt3A : i32
      %convert_element_type3A_71 = arith.extui %gt3A_70 : i1 to i32
      %cond3A_72 = arith.constant 0 : i32
      %cond3A_73 = arith.cmpi ne, %convert_element_type3A_71, %cond3A_72 : i32
      scf.if %cond3A_73 {
        %dma_wait3A_155 = arith.constant 1 : i32
        %dma_wait3A_156 = arith.constant 0 : i32
        %dma_wait3A_157 = arith.constant 0 : i32
        %dma_wait3A_158 = arith.constant 0 : i32
        %dma_wait3A_159 = tpu.memref_slice %arg8[%dma_wait3A_155, %dma_wait3A_157, %dma_wait3A_158] : memref<2x128x128xf32, #tpu.memory_space<vmem>> -> memref<1x128x128xf32, #tpu.memory_space<vmem>>
        %dma_wait3A_160 = tpu.memref_squeeze %dma_wait3A_159 : memref<1x128x128xf32, #tpu.memory_space<vmem>> -> memref<128x128xf32, #tpu.memory_space<vmem>>
        %dma_wait3A_161 = arith.constant 0 : i32
        %dma_wait3A_162 = tpu.memref_slice %arg10[%dma_wait3A_156, %dma_wait3A_161] : memref<40x128xi32, #tpu.memory_space<vmem>> -> memref<1x128xi32, #tpu.memory_space<vmem>>
        %dma_wait3A_163 = tpu.memref_squeeze %dma_wait3A_162 : memref<1x128xi32, #tpu.memory_space<vmem>> -> memref<128xi32, #tpu.memory_space<vmem>>
        %dma_wait3A_164 = arith.constant 0 : i32
        %dma_wait3A_165 = arith.constant 0 : i32
        %dma_wait3A_166 = tpu.memref_slice %arg7[%dma_wait3A_164, %dma_wait3A_165] : memref<10240x128xf32, #tpu.memory_space<vmem_shared>> -> memref<10240x128xf32, #tpu.memory_space<vmem_shared>>
        tpu.wait_indirect_dma semaphore(%arg12 : memref<!tpu.dma_semaphore, #tpu.memory_space<semaphore_mem>>) src(%dma_wait3A_160 : memref<128x128xf32, #tpu.memory_space<vmem>>) dst(%dma_wait3A_166 : memref<10240x128xf32, #tpu.memory_space<vmem_shared>>)
      } else {
      }
      %eq3A_74 = arith.constant 0 : i32
      %eq3A_75 = arith.cmpi eq, %rem3A_53, %eq3A_74 : i32
      %gt3A_76 = arith.constant 0 : i32
      %gt3A_77 = arith.cmpi sgt, %add3A_52, %gt3A_76 : i32
      %and3A_78 = arith.andi %eq3A_75, %gt3A_77 : i1
      %convert_element_type3A_79 = arith.extui %and3A_78 : i1 to i32
      %cond3A_80 = arith.constant 0 : i32
      %cond3A_81 = arith.cmpi ne, %convert_element_type3A_79, %cond3A_80 : i32
      scf.if %cond3A_81 {
        %add3A_155 = arith.addi %multiple_of3A, %add3A_52 : i32
        %multiple_of3A_156 = tpu.assume_multiple %add3A_155, 8 : i32
        "tpu.region"() ({
          %run_scoped3A = tpu.sem_alloc : memref<!tpu.dma_semaphore, #tpu.memory_space<semaphore_mem>>
          %dma_start3A_157 = arith.constant 0 : i32
          %dma_start3A_158 = tpu.memref_slice %arg4[%multiple_of3A_156, %dma_start3A_157] : memref<2560x128xi32, #tpu.memory_space<hbm>> -> memref<40x128xi32, #tpu.memory_space<hbm>>
          %dma_start3A_159 = arith.constant 0 : i32
          %dma_start3A_160 = tpu.memref_slice %arg4[%multiple_of3A_156, %dma_start3A_159] : memref<2560x128xi32, #tpu.memory_space<hbm>> -> memref<40x128xi32, #tpu.memory_space<hbm>>
          tpu.enqueue_dma source(%dma_start3A_160 : memref<40x128xi32, #tpu.memory_space<hbm>>) target(%arg10 : memref<40x128xi32, #tpu.memory_space<vmem>>) target_semaphore(%run_scoped3A : memref<!tpu.dma_semaphore, #tpu.memory_space<semaphore_mem>>)
          %dma_wait3A_161 = arith.constant 0 : i32
          %dma_wait3A_162 = tpu.memref_slice %arg4[%multiple_of3A_156, %dma_wait3A_161] : memref<2560x128xi32, #tpu.memory_space<hbm>> -> memref<40x128xi32, #tpu.memory_space<hbm>>
          %dma_wait3A_163 = arith.constant 0 : i32
          %dma_wait3A_164 = tpu.memref_slice %arg4[%multiple_of3A_156, %dma_wait3A_163] : memref<2560x128xi32, #tpu.memory_space<hbm>> -> memref<40x128xi32, #tpu.memory_space<hbm>>
          tpu.wait_dma2 semaphore(%run_scoped3A : memref<!tpu.dma_semaphore, #tpu.memory_space<semaphore_mem>>) src(%dma_wait3A_164 : memref<40x128xi32, #tpu.memory_space<hbm>>) dst(%arg10 : memref<40x128xi32, #tpu.memory_space<vmem>>)
          tpu.yield
        }) : () -> ()
      } else {
      }
      %dma_start3A_82 = arith.constant 0 : i32
      %dma_start3A_83 = arith.constant 0 : i32
      %dma_start3A_84 = arith.constant 0 : i32
      %dma_start3A_85 = tpu.memref_slice %arg8[%dma_start3A_82, %dma_start3A_83, %dma_start3A_84] : memref<2x128x128xf32, #tpu.memory_space<vmem>> -> memref<1x128x128xf32, #tpu.memory_space<vmem>>
      %dma_start3A_86 = tpu.memref_squeeze %dma_start3A_85 : memref<1x128x128xf32, #tpu.memory_space<vmem>> -> memref<128x128xf32, #tpu.memory_space<vmem>>
      %dma_start3A_87 = arith.constant 0 : i32
      %dma_start3A_88 = tpu.memref_slice %arg10[%rem3A_53, %dma_start3A_87] : memref<40x128xi32, #tpu.memory_space<vmem>> -> memref<1x128xi32, #tpu.memory_space<vmem>>
      %dma_start3A_89 = tpu.memref_squeeze %dma_start3A_88 : memref<1x128xi32, #tpu.memory_space<vmem>> -> memref<128xi32, #tpu.memory_space<vmem>>
      %dma_start3A_90 = arith.constant 0 : i32
      %dma_start3A_91 = arith.constant 0 : i32
      %dma_start3A_92 = tpu.memref_slice %arg7[%dma_start3A_90, %dma_start3A_91] : memref<10240x128xf32, #tpu.memory_space<vmem_shared>> -> memref<10240x128xf32, #tpu.memory_space<vmem_shared>>
      tpu.enqueue_indirect_dma source(%dma_start3A_86 : memref<128x128xf32, #tpu.memory_space<vmem>>) target(%dma_start3A_92 : memref<10240x128xf32, #tpu.memory_space<vmem_shared>>) offsets(%dma_start3A_89 : memref<128xi32, #tpu.memory_space<vmem>>) semaphore(%arg12 : memref<!tpu.dma_semaphore, #tpu.memory_space<semaphore_mem>>) {add = true}
      %add3A_93 = arith.constant 1 : i32
      %add3A_94 = arith.addi %add3A_52, %add3A_93 : i32
      %lt3A_95 = arith.cmpi slt, %add3A_94, %select_n3A_6 : i32
      %convert_element_type3A_96 = arith.extui %lt3A_95 : i1 to i32
      %cond3A_97 = arith.constant 0 : i32
      %cond3A_98 = arith.cmpi ne, %convert_element_type3A_96, %cond3A_97 : i32
      scf.if %cond3A_98 {
        %add3A_155 = arith.constant 1 : i32
        %add3A_156 = arith.addi %add3A_52, %add3A_155 : i32
        %rem3A_157 = arith.constant 40 : i32
        %rem3A_158 = arith.remsi %add3A_156, %rem3A_157 : i32
        %dma_start3A_159 = arith.constant 1 : i32
        %dma_start3A_160 = arith.constant 0 : i32
        %dma_start3A_161 = arith.constant 0 : i32
        %dma_start3A_162 = tpu.memref_slice %arg8[%dma_start3A_159, %dma_start3A_160, %dma_start3A_161] : memref<2x128x128xf32, #tpu.memory_space<vmem>> -> memref<1x128x128xf32, #tpu.memory_space<vmem>>
        %dma_start3A_163 = tpu.memref_squeeze %dma_start3A_162 : memref<1x128x128xf32, #tpu.memory_space<vmem>> -> memref<128x128xf32, #tpu.memory_space<vmem>>
        %dma_start3A_164 = arith.constant 0 : i32
        %dma_start3A_165 = tpu.memref_slice %arg9[%rem3A_158, %dma_start3A_164] : memref<40x128xi32, #tpu.memory_space<vmem>> -> memref<1x128xi32, #tpu.memory_space<vmem>>
        %dma_start3A_166 = tpu.memref_squeeze %dma_start3A_165 : memref<1x128xi32, #tpu.memory_space<vmem>> -> memref<128xi32, #tpu.memory_space<vmem>>
        %dma_start3A_167 = arith.constant 0 : i32
        %dma_start3A_168 = arith.constant 0 : i32
        %dma_start3A_169 = tpu.memref_slice %arg2[%dma_start3A_167, %dma_start3A_168] : memref<10000x128xf32, #tpu.memory_space<hbm>> -> memref<10000x128xf32, #tpu.memory_space<hbm>>
        tpu.enqueue_indirect_dma source(%dma_start3A_169 : memref<10000x128xf32, #tpu.memory_space<hbm>>) target(%dma_start3A_163 : memref<128x128xf32, #tpu.memory_space<vmem>>) offsets(%dma_start3A_166 : memref<128xi32, #tpu.memory_space<vmem>>) semaphore(%arg11 : memref<!tpu.dma_semaphore, #tpu.memory_space<semaphore_mem>>)
      } else {
      }
      %mul3A_99 = arith.constant 2 : i32
      %mul3A_100 = arith.muli %while3A_48, %mul3A_99 : i32
      %add3A_101 = arith.constant 1 : i32
      %add3A_102 = arith.addi %mul3A_100, %add3A_101 : i32
      %rem3A_103 = arith.constant 40 : i32
      %rem3A_104 = arith.remsi %add3A_102, %rem3A_103 : i32
      %dma_wait3A_105 = arith.constant 1 : i32
      %dma_wait3A_106 = arith.constant 0 : i32
      %dma_wait3A_107 = arith.constant 0 : i32
      %dma_wait3A_108 = tpu.memref_slice %arg8[%dma_wait3A_105, %dma_wait3A_106, %dma_wait3A_107] : memref<2x128x128xf32, #tpu.memory_space<vmem>> -> memref<1x128x128xf32, #tpu.memory_space<vmem>>
      %dma_wait3A_109 = tpu.memref_squeeze %dma_wait3A_108 : memref<1x128x128xf32, #tpu.memory_space<vmem>> -> memref<128x128xf32, #tpu.memory_space<vmem>>
      %dma_wait3A_110 = arith.constant 0 : i32
      %dma_wait3A_111 = tpu.memref_slice %arg9[%rem3A_104, %dma_wait3A_110] : memref<40x128xi32, #tpu.memory_space<vmem>> -> memref<1x128xi32, #tpu.memory_space<vmem>>
      %dma_wait3A_112 = tpu.memref_squeeze %dma_wait3A_111 : memref<1x128xi32, #tpu.memory_space<vmem>> -> memref<128xi32, #tpu.memory_space<vmem>>
      %dma_wait3A_113 = arith.constant 0 : i32
      %dma_wait3A_114 = arith.constant 0 : i32
      %dma_wait3A_115 = tpu.memref_slice %arg2[%dma_wait3A_113, %dma_wait3A_114] : memref<10000x128xf32, #tpu.memory_space<hbm>> -> memref<10000x128xf32, #tpu.memory_space<hbm>>
      tpu.wait_indirect_dma semaphore(%arg11 : memref<!tpu.dma_semaphore, #tpu.memory_space<semaphore_mem>>) src(%dma_wait3A_115 : memref<10000x128xf32, #tpu.memory_space<hbm>>) dst(%dma_wait3A_109 : memref<128x128xf32, #tpu.memory_space<vmem>>)
      %eq3A_116 = arith.constant 39 : i32
      %eq3A_117 = arith.cmpi eq, %rem3A_104, %eq3A_116 : i32
      %add3A_118 = arith.constant 1 : i32
      %add3A_119 = arith.addi %add3A_102, %add3A_118 : i32
      %lt3A_120 = arith.cmpi slt, %add3A_119, %select_n3A_6 : i32
      %and3A_121 = arith.andi %eq3A_117, %lt3A_120 : i1
      %convert_element_type3A_122 = arith.extui %and3A_121 : i1 to i32
      %cond3A_123 = arith.constant 0 : i32
      %cond3A_124 = arith.cmpi ne, %convert_element_type3A_122, %cond3A_123 : i32
      scf.if %cond3A_124 {
        %add3A_155 = arith.addi %multiple_of3A, %add3A_102 : i32
        %add3A_156 = arith.constant 1 : i32
        %add3A_157 = arith.addi %add3A_155, %add3A_156 : i32
        %multiple_of3A_158 = tpu.assume_multiple %add3A_157, 8 : i32
        "tpu.region"() ({
          %run_scoped3A = tpu.sem_alloc : memref<!tpu.dma_semaphore, #tpu.memory_space<semaphore_mem>>
          %dma_start3A_159 = arith.constant 0 : i32
          %dma_start3A_160 = tpu.memref_slice %arg3[%multiple_of3A_158, %dma_start3A_159] : memref<2560x128xi32, #tpu.memory_space<hbm>> -> memref<40x128xi32, #tpu.memory_space<hbm>>
          %dma_start3A_161 = arith.constant 0 : i32
          %dma_start3A_162 = tpu.memref_slice %arg3[%multiple_of3A_158, %dma_start3A_161] : memref<2560x128xi32, #tpu.memory_space<hbm>> -> memref<40x128xi32, #tpu.memory_space<hbm>>
          tpu.enqueue_dma source(%dma_start3A_162 : memref<40x128xi32, #tpu.memory_space<hbm>>) target(%arg9 : memref<40x128xi32, #tpu.memory_space<vmem>>) target_semaphore(%run_scoped3A : memref<!tpu.dma_semaphore, #tpu.memory_space<semaphore_mem>>)
          %dma_wait3A_163 = arith.constant 0 : i32
          %dma_wait3A_164 = tpu.memref_slice %arg3[%multiple_of3A_158, %dma_wait3A_163] : memref<2560x128xi32, #tpu.memory_space<hbm>> -> memref<40x128xi32, #tpu.memory_space<hbm>>
          %dma_wait3A_165 = arith.constant 0 : i32
          %dma_wait3A_166 = tpu.memref_slice %arg3[%multiple_of3A_158, %dma_wait3A_165] : memref<2560x128xi32, #tpu.memory_space<hbm>> -> memref<40x128xi32, #tpu.memory_space<hbm>>
          tpu.wait_dma2 semaphore(%run_scoped3A : memref<!tpu.dma_semaphore, #tpu.memory_space<semaphore_mem>>) src(%dma_wait3A_166 : memref<40x128xi32, #tpu.memory_space<hbm>>) dst(%arg9 : memref<40x128xi32, #tpu.memory_space<vmem>>)
          tpu.yield
        }) : () -> ()
      } else {
      }
      %gt3A_125 = arith.constant 0 : i32
      %gt3A_126 = arith.cmpi sgt, %add3A_102, %gt3A_125 : i32
      %convert_element_type3A_127 = arith.extui %gt3A_126 : i1 to i32
      %cond3A_128 = arith.constant 0 : i32
      %cond3A_129 = arith.cmpi ne, %convert_element_type3A_127, %cond3A_128 : i32
      scf.if %cond3A_129 {
        %dma_wait3A_155 = arith.constant 0 : i32
        %dma_wait3A_156 = arith.constant 0 : i32
        %dma_wait3A_157 = arith.constant 0 : i32
        %dma_wait3A_158 = arith.constant 0 : i32
        %dma_wait3A_159 = tpu.memref_slice %arg8[%dma_wait3A_155, %dma_wait3A_157, %dma_wait3A_158] : memref<2x128x128xf32, #tpu.memory_space<vmem>> -> memref<1x128x128xf32, #tpu.memory_space<vmem>>
        %dma_wait3A_160 = tpu.memref_squeeze %dma_wait3A_159 : memref<1x128x128xf32, #tpu.memory_space<vmem>> -> memref<128x128xf32, #tpu.memory_space<vmem>>
        %dma_wait3A_161 = arith.constant 0 : i32
        %dma_wait3A_162 = tpu.memref_slice %arg10[%dma_wait3A_156, %dma_wait3A_161] : memref<40x128xi32, #tpu.memory_space<vmem>> -> memref<1x128xi32, #tpu.memory_space<vmem>>
        %dma_wait3A_163 = tpu.memref_squeeze %dma_wait3A_162 : memref<1x128xi32, #tpu.memory_space<vmem>> -> memref<128xi32, #tpu.memory_space<vmem>>
        %dma_wait3A_164 = arith.constant 0 : i32
        %dma_wait3A_165 = arith.constant 0 : i32
        %dma_wait3A_166 = tpu.memref_slice %arg7[%dma_wait3A_164, %dma_wait3A_165] : memref<10240x128xf32, #tpu.memory_space<vmem_shared>> -> memref<10240x128xf32, #tpu.memory_space<vmem_shared>>
        tpu.wait_indirect_dma semaphore(%arg12 : memref<!tpu.dma_semaphore, #tpu.memory_space<semaphore_mem>>) src(%dma_wait3A_160 : memref<128x128xf32, #tpu.memory_space<vmem>>) dst(%dma_wait3A_166 : memref<10240x128xf32, #tpu.memory_space<vmem_shared>>)
      } else {
      }
      %eq3A_130 = arith.constant 0 : i32
      %eq3A_131 = arith.cmpi eq, %rem3A_104, %eq3A_130 : i32
      %gt3A_132 = arith.constant 0 : i32
      %gt3A_133 = arith.cmpi sgt, %add3A_102, %gt3A_132 : i32
      %and3A_134 = arith.andi %eq3A_131, %gt3A_133 : i1
      %convert_element_type3A_135 = arith.extui %and3A_134 : i1 to i32
      %cond3A_136 = arith.constant 0 : i32
      %cond3A_137 = arith.cmpi ne, %convert_element_type3A_135, %cond3A_136 : i32
      scf.if %cond3A_137 {
        %add3A_155 = arith.addi %multiple_of3A, %add3A_102 : i32
        %multiple_of3A_156 = tpu.assume_multiple %add3A_155, 8 : i32
        "tpu.region"() ({
          %run_scoped3A = tpu.sem_alloc : memref<!tpu.dma_semaphore, #tpu.memory_space<semaphore_mem>>
          %dma_start3A_157 = arith.constant 0 : i32
          %dma_start3A_158 = tpu.memref_slice %arg4[%multiple_of3A_156, %dma_start3A_157] : memref<2560x128xi32, #tpu.memory_space<hbm>> -> memref<40x128xi32, #tpu.memory_space<hbm>>
          %dma_start3A_159 = arith.constant 0 : i32
          %dma_start3A_160 = tpu.memref_slice %arg4[%multiple_of3A_156, %dma_start3A_159] : memref<2560x128xi32, #tpu.memory_space<hbm>> -> memref<40x128xi32, #tpu.memory_space<hbm>>
          tpu.enqueue_dma source(%dma_start3A_160 : memref<40x128xi32, #tpu.memory_space<hbm>>) target(%arg10 : memref<40x128xi32, #tpu.memory_space<vmem>>) target_semaphore(%run_scoped3A : memref<!tpu.dma_semaphore, #tpu.memory_space<semaphore_mem>>)
          %dma_wait3A_161 = arith.constant 0 : i32
          %dma_wait3A_162 = tpu.memref_slice %arg4[%multiple_of3A_156, %dma_wait3A_161] : memref<2560x128xi32, #tpu.memory_space<hbm>> -> memref<40x128xi32, #tpu.memory_space<hbm>>
          %dma_wait3A_163 = arith.constant 0 : i32
          %dma_wait3A_164 = tpu.memref_slice %arg4[%multiple_of3A_156, %dma_wait3A_163] : memref<2560x128xi32, #tpu.memory_space<hbm>> -> memref<40x128xi32, #tpu.memory_space<hbm>>
          tpu.wait_dma2 semaphore(%run_scoped3A : memref<!tpu.dma_semaphore, #tpu.memory_space<semaphore_mem>>) src(%dma_wait3A_164 : memref<40x128xi32, #tpu.memory_space<hbm>>) dst(%arg10 : memref<40x128xi32, #tpu.memory_space<vmem>>)
          tpu.yield
        }) : () -> ()
      } else {
      }
      %dma_start3A_138 = arith.constant 1 : i32
      %dma_start3A_139 = arith.constant 0 : i32
      %dma_start3A_140 = arith.constant 0 : i32
      %dma_start3A_141 = tpu.memref_slice %arg8[%dma_start3A_138, %dma_start3A_139, %dma_start3A_140] : memref<2x128x128xf32, #tpu.memory_space<vmem>> -> memref<1x128x128xf32, #tpu.memory_space<vmem>>
      %dma_start3A_142 = tpu.memref_squeeze %dma_start3A_141 : memref<1x128x128xf32, #tpu.memory_space<vmem>> -> memref<128x128xf32, #tpu.memory_space<vmem>>
      %dma_start3A_143 = arith.constant 0 : i32
      %dma_start3A_144 = tpu.memref_slice %arg10[%rem3A_104, %dma_start3A_143] : memref<40x128xi32, #tpu.memory_space<vmem>> -> memref<1x128xi32, #tpu.memory_space<vmem>>
      %dma_start3A_145 = tpu.memref_squeeze %dma_start3A_144 : memref<1x128xi32, #tpu.memory_space<vmem>> -> memref<128xi32, #tpu.memory_space<vmem>>
      %dma_start3A_146 = arith.constant 0 : i32
      %dma_start3A_147 = arith.constant 0 : i32
      %dma_start3A_148 = tpu.memref_slice %arg7[%dma_start3A_146, %dma_start3A_147] : memref<10240x128xf32, #tpu.memory_space<vmem_shared>> -> memref<10240x128xf32, #tpu.memory_space<vmem_shared>>
      tpu.enqueue_indirect_dma source(%dma_start3A_142 : memref<128x128xf32, #tpu.memory_space<vmem>>) target(%dma_start3A_148 : memref<10240x128xf32, #tpu.memory_space<vmem_shared>>) offsets(%dma_start3A_145 : memref<128xi32, #tpu.memory_space<vmem>>) semaphore(%arg12 : memref<!tpu.dma_semaphore, #tpu.memory_space<semaphore_mem>>) {add = true}
      %add3A_149 = arith.constant 1 : i32
      %add3A_150 = arith.addi %add3A_102, %add3A_149 : i32
      %lt3A_151 = arith.cmpi slt, %add3A_150, %select_n3A_6 : i32
      %convert_element_type3A_152 = arith.extui %lt3A_151 : i1 to i32
      %cond3A_153 = arith.constant 0 : i32
      %cond3A_154 = arith.cmpi ne, %convert_element_type3A_152, %cond3A_153 : i32
      scf.if %cond3A_154 {
        %add3A_155 = arith.constant 1 : i32
        %add3A_156 = arith.addi %add3A_102, %add3A_155 : i32
        %rem3A_157 = arith.constant 40 : i32
        %rem3A_158 = arith.remsi %add3A_156, %rem3A_157 : i32
        %dma_start3A_159 = arith.constant 0 : i32
        %dma_start3A_160 = arith.constant 0 : i32
        %dma_start3A_161 = arith.constant 0 : i32
        %dma_start3A_162 = tpu.memref_slice %arg8[%dma_start3A_159, %dma_start3A_160, %dma_start3A_161] : memref<2x128x128xf32, #tpu.memory_space<vmem>> -> memref<1x128x128xf32, #tpu.memory_space<vmem>>
        %dma_start3A_163 = tpu.memref_squeeze %dma_start3A_162 : memref<1x128x128xf32, #tpu.memory_space<vmem>> -> memref<128x128xf32, #tpu.memory_space<vmem>>
        %dma_start3A_164 = arith.constant 0 : i32
        %dma_start3A_165 = tpu.memref_slice %arg9[%rem3A_158, %dma_start3A_164] : memref<40x128xi32, #tpu.memory_space<vmem>> -> memref<1x128xi32, #tpu.memory_space<vmem>>
        %dma_start3A_166 = tpu.memref_squeeze %dma_start3A_165 : memref<1x128xi32, #tpu.memory_space<vmem>> -> memref<128xi32, #tpu.memory_space<vmem>>
        %dma_start3A_167 = arith.constant 0 : i32
        %dma_start3A_168 = arith.constant 0 : i32
        %dma_start3A_169 = tpu.memref_slice %arg2[%dma_start3A_167, %dma_start3A_168] : memref<10000x128xf32, #tpu.memory_space<hbm>> -> memref<10000x128xf32, #tpu.memory_space<hbm>>
        tpu.enqueue_indirect_dma source(%dma_start3A_169 : memref<10000x128xf32, #tpu.memory_space<hbm>>) target(%dma_start3A_163 : memref<128x128xf32, #tpu.memory_space<vmem>>) offsets(%dma_start3A_166 : memref<128xi32, #tpu.memory_space<vmem>>) semaphore(%arg11 : memref<!tpu.dma_semaphore, #tpu.memory_space<semaphore_mem>>)
      } else {
      }
    }
    %while3A_31 = arith.constant 1 : i32
    scf.for %while3A_48 = %while3A_29 to %while3A_25 step %while3A_31  : i32 {
      %mul3A_49 = arith.constant 2 : i32
      %mul3A_50 = arith.muli %while3A_48, %mul3A_49 : i32
      %add3A_51 = arith.constant 0 : i32
      %add3A_52 = arith.addi %mul3A_50, %add3A_51 : i32
      %rem3A = arith.constant 40 : i32
      %rem3A_53 = arith.remsi %add3A_52, %rem3A : i32
      %dma_wait3A_54 = arith.constant 0 : i32
      %dma_wait3A_55 = arith.constant 0 : i32
      %dma_wait3A_56 = arith.constant 0 : i32
      %dma_wait3A_57 = tpu.memref_slice %arg8[%dma_wait3A_54, %dma_wait3A_55, %dma_wait3A_56] : memref<2x128x128xf32, #tpu.memory_space<vmem>> -> memref<1x128x128xf32, #tpu.memory_space<vmem>>
      %dma_wait3A_58 = tpu.memref_squeeze %dma_wait3A_57 : memref<1x128x128xf32, #tpu.memory_space<vmem>> -> memref<128x128xf32, #tpu.memory_space<vmem>>
      %dma_wait3A_59 = arith.constant 0 : i32
      %dma_wait3A_60 = tpu.memref_slice %arg9[%rem3A_53, %dma_wait3A_59] : memref<40x128xi32, #tpu.memory_space<vmem>> -> memref<1x128xi32, #tpu.memory_space<vmem>>
      %dma_wait3A_61 = tpu.memref_squeeze %dma_wait3A_60 : memref<1x128xi32, #tpu.memory_space<vmem>> -> memref<128xi32, #tpu.memory_space<vmem>>
      %dma_wait3A_62 = arith.constant 0 : i32
      %dma_wait3A_63 = arith.constant 0 : i32
      %dma_wait3A_64 = tpu.memref_slice %arg2[%dma_wait3A_62, %dma_wait3A_63] : memref<10000x128xf32, #tpu.memory_space<hbm>> -> memref<10000x128xf32, #tpu.memory_space<hbm>>
      tpu.wait_indirect_dma semaphore(%arg11 : memref<!tpu.dma_semaphore, #tpu.memory_space<semaphore_mem>>) src(%dma_wait3A_64 : memref<10000x128xf32, #tpu.memory_space<hbm>>) dst(%dma_wait3A_58 : memref<128x128xf32, #tpu.memory_space<vmem>>)
      %eq3A_65 = arith.constant 39 : i32
      %eq3A_66 = arith.cmpi eq, %rem3A_53, %eq3A_65 : i32
      %add3A_67 = arith.constant 1 : i32
      %add3A_68 = arith.addi %add3A_52, %add3A_67 : i32
      %lt3A = arith.cmpi slt, %add3A_68, %select_n3A_6 : i32
      %and3A = arith.andi %eq3A_66, %lt3A : i1
      %convert_element_type3A = arith.extui %and3A : i1 to i32
      %cond3A = arith.constant 0 : i32
      %cond3A_69 = arith.cmpi ne, %convert_element_type3A, %cond3A : i32
      scf.if %cond3A_69 {
        %add3A_155 = arith.addi %multiple_of3A, %add3A_52 : i32
        %add3A_156 = arith.constant 1 : i32
        %add3A_157 = arith.addi %add3A_155, %add3A_156 : i32
        %multiple_of3A_158 = tpu.assume_multiple %add3A_157, 8 : i32
        "tpu.region"() ({
          %run_scoped3A = tpu.sem_alloc : memref<!tpu.dma_semaphore, #tpu.memory_space<semaphore_mem>>
          %dma_start3A_159 = arith.constant 0 : i32
          %dma_start3A_160 = tpu.memref_slice %arg3[%multiple_of3A_158, %dma_start3A_159] : memref<2560x128xi32, #tpu.memory_space<hbm>> -> memref<40x128xi32, #tpu.memory_space<hbm>>
          %dma_start3A_161 = arith.constant 0 : i32
          %dma_start3A_162 = tpu.memref_slice %arg3[%multiple_of3A_158, %dma_start3A_161] : memref<2560x128xi32, #tpu.memory_space<hbm>> -> memref<40x128xi32, #tpu.memory_space<hbm>>
          tpu.enqueue_dma source(%dma_start3A_162 : memref<40x128xi32, #tpu.memory_space<hbm>>) target(%arg9 : memref<40x128xi32, #tpu.memory_space<vmem>>) target_semaphore(%run_scoped3A : memref<!tpu.dma_semaphore, #tpu.memory_space<semaphore_mem>>)
          %dma_wait3A_163 = arith.constant 0 : i32
          %dma_wait3A_164 = tpu.memref_slice %arg3[%multiple_of3A_158, %dma_wait3A_163] : memref<2560x128xi32, #tpu.memory_space<hbm>> -> memref<40x128xi32, #tpu.memory_space<hbm>>
          %dma_wait3A_165 = arith.constant 0 : i32
          %dma_wait3A_166 = tpu.memref_slice %arg3[%multiple_of3A_158, %dma_wait3A_165] : memref<2560x128xi32, #tpu.memory_space<hbm>> -> memref<40x128xi32, #tpu.memory_space<hbm>>
          tpu.wait_dma2 semaphore(%run_scoped3A : memref<!tpu.dma_semaphore, #tpu.memory_space<semaphore_mem>>) src(%dma_wait3A_166 : memref<40x128xi32, #tpu.memory_space<hbm>>) dst(%arg9 : memref<40x128xi32, #tpu.memory_space<vmem>>)
          tpu.yield
        }) : () -> ()
      } else {
      }
      %gt3A = arith.constant 0 : i32
      %gt3A_70 = arith.cmpi sgt, %add3A_52, %gt3A : i32
      %convert_element_type3A_71 = arith.extui %gt3A_70 : i1 to i32
      %cond3A_72 = arith.constant 0 : i32
      %cond3A_73 = arith.cmpi ne, %convert_element_type3A_71, %cond3A_72 : i32
      scf.if %cond3A_73 {
        %dma_wait3A_155 = arith.constant 1 : i32
        %dma_wait3A_156 = arith.constant 0 : i32
        %dma_wait3A_157 = arith.constant 0 : i32
        %dma_wait3A_158 = arith.constant 0 : i32
        %dma_wait3A_159 = tpu.memref_slice %arg8[%dma_wait3A_155, %dma_wait3A_157, %dma_wait3A_158] : memref<2x128x128xf32, #tpu.memory_space<vmem>> -> memref<1x128x128xf32, #tpu.memory_space<vmem>>
        %dma_wait3A_160 = tpu.memref_squeeze %dma_wait3A_159 : memref<1x128x128xf32, #tpu.memory_space<vmem>> -> memref<128x128xf32, #tpu.memory_space<vmem>>
        %dma_wait3A_161 = arith.constant 0 : i32
        %dma_wait3A_162 = tpu.memref_slice %arg10[%dma_wait3A_156, %dma_wait3A_161] : memref<40x128xi32, #tpu.memory_space<vmem>> -> memref<1x128xi32, #tpu.memory_space<vmem>>
        %dma_wait3A_163 = tpu.memref_squeeze %dma_wait3A_162 : memref<1x128xi32, #tpu.memory_space<vmem>> -> memref<128xi32, #tpu.memory_space<vmem>>
        %dma_wait3A_164 = arith.constant 0 : i32
        %dma_wait3A_165 = arith.constant 0 : i32
        %dma_wait3A_166 = tpu.memref_slice %arg7[%dma_wait3A_164, %dma_wait3A_165] : memref<10240x128xf32, #tpu.memory_space<vmem_shared>> -> memref<10240x128xf32, #tpu.memory_space<vmem_shared>>
        tpu.wait_indirect_dma semaphore(%arg12 : memref<!tpu.dma_semaphore, #tpu.memory_space<semaphore_mem>>) src(%dma_wait3A_160 : memref<128x128xf32, #tpu.memory_space<vmem>>) dst(%dma_wait3A_166 : memref<10240x128xf32, #tpu.memory_space<vmem_shared>>)
      } else {
      }
      %eq3A_74 = arith.constant 0 : i32
      %eq3A_75 = arith.cmpi eq, %rem3A_53, %eq3A_74 : i32
      %gt3A_76 = arith.constant 0 : i32
      %gt3A_77 = arith.cmpi sgt, %add3A_52, %gt3A_76 : i32
      %and3A_78 = arith.andi %eq3A_75, %gt3A_77 : i1
      %convert_element_type3A_79 = arith.extui %and3A_78 : i1 to i32
      %cond3A_80 = arith.constant 0 : i32
      %cond3A_81 = arith.cmpi ne, %convert_element_type3A_79, %cond3A_80 : i32
      scf.if %cond3A_81 {
        %add3A_155 = arith.addi %multiple_of3A, %add3A_52 : i32
        %multiple_of3A_156 = tpu.assume_multiple %add3A_155, 8 : i32
        "tpu.region"() ({
          %run_scoped3A = tpu.sem_alloc : memref<!tpu.dma_semaphore, #tpu.memory_space<semaphore_mem>>
          %dma_start3A_157 = arith.constant 0 : i32
          %dma_start3A_158 = tpu.memref_slice %arg4[%multiple_of3A_156, %dma_start3A_157] : memref<2560x128xi32, #tpu.memory_space<hbm>> -> memref<40x128xi32, #tpu.memory_space<hbm>>
          %dma_start3A_159 = arith.constant 0 : i32
          %dma_start3A_160 = tpu.memref_slice %arg4[%multiple_of3A_156, %dma_start3A_159] : memref<2560x128xi32, #tpu.memory_space<hbm>> -> memref<40x128xi32, #tpu.memory_space<hbm>>
          tpu.enqueue_dma source(%dma_start3A_160 : memref<40x128xi32, #tpu.memory_space<hbm>>) target(%arg10 : memref<40x128xi32, #tpu.memory_space<vmem>>) target_semaphore(%run_scoped3A : memref<!tpu.dma_semaphore, #tpu.memory_space<semaphore_mem>>)
          %dma_wait3A_161 = arith.constant 0 : i32
          %dma_wait3A_162 = tpu.memref_slice %arg4[%multiple_of3A_156, %dma_wait3A_161] : memref<2560x128xi32, #tpu.memory_space<hbm>> -> memref<40x128xi32, #tpu.memory_space<hbm>>
          %dma_wait3A_163 = arith.constant 0 : i32
          %dma_wait3A_164 = tpu.memref_slice %arg4[%multiple_of3A_156, %dma_wait3A_163] : memref<2560x128xi32, #tpu.memory_space<hbm>> -> memref<40x128xi32, #tpu.memory_space<hbm>>
          tpu.wait_dma2 semaphore(%run_scoped3A : memref<!tpu.dma_semaphore, #tpu.memory_space<semaphore_mem>>) src(%dma_wait3A_164 : memref<40x128xi32, #tpu.memory_space<hbm>>) dst(%arg10 : memref<40x128xi32, #tpu.memory_space<vmem>>)
          tpu.yield
        }) : () -> ()
      } else {
      }
      %dma_start3A_82 = arith.constant 0 : i32
      %dma_start3A_83 = arith.constant 0 : i32
      %dma_start3A_84 = arith.constant 0 : i32
      %dma_start3A_85 = tpu.memref_slice %arg8[%dma_start3A_82, %dma_start3A_83, %dma_start3A_84] : memref<2x128x128xf32, #tpu.memory_space<vmem>> -> memref<1x128x128xf32, #tpu.memory_space<vmem>>
      %dma_start3A_86 = tpu.memref_squeeze %dma_start3A_85 : memref<1x128x128xf32, #tpu.memory_space<vmem>> -> memref<128x128xf32, #tpu.memory_space<vmem>>
      %dma_start3A_87 = arith.constant 0 : i32
      %dma_start3A_88 = tpu.memref_slice %arg10[%rem3A_53, %dma_start3A_87] : memref<40x128xi32, #tpu.memory_space<vmem>> -> memref<1x128xi32, #tpu.memory_space<vmem>>
      %dma_start3A_89 = tpu.memref_squeeze %dma_start3A_88 : memref<1x128xi32, #tpu.memory_space<vmem>> -> memref<128xi32, #tpu.memory_space<vmem>>
      %dma_start3A_90 = arith.constant 0 : i32
      %dma_start3A_91 = arith.constant 0 : i32
      %dma_start3A_92 = tpu.memref_slice %arg7[%dma_start3A_90, %dma_start3A_91] : memref<10240x128xf32, #tpu.memory_space<vmem_shared>> -> memref<10240x128xf32, #tpu.memory_space<vmem_shared>>
      tpu.enqueue_indirect_dma source(%dma_start3A_86 : memref<128x128xf32, #tpu.memory_space<vmem>>) target(%dma_start3A_92 : memref<10240x128xf32, #tpu.memory_space<vmem_shared>>) offsets(%dma_start3A_89 : memref<128xi32, #tpu.memory_space<vmem>>) semaphore(%arg12 : memref<!tpu.dma_semaphore, #tpu.memory_space<semaphore_mem>>) {add = true}
      %add3A_93 = arith.constant 1 : i32
      %add3A_94 = arith.addi %add3A_52, %add3A_93 : i32
      %lt3A_95 = arith.cmpi slt, %add3A_94, %select_n3A_6 : i32
      %convert_element_type3A_96 = arith.extui %lt3A_95 : i1 to i32
      %cond3A_97 = arith.constant 0 : i32
      %cond3A_98 = arith.cmpi ne, %convert_element_type3A_96, %cond3A_97 : i32
      scf.if %cond3A_98 {
        %add3A_155 = arith.constant 1 : i32
        %add3A_156 = arith.addi %add3A_52, %add3A_155 : i32
        %rem3A_157 = arith.constant 40 : i32
        %rem3A_158 = arith.remsi %add3A_156, %rem3A_157 : i32
        %dma_start3A_159 = arith.constant 1 : i32
        %dma_start3A_160 = arith.constant 0 : i32
        %dma_start3A_161 = arith.constant 0 : i32
        %dma_start3A_162 = tpu.memref_slice %arg8[%dma_start3A_159, %dma_start3A_160, %dma_start3A_161] : memref<2x128x128xf32, #tpu.memory_space<vmem>> -> memref<1x128x128xf32, #tpu.memory_space<vmem>>
        %dma_start3A_163 = tpu.memref_squeeze %dma_start3A_162 : memref<1x128x128xf32, #tpu.memory_space<vmem>> -> memref<128x128xf32, #tpu.memory_space<vmem>>
        %dma_start3A_164 = arith.constant 0 : i32
        %dma_start3A_165 = tpu.memref_slice %arg9[%rem3A_158, %dma_start3A_164] : memref<40x128xi32, #tpu.memory_space<vmem>> -> memref<1x128xi32, #tpu.memory_space<vmem>>
        %dma_start3A_166 = tpu.memref_squeeze %dma_start3A_165 : memref<1x128xi32, #tpu.memory_space<vmem>> -> memref<128xi32, #tpu.memory_space<vmem>>
        %dma_start3A_167 = arith.constant 0 : i32
        %dma_start3A_168 = arith.constant 0 : i32
        %dma_start3A_169 = tpu.memref_slice %arg2[%dma_start3A_167, %dma_start3A_168] : memref<10000x128xf32, #tpu.memory_space<hbm>> -> memref<10000x128xf32, #tpu.memory_space<hbm>>
        tpu.enqueue_indirect_dma source(%dma_start3A_169 : memref<10000x128xf32, #tpu.memory_space<hbm>>) target(%dma_start3A_163 : memref<128x128xf32, #tpu.memory_space<vmem>>) offsets(%dma_start3A_166 : memref<128xi32, #tpu.memory_space<vmem>>) semaphore(%arg11 : memref<!tpu.dma_semaphore, #tpu.memory_space<semaphore_mem>>)
      } else {
      }
      %mul3A_99 = arith.constant 2 : i32
      %mul3A_100 = arith.muli %while3A_48, %mul3A_99 : i32
      %add3A_101 = arith.constant 1 : i32
      %add3A_102 = arith.addi %mul3A_100, %add3A_101 : i32
      %rem3A_103 = arith.constant 40 : i32
      %rem3A_104 = arith.remsi %add3A_102, %rem3A_103 : i32
      %dma_wait3A_105 = arith.constant 1 : i32
      %dma_wait3A_106 = arith.constant 0 : i32
      %dma_wait3A_107 = arith.constant 0 : i32
      %dma_wait3A_108 = tpu.memref_slice %arg8[%dma_wait3A_105, %dma_wait3A_106, %dma_wait3A_107] : memref<2x128x128xf32, #tpu.memory_space<vmem>> -> memref<1x128x128xf32, #tpu.memory_space<vmem>>
      %dma_wait3A_109 = tpu.memref_squeeze %dma_wait3A_108 : memref<1x128x128xf32, #tpu.memory_space<vmem>> -> memref<128x128xf32, #tpu.memory_space<vmem>>
      %dma_wait3A_110 = arith.constant 0 : i32
      %dma_wait3A_111 = tpu.memref_slice %arg9[%rem3A_104, %dma_wait3A_110] : memref<40x128xi32, #tpu.memory_space<vmem>> -> memref<1x128xi32, #tpu.memory_space<vmem>>
      %dma_wait3A_112 = tpu.memref_squeeze %dma_wait3A_111 : memref<1x128xi32, #tpu.memory_space<vmem>> -> memref<128xi32, #tpu.memory_space<vmem>>
      %dma_wait3A_113 = arith.constant 0 : i32
      %dma_wait3A_114 = arith.constant 0 : i32
      %dma_wait3A_115 = tpu.memref_slice %arg2[%dma_wait3A_113, %dma_wait3A_114] : memref<10000x128xf32, #tpu.memory_space<hbm>> -> memref<10000x128xf32, #tpu.memory_space<hbm>>
      tpu.wait_indirect_dma semaphore(%arg11 : memref<!tpu.dma_semaphore, #tpu.memory_space<semaphore_mem>>) src(%dma_wait3A_115 : memref<10000x128xf32, #tpu.memory_space<hbm>>) dst(%dma_wait3A_109 : memref<128x128xf32, #tpu.memory_space<vmem>>)
      %eq3A_116 = arith.constant 39 : i32
      %eq3A_117 = arith.cmpi eq, %rem3A_104, %eq3A_116 : i32
      %add3A_118 = arith.constant 1 : i32
      %add3A_119 = arith.addi %add3A_102, %add3A_118 : i32
      %lt3A_120 = arith.cmpi slt, %add3A_119, %select_n3A_6 : i32
      %and3A_121 = arith.andi %eq3A_117, %lt3A_120 : i1
      %convert_element_type3A_122 = arith.extui %and3A_121 : i1 to i32
      %cond3A_123 = arith.constant 0 : i32
      %cond3A_124 = arith.cmpi ne, %convert_element_type3A_122, %cond3A_123 : i32
      scf.if %cond3A_124 {
        %add3A_155 = arith.addi %multiple_of3A, %add3A_102 : i32
        %add3A_156 = arith.constant 1 : i32
        %add3A_157 = arith.addi %add3A_155, %add3A_156 : i32
        %multiple_of3A_158 = tpu.assume_multiple %add3A_157, 8 : i32
        "tpu.region"() ({
          %run_scoped3A = tpu.sem_alloc : memref<!tpu.dma_semaphore, #tpu.memory_space<semaphore_mem>>
          %dma_start3A_159 = arith.constant 0 : i32
          %dma_start3A_160 = tpu.memref_slice %arg3[%multiple_of3A_158, %dma_start3A_159] : memref<2560x128xi32, #tpu.memory_space<hbm>> -> memref<40x128xi32, #tpu.memory_space<hbm>>
          %dma_start3A_161 = arith.constant 0 : i32
          %dma_start3A_162 = tpu.memref_slice %arg3[%multiple_of3A_158, %dma_start3A_161] : memref<2560x128xi32, #tpu.memory_space<hbm>> -> memref<40x128xi32, #tpu.memory_space<hbm>>
          tpu.enqueue_dma source(%dma_start3A_162 : memref<40x128xi32, #tpu.memory_space<hbm>>) target(%arg9 : memref<40x128xi32, #tpu.memory_space<vmem>>) target_semaphore(%run_scoped3A : memref<!tpu.dma_semaphore, #tpu.memory_space<semaphore_mem>>)
          %dma_wait3A_163 = arith.constant 0 : i32
          %dma_wait3A_164 = tpu.memref_slice %arg3[%multiple_of3A_158, %dma_wait3A_163] : memref<2560x128xi32, #tpu.memory_space<hbm>> -> memref<40x128xi32, #tpu.memory_space<hbm>>
          %dma_wait3A_165 = arith.constant 0 : i32
          %dma_wait3A_166 = tpu.memref_slice %arg3[%multiple_of3A_158, %dma_wait3A_165] : memref<2560x128xi32, #tpu.memory_space<hbm>> -> memref<40x128xi32, #tpu.memory_space<hbm>>
          tpu.wait_dma2 semaphore(%run_scoped3A : memref<!tpu.dma_semaphore, #tpu.memory_space<semaphore_mem>>) src(%dma_wait3A_166 : memref<40x128xi32, #tpu.memory_space<hbm>>) dst(%arg9 : memref<40x128xi32, #tpu.memory_space<vmem>>)
          tpu.yield
        }) : () -> ()
      } else {
      }
      %gt3A_125 = arith.constant 0 : i32
      %gt3A_126 = arith.cmpi sgt, %add3A_102, %gt3A_125 : i32
      %convert_element_type3A_127 = arith.extui %gt3A_126 : i1 to i32
      %cond3A_128 = arith.constant 0 : i32
      %cond3A_129 = arith.cmpi ne, %convert_element_type3A_127, %cond3A_128 : i32
      scf.if %cond3A_129 {
        %dma_wait3A_155 = arith.constant 0 : i32
        %dma_wait3A_156 = arith.constant 0 : i32
        %dma_wait3A_157 = arith.constant 0 : i32
        %dma_wait3A_158 = arith.constant 0 : i32
        %dma_wait3A_159 = tpu.memref_slice %arg8[%dma_wait3A_155, %dma_wait3A_157, %dma_wait3A_158] : memref<2x128x128xf32, #tpu.memory_space<vmem>> -> memref<1x128x128xf32, #tpu.memory_space<vmem>>
        %dma_wait3A_160 = tpu.memref_squeeze %dma_wait3A_159 : memref<1x128x128xf32, #tpu.memory_space<vmem>> -> memref<128x128xf32, #tpu.memory_space<vmem>>
        %dma_wait3A_161 = arith.constant 0 : i32
        %dma_wait3A_162 = tpu.memref_slice %arg10[%dma_wait3A_156, %dma_wait3A_161] : memref<40x128xi32, #tpu.memory_space<vmem>> -> memref<1x128xi32, #tpu.memory_space<vmem>>
        %dma_wait3A_163 = tpu.memref_squeeze %dma_wait3A_162 : memref<1x128xi32, #tpu.memory_space<vmem>> -> memref<128xi32, #tpu.memory_space<vmem>>
        %dma_wait3A_164 = arith.constant 0 : i32
        %dma_wait3A_165 = arith.constant 0 : i32
        %dma_wait3A_166 = tpu.memref_slice %arg7[%dma_wait3A_164, %dma_wait3A_165] : memref<10240x128xf32, #tpu.memory_space<vmem_shared>> -> memref<10240x128xf32, #tpu.memory_space<vmem_shared>>
        tpu.wait_indirect_dma semaphore(%arg12 : memref<!tpu.dma_semaphore, #tpu.memory_space<semaphore_mem>>) src(%dma_wait3A_160 : memref<128x128xf32, #tpu.memory_space<vmem>>) dst(%dma_wait3A_166 : memref<10240x128xf32, #tpu.memory_space<vmem_shared>>)
      } else {
      }
      %eq3A_130 = arith.constant 0 : i32
      %eq3A_131 = arith.cmpi eq, %rem3A_104, %eq3A_130 : i32
      %gt3A_132 = arith.constant 0 : i32
      %gt3A_133 = arith.cmpi sgt, %add3A_102, %gt3A_132 : i32
      %and3A_134 = arith.andi %eq3A_131, %gt3A_133 : i1
      %convert_element_type3A_135 = arith.extui %and3A_134 : i1 to i32
      %cond3A_136 = arith.constant 0 : i32
      %cond3A_137 = arith.cmpi ne, %convert_element_type3A_135, %cond3A_136 : i32
      scf.if %cond3A_137 {
        %add3A_155 = arith.addi %multiple_of3A, %add3A_102 : i32
        %multiple_of3A_156 = tpu.assume_multiple %add3A_155, 8 : i32
        "tpu.region"() ({
          %run_scoped3A = tpu.sem_alloc : memref<!tpu.dma_semaphore, #tpu.memory_space<semaphore_mem>>
          %dma_start3A_157 = arith.constant 0 : i32
          %dma_start3A_158 = tpu.memref_slice %arg4[%multiple_of3A_156, %dma_start3A_157] : memref<2560x128xi32, #tpu.memory_space<hbm>> -> memref<40x128xi32, #tpu.memory_space<hbm>>
          %dma_start3A_159 = arith.constant 0 : i32
          %dma_start3A_160 = tpu.memref_slice %arg4[%multiple_of3A_156, %dma_start3A_159] : memref<2560x128xi32, #tpu.memory_space<hbm>> -> memref<40x128xi32, #tpu.memory_space<hbm>>
          tpu.enqueue_dma source(%dma_start3A_160 : memref<40x128xi32, #tpu.memory_space<hbm>>) target(%arg10 : memref<40x128xi32, #tpu.memory_space<vmem>>) target_semaphore(%run_scoped3A : memref<!tpu.dma_semaphore, #tpu.memory_space<semaphore_mem>>)
          %dma_wait3A_161 = arith.constant 0 : i32
          %dma_wait3A_162 = tpu.memref_slice %arg4[%multiple_of3A_156, %dma_wait3A_161] : memref<2560x128xi32, #tpu.memory_space<hbm>> -> memref<40x128xi32, #tpu.memory_space<hbm>>
          %dma_wait3A_163 = arith.constant 0 : i32
          %dma_wait3A_164 = tpu.memref_slice %arg4[%multiple_of3A_156, %dma_wait3A_163] : memref<2560x128xi32, #tpu.memory_space<hbm>> -> memref<40x128xi32, #tpu.memory_space<hbm>>
          tpu.wait_dma2 semaphore(%run_scoped3A : memref<!tpu.dma_semaphore, #tpu.memory_space<semaphore_mem>>) src(%dma_wait3A_164 : memref<40x128xi32, #tpu.memory_space<hbm>>) dst(%arg10 : memref<40x128xi32, #tpu.memory_space<vmem>>)
          tpu.yield
        }) : () -> ()
      } else {
      }
      %dma_start3A_138 = arith.constant 1 : i32
      %dma_start3A_139 = arith.constant 0 : i32
      %dma_start3A_140 = arith.constant 0 : i32
      %dma_start3A_141 = tpu.memref_slice %arg8[%dma_start3A_138, %dma_start3A_139, %dma_start3A_140] : memref<2x128x128xf32, #tpu.memory_space<vmem>> -> memref<1x128x128xf32, #tpu.memory_space<vmem>>
      %dma_start3A_142 = tpu.memref_squeeze %dma_start3A_141 : memref<1x128x128xf32, #tpu.memory_space<vmem>> -> memref<128x128xf32, #tpu.memory_space<vmem>>
      %dma_start3A_143 = arith.constant 0 : i32
      %dma_start3A_144 = tpu.memref_slice %arg10[%rem3A_104, %dma_start3A_143] : memref<40x128xi32, #tpu.memory_space<vmem>> -> memref<1x128xi32, #tpu.memory_space<vmem>>
      %dma_start3A_145 = tpu.memref_squeeze %dma_start3A_144 : memref<1x128xi32, #tpu.memory_space<vmem>> -> memref<128xi32, #tpu.memory_space<vmem>>
      %dma_start3A_146 = arith.constant 0 : i32
      %dma_start3A_147 = arith.constant 0 : i32
      %dma_start3A_148 = tpu.memref_slice %arg7[%dma_start3A_146, %dma_start3A_147] : memref<10240x128xf32, #tpu.memory_space<vmem_shared>> -> memref<10240x128xf32, #tpu.memory_space<vmem_shared>>
      tpu.enqueue_indirect_dma source(%dma_start3A_142 : memref<128x128xf32, #tpu.memory_space<vmem>>) target(%dma_start3A_148 : memref<10240x128xf32, #tpu.memory_space<vmem_shared>>) offsets(%dma_start3A_145 : memref<128xi32, #tpu.memory_space<vmem>>) semaphore(%arg12 : memref<!tpu.dma_semaphore, #tpu.memory_space<semaphore_mem>>) {add = true}
      %add3A_149 = arith.constant 1 : i32
      %add3A_150 = arith.addi %add3A_102, %add3A_149 : i32
      %lt3A_151 = arith.cmpi slt, %add3A_150, %select_n3A_6 : i32
      %convert_element_type3A_152 = arith.extui %lt3A_151 : i1 to i32
      %cond3A_153 = arith.constant 0 : i32
      %cond3A_154 = arith.cmpi ne, %convert_element_type3A_152, %cond3A_153 : i32
      scf.if %cond3A_154 {
        %add3A_155 = arith.constant 1 : i32
        %add3A_156 = arith.addi %add3A_102, %add3A_155 : i32
        %rem3A_157 = arith.constant 40 : i32
        %rem3A_158 = arith.remsi %add3A_156, %rem3A_157 : i32
        %dma_start3A_159 = arith.constant 0 : i32
        %dma_start3A_160 = arith.constant 0 : i32
        %dma_start3A_161 = arith.constant 0 : i32
        %dma_start3A_162 = tpu.memref_slice %arg8[%dma_start3A_159, %dma_start3A_160, %dma_start3A_161] : memref<2x128x128xf32, #tpu.memory_space<vmem>> -> memref<1x128x128xf32, #tpu.memory_space<vmem>>
        %dma_start3A_163 = tpu.memref_squeeze %dma_start3A_162 : memref<1x128x128xf32, #tpu.memory_space<vmem>> -> memref<128x128xf32, #tpu.memory_space<vmem>>
        %dma_start3A_164 = arith.constant 0 : i32
        %dma_start3A_165 = tpu.memref_slice %arg9[%rem3A_158, %dma_start3A_164] : memref<40x128xi32, #tpu.memory_space<vmem>> -> memref<1x128xi32, #tpu.memory_space<vmem>>
        %dma_start3A_166 = tpu.memref_squeeze %dma_start3A_165 : memref<1x128xi32, #tpu.memory_space<vmem>> -> memref<128xi32, #tpu.memory_space<vmem>>
        %dma_start3A_167 = arith.constant 0 : i32
        %dma_start3A_168 = arith.constant 0 : i32
        %dma_start3A_169 = tpu.memref_slice %arg2[%dma_start3A_167, %dma_start3A_168] : memref<10000x128xf32, #tpu.memory_space<hbm>> -> memref<10000x128xf32, #tpu.memory_space<hbm>>
        tpu.enqueue_indirect_dma source(%dma_start3A_169 : memref<10000x128xf32, #tpu.memory_space<hbm>>) target(%dma_start3A_163 : memref<128x128xf32, #tpu.memory_space<vmem>>) offsets(%dma_start3A_166 : memref<128xi32, #tpu.memory_space<vmem>>) semaphore(%arg11 : memref<!tpu.dma_semaphore, #tpu.memory_space<semaphore_mem>>)
      } else {
      }
    }
    %dma_wait3A = arith.constant 1 : i32
    %dma_wait3A_32 = arith.constant 0 : i32
    %dma_wait3A_33 = arith.constant 0 : i32
    %dma_wait3A_34 = arith.constant 0 : i32
    %dma_wait3A_35 = tpu.memref_slice %arg8[%dma_wait3A, %dma_wait3A_33, %dma_wait3A_34] : memref<2x128x128xf32, #tpu.memory_space<vmem>> -> memref<1x128x128xf32, #tpu.memory_space<vmem>>
    %dma_wait3A_36 = tpu.memref_squeeze %dma_wait3A_35 : memref<1x128x128xf32, #tpu.memory_space<vmem>> -> memref<128x128xf32, #tpu.memory_space<vmem>>
    %dma_wait3A_37 = arith.constant 0 : i32
    %dma_wait3A_38 = tpu.memref_slice %arg10[%dma_wait3A_32, %dma_wait3A_37] : memref<40x128xi32, #tpu.memory_space<vmem>> -> memref<1x128xi32, #tpu.memory_space<vmem>>
    %dma_wait3A_39 = tpu.memref_squeeze %dma_wait3A_38 : memref<1x128xi32, #tpu.memory_space<vmem>> -> memref<128xi32, #tpu.memory_space<vmem>>
    %dma_wait3A_40 = arith.constant 0 : i32
    %dma_wait3A_41 = arith.constant 0 : i32
    %dma_wait3A_42 = tpu.memref_slice %arg7[%dma_wait3A_40, %dma_wait3A_41] : memref<10240x128xf32, #tpu.memory_space<vmem_shared>> -> memref<10240x128xf32, #tpu.memory_space<vmem_shared>>
    tpu.wait_indirect_dma semaphore(%arg12 : memref<!tpu.dma_semaphore, #tpu.memory_space<semaphore_mem>>) src(%dma_wait3A_36 : memref<128x128xf32, #tpu.memory_space<vmem>>) dst(%dma_wait3A_42 : memref<10240x128xf32, #tpu.memory_space<vmem_shared>>)
    %barrier3A_43 = arith.constant 0 : index
    tpu.barrier barrier_id(%barrier3A_43)
    %mul3A_44 = arith.constant 640 : i32
    %mul3A_45 = arith.muli %arg1, %mul3A_44 : i32
    %mul3A_46 = arith.constant 640 : i32
    %mul3A_47 = arith.muli %arg1, %mul3A_46 : i32
    "tpu.region"() ({
      %run_scoped3A = tpu.sem_alloc : memref<!tpu.dma_semaphore, #tpu.memory_space<semaphore_mem>>
      %dma_start3A_48 = arith.constant 0 : i32
      %dma_start3A_49 = tpu.memref_slice %arg6[%arg0, %mul3A_47, %dma_start3A_48] : memref<2x10240x128xf32, #tpu.memory_space<hbm>> -> memref<1x640x128xf32, #tpu.memory_space<hbm>>
      %dma_start3A_50 = tpu.memref_squeeze %dma_start3A_49 : memref<1x640x128xf32, #tpu.memory_space<hbm>> -> memref<640x128xf32, #tpu.memory_space<hbm>>
      %dma_start3A_51 = arith.constant 0 : i32
      %dma_start3A_52 = tpu.memref_slice %arg7[%mul3A_45, %dma_start3A_51] : memref<10240x128xf32, #tpu.memory_space<vmem_shared>> -> memref<640x128xf32, #tpu.memory_space<vmem_shared>>
      tpu.enqueue_dma source(%dma_start3A_52 : memref<640x128xf32, #tpu.memory_space<vmem_shared>>) target(%dma_start3A_50 : memref<640x128xf32, #tpu.memory_space<hbm>>) target_semaphore(%run_scoped3A : memref<!tpu.dma_semaphore, #tpu.memory_space<semaphore_mem>>)
      %dma_wait3A_53 = arith.constant 0 : i32
      %dma_wait3A_54 = tpu.memref_slice %arg6[%arg0, %mul3A_47, %dma_wait3A_53] : memref<2x10240x128xf32, #tpu.memory_space<hbm>> -> memref<1x640x128xf32, #tpu.memory_space<hbm>>
      %dma_wait3A_55 = tpu.memref_squeeze %dma_wait3A_54 : memref<1x640x128xf32, #tpu.memory_space<hbm>> -> memref<640x128xf32, #tpu.memory_space<hbm>>
      %dma_wait3A_56 = arith.constant 0 : i32
      %dma_wait3A_57 = tpu.memref_slice %arg7[%mul3A_45, %dma_wait3A_56] : memref<10240x128xf32, #tpu.memory_space<vmem_shared>> -> memref<640x128xf32, #tpu.memory_space<vmem_shared>>
      tpu.wait_dma2 semaphore(%run_scoped3A : memref<!tpu.dma_semaphore, #tpu.memory_space<semaphore_mem>>) src(%dma_wait3A_57 : memref<640x128xf32, #tpu.memory_space<vmem_shared>>) dst(%dma_wait3A_55 : memref<640x128xf32, #tpu.memory_space<hbm>>)
      tpu.yield
    }) : () -> ()
    return
  }
}

#map = affine_map<(d0, d1) -> (0, 0)>
#map1 = affine_map<(d0, d1) -> (0, 0, 0)>
module attributes {stable_mosaic.version = 14 : i64} {
  func.func @_deg_body(%arg0: i32, %arg1: i32, %arg2: memref<2560x128xi32, #tpu.memory_space<hbm>>, %arg3: memref<128x128xf32, #tpu.memory_space<hbm>>, %arg4: memref<10240x128xf32, #tpu.memory_space<hbm>>, %arg5: memref<2x10240x128xf32, #tpu.memory_space<hbm>>, %arg6: memref<10240x128xf32, #tpu.memory_space<vmem_shared>>, %arg7: memref<128x128xf32, #tpu.memory_space<vmem>>, %arg8: memref<2x128xi32, #tpu.memory_space<vmem>>, %arg9: memref<!tpu.dma_semaphore, #tpu.memory_space<semaphore_mem>>) attributes {dimension_semantics = [#tpu.dimension_semantics<core_parallel>, #tpu.dimension_semantics<subcore_parallel>], iteration_bounds = array<i64: 2, 16>, scalar_prefetch = 0 : i64, scratch_operands = 4 : i64, tpu.core_type = #tpu.core_type<sc_vector_subcore>, window_params = [{transform_indices = #map}, {transform_indices = #map}, {transform_indices = #map}, {transform_indices = #map1}]} {
    %mul3A = arith.constant 2 : i32
    %mul3A_0 = arith.muli %arg1, %mul3A : i32
    %add3A = arith.addi %mul3A_0, %arg0 : i32
    "tpu.region"() ({
      %run_scoped3A = tpu.sem_alloc : memref<!tpu.dma_semaphore, #tpu.memory_space<semaphore_mem>>
      tpu.enqueue_dma source(%arg3 : memref<128x128xf32, #tpu.memory_space<hbm>>) target(%arg7 : memref<128x128xf32, #tpu.memory_space<vmem>>) target_semaphore(%run_scoped3A : memref<!tpu.dma_semaphore, #tpu.memory_space<semaphore_mem>>)
      tpu.wait_dma2 semaphore(%run_scoped3A : memref<!tpu.dma_semaphore, #tpu.memory_space<semaphore_mem>>) src(%arg3 : memref<128x128xf32, #tpu.memory_space<hbm>>) dst(%arg7 : memref<128x128xf32, #tpu.memory_space<vmem>>)
      tpu.yield
    }) : () -> ()
    %mul3A_1 = arith.constant 640 : i32
    %mul3A_2 = arith.muli %arg1, %mul3A_1 : i32
    %mul3A_3 = arith.constant 640 : i32
    %mul3A_4 = arith.muli %arg1, %mul3A_3 : i32
    "tpu.region"() ({
      %run_scoped3A = tpu.sem_alloc : memref<!tpu.dma_semaphore, #tpu.memory_space<semaphore_mem>>
      %dma_start3A = arith.constant 0 : i32
      %dma_start3A_15 = tpu.memref_slice %arg6[%mul3A_4, %dma_start3A] : memref<10240x128xf32, #tpu.memory_space<vmem_shared>> -> memref<640x128xf32, #tpu.memory_space<vmem_shared>>
      %dma_start3A_16 = arith.constant 0 : i32
      %dma_start3A_17 = tpu.memref_slice %arg4[%mul3A_2, %dma_start3A_16] : memref<10240x128xf32, #tpu.memory_space<hbm>> -> memref<640x128xf32, #tpu.memory_space<hbm>>
      tpu.enqueue_dma source(%dma_start3A_17 : memref<640x128xf32, #tpu.memory_space<hbm>>) target(%dma_start3A_15 : memref<640x128xf32, #tpu.memory_space<vmem_shared>>) target_semaphore(%run_scoped3A : memref<!tpu.dma_semaphore, #tpu.memory_space<semaphore_mem>>)
      %dma_wait3A = arith.constant 0 : i32
      %dma_wait3A_18 = tpu.memref_slice %arg6[%mul3A_4, %dma_wait3A] : memref<10240x128xf32, #tpu.memory_space<vmem_shared>> -> memref<640x128xf32, #tpu.memory_space<vmem_shared>>
      %dma_wait3A_19 = arith.constant 0 : i32
      %dma_wait3A_20 = tpu.memref_slice %arg4[%mul3A_2, %dma_wait3A_19] : memref<10240x128xf32, #tpu.memory_space<hbm>> -> memref<640x128xf32, #tpu.memory_space<hbm>>
      tpu.wait_dma2 semaphore(%run_scoped3A : memref<!tpu.dma_semaphore, #tpu.memory_space<semaphore_mem>>) src(%dma_wait3A_20 : memref<640x128xf32, #tpu.memory_space<hbm>>) dst(%dma_wait3A_18 : memref<640x128xf32, #tpu.memory_space<vmem_shared>>)
      tpu.yield
    }) : () -> ()
    %barrier3A = arith.constant 0 : index
    tpu.barrier barrier_id(%barrier3A)
    %scan3A = arith.constant 0 : i32
    %scan3A_5 = arith.constant 0 : i32
    %scan3A_6 = arith.constant 40 : i32
    %scan3A_7 = arith.addi %scan3A_5, %scan3A_6 : i32
    %scan3A_8 = arith.constant 1 : i32
    scf.for %scan3A_15 = %scan3A_5 to %scan3A_7 step %scan3A_8  : i32 {
      %mul3A_16 = arith.constant 80 : i32
      %mul3A_17 = arith.muli %add3A, %mul3A_16 : i32
      %mul3A_18 = arith.constant 2 : i32
      %mul3A_19 = arith.muli %scan3A_15, %mul3A_18 : i32
      %add3A_20 = arith.addi %mul3A_17, %mul3A_19 : i32
      "tpu.region"() ({
        %run_scoped3A_22 = tpu.sem_alloc : memref<!tpu.dma_semaphore, #tpu.memory_space<semaphore_mem>>
        %dma_start3A = arith.constant 0 : i32
        %dma_start3A_23 = tpu.memref_slice %arg2[%add3A_20, %dma_start3A] : memref<2560x128xi32, #tpu.memory_space<hbm>> -> memref<2x128xi32, #tpu.memory_space<hbm>>
        %dma_start3A_24 = arith.constant 0 : i32
        %dma_start3A_25 = tpu.memref_slice %arg2[%add3A_20, %dma_start3A_24] : memref<2560x128xi32, #tpu.memory_space<hbm>> -> memref<2x128xi32, #tpu.memory_space<hbm>>
        tpu.enqueue_dma source(%dma_start3A_25 : memref<2x128xi32, #tpu.memory_space<hbm>>) target(%arg8 : memref<2x128xi32, #tpu.memory_space<vmem>>) target_semaphore(%run_scoped3A_22 : memref<!tpu.dma_semaphore, #tpu.memory_space<semaphore_mem>>)
        %dma_wait3A = arith.constant 0 : i32
        %dma_wait3A_26 = tpu.memref_slice %arg2[%add3A_20, %dma_wait3A] : memref<2560x128xi32, #tpu.memory_space<hbm>> -> memref<2x128xi32, #tpu.memory_space<hbm>>
        %dma_wait3A_27 = arith.constant 0 : i32
        %dma_wait3A_28 = tpu.memref_slice %arg2[%add3A_20, %dma_wait3A_27] : memref<2560x128xi32, #tpu.memory_space<hbm>> -> memref<2x128xi32, #tpu.memory_space<hbm>>
        tpu.wait_dma2 semaphore(%run_scoped3A_22 : memref<!tpu.dma_semaphore, #tpu.memory_space<semaphore_mem>>) src(%dma_wait3A_28 : memref<2x128xi32, #tpu.memory_space<hbm>>) dst(%arg8 : memref<2x128xi32, #tpu.memory_space<vmem>>)
        tpu.yield
      }) : () -> ()
      %run_scoped3A = arith.constant 0 : i32
      "tpu.region"() ({
        %run_scoped3A_22 = tpu.sem_alloc : memref<!tpu.dma_semaphore, #tpu.memory_space<semaphore_mem>>
        %dma_start3A = arith.constant 0 : i32
        %dma_start3A_23 = tpu.memref_slice %arg8[%run_scoped3A, %dma_start3A] : memref<2x128xi32, #tpu.memory_space<vmem>> -> memref<1x128xi32, #tpu.memory_space<vmem>>
        %dma_start3A_24 = tpu.memref_squeeze %dma_start3A_23 : memref<1x128xi32, #tpu.memory_space<vmem>> -> memref<128xi32, #tpu.memory_space<vmem>>
        %dma_start3A_25 = arith.constant 0 : i32
        %dma_start3A_26 = arith.constant 0 : i32
        %dma_start3A_27 = tpu.memref_slice %arg6[%dma_start3A_25, %dma_start3A_26] : memref<10240x128xf32, #tpu.memory_space<vmem_shared>> -> memref<10240x128xf32, #tpu.memory_space<vmem_shared>>
        tpu.enqueue_indirect_dma source(%arg7 : memref<128x128xf32, #tpu.memory_space<vmem>>) target(%dma_start3A_27 : memref<10240x128xf32, #tpu.memory_space<vmem_shared>>) offsets(%dma_start3A_24 : memref<128xi32, #tpu.memory_space<vmem>>) semaphore(%run_scoped3A_22 : memref<!tpu.dma_semaphore, #tpu.memory_space<semaphore_mem>>) {add = true}
        %dma_wait3A = arith.constant 0 : i32
        %dma_wait3A_28 = tpu.memref_slice %arg8[%run_scoped3A, %dma_wait3A] : memref<2x128xi32, #tpu.memory_space<vmem>> -> memref<1x128xi32, #tpu.memory_space<vmem>>
        %dma_wait3A_29 = tpu.memref_squeeze %dma_wait3A_28 : memref<1x128xi32, #tpu.memory_space<vmem>> -> memref<128xi32, #tpu.memory_space<vmem>>
        %dma_wait3A_30 = arith.constant 0 : i32
        %dma_wait3A_31 = arith.constant 0 : i32
        %dma_wait3A_32 = tpu.memref_slice %arg6[%dma_wait3A_30, %dma_wait3A_31] : memref<10240x128xf32, #tpu.memory_space<vmem_shared>> -> memref<10240x128xf32, #tpu.memory_space<vmem_shared>>
        tpu.wait_indirect_dma semaphore(%run_scoped3A_22 : memref<!tpu.dma_semaphore, #tpu.memory_space<semaphore_mem>>) src(%arg7 : memref<128x128xf32, #tpu.memory_space<vmem>>) dst(%dma_wait3A_32 : memref<10240x128xf32, #tpu.memory_space<vmem_shared>>)
        tpu.yield
      }) : () -> ()
      %run_scoped3A_21 = arith.constant 1 : i32
      "tpu.region"() ({
        %run_scoped3A_22 = tpu.sem_alloc : memref<!tpu.dma_semaphore, #tpu.memory_space<semaphore_mem>>
        %dma_start3A = arith.constant 0 : i32
        %dma_start3A_23 = tpu.memref_slice %arg8[%run_scoped3A_21, %dma_start3A] : memref<2x128xi32, #tpu.memory_space<vmem>> -> memref<1x128xi32, #tpu.memory_space<vmem>>
        %dma_start3A_24 = tpu.memref_squeeze %dma_start3A_23 : memref<1x128xi32, #tpu.memory_space<vmem>> -> memref<128xi32, #tpu.memory_space<vmem>>
        %dma_start3A_25 = arith.constant 0 : i32
        %dma_start3A_26 = arith.constant 0 : i32
        %dma_start3A_27 = tpu.memref_slice %arg6[%dma_start3A_25, %dma_start3A_26] : memref<10240x128xf32, #tpu.memory_space<vmem_shared>> -> memref<10240x128xf32, #tpu.memory_space<vmem_shared>>
        tpu.enqueue_indirect_dma source(%arg7 : memref<128x128xf32, #tpu.memory_space<vmem>>) target(%dma_start3A_27 : memref<10240x128xf32, #tpu.memory_space<vmem_shared>>) offsets(%dma_start3A_24 : memref<128xi32, #tpu.memory_space<vmem>>) semaphore(%run_scoped3A_22 : memref<!tpu.dma_semaphore, #tpu.memory_space<semaphore_mem>>) {add = true}
        %dma_wait3A = arith.constant 0 : i32
        %dma_wait3A_28 = tpu.memref_slice %arg8[%run_scoped3A_21, %dma_wait3A] : memref<2x128xi32, #tpu.memory_space<vmem>> -> memref<1x128xi32, #tpu.memory_space<vmem>>
        %dma_wait3A_29 = tpu.memref_squeeze %dma_wait3A_28 : memref<1x128xi32, #tpu.memory_space<vmem>> -> memref<128xi32, #tpu.memory_space<vmem>>
        %dma_wait3A_30 = arith.constant 0 : i32
        %dma_wait3A_31 = arith.constant 0 : i32
        %dma_wait3A_32 = tpu.memref_slice %arg6[%dma_wait3A_30, %dma_wait3A_31] : memref<10240x128xf32, #tpu.memory_space<vmem_shared>> -> memref<10240x128xf32, #tpu.memory_space<vmem_shared>>
        tpu.wait_indirect_dma semaphore(%run_scoped3A_22 : memref<!tpu.dma_semaphore, #tpu.memory_space<semaphore_mem>>) src(%arg7 : memref<128x128xf32, #tpu.memory_space<vmem>>) dst(%dma_wait3A_32 : memref<10240x128xf32, #tpu.memory_space<vmem_shared>>)
        tpu.yield
      }) : () -> ()
    }
    %scan3A_9 = arith.constant 40 : i32
    %barrier3A_10 = arith.constant 0 : index
    tpu.barrier barrier_id(%barrier3A_10)
    %mul3A_11 = arith.constant 640 : i32
    %mul3A_12 = arith.muli %arg1, %mul3A_11 : i32
    %mul3A_13 = arith.constant 640 : i32
    %mul3A_14 = arith.muli %arg1, %mul3A_13 : i32
    "tpu.region"() ({
      %run_scoped3A = tpu.sem_alloc : memref<!tpu.dma_semaphore, #tpu.memory_space<semaphore_mem>>
      %dma_start3A = arith.constant 0 : i32
      %dma_start3A_15 = tpu.memref_slice %arg5[%arg0, %mul3A_14, %dma_start3A] : memref<2x10240x128xf32, #tpu.memory_space<hbm>> -> memref<1x640x128xf32, #tpu.memory_space<hbm>>
      %dma_start3A_16 = tpu.memref_squeeze %dma_start3A_15 : memref<1x640x128xf32, #tpu.memory_space<hbm>> -> memref<640x128xf32, #tpu.memory_space<hbm>>
      %dma_start3A_17 = arith.constant 0 : i32
      %dma_start3A_18 = tpu.memref_slice %arg6[%mul3A_12, %dma_start3A_17] : memref<10240x128xf32, #tpu.memory_space<vmem_shared>> -> memref<640x128xf32, #tpu.memory_space<vmem_shared>>
      tpu.enqueue_dma source(%dma_start3A_18 : memref<640x128xf32, #tpu.memory_space<vmem_shared>>) target(%dma_start3A_16 : memref<640x128xf32, #tpu.memory_space<hbm>>) target_semaphore(%run_scoped3A : memref<!tpu.dma_semaphore, #tpu.memory_space<semaphore_mem>>)
      %dma_wait3A = arith.constant 0 : i32
      %dma_wait3A_19 = tpu.memref_slice %arg5[%arg0, %mul3A_14, %dma_wait3A] : memref<2x10240x128xf32, #tpu.memory_space<hbm>> -> memref<1x640x128xf32, #tpu.memory_space<hbm>>
      %dma_wait3A_20 = tpu.memref_squeeze %dma_wait3A_19 : memref<1x640x128xf32, #tpu.memory_space<hbm>> -> memref<640x128xf32, #tpu.memory_space<hbm>>
      %dma_wait3A_21 = arith.constant 0 : i32
      %dma_wait3A_22 = tpu.memref_slice %arg6[%mul3A_12, %dma_wait3A_21] : memref<10240x128xf32, #tpu.memory_space<vmem_shared>> -> memref<640x128xf32, #tpu.memory_space<vmem_shared>>
      tpu.wait_dma2 semaphore(%run_scoped3A : memref<!tpu.dma_semaphore, #tpu.memory_space<semaphore_mem>>) src(%dma_wait3A_22 : memref<640x128xf32, #tpu.memory_space<vmem_shared>>) dst(%dma_wait3A_20 : memref<640x128xf32, #tpu.memory_space<hbm>>)
      tpu.yield
    }) : () -> ()
    return
  }
}

#map = affine_map<(d0, d1) -> (0, 0)>
#map1 = affine_map<(d0, d1) -> (0, 0, 0)>
module attributes {stable_mosaic.version = 14 : i64} {
  func.func @_agg_body(%arg0: i32, %arg1: i32, %arg2: memref<10000x128xf32, #tpu.memory_space<hbm>>, %arg3: memref<2560x128xi32, #tpu.memory_space<hbm>>, %arg4: memref<2560x128xi32, #tpu.memory_space<hbm>>, %arg5: memref<10240x128xf32, #tpu.memory_space<hbm>>, %arg6: memref<2x10240x128xf32, #tpu.memory_space<hbm>>, %arg7: memref<10240x128xf32, #tpu.memory_space<vmem_shared>>, %arg8: memref<2x128x128xf32, #tpu.memory_space<vmem>>, %arg9: memref<40x128xi32, #tpu.memory_space<vmem>>, %arg10: memref<40x128xi32, #tpu.memory_space<vmem>>, %arg11: memref<!tpu.dma_semaphore, #tpu.memory_space<semaphore_mem>>, %arg12: memref<!tpu.dma_semaphore, #tpu.memory_space<semaphore_mem>>) attributes {dimension_semantics = [#tpu.dimension_semantics<core_parallel>, #tpu.dimension_semantics<subcore_parallel>], iteration_bounds = array<i64: 2, 16>, scalar_prefetch = 0 : i64, scratch_operands = 6 : i64, tpu.core_type = #tpu.core_type<sc_vector_subcore>, window_params = [{transform_indices = #map}, {transform_indices = #map}, {transform_indices = #map}, {transform_indices = #map}, {transform_indices = #map1}]} {
    %eq3A = arith.constant 1 : i32
    %eq3A_0 = arith.cmpi eq, %arg0, %eq3A : i32
    %mul3A = arith.constant 152 : i32
    %mul3A_1 = arith.muli %arg1, %mul3A : i32
    %mul3A_2 = arith.constant 8 : i32
    %mul3A_3 = arith.muli %arg1, %mul3A_2 : i32
    %add3A = arith.constant 2432 : i32
    %add3A_4 = arith.addi %add3A, %mul3A_3 : i32
    %select_n3A = arith.select %eq3A_0, %mul3A_1, %add3A_4 : i32
    %multiple_of3A = tpu.assume_multiple %select_n3A, 8 : i32
    %jit3A = arith.constant 152 : i32
    %jit3A_5 = arith.constant 8 : i32
    %select_n3A_6 = arith.select %eq3A_0, %jit3A, %jit3A_5 : i32
    %mul3A_7 = arith.constant 640 : i32
    %mul3A_8 = arith.muli %arg1, %mul3A_7 : i32
    %mul3A_9 = arith.constant 640 : i32
    %mul3A_10 = arith.muli %arg1, %mul3A_9 : i32
    "tpu.region"() ({
      %run_scoped3A = tpu.sem_alloc : memref<!tpu.dma_semaphore, #tpu.memory_space<semaphore_mem>>
      %dma_start3A_48 = arith.constant 0 : i32
      %dma_start3A_49 = tpu.memref_slice %arg7[%mul3A_10, %dma_start3A_48] : memref<10240x128xf32, #tpu.memory_space<vmem_shared>> -> memref<640x128xf32, #tpu.memory_space<vmem_shared>>
      %dma_start3A_50 = arith.constant 0 : i32
      %dma_start3A_51 = tpu.memref_slice %arg5[%mul3A_8, %dma_start3A_50] : memref<10240x128xf32, #tpu.memory_space<hbm>> -> memref<640x128xf32, #tpu.memory_space<hbm>>
      tpu.enqueue_dma source(%dma_start3A_51 : memref<640x128xf32, #tpu.memory_space<hbm>>) target(%dma_start3A_49 : memref<640x128xf32, #tpu.memory_space<vmem_shared>>) target_semaphore(%run_scoped3A : memref<!tpu.dma_semaphore, #tpu.memory_space<semaphore_mem>>)
      %dma_wait3A_52 = arith.constant 0 : i32
      %dma_wait3A_53 = tpu.memref_slice %arg7[%mul3A_10, %dma_wait3A_52] : memref<10240x128xf32, #tpu.memory_space<vmem_shared>> -> memref<640x128xf32, #tpu.memory_space<vmem_shared>>
      %dma_wait3A_54 = arith.constant 0 : i32
      %dma_wait3A_55 = tpu.memref_slice %arg5[%mul3A_8, %dma_wait3A_54] : memref<10240x128xf32, #tpu.memory_space<hbm>> -> memref<640x128xf32, #tpu.memory_space<hbm>>
      tpu.wait_dma2 semaphore(%run_scoped3A : memref<!tpu.dma_semaphore, #tpu.memory_space<semaphore_mem>>) src(%dma_wait3A_55 : memref<640x128xf32, #tpu.memory_space<hbm>>) dst(%dma_wait3A_53 : memref<640x128xf32, #tpu.memory_space<vmem_shared>>)
      tpu.yield
    }) : () -> ()
    "tpu.region"() ({
      %run_scoped3A = tpu.sem_alloc : memref<!tpu.dma_semaphore, #tpu.memory_space<semaphore_mem>>
      %dma_start3A_48 = arith.constant 0 : i32
      %dma_start3A_49 = tpu.memref_slice %arg3[%multiple_of3A, %dma_start3A_48] : memref<2560x128xi32, #tpu.memory_space<hbm>> -> memref<40x128xi32, #tpu.memory_space<hbm>>
      %dma_start3A_50 = arith.constant 0 : i32
      %dma_start3A_51 = tpu.memref_slice %arg3[%multiple_of3A, %dma_start3A_50] : memref<2560x128xi32, #tpu.memory_space<hbm>> -> memref<40x128xi32, #tpu.memory_space<hbm>>
      tpu.enqueue_dma source(%dma_start3A_51 : memref<40x128xi32, #tpu.memory_space<hbm>>) target(%arg9 : memref<40x128xi32, #tpu.memory_space<vmem>>) target_semaphore(%run_scoped3A : memref<!tpu.dma_semaphore, #tpu.memory_space<semaphore_mem>>)
      %dma_wait3A_52 = arith.constant 0 : i32
      %dma_wait3A_53 = tpu.memref_slice %arg3[%multiple_of3A, %dma_wait3A_52] : memref<2560x128xi32, #tpu.memory_space<hbm>> -> memref<40x128xi32, #tpu.memory_space<hbm>>
      %dma_wait3A_54 = arith.constant 0 : i32
      %dma_wait3A_55 = tpu.memref_slice %arg3[%multiple_of3A, %dma_wait3A_54] : memref<2560x128xi32, #tpu.memory_space<hbm>> -> memref<40x128xi32, #tpu.memory_space<hbm>>
      tpu.wait_dma2 semaphore(%run_scoped3A : memref<!tpu.dma_semaphore, #tpu.memory_space<semaphore_mem>>) src(%dma_wait3A_55 : memref<40x128xi32, #tpu.memory_space<hbm>>) dst(%arg9 : memref<40x128xi32, #tpu.memory_space<vmem>>)
      tpu.yield
    }) : () -> ()
    "tpu.region"() ({
      %run_scoped3A = tpu.sem_alloc : memref<!tpu.dma_semaphore, #tpu.memory_space<semaphore_mem>>
      %dma_start3A_48 = arith.constant 0 : i32
      %dma_start3A_49 = tpu.memref_slice %arg4[%multiple_of3A, %dma_start3A_48] : memref<2560x128xi32, #tpu.memory_space<hbm>> -> memref<40x128xi32, #tpu.memory_space<hbm>>
      %dma_start3A_50 = arith.constant 0 : i32
      %dma_start3A_51 = tpu.memref_slice %arg4[%multiple_of3A, %dma_start3A_50] : memref<2560x128xi32, #tpu.memory_space<hbm>> -> memref<40x128xi32, #tpu.memory_space<hbm>>
      tpu.enqueue_dma source(%dma_start3A_51 : memref<40x128xi32, #tpu.memory_space<hbm>>) target(%arg10 : memref<40x128xi32, #tpu.memory_space<vmem>>) target_semaphore(%run_scoped3A : memref<!tpu.dma_semaphore, #tpu.memory_space<semaphore_mem>>)
      %dma_wait3A_52 = arith.constant 0 : i32
      %dma_wait3A_53 = tpu.memref_slice %arg4[%multiple_of3A, %dma_wait3A_52] : memref<2560x128xi32, #tpu.memory_space<hbm>> -> memref<40x128xi32, #tpu.memory_space<hbm>>
      %dma_wait3A_54 = arith.constant 0 : i32
      %dma_wait3A_55 = tpu.memref_slice %arg4[%multiple_of3A, %dma_wait3A_54] : memref<2560x128xi32, #tpu.memory_space<hbm>> -> memref<40x128xi32, #tpu.memory_space<hbm>>
      tpu.wait_dma2 semaphore(%run_scoped3A : memref<!tpu.dma_semaphore, #tpu.memory_space<semaphore_mem>>) src(%dma_wait3A_55 : memref<40x128xi32, #tpu.memory_space<hbm>>) dst(%arg10 : memref<40x128xi32, #tpu.memory_space<vmem>>)
      tpu.yield
    }) : () -> ()
    %barrier3A = arith.constant 0 : index
    tpu.barrier barrier_id(%barrier3A)
    %dma_start3A = arith.constant 0 : i32
    %dma_start3A_11 = arith.constant 0 : i32
    %dma_start3A_12 = arith.constant 0 : i32
    %dma_start3A_13 = arith.constant 0 : i32
    %dma_start3A_14 = tpu.memref_slice %arg8[%dma_start3A_11, %dma_start3A_12, %dma_start3A_13] : memref<2x128x128xf32, #tpu.memory_space<vmem>> -> memref<1x128x128xf32, #tpu.memory_space<vmem>>
    %dma_start3A_15 = tpu.memref_squeeze %dma_start3A_14 : memref<1x128x128xf32, #tpu.memory_space<vmem>> -> memref<128x128xf32, #tpu.memory_space<vmem>>
    %dma_start3A_16 = arith.constant 0 : i32
    %dma_start3A_17 = tpu.memref_slice %arg9[%dma_start3A, %dma_start3A_16] : memref<40x128xi32, #tpu.memory_space<vmem>> -> memref<1x128xi32, #tpu.memory_space<vmem>>
    %dma_start3A_18 = tpu.memref_squeeze %dma_start3A_17 : memref<1x128xi32, #tpu.memory_space<vmem>> -> memref<128xi32, #tpu.memory_space<vmem>>
    %dma_start3A_19 = arith.constant 0 : i32
    %dma_start3A_20 = arith.constant 0 : i32
    %dma_start3A_21 = tpu.memref_slice %arg2[%dma_start3A_19, %dma_start3A_20] : memref<10000x128xf32, #tpu.memory_space<hbm>> -> memref<10000x128xf32, #tpu.memory_space<hbm>>
    tpu.enqueue_indirect_dma source(%dma_start3A_21 : memref<10000x128xf32, #tpu.memory_space<hbm>>) target(%dma_start3A_15 : memref<128x128xf32, #tpu.memory_space<vmem>>) offsets(%dma_start3A_18 : memref<128xi32, #tpu.memory_space<vmem>>) semaphore(%arg11 : memref<!tpu.dma_semaphore, #tpu.memory_space<semaphore_mem>>)
    %div3A = arith.constant 2 : i32
    %div3A_22 = arith.divsi %select_n3A_6, %div3A : i32
    %while3A = arith.constant 0 : i32
    %while3A_23 = arith.constant 0 : i32
    %while3A_24 = arith.subi %div3A_22, %while3A_23 : i32
    %while3A_25 = arith.addi %while3A_23, %while3A_24 : i32
    %while3A_26 = arith.constant 1 : i32
    %while3A_27 = arith.divsi %while3A_24, %while3A_26 : i32
    %while3A_28 = arith.muli %while3A_27, %while3A_26 : i32
    %while3A_29 = arith.addi %while3A_23, %while3A_28 : i32
    %while3A_30 = arith.constant 1 : i32
    scf.for %while3A_48 = %while3A_23 to %while3A_29 step %while3A_30  : i32 {
      %mul3A_49 = arith.constant 2 : i32
      %mul3A_50 = arith.muli %while3A_48, %mul3A_49 : i32
      %add3A_51 = arith.constant 0 : i32
      %add3A_52 = arith.addi %mul3A_50, %add3A_51 : i32
      %rem3A = arith.constant 40 : i32
      %rem3A_53 = arith.remsi %add3A_52, %rem3A : i32
      %dma_wait3A_54 = arith.constant 0 : i32
      %dma_wait3A_55 = arith.constant 0 : i32
      %dma_wait3A_56 = arith.constant 0 : i32
      %dma_wait3A_57 = tpu.memref_slice %arg8[%dma_wait3A_54, %dma_wait3A_55, %dma_wait3A_56] : memref<2x128x128xf32, #tpu.memory_space<vmem>> -> memref<1x128x128xf32, #tpu.memory_space<vmem>>
      %dma_wait3A_58 = tpu.memref_squeeze %dma_wait3A_57 : memref<1x128x128xf32, #tpu.memory_space<vmem>> -> memref<128x128xf32, #tpu.memory_space<vmem>>
      %dma_wait3A_59 = arith.constant 0 : i32
      %dma_wait3A_60 = tpu.memref_slice %arg9[%rem3A_53, %dma_wait3A_59] : memref<40x128xi32, #tpu.memory_space<vmem>> -> memref<1x128xi32, #tpu.memory_space<vmem>>
      %dma_wait3A_61 = tpu.memref_squeeze %dma_wait3A_60 : memref<1x128xi32, #tpu.memory_space<vmem>> -> memref<128xi32, #tpu.memory_space<vmem>>
      %dma_wait3A_62 = arith.constant 0 : i32
      %dma_wait3A_63 = arith.constant 0 : i32
      %dma_wait3A_64 = tpu.memref_slice %arg2[%dma_wait3A_62, %dma_wait3A_63] : memref<10000x128xf32, #tpu.memory_space<hbm>> -> memref<10000x128xf32, #tpu.memory_space<hbm>>
      tpu.wait_indirect_dma semaphore(%arg11 : memref<!tpu.dma_semaphore, #tpu.memory_space<semaphore_mem>>) src(%dma_wait3A_64 : memref<10000x128xf32, #tpu.memory_space<hbm>>) dst(%dma_wait3A_58 : memref<128x128xf32, #tpu.memory_space<vmem>>)
      %eq3A_65 = arith.constant 39 : i32
      %eq3A_66 = arith.cmpi eq, %rem3A_53, %eq3A_65 : i32
      %add3A_67 = arith.constant 1 : i32
      %add3A_68 = arith.addi %add3A_52, %add3A_67 : i32
      %lt3A = arith.cmpi slt, %add3A_68, %select_n3A_6 : i32
      %and3A = arith.andi %eq3A_66, %lt3A : i1
      %convert_element_type3A = arith.extui %and3A : i1 to i32
      %cond3A = arith.constant 0 : i32
      %cond3A_69 = arith.cmpi ne, %convert_element_type3A, %cond3A : i32
      scf.if %cond3A_69 {
        %add3A_155 = arith.addi %multiple_of3A, %add3A_52 : i32
        %add3A_156 = arith.constant 1 : i32
        %add3A_157 = arith.addi %add3A_155, %add3A_156 : i32
        %multiple_of3A_158 = tpu.assume_multiple %add3A_157, 8 : i32
        "tpu.region"() ({
          %run_scoped3A = tpu.sem_alloc : memref<!tpu.dma_semaphore, #tpu.memory_space<semaphore_mem>>
          %dma_start3A_159 = arith.constant 0 : i32
          %dma_start3A_160 = tpu.memref_slice %arg3[%multiple_of3A_158, %dma_start3A_159] : memref<2560x128xi32, #tpu.memory_space<hbm>> -> memref<40x128xi32, #tpu.memory_space<hbm>>
          %dma_start3A_161 = arith.constant 0 : i32
          %dma_start3A_162 = tpu.memref_slice %arg3[%multiple_of3A_158, %dma_start3A_161] : memref<2560x128xi32, #tpu.memory_space<hbm>> -> memref<40x128xi32, #tpu.memory_space<hbm>>
          tpu.enqueue_dma source(%dma_start3A_162 : memref<40x128xi32, #tpu.memory_space<hbm>>) target(%arg9 : memref<40x128xi32, #tpu.memory_space<vmem>>) target_semaphore(%run_scoped3A : memref<!tpu.dma_semaphore, #tpu.memory_space<semaphore_mem>>)
          %dma_wait3A_163 = arith.constant 0 : i32
          %dma_wait3A_164 = tpu.memref_slice %arg3[%multiple_of3A_158, %dma_wait3A_163] : memref<2560x128xi32, #tpu.memory_space<hbm>> -> memref<40x128xi32, #tpu.memory_space<hbm>>
          %dma_wait3A_165 = arith.constant 0 : i32
          %dma_wait3A_166 = tpu.memref_slice %arg3[%multiple_of3A_158, %dma_wait3A_165] : memref<2560x128xi32, #tpu.memory_space<hbm>> -> memref<40x128xi32, #tpu.memory_space<hbm>>
          tpu.wait_dma2 semaphore(%run_scoped3A : memref<!tpu.dma_semaphore, #tpu.memory_space<semaphore_mem>>) src(%dma_wait3A_166 : memref<40x128xi32, #tpu.memory_space<hbm>>) dst(%arg9 : memref<40x128xi32, #tpu.memory_space<vmem>>)
          tpu.yield
        }) : () -> ()
      } else {
      }
      %gt3A = arith.constant 0 : i32
      %gt3A_70 = arith.cmpi sgt, %add3A_52, %gt3A : i32
      %convert_element_type3A_71 = arith.extui %gt3A_70 : i1 to i32
      %cond3A_72 = arith.constant 0 : i32
      %cond3A_73 = arith.cmpi ne, %convert_element_type3A_71, %cond3A_72 : i32
      scf.if %cond3A_73 {
        %dma_wait3A_155 = arith.constant 1 : i32
        %dma_wait3A_156 = arith.constant 0 : i32
        %dma_wait3A_157 = arith.constant 0 : i32
        %dma_wait3A_158 = arith.constant 0 : i32
        %dma_wait3A_159 = tpu.memref_slice %arg8[%dma_wait3A_155, %dma_wait3A_157, %dma_wait3A_158] : memref<2x128x128xf32, #tpu.memory_space<vmem>> -> memref<1x128x128xf32, #tpu.memory_space<vmem>>
        %dma_wait3A_160 = tpu.memref_squeeze %dma_wait3A_159 : memref<1x128x128xf32, #tpu.memory_space<vmem>> -> memref<128x128xf32, #tpu.memory_space<vmem>>
        %dma_wait3A_161 = arith.constant 0 : i32
        %dma_wait3A_162 = tpu.memref_slice %arg10[%dma_wait3A_156, %dma_wait3A_161] : memref<40x128xi32, #tpu.memory_space<vmem>> -> memref<1x128xi32, #tpu.memory_space<vmem>>
        %dma_wait3A_163 = tpu.memref_squeeze %dma_wait3A_162 : memref<1x128xi32, #tpu.memory_space<vmem>> -> memref<128xi32, #tpu.memory_space<vmem>>
        %dma_wait3A_164 = arith.constant 0 : i32
        %dma_wait3A_165 = arith.constant 0 : i32
        %dma_wait3A_166 = tpu.memref_slice %arg7[%dma_wait3A_164, %dma_wait3A_165] : memref<10240x128xf32, #tpu.memory_space<vmem_shared>> -> memref<10240x128xf32, #tpu.memory_space<vmem_shared>>
        tpu.wait_indirect_dma semaphore(%arg12 : memref<!tpu.dma_semaphore, #tpu.memory_space<semaphore_mem>>) src(%dma_wait3A_160 : memref<128x128xf32, #tpu.memory_space<vmem>>) dst(%dma_wait3A_166 : memref<10240x128xf32, #tpu.memory_space<vmem_shared>>)
      } else {
      }
      %eq3A_74 = arith.constant 0 : i32
      %eq3A_75 = arith.cmpi eq, %rem3A_53, %eq3A_74 : i32
      %gt3A_76 = arith.constant 0 : i32
      %gt3A_77 = arith.cmpi sgt, %add3A_52, %gt3A_76 : i32
      %and3A_78 = arith.andi %eq3A_75, %gt3A_77 : i1
      %convert_element_type3A_79 = arith.extui %and3A_78 : i1 to i32
      %cond3A_80 = arith.constant 0 : i32
      %cond3A_81 = arith.cmpi ne, %convert_element_type3A_79, %cond3A_80 : i32
      scf.if %cond3A_81 {
        %add3A_155 = arith.addi %multiple_of3A, %add3A_52 : i32
        %multiple_of3A_156 = tpu.assume_multiple %add3A_155, 8 : i32
        "tpu.region"() ({
          %run_scoped3A = tpu.sem_alloc : memref<!tpu.dma_semaphore, #tpu.memory_space<semaphore_mem>>
          %dma_start3A_157 = arith.constant 0 : i32
          %dma_start3A_158 = tpu.memref_slice %arg4[%multiple_of3A_156, %dma_start3A_157] : memref<2560x128xi32, #tpu.memory_space<hbm>> -> memref<40x128xi32, #tpu.memory_space<hbm>>
          %dma_start3A_159 = arith.constant 0 : i32
          %dma_start3A_160 = tpu.memref_slice %arg4[%multiple_of3A_156, %dma_start3A_159] : memref<2560x128xi32, #tpu.memory_space<hbm>> -> memref<40x128xi32, #tpu.memory_space<hbm>>
          tpu.enqueue_dma source(%dma_start3A_160 : memref<40x128xi32, #tpu.memory_space<hbm>>) target(%arg10 : memref<40x128xi32, #tpu.memory_space<vmem>>) target_semaphore(%run_scoped3A : memref<!tpu.dma_semaphore, #tpu.memory_space<semaphore_mem>>)
          %dma_wait3A_161 = arith.constant 0 : i32
          %dma_wait3A_162 = tpu.memref_slice %arg4[%multiple_of3A_156, %dma_wait3A_161] : memref<2560x128xi32, #tpu.memory_space<hbm>> -> memref<40x128xi32, #tpu.memory_space<hbm>>
          %dma_wait3A_163 = arith.constant 0 : i32
          %dma_wait3A_164 = tpu.memref_slice %arg4[%multiple_of3A_156, %dma_wait3A_163] : memref<2560x128xi32, #tpu.memory_space<hbm>> -> memref<40x128xi32, #tpu.memory_space<hbm>>
          tpu.wait_dma2 semaphore(%run_scoped3A : memref<!tpu.dma_semaphore, #tpu.memory_space<semaphore_mem>>) src(%dma_wait3A_164 : memref<40x128xi32, #tpu.memory_space<hbm>>) dst(%arg10 : memref<40x128xi32, #tpu.memory_space<vmem>>)
          tpu.yield
        }) : () -> ()
      } else {
      }
      %dma_start3A_82 = arith.constant 0 : i32
      %dma_start3A_83 = arith.constant 0 : i32
      %dma_start3A_84 = arith.constant 0 : i32
      %dma_start3A_85 = tpu.memref_slice %arg8[%dma_start3A_82, %dma_start3A_83, %dma_start3A_84] : memref<2x128x128xf32, #tpu.memory_space<vmem>> -> memref<1x128x128xf32, #tpu.memory_space<vmem>>
      %dma_start3A_86 = tpu.memref_squeeze %dma_start3A_85 : memref<1x128x128xf32, #tpu.memory_space<vmem>> -> memref<128x128xf32, #tpu.memory_space<vmem>>
      %dma_start3A_87 = arith.constant 0 : i32
      %dma_start3A_88 = tpu.memref_slice %arg10[%rem3A_53, %dma_start3A_87] : memref<40x128xi32, #tpu.memory_space<vmem>> -> memref<1x128xi32, #tpu.memory_space<vmem>>
      %dma_start3A_89 = tpu.memref_squeeze %dma_start3A_88 : memref<1x128xi32, #tpu.memory_space<vmem>> -> memref<128xi32, #tpu.memory_space<vmem>>
      %dma_start3A_90 = arith.constant 0 : i32
      %dma_start3A_91 = arith.constant 0 : i32
      %dma_start3A_92 = tpu.memref_slice %arg7[%dma_start3A_90, %dma_start3A_91] : memref<10240x128xf32, #tpu.memory_space<vmem_shared>> -> memref<10240x128xf32, #tpu.memory_space<vmem_shared>>
      tpu.enqueue_indirect_dma source(%dma_start3A_86 : memref<128x128xf32, #tpu.memory_space<vmem>>) target(%dma_start3A_92 : memref<10240x128xf32, #tpu.memory_space<vmem_shared>>) offsets(%dma_start3A_89 : memref<128xi32, #tpu.memory_space<vmem>>) semaphore(%arg12 : memref<!tpu.dma_semaphore, #tpu.memory_space<semaphore_mem>>) {add = true}
      %add3A_93 = arith.constant 1 : i32
      %add3A_94 = arith.addi %add3A_52, %add3A_93 : i32
      %lt3A_95 = arith.cmpi slt, %add3A_94, %select_n3A_6 : i32
      %convert_element_type3A_96 = arith.extui %lt3A_95 : i1 to i32
      %cond3A_97 = arith.constant 0 : i32
      %cond3A_98 = arith.cmpi ne, %convert_element_type3A_96, %cond3A_97 : i32
      scf.if %cond3A_98 {
        %add3A_155 = arith.constant 1 : i32
        %add3A_156 = arith.addi %add3A_52, %add3A_155 : i32
        %rem3A_157 = arith.constant 40 : i32
        %rem3A_158 = arith.remsi %add3A_156, %rem3A_157 : i32
        %dma_start3A_159 = arith.constant 1 : i32
        %dma_start3A_160 = arith.constant 0 : i32
        %dma_start3A_161 = arith.constant 0 : i32
        %dma_start3A_162 = tpu.memref_slice %arg8[%dma_start3A_159, %dma_start3A_160, %dma_start3A_161] : memref<2x128x128xf32, #tpu.memory_space<vmem>> -> memref<1x128x128xf32, #tpu.memory_space<vmem>>
        %dma_start3A_163 = tpu.memref_squeeze %dma_start3A_162 : memref<1x128x128xf32, #tpu.memory_space<vmem>> -> memref<128x128xf32, #tpu.memory_space<vmem>>
        %dma_start3A_164 = arith.constant 0 : i32
        %dma_start3A_165 = tpu.memref_slice %arg9[%rem3A_158, %dma_start3A_164] : memref<40x128xi32, #tpu.memory_space<vmem>> -> memref<1x128xi32, #tpu.memory_space<vmem>>
        %dma_start3A_166 = tpu.memref_squeeze %dma_start3A_165 : memref<1x128xi32, #tpu.memory_space<vmem>> -> memref<128xi32, #tpu.memory_space<vmem>>
        %dma_start3A_167 = arith.constant 0 : i32
        %dma_start3A_168 = arith.constant 0 : i32
        %dma_start3A_169 = tpu.memref_slice %arg2[%dma_start3A_167, %dma_start3A_168] : memref<10000x128xf32, #tpu.memory_space<hbm>> -> memref<10000x128xf32, #tpu.memory_space<hbm>>
        tpu.enqueue_indirect_dma source(%dma_start3A_169 : memref<10000x128xf32, #tpu.memory_space<hbm>>) target(%dma_start3A_163 : memref<128x128xf32, #tpu.memory_space<vmem>>) offsets(%dma_start3A_166 : memref<128xi32, #tpu.memory_space<vmem>>) semaphore(%arg11 : memref<!tpu.dma_semaphore, #tpu.memory_space<semaphore_mem>>)
      } else {
      }
      %mul3A_99 = arith.constant 2 : i32
      %mul3A_100 = arith.muli %while3A_48, %mul3A_99 : i32
      %add3A_101 = arith.constant 1 : i32
      %add3A_102 = arith.addi %mul3A_100, %add3A_101 : i32
      %rem3A_103 = arith.constant 40 : i32
      %rem3A_104 = arith.remsi %add3A_102, %rem3A_103 : i32
      %dma_wait3A_105 = arith.constant 1 : i32
      %dma_wait3A_106 = arith.constant 0 : i32
      %dma_wait3A_107 = arith.constant 0 : i32
      %dma_wait3A_108 = tpu.memref_slice %arg8[%dma_wait3A_105, %dma_wait3A_106, %dma_wait3A_107] : memref<2x128x128xf32, #tpu.memory_space<vmem>> -> memref<1x128x128xf32, #tpu.memory_space<vmem>>
      %dma_wait3A_109 = tpu.memref_squeeze %dma_wait3A_108 : memref<1x128x128xf32, #tpu.memory_space<vmem>> -> memref<128x128xf32, #tpu.memory_space<vmem>>
      %dma_wait3A_110 = arith.constant 0 : i32
      %dma_wait3A_111 = tpu.memref_slice %arg9[%rem3A_104, %dma_wait3A_110] : memref<40x128xi32, #tpu.memory_space<vmem>> -> memref<1x128xi32, #tpu.memory_space<vmem>>
      %dma_wait3A_112 = tpu.memref_squeeze %dma_wait3A_111 : memref<1x128xi32, #tpu.memory_space<vmem>> -> memref<128xi32, #tpu.memory_space<vmem>>
      %dma_wait3A_113 = arith.constant 0 : i32
      %dma_wait3A_114 = arith.constant 0 : i32
      %dma_wait3A_115 = tpu.memref_slice %arg2[%dma_wait3A_113, %dma_wait3A_114] : memref<10000x128xf32, #tpu.memory_space<hbm>> -> memref<10000x128xf32, #tpu.memory_space<hbm>>
      tpu.wait_indirect_dma semaphore(%arg11 : memref<!tpu.dma_semaphore, #tpu.memory_space<semaphore_mem>>) src(%dma_wait3A_115 : memref<10000x128xf32, #tpu.memory_space<hbm>>) dst(%dma_wait3A_109 : memref<128x128xf32, #tpu.memory_space<vmem>>)
      %eq3A_116 = arith.constant 39 : i32
      %eq3A_117 = arith.cmpi eq, %rem3A_104, %eq3A_116 : i32
      %add3A_118 = arith.constant 1 : i32
      %add3A_119 = arith.addi %add3A_102, %add3A_118 : i32
      %lt3A_120 = arith.cmpi slt, %add3A_119, %select_n3A_6 : i32
      %and3A_121 = arith.andi %eq3A_117, %lt3A_120 : i1
      %convert_element_type3A_122 = arith.extui %and3A_121 : i1 to i32
      %cond3A_123 = arith.constant 0 : i32
      %cond3A_124 = arith.cmpi ne, %convert_element_type3A_122, %cond3A_123 : i32
      scf.if %cond3A_124 {
        %add3A_155 = arith.addi %multiple_of3A, %add3A_102 : i32
        %add3A_156 = arith.constant 1 : i32
        %add3A_157 = arith.addi %add3A_155, %add3A_156 : i32
        %multiple_of3A_158 = tpu.assume_multiple %add3A_157, 8 : i32
        "tpu.region"() ({
          %run_scoped3A = tpu.sem_alloc : memref<!tpu.dma_semaphore, #tpu.memory_space<semaphore_mem>>
          %dma_start3A_159 = arith.constant 0 : i32
          %dma_start3A_160 = tpu.memref_slice %arg3[%multiple_of3A_158, %dma_start3A_159] : memref<2560x128xi32, #tpu.memory_space<hbm>> -> memref<40x128xi32, #tpu.memory_space<hbm>>
          %dma_start3A_161 = arith.constant 0 : i32
          %dma_start3A_162 = tpu.memref_slice %arg3[%multiple_of3A_158, %dma_start3A_161] : memref<2560x128xi32, #tpu.memory_space<hbm>> -> memref<40x128xi32, #tpu.memory_space<hbm>>
          tpu.enqueue_dma source(%dma_start3A_162 : memref<40x128xi32, #tpu.memory_space<hbm>>) target(%arg9 : memref<40x128xi32, #tpu.memory_space<vmem>>) target_semaphore(%run_scoped3A : memref<!tpu.dma_semaphore, #tpu.memory_space<semaphore_mem>>)
          %dma_wait3A_163 = arith.constant 0 : i32
          %dma_wait3A_164 = tpu.memref_slice %arg3[%multiple_of3A_158, %dma_wait3A_163] : memref<2560x128xi32, #tpu.memory_space<hbm>> -> memref<40x128xi32, #tpu.memory_space<hbm>>
          %dma_wait3A_165 = arith.constant 0 : i32
          %dma_wait3A_166 = tpu.memref_slice %arg3[%multiple_of3A_158, %dma_wait3A_165] : memref<2560x128xi32, #tpu.memory_space<hbm>> -> memref<40x128xi32, #tpu.memory_space<hbm>>
          tpu.wait_dma2 semaphore(%run_scoped3A : memref<!tpu.dma_semaphore, #tpu.memory_space<semaphore_mem>>) src(%dma_wait3A_166 : memref<40x128xi32, #tpu.memory_space<hbm>>) dst(%arg9 : memref<40x128xi32, #tpu.memory_space<vmem>>)
          tpu.yield
        }) : () -> ()
      } else {
      }
      %gt3A_125 = arith.constant 0 : i32
      %gt3A_126 = arith.cmpi sgt, %add3A_102, %gt3A_125 : i32
      %convert_element_type3A_127 = arith.extui %gt3A_126 : i1 to i32
      %cond3A_128 = arith.constant 0 : i32
      %cond3A_129 = arith.cmpi ne, %convert_element_type3A_127, %cond3A_128 : i32
      scf.if %cond3A_129 {
        %dma_wait3A_155 = arith.constant 0 : i32
        %dma_wait3A_156 = arith.constant 0 : i32
        %dma_wait3A_157 = arith.constant 0 : i32
        %dma_wait3A_158 = arith.constant 0 : i32
        %dma_wait3A_159 = tpu.memref_slice %arg8[%dma_wait3A_155, %dma_wait3A_157, %dma_wait3A_158] : memref<2x128x128xf32, #tpu.memory_space<vmem>> -> memref<1x128x128xf32, #tpu.memory_space<vmem>>
        %dma_wait3A_160 = tpu.memref_squeeze %dma_wait3A_159 : memref<1x128x128xf32, #tpu.memory_space<vmem>> -> memref<128x128xf32, #tpu.memory_space<vmem>>
        %dma_wait3A_161 = arith.constant 0 : i32
        %dma_wait3A_162 = tpu.memref_slice %arg10[%dma_wait3A_156, %dma_wait3A_161] : memref<40x128xi32, #tpu.memory_space<vmem>> -> memref<1x128xi32, #tpu.memory_space<vmem>>
        %dma_wait3A_163 = tpu.memref_squeeze %dma_wait3A_162 : memref<1x128xi32, #tpu.memory_space<vmem>> -> memref<128xi32, #tpu.memory_space<vmem>>
        %dma_wait3A_164 = arith.constant 0 : i32
        %dma_wait3A_165 = arith.constant 0 : i32
        %dma_wait3A_166 = tpu.memref_slice %arg7[%dma_wait3A_164, %dma_wait3A_165] : memref<10240x128xf32, #tpu.memory_space<vmem_shared>> -> memref<10240x128xf32, #tpu.memory_space<vmem_shared>>
        tpu.wait_indirect_dma semaphore(%arg12 : memref<!tpu.dma_semaphore, #tpu.memory_space<semaphore_mem>>) src(%dma_wait3A_160 : memref<128x128xf32, #tpu.memory_space<vmem>>) dst(%dma_wait3A_166 : memref<10240x128xf32, #tpu.memory_space<vmem_shared>>)
      } else {
      }
      %eq3A_130 = arith.constant 0 : i32
      %eq3A_131 = arith.cmpi eq, %rem3A_104, %eq3A_130 : i32
      %gt3A_132 = arith.constant 0 : i32
      %gt3A_133 = arith.cmpi sgt, %add3A_102, %gt3A_132 : i32
      %and3A_134 = arith.andi %eq3A_131, %gt3A_133 : i1
      %convert_element_type3A_135 = arith.extui %and3A_134 : i1 to i32
      %cond3A_136 = arith.constant 0 : i32
      %cond3A_137 = arith.cmpi ne, %convert_element_type3A_135, %cond3A_136 : i32
      scf.if %cond3A_137 {
        %add3A_155 = arith.addi %multiple_of3A, %add3A_102 : i32
        %multiple_of3A_156 = tpu.assume_multiple %add3A_155, 8 : i32
        "tpu.region"() ({
          %run_scoped3A = tpu.sem_alloc : memref<!tpu.dma_semaphore, #tpu.memory_space<semaphore_mem>>
          %dma_start3A_157 = arith.constant 0 : i32
          %dma_start3A_158 = tpu.memref_slice %arg4[%multiple_of3A_156, %dma_start3A_157] : memref<2560x128xi32, #tpu.memory_space<hbm>> -> memref<40x128xi32, #tpu.memory_space<hbm>>
          %dma_start3A_159 = arith.constant 0 : i32
          %dma_start3A_160 = tpu.memref_slice %arg4[%multiple_of3A_156, %dma_start3A_159] : memref<2560x128xi32, #tpu.memory_space<hbm>> -> memref<40x128xi32, #tpu.memory_space<hbm>>
          tpu.enqueue_dma source(%dma_start3A_160 : memref<40x128xi32, #tpu.memory_space<hbm>>) target(%arg10 : memref<40x128xi32, #tpu.memory_space<vmem>>) target_semaphore(%run_scoped3A : memref<!tpu.dma_semaphore, #tpu.memory_space<semaphore_mem>>)
          %dma_wait3A_161 = arith.constant 0 : i32
          %dma_wait3A_162 = tpu.memref_slice %arg4[%multiple_of3A_156, %dma_wait3A_161] : memref<2560x128xi32, #tpu.memory_space<hbm>> -> memref<40x128xi32, #tpu.memory_space<hbm>>
          %dma_wait3A_163 = arith.constant 0 : i32
          %dma_wait3A_164 = tpu.memref_slice %arg4[%multiple_of3A_156, %dma_wait3A_163] : memref<2560x128xi32, #tpu.memory_space<hbm>> -> memref<40x128xi32, #tpu.memory_space<hbm>>
          tpu.wait_dma2 semaphore(%run_scoped3A : memref<!tpu.dma_semaphore, #tpu.memory_space<semaphore_mem>>) src(%dma_wait3A_164 : memref<40x128xi32, #tpu.memory_space<hbm>>) dst(%arg10 : memref<40x128xi32, #tpu.memory_space<vmem>>)
          tpu.yield
        }) : () -> ()
      } else {
      }
      %dma_start3A_138 = arith.constant 1 : i32
      %dma_start3A_139 = arith.constant 0 : i32
      %dma_start3A_140 = arith.constant 0 : i32
      %dma_start3A_141 = tpu.memref_slice %arg8[%dma_start3A_138, %dma_start3A_139, %dma_start3A_140] : memref<2x128x128xf32, #tpu.memory_space<vmem>> -> memref<1x128x128xf32, #tpu.memory_space<vmem>>
      %dma_start3A_142 = tpu.memref_squeeze %dma_start3A_141 : memref<1x128x128xf32, #tpu.memory_space<vmem>> -> memref<128x128xf32, #tpu.memory_space<vmem>>
      %dma_start3A_143 = arith.constant 0 : i32
      %dma_start3A_144 = tpu.memref_slice %arg10[%rem3A_104, %dma_start3A_143] : memref<40x128xi32, #tpu.memory_space<vmem>> -> memref<1x128xi32, #tpu.memory_space<vmem>>
      %dma_start3A_145 = tpu.memref_squeeze %dma_start3A_144 : memref<1x128xi32, #tpu.memory_space<vmem>> -> memref<128xi32, #tpu.memory_space<vmem>>
      %dma_start3A_146 = arith.constant 0 : i32
      %dma_start3A_147 = arith.constant 0 : i32
      %dma_start3A_148 = tpu.memref_slice %arg7[%dma_start3A_146, %dma_start3A_147] : memref<10240x128xf32, #tpu.memory_space<vmem_shared>> -> memref<10240x128xf32, #tpu.memory_space<vmem_shared>>
      tpu.enqueue_indirect_dma source(%dma_start3A_142 : memref<128x128xf32, #tpu.memory_space<vmem>>) target(%dma_start3A_148 : memref<10240x128xf32, #tpu.memory_space<vmem_shared>>) offsets(%dma_start3A_145 : memref<128xi32, #tpu.memory_space<vmem>>) semaphore(%arg12 : memref<!tpu.dma_semaphore, #tpu.memory_space<semaphore_mem>>) {add = true}
      %add3A_149 = arith.constant 1 : i32
      %add3A_150 = arith.addi %add3A_102, %add3A_149 : i32
      %lt3A_151 = arith.cmpi slt, %add3A_150, %select_n3A_6 : i32
      %convert_element_type3A_152 = arith.extui %lt3A_151 : i1 to i32
      %cond3A_153 = arith.constant 0 : i32
      %cond3A_154 = arith.cmpi ne, %convert_element_type3A_152, %cond3A_153 : i32
      scf.if %cond3A_154 {
        %add3A_155 = arith.constant 1 : i32
        %add3A_156 = arith.addi %add3A_102, %add3A_155 : i32
        %rem3A_157 = arith.constant 40 : i32
        %rem3A_158 = arith.remsi %add3A_156, %rem3A_157 : i32
        %dma_start3A_159 = arith.constant 0 : i32
        %dma_start3A_160 = arith.constant 0 : i32
        %dma_start3A_161 = arith.constant 0 : i32
        %dma_start3A_162 = tpu.memref_slice %arg8[%dma_start3A_159, %dma_start3A_160, %dma_start3A_161] : memref<2x128x128xf32, #tpu.memory_space<vmem>> -> memref<1x128x128xf32, #tpu.memory_space<vmem>>
        %dma_start3A_163 = tpu.memref_squeeze %dma_start3A_162 : memref<1x128x128xf32, #tpu.memory_space<vmem>> -> memref<128x128xf32, #tpu.memory_space<vmem>>
        %dma_start3A_164 = arith.constant 0 : i32
        %dma_start3A_165 = tpu.memref_slice %arg9[%rem3A_158, %dma_start3A_164] : memref<40x128xi32, #tpu.memory_space<vmem>> -> memref<1x128xi32, #tpu.memory_space<vmem>>
        %dma_start3A_166 = tpu.memref_squeeze %dma_start3A_165 : memref<1x128xi32, #tpu.memory_space<vmem>> -> memref<128xi32, #tpu.memory_space<vmem>>
        %dma_start3A_167 = arith.constant 0 : i32
        %dma_start3A_168 = arith.constant 0 : i32
        %dma_start3A_169 = tpu.memref_slice %arg2[%dma_start3A_167, %dma_start3A_168] : memref<10000x128xf32, #tpu.memory_space<hbm>> -> memref<10000x128xf32, #tpu.memory_space<hbm>>
        tpu.enqueue_indirect_dma source(%dma_start3A_169 : memref<10000x128xf32, #tpu.memory_space<hbm>>) target(%dma_start3A_163 : memref<128x128xf32, #tpu.memory_space<vmem>>) offsets(%dma_start3A_166 : memref<128xi32, #tpu.memory_space<vmem>>) semaphore(%arg11 : memref<!tpu.dma_semaphore, #tpu.memory_space<semaphore_mem>>)
      } else {
      }
    }
    %while3A_31 = arith.constant 1 : i32
    scf.for %while3A_48 = %while3A_29 to %while3A_25 step %while3A_31  : i32 {
      %mul3A_49 = arith.constant 2 : i32
      %mul3A_50 = arith.muli %while3A_48, %mul3A_49 : i32
      %add3A_51 = arith.constant 0 : i32
      %add3A_52 = arith.addi %mul3A_50, %add3A_51 : i32
      %rem3A = arith.constant 40 : i32
      %rem3A_53 = arith.remsi %add3A_52, %rem3A : i32
      %dma_wait3A_54 = arith.constant 0 : i32
      %dma_wait3A_55 = arith.constant 0 : i32
      %dma_wait3A_56 = arith.constant 0 : i32
      %dma_wait3A_57 = tpu.memref_slice %arg8[%dma_wait3A_54, %dma_wait3A_55, %dma_wait3A_56] : memref<2x128x128xf32, #tpu.memory_space<vmem>> -> memref<1x128x128xf32, #tpu.memory_space<vmem>>
      %dma_wait3A_58 = tpu.memref_squeeze %dma_wait3A_57 : memref<1x128x128xf32, #tpu.memory_space<vmem>> -> memref<128x128xf32, #tpu.memory_space<vmem>>
      %dma_wait3A_59 = arith.constant 0 : i32
      %dma_wait3A_60 = tpu.memref_slice %arg9[%rem3A_53, %dma_wait3A_59] : memref<40x128xi32, #tpu.memory_space<vmem>> -> memref<1x128xi32, #tpu.memory_space<vmem>>
      %dma_wait3A_61 = tpu.memref_squeeze %dma_wait3A_60 : memref<1x128xi32, #tpu.memory_space<vmem>> -> memref<128xi32, #tpu.memory_space<vmem>>
      %dma_wait3A_62 = arith.constant 0 : i32
      %dma_wait3A_63 = arith.constant 0 : i32
      %dma_wait3A_64 = tpu.memref_slice %arg2[%dma_wait3A_62, %dma_wait3A_63] : memref<10000x128xf32, #tpu.memory_space<hbm>> -> memref<10000x128xf32, #tpu.memory_space<hbm>>
      tpu.wait_indirect_dma semaphore(%arg11 : memref<!tpu.dma_semaphore, #tpu.memory_space<semaphore_mem>>) src(%dma_wait3A_64 : memref<10000x128xf32, #tpu.memory_space<hbm>>) dst(%dma_wait3A_58 : memref<128x128xf32, #tpu.memory_space<vmem>>)
      %eq3A_65 = arith.constant 39 : i32
      %eq3A_66 = arith.cmpi eq, %rem3A_53, %eq3A_65 : i32
      %add3A_67 = arith.constant 1 : i32
      %add3A_68 = arith.addi %add3A_52, %add3A_67 : i32
      %lt3A = arith.cmpi slt, %add3A_68, %select_n3A_6 : i32
      %and3A = arith.andi %eq3A_66, %lt3A : i1
      %convert_element_type3A = arith.extui %and3A : i1 to i32
      %cond3A = arith.constant 0 : i32
      %cond3A_69 = arith.cmpi ne, %convert_element_type3A, %cond3A : i32
      scf.if %cond3A_69 {
        %add3A_155 = arith.addi %multiple_of3A, %add3A_52 : i32
        %add3A_156 = arith.constant 1 : i32
        %add3A_157 = arith.addi %add3A_155, %add3A_156 : i32
        %multiple_of3A_158 = tpu.assume_multiple %add3A_157, 8 : i32
        "tpu.region"() ({
          %run_scoped3A = tpu.sem_alloc : memref<!tpu.dma_semaphore, #tpu.memory_space<semaphore_mem>>
          %dma_start3A_159 = arith.constant 0 : i32
          %dma_start3A_160 = tpu.memref_slice %arg3[%multiple_of3A_158, %dma_start3A_159] : memref<2560x128xi32, #tpu.memory_space<hbm>> -> memref<40x128xi32, #tpu.memory_space<hbm>>
          %dma_start3A_161 = arith.constant 0 : i32
          %dma_start3A_162 = tpu.memref_slice %arg3[%multiple_of3A_158, %dma_start3A_161] : memref<2560x128xi32, #tpu.memory_space<hbm>> -> memref<40x128xi32, #tpu.memory_space<hbm>>
          tpu.enqueue_dma source(%dma_start3A_162 : memref<40x128xi32, #tpu.memory_space<hbm>>) target(%arg9 : memref<40x128xi32, #tpu.memory_space<vmem>>) target_semaphore(%run_scoped3A : memref<!tpu.dma_semaphore, #tpu.memory_space<semaphore_mem>>)
          %dma_wait3A_163 = arith.constant 0 : i32
          %dma_wait3A_164 = tpu.memref_slice %arg3[%multiple_of3A_158, %dma_wait3A_163] : memref<2560x128xi32, #tpu.memory_space<hbm>> -> memref<40x128xi32, #tpu.memory_space<hbm>>
          %dma_wait3A_165 = arith.constant 0 : i32
          %dma_wait3A_166 = tpu.memref_slice %arg3[%multiple_of3A_158, %dma_wait3A_165] : memref<2560x128xi32, #tpu.memory_space<hbm>> -> memref<40x128xi32, #tpu.memory_space<hbm>>
          tpu.wait_dma2 semaphore(%run_scoped3A : memref<!tpu.dma_semaphore, #tpu.memory_space<semaphore_mem>>) src(%dma_wait3A_166 : memref<40x128xi32, #tpu.memory_space<hbm>>) dst(%arg9 : memref<40x128xi32, #tpu.memory_space<vmem>>)
          tpu.yield
        }) : () -> ()
      } else {
      }
      %gt3A = arith.constant 0 : i32
      %gt3A_70 = arith.cmpi sgt, %add3A_52, %gt3A : i32
      %convert_element_type3A_71 = arith.extui %gt3A_70 : i1 to i32
      %cond3A_72 = arith.constant 0 : i32
      %cond3A_73 = arith.cmpi ne, %convert_element_type3A_71, %cond3A_72 : i32
      scf.if %cond3A_73 {
        %dma_wait3A_155 = arith.constant 1 : i32
        %dma_wait3A_156 = arith.constant 0 : i32
        %dma_wait3A_157 = arith.constant 0 : i32
        %dma_wait3A_158 = arith.constant 0 : i32
        %dma_wait3A_159 = tpu.memref_slice %arg8[%dma_wait3A_155, %dma_wait3A_157, %dma_wait3A_158] : memref<2x128x128xf32, #tpu.memory_space<vmem>> -> memref<1x128x128xf32, #tpu.memory_space<vmem>>
        %dma_wait3A_160 = tpu.memref_squeeze %dma_wait3A_159 : memref<1x128x128xf32, #tpu.memory_space<vmem>> -> memref<128x128xf32, #tpu.memory_space<vmem>>
        %dma_wait3A_161 = arith.constant 0 : i32
        %dma_wait3A_162 = tpu.memref_slice %arg10[%dma_wait3A_156, %dma_wait3A_161] : memref<40x128xi32, #tpu.memory_space<vmem>> -> memref<1x128xi32, #tpu.memory_space<vmem>>
        %dma_wait3A_163 = tpu.memref_squeeze %dma_wait3A_162 : memref<1x128xi32, #tpu.memory_space<vmem>> -> memref<128xi32, #tpu.memory_space<vmem>>
        %dma_wait3A_164 = arith.constant 0 : i32
        %dma_wait3A_165 = arith.constant 0 : i32
        %dma_wait3A_166 = tpu.memref_slice %arg7[%dma_wait3A_164, %dma_wait3A_165] : memref<10240x128xf32, #tpu.memory_space<vmem_shared>> -> memref<10240x128xf32, #tpu.memory_space<vmem_shared>>
        tpu.wait_indirect_dma semaphore(%arg12 : memref<!tpu.dma_semaphore, #tpu.memory_space<semaphore_mem>>) src(%dma_wait3A_160 : memref<128x128xf32, #tpu.memory_space<vmem>>) dst(%dma_wait3A_166 : memref<10240x128xf32, #tpu.memory_space<vmem_shared>>)
      } else {
      }
      %eq3A_74 = arith.constant 0 : i32
      %eq3A_75 = arith.cmpi eq, %rem3A_53, %eq3A_74 : i32
      %gt3A_76 = arith.constant 0 : i32
      %gt3A_77 = arith.cmpi sgt, %add3A_52, %gt3A_76 : i32
      %and3A_78 = arith.andi %eq3A_75, %gt3A_77 : i1
      %convert_element_type3A_79 = arith.extui %and3A_78 : i1 to i32
      %cond3A_80 = arith.constant 0 : i32
      %cond3A_81 = arith.cmpi ne, %convert_element_type3A_79, %cond3A_80 : i32
      scf.if %cond3A_81 {
        %add3A_155 = arith.addi %multiple_of3A, %add3A_52 : i32
        %multiple_of3A_156 = tpu.assume_multiple %add3A_155, 8 : i32
        "tpu.region"() ({
          %run_scoped3A = tpu.sem_alloc : memref<!tpu.dma_semaphore, #tpu.memory_space<semaphore_mem>>
          %dma_start3A_157 = arith.constant 0 : i32
          %dma_start3A_158 = tpu.memref_slice %arg4[%multiple_of3A_156, %dma_start3A_157] : memref<2560x128xi32, #tpu.memory_space<hbm>> -> memref<40x128xi32, #tpu.memory_space<hbm>>
          %dma_start3A_159 = arith.constant 0 : i32
          %dma_start3A_160 = tpu.memref_slice %arg4[%multiple_of3A_156, %dma_start3A_159] : memref<2560x128xi32, #tpu.memory_space<hbm>> -> memref<40x128xi32, #tpu.memory_space<hbm>>
          tpu.enqueue_dma source(%dma_start3A_160 : memref<40x128xi32, #tpu.memory_space<hbm>>) target(%arg10 : memref<40x128xi32, #tpu.memory_space<vmem>>) target_semaphore(%run_scoped3A : memref<!tpu.dma_semaphore, #tpu.memory_space<semaphore_mem>>)
          %dma_wait3A_161 = arith.constant 0 : i32
          %dma_wait3A_162 = tpu.memref_slice %arg4[%multiple_of3A_156, %dma_wait3A_161] : memref<2560x128xi32, #tpu.memory_space<hbm>> -> memref<40x128xi32, #tpu.memory_space<hbm>>
          %dma_wait3A_163 = arith.constant 0 : i32
          %dma_wait3A_164 = tpu.memref_slice %arg4[%multiple_of3A_156, %dma_wait3A_163] : memref<2560x128xi32, #tpu.memory_space<hbm>> -> memref<40x128xi32, #tpu.memory_space<hbm>>
          tpu.wait_dma2 semaphore(%run_scoped3A : memref<!tpu.dma_semaphore, #tpu.memory_space<semaphore_mem>>) src(%dma_wait3A_164 : memref<40x128xi32, #tpu.memory_space<hbm>>) dst(%arg10 : memref<40x128xi32, #tpu.memory_space<vmem>>)
          tpu.yield
        }) : () -> ()
      } else {
      }
      %dma_start3A_82 = arith.constant 0 : i32
      %dma_start3A_83 = arith.constant 0 : i32
      %dma_start3A_84 = arith.constant 0 : i32
      %dma_start3A_85 = tpu.memref_slice %arg8[%dma_start3A_82, %dma_start3A_83, %dma_start3A_84] : memref<2x128x128xf32, #tpu.memory_space<vmem>> -> memref<1x128x128xf32, #tpu.memory_space<vmem>>
      %dma_start3A_86 = tpu.memref_squeeze %dma_start3A_85 : memref<1x128x128xf32, #tpu.memory_space<vmem>> -> memref<128x128xf32, #tpu.memory_space<vmem>>
      %dma_start3A_87 = arith.constant 0 : i32
      %dma_start3A_88 = tpu.memref_slice %arg10[%rem3A_53, %dma_start3A_87] : memref<40x128xi32, #tpu.memory_space<vmem>> -> memref<1x128xi32, #tpu.memory_space<vmem>>
      %dma_start3A_89 = tpu.memref_squeeze %dma_start3A_88 : memref<1x128xi32, #tpu.memory_space<vmem>> -> memref<128xi32, #tpu.memory_space<vmem>>
      %dma_start3A_90 = arith.constant 0 : i32
      %dma_start3A_91 = arith.constant 0 : i32
      %dma_start3A_92 = tpu.memref_slice %arg7[%dma_start3A_90, %dma_start3A_91] : memref<10240x128xf32, #tpu.memory_space<vmem_shared>> -> memref<10240x128xf32, #tpu.memory_space<vmem_shared>>
      tpu.enqueue_indirect_dma source(%dma_start3A_86 : memref<128x128xf32, #tpu.memory_space<vmem>>) target(%dma_start3A_92 : memref<10240x128xf32, #tpu.memory_space<vmem_shared>>) offsets(%dma_start3A_89 : memref<128xi32, #tpu.memory_space<vmem>>) semaphore(%arg12 : memref<!tpu.dma_semaphore, #tpu.memory_space<semaphore_mem>>) {add = true}
      %add3A_93 = arith.constant 1 : i32
      %add3A_94 = arith.addi %add3A_52, %add3A_93 : i32
      %lt3A_95 = arith.cmpi slt, %add3A_94, %select_n3A_6 : i32
      %convert_element_type3A_96 = arith.extui %lt3A_95 : i1 to i32
      %cond3A_97 = arith.constant 0 : i32
      %cond3A_98 = arith.cmpi ne, %convert_element_type3A_96, %cond3A_97 : i32
      scf.if %cond3A_98 {
        %add3A_155 = arith.constant 1 : i32
        %add3A_156 = arith.addi %add3A_52, %add3A_155 : i32
        %rem3A_157 = arith.constant 40 : i32
        %rem3A_158 = arith.remsi %add3A_156, %rem3A_157 : i32
        %dma_start3A_159 = arith.constant 1 : i32
        %dma_start3A_160 = arith.constant 0 : i32
        %dma_start3A_161 = arith.constant 0 : i32
        %dma_start3A_162 = tpu.memref_slice %arg8[%dma_start3A_159, %dma_start3A_160, %dma_start3A_161] : memref<2x128x128xf32, #tpu.memory_space<vmem>> -> memref<1x128x128xf32, #tpu.memory_space<vmem>>
        %dma_start3A_163 = tpu.memref_squeeze %dma_start3A_162 : memref<1x128x128xf32, #tpu.memory_space<vmem>> -> memref<128x128xf32, #tpu.memory_space<vmem>>
        %dma_start3A_164 = arith.constant 0 : i32
        %dma_start3A_165 = tpu.memref_slice %arg9[%rem3A_158, %dma_start3A_164] : memref<40x128xi32, #tpu.memory_space<vmem>> -> memref<1x128xi32, #tpu.memory_space<vmem>>
        %dma_start3A_166 = tpu.memref_squeeze %dma_start3A_165 : memref<1x128xi32, #tpu.memory_space<vmem>> -> memref<128xi32, #tpu.memory_space<vmem>>
        %dma_start3A_167 = arith.constant 0 : i32
        %dma_start3A_168 = arith.constant 0 : i32
        %dma_start3A_169 = tpu.memref_slice %arg2[%dma_start3A_167, %dma_start3A_168] : memref<10000x128xf32, #tpu.memory_space<hbm>> -> memref<10000x128xf32, #tpu.memory_space<hbm>>
        tpu.enqueue_indirect_dma source(%dma_start3A_169 : memref<10000x128xf32, #tpu.memory_space<hbm>>) target(%dma_start3A_163 : memref<128x128xf32, #tpu.memory_space<vmem>>) offsets(%dma_start3A_166 : memref<128xi32, #tpu.memory_space<vmem>>) semaphore(%arg11 : memref<!tpu.dma_semaphore, #tpu.memory_space<semaphore_mem>>)
      } else {
      }
      %mul3A_99 = arith.constant 2 : i32
      %mul3A_100 = arith.muli %while3A_48, %mul3A_99 : i32
      %add3A_101 = arith.constant 1 : i32
      %add3A_102 = arith.addi %mul3A_100, %add3A_101 : i32
      %rem3A_103 = arith.constant 40 : i32
      %rem3A_104 = arith.remsi %add3A_102, %rem3A_103 : i32
      %dma_wait3A_105 = arith.constant 1 : i32
      %dma_wait3A_106 = arith.constant 0 : i32
      %dma_wait3A_107 = arith.constant 0 : i32
      %dma_wait3A_108 = tpu.memref_slice %arg8[%dma_wait3A_105, %dma_wait3A_106, %dma_wait3A_107] : memref<2x128x128xf32, #tpu.memory_space<vmem>> -> memref<1x128x128xf32, #tpu.memory_space<vmem>>
      %dma_wait3A_109 = tpu.memref_squeeze %dma_wait3A_108 : memref<1x128x128xf32, #tpu.memory_space<vmem>> -> memref<128x128xf32, #tpu.memory_space<vmem>>
      %dma_wait3A_110 = arith.constant 0 : i32
      %dma_wait3A_111 = tpu.memref_slice %arg9[%rem3A_104, %dma_wait3A_110] : memref<40x128xi32, #tpu.memory_space<vmem>> -> memref<1x128xi32, #tpu.memory_space<vmem>>
      %dma_wait3A_112 = tpu.memref_squeeze %dma_wait3A_111 : memref<1x128xi32, #tpu.memory_space<vmem>> -> memref<128xi32, #tpu.memory_space<vmem>>
      %dma_wait3A_113 = arith.constant 0 : i32
      %dma_wait3A_114 = arith.constant 0 : i32
      %dma_wait3A_115 = tpu.memref_slice %arg2[%dma_wait3A_113, %dma_wait3A_114] : memref<10000x128xf32, #tpu.memory_space<hbm>> -> memref<10000x128xf32, #tpu.memory_space<hbm>>
      tpu.wait_indirect_dma semaphore(%arg11 : memref<!tpu.dma_semaphore, #tpu.memory_space<semaphore_mem>>) src(%dma_wait3A_115 : memref<10000x128xf32, #tpu.memory_space<hbm>>) dst(%dma_wait3A_109 : memref<128x128xf32, #tpu.memory_space<vmem>>)
      %eq3A_116 = arith.constant 39 : i32
      %eq3A_117 = arith.cmpi eq, %rem3A_104, %eq3A_116 : i32
      %add3A_118 = arith.constant 1 : i32
      %add3A_119 = arith.addi %add3A_102, %add3A_118 : i32
      %lt3A_120 = arith.cmpi slt, %add3A_119, %select_n3A_6 : i32
      %and3A_121 = arith.andi %eq3A_117, %lt3A_120 : i1
      %convert_element_type3A_122 = arith.extui %and3A_121 : i1 to i32
      %cond3A_123 = arith.constant 0 : i32
      %cond3A_124 = arith.cmpi ne, %convert_element_type3A_122, %cond3A_123 : i32
      scf.if %cond3A_124 {
        %add3A_155 = arith.addi %multiple_of3A, %add3A_102 : i32
        %add3A_156 = arith.constant 1 : i32
        %add3A_157 = arith.addi %add3A_155, %add3A_156 : i32
        %multiple_of3A_158 = tpu.assume_multiple %add3A_157, 8 : i32
        "tpu.region"() ({
          %run_scoped3A = tpu.sem_alloc : memref<!tpu.dma_semaphore, #tpu.memory_space<semaphore_mem>>
          %dma_start3A_159 = arith.constant 0 : i32
          %dma_start3A_160 = tpu.memref_slice %arg3[%multiple_of3A_158, %dma_start3A_159] : memref<2560x128xi32, #tpu.memory_space<hbm>> -> memref<40x128xi32, #tpu.memory_space<hbm>>
          %dma_start3A_161 = arith.constant 0 : i32
          %dma_start3A_162 = tpu.memref_slice %arg3[%multiple_of3A_158, %dma_start3A_161] : memref<2560x128xi32, #tpu.memory_space<hbm>> -> memref<40x128xi32, #tpu.memory_space<hbm>>
          tpu.enqueue_dma source(%dma_start3A_162 : memref<40x128xi32, #tpu.memory_space<hbm>>) target(%arg9 : memref<40x128xi32, #tpu.memory_space<vmem>>) target_semaphore(%run_scoped3A : memref<!tpu.dma_semaphore, #tpu.memory_space<semaphore_mem>>)
          %dma_wait3A_163 = arith.constant 0 : i32
          %dma_wait3A_164 = tpu.memref_slice %arg3[%multiple_of3A_158, %dma_wait3A_163] : memref<2560x128xi32, #tpu.memory_space<hbm>> -> memref<40x128xi32, #tpu.memory_space<hbm>>
          %dma_wait3A_165 = arith.constant 0 : i32
          %dma_wait3A_166 = tpu.memref_slice %arg3[%multiple_of3A_158, %dma_wait3A_165] : memref<2560x128xi32, #tpu.memory_space<hbm>> -> memref<40x128xi32, #tpu.memory_space<hbm>>
          tpu.wait_dma2 semaphore(%run_scoped3A : memref<!tpu.dma_semaphore, #tpu.memory_space<semaphore_mem>>) src(%dma_wait3A_166 : memref<40x128xi32, #tpu.memory_space<hbm>>) dst(%arg9 : memref<40x128xi32, #tpu.memory_space<vmem>>)
          tpu.yield
        }) : () -> ()
      } else {
      }
      %gt3A_125 = arith.constant 0 : i32
      %gt3A_126 = arith.cmpi sgt, %add3A_102, %gt3A_125 : i32
      %convert_element_type3A_127 = arith.extui %gt3A_126 : i1 to i32
      %cond3A_128 = arith.constant 0 : i32
      %cond3A_129 = arith.cmpi ne, %convert_element_type3A_127, %cond3A_128 : i32
      scf.if %cond3A_129 {
        %dma_wait3A_155 = arith.constant 0 : i32
        %dma_wait3A_156 = arith.constant 0 : i32
        %dma_wait3A_157 = arith.constant 0 : i32
        %dma_wait3A_158 = arith.constant 0 : i32
        %dma_wait3A_159 = tpu.memref_slice %arg8[%dma_wait3A_155, %dma_wait3A_157, %dma_wait3A_158] : memref<2x128x128xf32, #tpu.memory_space<vmem>> -> memref<1x128x128xf32, #tpu.memory_space<vmem>>
        %dma_wait3A_160 = tpu.memref_squeeze %dma_wait3A_159 : memref<1x128x128xf32, #tpu.memory_space<vmem>> -> memref<128x128xf32, #tpu.memory_space<vmem>>
        %dma_wait3A_161 = arith.constant 0 : i32
        %dma_wait3A_162 = tpu.memref_slice %arg10[%dma_wait3A_156, %dma_wait3A_161] : memref<40x128xi32, #tpu.memory_space<vmem>> -> memref<1x128xi32, #tpu.memory_space<vmem>>
        %dma_wait3A_163 = tpu.memref_squeeze %dma_wait3A_162 : memref<1x128xi32, #tpu.memory_space<vmem>> -> memref<128xi32, #tpu.memory_space<vmem>>
        %dma_wait3A_164 = arith.constant 0 : i32
        %dma_wait3A_165 = arith.constant 0 : i32
        %dma_wait3A_166 = tpu.memref_slice %arg7[%dma_wait3A_164, %dma_wait3A_165] : memref<10240x128xf32, #tpu.memory_space<vmem_shared>> -> memref<10240x128xf32, #tpu.memory_space<vmem_shared>>
        tpu.wait_indirect_dma semaphore(%arg12 : memref<!tpu.dma_semaphore, #tpu.memory_space<semaphore_mem>>) src(%dma_wait3A_160 : memref<128x128xf32, #tpu.memory_space<vmem>>) dst(%dma_wait3A_166 : memref<10240x128xf32, #tpu.memory_space<vmem_shared>>)
      } else {
      }
      %eq3A_130 = arith.constant 0 : i32
      %eq3A_131 = arith.cmpi eq, %rem3A_104, %eq3A_130 : i32
      %gt3A_132 = arith.constant 0 : i32
      %gt3A_133 = arith.cmpi sgt, %add3A_102, %gt3A_132 : i32
      %and3A_134 = arith.andi %eq3A_131, %gt3A_133 : i1
      %convert_element_type3A_135 = arith.extui %and3A_134 : i1 to i32
      %cond3A_136 = arith.constant 0 : i32
      %cond3A_137 = arith.cmpi ne, %convert_element_type3A_135, %cond3A_136 : i32
      scf.if %cond3A_137 {
        %add3A_155 = arith.addi %multiple_of3A, %add3A_102 : i32
        %multiple_of3A_156 = tpu.assume_multiple %add3A_155, 8 : i32
        "tpu.region"() ({
          %run_scoped3A = tpu.sem_alloc : memref<!tpu.dma_semaphore, #tpu.memory_space<semaphore_mem>>
          %dma_start3A_157 = arith.constant 0 : i32
          %dma_start3A_158 = tpu.memref_slice %arg4[%multiple_of3A_156, %dma_start3A_157] : memref<2560x128xi32, #tpu.memory_space<hbm>> -> memref<40x128xi32, #tpu.memory_space<hbm>>
          %dma_start3A_159 = arith.constant 0 : i32
          %dma_start3A_160 = tpu.memref_slice %arg4[%multiple_of3A_156, %dma_start3A_159] : memref<2560x128xi32, #tpu.memory_space<hbm>> -> memref<40x128xi32, #tpu.memory_space<hbm>>
          tpu.enqueue_dma source(%dma_start3A_160 : memref<40x128xi32, #tpu.memory_space<hbm>>) target(%arg10 : memref<40x128xi32, #tpu.memory_space<vmem>>) target_semaphore(%run_scoped3A : memref<!tpu.dma_semaphore, #tpu.memory_space<semaphore_mem>>)
          %dma_wait3A_161 = arith.constant 0 : i32
          %dma_wait3A_162 = tpu.memref_slice %arg4[%multiple_of3A_156, %dma_wait3A_161] : memref<2560x128xi32, #tpu.memory_space<hbm>> -> memref<40x128xi32, #tpu.memory_space<hbm>>
          %dma_wait3A_163 = arith.constant 0 : i32
          %dma_wait3A_164 = tpu.memref_slice %arg4[%multiple_of3A_156, %dma_wait3A_163] : memref<2560x128xi32, #tpu.memory_space<hbm>> -> memref<40x128xi32, #tpu.memory_space<hbm>>
          tpu.wait_dma2 semaphore(%run_scoped3A : memref<!tpu.dma_semaphore, #tpu.memory_space<semaphore_mem>>) src(%dma_wait3A_164 : memref<40x128xi32, #tpu.memory_space<hbm>>) dst(%arg10 : memref<40x128xi32, #tpu.memory_space<vmem>>)
          tpu.yield
        }) : () -> ()
      } else {
      }
      %dma_start3A_138 = arith.constant 1 : i32
      %dma_start3A_139 = arith.constant 0 : i32
      %dma_start3A_140 = arith.constant 0 : i32
      %dma_start3A_141 = tpu.memref_slice %arg8[%dma_start3A_138, %dma_start3A_139, %dma_start3A_140] : memref<2x128x128xf32, #tpu.memory_space<vmem>> -> memref<1x128x128xf32, #tpu.memory_space<vmem>>
      %dma_start3A_142 = tpu.memref_squeeze %dma_start3A_141 : memref<1x128x128xf32, #tpu.memory_space<vmem>> -> memref<128x128xf32, #tpu.memory_space<vmem>>
      %dma_start3A_143 = arith.constant 0 : i32
      %dma_start3A_144 = tpu.memref_slice %arg10[%rem3A_104, %dma_start3A_143] : memref<40x128xi32, #tpu.memory_space<vmem>> -> memref<1x128xi32, #tpu.memory_space<vmem>>
      %dma_start3A_145 = tpu.memref_squeeze %dma_start3A_144 : memref<1x128xi32, #tpu.memory_space<vmem>> -> memref<128xi32, #tpu.memory_space<vmem>>
      %dma_start3A_146 = arith.constant 0 : i32
      %dma_start3A_147 = arith.constant 0 : i32
      %dma_start3A_148 = tpu.memref_slice %arg7[%dma_start3A_146, %dma_start3A_147] : memref<10240x128xf32, #tpu.memory_space<vmem_shared>> -> memref<10240x128xf32, #tpu.memory_space<vmem_shared>>
      tpu.enqueue_indirect_dma source(%dma_start3A_142 : memref<128x128xf32, #tpu.memory_space<vmem>>) target(%dma_start3A_148 : memref<10240x128xf32, #tpu.memory_space<vmem_shared>>) offsets(%dma_start3A_145 : memref<128xi32, #tpu.memory_space<vmem>>) semaphore(%arg12 : memref<!tpu.dma_semaphore, #tpu.memory_space<semaphore_mem>>) {add = true}
      %add3A_149 = arith.constant 1 : i32
      %add3A_150 = arith.addi %add3A_102, %add3A_149 : i32
      %lt3A_151 = arith.cmpi slt, %add3A_150, %select_n3A_6 : i32
      %convert_element_type3A_152 = arith.extui %lt3A_151 : i1 to i32
      %cond3A_153 = arith.constant 0 : i32
      %cond3A_154 = arith.cmpi ne, %convert_element_type3A_152, %cond3A_153 : i32
      scf.if %cond3A_154 {
        %add3A_155 = arith.constant 1 : i32
        %add3A_156 = arith.addi %add3A_102, %add3A_155 : i32
        %rem3A_157 = arith.constant 40 : i32
        %rem3A_158 = arith.remsi %add3A_156, %rem3A_157 : i32
        %dma_start3A_159 = arith.constant 0 : i32
        %dma_start3A_160 = arith.constant 0 : i32
        %dma_start3A_161 = arith.constant 0 : i32
        %dma_start3A_162 = tpu.memref_slice %arg8[%dma_start3A_159, %dma_start3A_160, %dma_start3A_161] : memref<2x128x128xf32, #tpu.memory_space<vmem>> -> memref<1x128x128xf32, #tpu.memory_space<vmem>>
        %dma_start3A_163 = tpu.memref_squeeze %dma_start3A_162 : memref<1x128x128xf32, #tpu.memory_space<vmem>> -> memref<128x128xf32, #tpu.memory_space<vmem>>
        %dma_start3A_164 = arith.constant 0 : i32
        %dma_start3A_165 = tpu.memref_slice %arg9[%rem3A_158, %dma_start3A_164] : memref<40x128xi32, #tpu.memory_space<vmem>> -> memref<1x128xi32, #tpu.memory_space<vmem>>
        %dma_start3A_166 = tpu.memref_squeeze %dma_start3A_165 : memref<1x128xi32, #tpu.memory_space<vmem>> -> memref<128xi32, #tpu.memory_space<vmem>>
        %dma_start3A_167 = arith.constant 0 : i32
        %dma_start3A_168 = arith.constant 0 : i32
        %dma_start3A_169 = tpu.memref_slice %arg2[%dma_start3A_167, %dma_start3A_168] : memref<10000x128xf32, #tpu.memory_space<hbm>> -> memref<10000x128xf32, #tpu.memory_space<hbm>>
        tpu.enqueue_indirect_dma source(%dma_start3A_169 : memref<10000x128xf32, #tpu.memory_space<hbm>>) target(%dma_start3A_163 : memref<128x128xf32, #tpu.memory_space<vmem>>) offsets(%dma_start3A_166 : memref<128xi32, #tpu.memory_space<vmem>>) semaphore(%arg11 : memref<!tpu.dma_semaphore, #tpu.memory_space<semaphore_mem>>)
      } else {
      }
    }
    %dma_wait3A = arith.constant 1 : i32
    %dma_wait3A_32 = arith.constant 0 : i32
    %dma_wait3A_33 = arith.constant 0 : i32
    %dma_wait3A_34 = arith.constant 0 : i32
    %dma_wait3A_35 = tpu.memref_slice %arg8[%dma_wait3A, %dma_wait3A_33, %dma_wait3A_34] : memref<2x128x128xf32, #tpu.memory_space<vmem>> -> memref<1x128x128xf32, #tpu.memory_space<vmem>>
    %dma_wait3A_36 = tpu.memref_squeeze %dma_wait3A_35 : memref<1x128x128xf32, #tpu.memory_space<vmem>> -> memref<128x128xf32, #tpu.memory_space<vmem>>
    %dma_wait3A_37 = arith.constant 0 : i32
    %dma_wait3A_38 = tpu.memref_slice %arg10[%dma_wait3A_32, %dma_wait3A_37] : memref<40x128xi32, #tpu.memory_space<vmem>> -> memref<1x128xi32, #tpu.memory_space<vmem>>
    %dma_wait3A_39 = tpu.memref_squeeze %dma_wait3A_38 : memref<1x128xi32, #tpu.memory_space<vmem>> -> memref<128xi32, #tpu.memory_space<vmem>>
    %dma_wait3A_40 = arith.constant 0 : i32
    %dma_wait3A_41 = arith.constant 0 : i32
    %dma_wait3A_42 = tpu.memref_slice %arg7[%dma_wait3A_40, %dma_wait3A_41] : memref<10240x128xf32, #tpu.memory_space<vmem_shared>> -> memref<10240x128xf32, #tpu.memory_space<vmem_shared>>
    tpu.wait_indirect_dma semaphore(%arg12 : memref<!tpu.dma_semaphore, #tpu.memory_space<semaphore_mem>>) src(%dma_wait3A_36 : memref<128x128xf32, #tpu.memory_space<vmem>>) dst(%dma_wait3A_42 : memref<10240x128xf32, #tpu.memory_space<vmem_shared>>)
    %barrier3A_43 = arith.constant 0 : index
    tpu.barrier barrier_id(%barrier3A_43)
    %mul3A_44 = arith.constant 640 : i32
    %mul3A_45 = arith.muli %arg1, %mul3A_44 : i32
    %mul3A_46 = arith.constant 640 : i32
    %mul3A_47 = arith.muli %arg1, %mul3A_46 : i32
    "tpu.region"() ({
      %run_scoped3A = tpu.sem_alloc : memref<!tpu.dma_semaphore, #tpu.memory_space<semaphore_mem>>
      %dma_start3A_48 = arith.constant 0 : i32
      %dma_start3A_49 = tpu.memref_slice %arg6[%arg0, %mul3A_47, %dma_start3A_48] : memref<2x10240x128xf32, #tpu.memory_space<hbm>> -> memref<1x640x128xf32, #tpu.memory_space<hbm>>
      %dma_start3A_50 = tpu.memref_squeeze %dma_start3A_49 : memref<1x640x128xf32, #tpu.memory_space<hbm>> -> memref<640x128xf32, #tpu.memory_space<hbm>>
      %dma_start3A_51 = arith.constant 0 : i32
      %dma_start3A_52 = tpu.memref_slice %arg7[%mul3A_45, %dma_start3A_51] : memref<10240x128xf32, #tpu.memory_space<vmem_shared>> -> memref<640x128xf32, #tpu.memory_space<vmem_shared>>
      tpu.enqueue_dma source(%dma_start3A_52 : memref<640x128xf32, #tpu.memory_space<vmem_shared>>) target(%dma_start3A_50 : memref<640x128xf32, #tpu.memory_space<hbm>>) target_semaphore(%run_scoped3A : memref<!tpu.dma_semaphore, #tpu.memory_space<semaphore_mem>>)
      %dma_wait3A_53 = arith.constant 0 : i32
      %dma_wait3A_54 = tpu.memref_slice %arg6[%arg0, %mul3A_47, %dma_wait3A_53] : memref<2x10240x128xf32, #tpu.memory_space<hbm>> -> memref<1x640x128xf32, #tpu.memory_space<hbm>>
      %dma_wait3A_55 = tpu.memref_squeeze %dma_wait3A_54 : memref<1x640x128xf32, #tpu.memory_space<hbm>> -> memref<640x128xf32, #tpu.memory_space<hbm>>
      %dma_wait3A_56 = arith.constant 0 : i32
      %dma_wait3A_57 = tpu.memref_slice %arg7[%mul3A_45, %dma_wait3A_56] : memref<10240x128xf32, #tpu.memory_space<vmem_shared>> -> memref<640x128xf32, #tpu.memory_space<vmem_shared>>
      tpu.wait_dma2 semaphore(%run_scoped3A : memref<!tpu.dma_semaphore, #tpu.memory_space<semaphore_mem>>) src(%dma_wait3A_57 : memref<640x128xf32, #tpu.memory_space<vmem_shared>>) dst(%dma_wait3A_55 : memref<640x128xf32, #tpu.memory_space<hbm>>)
      tpu.yield
    }) : () -> ()
    return
  }
}

#map = affine_map<(d0, d1) -> (0, 0)>
#map1 = affine_map<(d0, d1) -> (0, 0, 0)>
module attributes {stable_mosaic.version = 14 : i64} {
  func.func @_agg_body(%arg0: i32, %arg1: i32, %arg2: memref<10000x128xf32, #tpu.memory_space<hbm>>, %arg3: memref<2560x128xi32, #tpu.memory_space<hbm>>, %arg4: memref<2560x128xi32, #tpu.memory_space<hbm>>, %arg5: memref<10240x128xf32, #tpu.memory_space<hbm>>, %arg6: memref<2x10240x128xf32, #tpu.memory_space<hbm>>, %arg7: memref<10240x128xf32, #tpu.memory_space<vmem_shared>>, %arg8: memref<2x128x128xf32, #tpu.memory_space<vmem>>, %arg9: memref<40x128xi32, #tpu.memory_space<vmem>>, %arg10: memref<40x128xi32, #tpu.memory_space<vmem>>, %arg11: memref<!tpu.dma_semaphore, #tpu.memory_space<semaphore_mem>>, %arg12: memref<!tpu.dma_semaphore, #tpu.memory_space<semaphore_mem>>) attributes {dimension_semantics = [#tpu.dimension_semantics<core_parallel>, #tpu.dimension_semantics<subcore_parallel>], iteration_bounds = array<i64: 2, 16>, scalar_prefetch = 0 : i64, scratch_operands = 6 : i64, tpu.core_type = #tpu.core_type<sc_vector_subcore>, window_params = [{transform_indices = #map}, {transform_indices = #map}, {transform_indices = #map}, {transform_indices = #map}, {transform_indices = #map1}]} {
    %eq3A = arith.constant 1 : i32
    %eq3A_0 = arith.cmpi eq, %arg0, %eq3A : i32
    %mul3A = arith.constant 152 : i32
    %mul3A_1 = arith.muli %arg1, %mul3A : i32
    %mul3A_2 = arith.constant 8 : i32
    %mul3A_3 = arith.muli %arg1, %mul3A_2 : i32
    %add3A = arith.constant 2432 : i32
    %add3A_4 = arith.addi %add3A, %mul3A_3 : i32
    %select_n3A = arith.select %eq3A_0, %mul3A_1, %add3A_4 : i32
    %multiple_of3A = tpu.assume_multiple %select_n3A, 8 : i32
    %jit3A = arith.constant 152 : i32
    %jit3A_5 = arith.constant 8 : i32
    %select_n3A_6 = arith.select %eq3A_0, %jit3A, %jit3A_5 : i32
    %mul3A_7 = arith.constant 640 : i32
    %mul3A_8 = arith.muli %arg1, %mul3A_7 : i32
    %mul3A_9 = arith.constant 640 : i32
    %mul3A_10 = arith.muli %arg1, %mul3A_9 : i32
    "tpu.region"() ({
      %run_scoped3A = tpu.sem_alloc : memref<!tpu.dma_semaphore, #tpu.memory_space<semaphore_mem>>
      %dma_start3A_48 = arith.constant 0 : i32
      %dma_start3A_49 = tpu.memref_slice %arg7[%mul3A_10, %dma_start3A_48] : memref<10240x128xf32, #tpu.memory_space<vmem_shared>> -> memref<640x128xf32, #tpu.memory_space<vmem_shared>>
      %dma_start3A_50 = arith.constant 0 : i32
      %dma_start3A_51 = tpu.memref_slice %arg5[%mul3A_8, %dma_start3A_50] : memref<10240x128xf32, #tpu.memory_space<hbm>> -> memref<640x128xf32, #tpu.memory_space<hbm>>
      tpu.enqueue_dma source(%dma_start3A_51 : memref<640x128xf32, #tpu.memory_space<hbm>>) target(%dma_start3A_49 : memref<640x128xf32, #tpu.memory_space<vmem_shared>>) target_semaphore(%run_scoped3A : memref<!tpu.dma_semaphore, #tpu.memory_space<semaphore_mem>>)
      %dma_wait3A_52 = arith.constant 0 : i32
      %dma_wait3A_53 = tpu.memref_slice %arg7[%mul3A_10, %dma_wait3A_52] : memref<10240x128xf32, #tpu.memory_space<vmem_shared>> -> memref<640x128xf32, #tpu.memory_space<vmem_shared>>
      %dma_wait3A_54 = arith.constant 0 : i32
      %dma_wait3A_55 = tpu.memref_slice %arg5[%mul3A_8, %dma_wait3A_54] : memref<10240x128xf32, #tpu.memory_space<hbm>> -> memref<640x128xf32, #tpu.memory_space<hbm>>
      tpu.wait_dma2 semaphore(%run_scoped3A : memref<!tpu.dma_semaphore, #tpu.memory_space<semaphore_mem>>) src(%dma_wait3A_55 : memref<640x128xf32, #tpu.memory_space<hbm>>) dst(%dma_wait3A_53 : memref<640x128xf32, #tpu.memory_space<vmem_shared>>)
      tpu.yield
    }) : () -> ()
    "tpu.region"() ({
      %run_scoped3A = tpu.sem_alloc : memref<!tpu.dma_semaphore, #tpu.memory_space<semaphore_mem>>
      %dma_start3A_48 = arith.constant 0 : i32
      %dma_start3A_49 = tpu.memref_slice %arg3[%multiple_of3A, %dma_start3A_48] : memref<2560x128xi32, #tpu.memory_space<hbm>> -> memref<40x128xi32, #tpu.memory_space<hbm>>
      %dma_start3A_50 = arith.constant 0 : i32
      %dma_start3A_51 = tpu.memref_slice %arg3[%multiple_of3A, %dma_start3A_50] : memref<2560x128xi32, #tpu.memory_space<hbm>> -> memref<40x128xi32, #tpu.memory_space<hbm>>
      tpu.enqueue_dma source(%dma_start3A_51 : memref<40x128xi32, #tpu.memory_space<hbm>>) target(%arg9 : memref<40x128xi32, #tpu.memory_space<vmem>>) target_semaphore(%run_scoped3A : memref<!tpu.dma_semaphore, #tpu.memory_space<semaphore_mem>>)
      %dma_wait3A_52 = arith.constant 0 : i32
      %dma_wait3A_53 = tpu.memref_slice %arg3[%multiple_of3A, %dma_wait3A_52] : memref<2560x128xi32, #tpu.memory_space<hbm>> -> memref<40x128xi32, #tpu.memory_space<hbm>>
      %dma_wait3A_54 = arith.constant 0 : i32
      %dma_wait3A_55 = tpu.memref_slice %arg3[%multiple_of3A, %dma_wait3A_54] : memref<2560x128xi32, #tpu.memory_space<hbm>> -> memref<40x128xi32, #tpu.memory_space<hbm>>
      tpu.wait_dma2 semaphore(%run_scoped3A : memref<!tpu.dma_semaphore, #tpu.memory_space<semaphore_mem>>) src(%dma_wait3A_55 : memref<40x128xi32, #tpu.memory_space<hbm>>) dst(%arg9 : memref<40x128xi32, #tpu.memory_space<vmem>>)
      tpu.yield
    }) : () -> ()
    "tpu.region"() ({
      %run_scoped3A = tpu.sem_alloc : memref<!tpu.dma_semaphore, #tpu.memory_space<semaphore_mem>>
      %dma_start3A_48 = arith.constant 0 : i32
      %dma_start3A_49 = tpu.memref_slice %arg4[%multiple_of3A, %dma_start3A_48] : memref<2560x128xi32, #tpu.memory_space<hbm>> -> memref<40x128xi32, #tpu.memory_space<hbm>>
      %dma_start3A_50 = arith.constant 0 : i32
      %dma_start3A_51 = tpu.memref_slice %arg4[%multiple_of3A, %dma_start3A_50] : memref<2560x128xi32, #tpu.memory_space<hbm>> -> memref<40x128xi32, #tpu.memory_space<hbm>>
      tpu.enqueue_dma source(%dma_start3A_51 : memref<40x128xi32, #tpu.memory_space<hbm>>) target(%arg10 : memref<40x128xi32, #tpu.memory_space<vmem>>) target_semaphore(%run_scoped3A : memref<!tpu.dma_semaphore, #tpu.memory_space<semaphore_mem>>)
      %dma_wait3A_52 = arith.constant 0 : i32
      %dma_wait3A_53 = tpu.memref_slice %arg4[%multiple_of3A, %dma_wait3A_52] : memref<2560x128xi32, #tpu.memory_space<hbm>> -> memref<40x128xi32, #tpu.memory_space<hbm>>
      %dma_wait3A_54 = arith.constant 0 : i32
      %dma_wait3A_55 = tpu.memref_slice %arg4[%multiple_of3A, %dma_wait3A_54] : memref<2560x128xi32, #tpu.memory_space<hbm>> -> memref<40x128xi32, #tpu.memory_space<hbm>>
      tpu.wait_dma2 semaphore(%run_scoped3A : memref<!tpu.dma_semaphore, #tpu.memory_space<semaphore_mem>>) src(%dma_wait3A_55 : memref<40x128xi32, #tpu.memory_space<hbm>>) dst(%arg10 : memref<40x128xi32, #tpu.memory_space<vmem>>)
      tpu.yield
    }) : () -> ()
    %barrier3A = arith.constant 0 : index
    tpu.barrier barrier_id(%barrier3A)
    %dma_start3A = arith.constant 0 : i32
    %dma_start3A_11 = arith.constant 0 : i32
    %dma_start3A_12 = arith.constant 0 : i32
    %dma_start3A_13 = arith.constant 0 : i32
    %dma_start3A_14 = tpu.memref_slice %arg8[%dma_start3A_11, %dma_start3A_12, %dma_start3A_13] : memref<2x128x128xf32, #tpu.memory_space<vmem>> -> memref<1x128x128xf32, #tpu.memory_space<vmem>>
    %dma_start3A_15 = tpu.memref_squeeze %dma_start3A_14 : memref<1x128x128xf32, #tpu.memory_space<vmem>> -> memref<128x128xf32, #tpu.memory_space<vmem>>
    %dma_start3A_16 = arith.constant 0 : i32
    %dma_start3A_17 = tpu.memref_slice %arg9[%dma_start3A, %dma_start3A_16] : memref<40x128xi32, #tpu.memory_space<vmem>> -> memref<1x128xi32, #tpu.memory_space<vmem>>
    %dma_start3A_18 = tpu.memref_squeeze %dma_start3A_17 : memref<1x128xi32, #tpu.memory_space<vmem>> -> memref<128xi32, #tpu.memory_space<vmem>>
    %dma_start3A_19 = arith.constant 0 : i32
    %dma_start3A_20 = arith.constant 0 : i32
    %dma_start3A_21 = tpu.memref_slice %arg2[%dma_start3A_19, %dma_start3A_20] : memref<10000x128xf32, #tpu.memory_space<hbm>> -> memref<10000x128xf32, #tpu.memory_space<hbm>>
    tpu.enqueue_indirect_dma source(%dma_start3A_21 : memref<10000x128xf32, #tpu.memory_space<hbm>>) target(%dma_start3A_15 : memref<128x128xf32, #tpu.memory_space<vmem>>) offsets(%dma_start3A_18 : memref<128xi32, #tpu.memory_space<vmem>>) semaphore(%arg11 : memref<!tpu.dma_semaphore, #tpu.memory_space<semaphore_mem>>)
    %div3A = arith.constant 2 : i32
    %div3A_22 = arith.divsi %select_n3A_6, %div3A : i32
    %while3A = arith.constant 0 : i32
    %while3A_23 = arith.constant 0 : i32
    %while3A_24 = arith.subi %div3A_22, %while3A_23 : i32
    %while3A_25 = arith.addi %while3A_23, %while3A_24 : i32
    %while3A_26 = arith.constant 1 : i32
    %while3A_27 = arith.divsi %while3A_24, %while3A_26 : i32
    %while3A_28 = arith.muli %while3A_27, %while3A_26 : i32
    %while3A_29 = arith.addi %while3A_23, %while3A_28 : i32
    %while3A_30 = arith.constant 1 : i32
    scf.for %while3A_48 = %while3A_23 to %while3A_29 step %while3A_30  : i32 {
      %mul3A_49 = arith.constant 2 : i32
      %mul3A_50 = arith.muli %while3A_48, %mul3A_49 : i32
      %add3A_51 = arith.constant 0 : i32
      %add3A_52 = arith.addi %mul3A_50, %add3A_51 : i32
      %rem3A = arith.constant 40 : i32
      %rem3A_53 = arith.remsi %add3A_52, %rem3A : i32
      %dma_wait3A_54 = arith.constant 0 : i32
      %dma_wait3A_55 = arith.constant 0 : i32
      %dma_wait3A_56 = arith.constant 0 : i32
      %dma_wait3A_57 = tpu.memref_slice %arg8[%dma_wait3A_54, %dma_wait3A_55, %dma_wait3A_56] : memref<2x128x128xf32, #tpu.memory_space<vmem>> -> memref<1x128x128xf32, #tpu.memory_space<vmem>>
      %dma_wait3A_58 = tpu.memref_squeeze %dma_wait3A_57 : memref<1x128x128xf32, #tpu.memory_space<vmem>> -> memref<128x128xf32, #tpu.memory_space<vmem>>
      %dma_wait3A_59 = arith.constant 0 : i32
      %dma_wait3A_60 = tpu.memref_slice %arg9[%rem3A_53, %dma_wait3A_59] : memref<40x128xi32, #tpu.memory_space<vmem>> -> memref<1x128xi32, #tpu.memory_space<vmem>>
      %dma_wait3A_61 = tpu.memref_squeeze %dma_wait3A_60 : memref<1x128xi32, #tpu.memory_space<vmem>> -> memref<128xi32, #tpu.memory_space<vmem>>
      %dma_wait3A_62 = arith.constant 0 : i32
      %dma_wait3A_63 = arith.constant 0 : i32
      %dma_wait3A_64 = tpu.memref_slice %arg2[%dma_wait3A_62, %dma_wait3A_63] : memref<10000x128xf32, #tpu.memory_space<hbm>> -> memref<10000x128xf32, #tpu.memory_space<hbm>>
      tpu.wait_indirect_dma semaphore(%arg11 : memref<!tpu.dma_semaphore, #tpu.memory_space<semaphore_mem>>) src(%dma_wait3A_64 : memref<10000x128xf32, #tpu.memory_space<hbm>>) dst(%dma_wait3A_58 : memref<128x128xf32, #tpu.memory_space<vmem>>)
      %eq3A_65 = arith.constant 39 : i32
      %eq3A_66 = arith.cmpi eq, %rem3A_53, %eq3A_65 : i32
      %add3A_67 = arith.constant 1 : i32
      %add3A_68 = arith.addi %add3A_52, %add3A_67 : i32
      %lt3A = arith.cmpi slt, %add3A_68, %select_n3A_6 : i32
      %and3A = arith.andi %eq3A_66, %lt3A : i1
      %convert_element_type3A = arith.extui %and3A : i1 to i32
      %cond3A = arith.constant 0 : i32
      %cond3A_69 = arith.cmpi ne, %convert_element_type3A, %cond3A : i32
      scf.if %cond3A_69 {
        %add3A_155 = arith.addi %multiple_of3A, %add3A_52 : i32
        %add3A_156 = arith.constant 1 : i32
        %add3A_157 = arith.addi %add3A_155, %add3A_156 : i32
        %multiple_of3A_158 = tpu.assume_multiple %add3A_157, 8 : i32
        "tpu.region"() ({
          %run_scoped3A = tpu.sem_alloc : memref<!tpu.dma_semaphore, #tpu.memory_space<semaphore_mem>>
          %dma_start3A_159 = arith.constant 0 : i32
          %dma_start3A_160 = tpu.memref_slice %arg3[%multiple_of3A_158, %dma_start3A_159] : memref<2560x128xi32, #tpu.memory_space<hbm>> -> memref<40x128xi32, #tpu.memory_space<hbm>>
          %dma_start3A_161 = arith.constant 0 : i32
          %dma_start3A_162 = tpu.memref_slice %arg3[%multiple_of3A_158, %dma_start3A_161] : memref<2560x128xi32, #tpu.memory_space<hbm>> -> memref<40x128xi32, #tpu.memory_space<hbm>>
          tpu.enqueue_dma source(%dma_start3A_162 : memref<40x128xi32, #tpu.memory_space<hbm>>) target(%arg9 : memref<40x128xi32, #tpu.memory_space<vmem>>) target_semaphore(%run_scoped3A : memref<!tpu.dma_semaphore, #tpu.memory_space<semaphore_mem>>)
          %dma_wait3A_163 = arith.constant 0 : i32
          %dma_wait3A_164 = tpu.memref_slice %arg3[%multiple_of3A_158, %dma_wait3A_163] : memref<2560x128xi32, #tpu.memory_space<hbm>> -> memref<40x128xi32, #tpu.memory_space<hbm>>
          %dma_wait3A_165 = arith.constant 0 : i32
          %dma_wait3A_166 = tpu.memref_slice %arg3[%multiple_of3A_158, %dma_wait3A_165] : memref<2560x128xi32, #tpu.memory_space<hbm>> -> memref<40x128xi32, #tpu.memory_space<hbm>>
          tpu.wait_dma2 semaphore(%run_scoped3A : memref<!tpu.dma_semaphore, #tpu.memory_space<semaphore_mem>>) src(%dma_wait3A_166 : memref<40x128xi32, #tpu.memory_space<hbm>>) dst(%arg9 : memref<40x128xi32, #tpu.memory_space<vmem>>)
          tpu.yield
        }) : () -> ()
      } else {
      }
      %gt3A = arith.constant 0 : i32
      %gt3A_70 = arith.cmpi sgt, %add3A_52, %gt3A : i32
      %convert_element_type3A_71 = arith.extui %gt3A_70 : i1 to i32
      %cond3A_72 = arith.constant 0 : i32
      %cond3A_73 = arith.cmpi ne, %convert_element_type3A_71, %cond3A_72 : i32
      scf.if %cond3A_73 {
        %dma_wait3A_155 = arith.constant 1 : i32
        %dma_wait3A_156 = arith.constant 0 : i32
        %dma_wait3A_157 = arith.constant 0 : i32
        %dma_wait3A_158 = arith.constant 0 : i32
        %dma_wait3A_159 = tpu.memref_slice %arg8[%dma_wait3A_155, %dma_wait3A_157, %dma_wait3A_158] : memref<2x128x128xf32, #tpu.memory_space<vmem>> -> memref<1x128x128xf32, #tpu.memory_space<vmem>>
        %dma_wait3A_160 = tpu.memref_squeeze %dma_wait3A_159 : memref<1x128x128xf32, #tpu.memory_space<vmem>> -> memref<128x128xf32, #tpu.memory_space<vmem>>
        %dma_wait3A_161 = arith.constant 0 : i32
        %dma_wait3A_162 = tpu.memref_slice %arg10[%dma_wait3A_156, %dma_wait3A_161] : memref<40x128xi32, #tpu.memory_space<vmem>> -> memref<1x128xi32, #tpu.memory_space<vmem>>
        %dma_wait3A_163 = tpu.memref_squeeze %dma_wait3A_162 : memref<1x128xi32, #tpu.memory_space<vmem>> -> memref<128xi32, #tpu.memory_space<vmem>>
        %dma_wait3A_164 = arith.constant 0 : i32
        %dma_wait3A_165 = arith.constant 0 : i32
        %dma_wait3A_166 = tpu.memref_slice %arg7[%dma_wait3A_164, %dma_wait3A_165] : memref<10240x128xf32, #tpu.memory_space<vmem_shared>> -> memref<10240x128xf32, #tpu.memory_space<vmem_shared>>
        tpu.wait_indirect_dma semaphore(%arg12 : memref<!tpu.dma_semaphore, #tpu.memory_space<semaphore_mem>>) src(%dma_wait3A_160 : memref<128x128xf32, #tpu.memory_space<vmem>>) dst(%dma_wait3A_166 : memref<10240x128xf32, #tpu.memory_space<vmem_shared>>)
      } else {
      }
      %eq3A_74 = arith.constant 0 : i32
      %eq3A_75 = arith.cmpi eq, %rem3A_53, %eq3A_74 : i32
      %gt3A_76 = arith.constant 0 : i32
      %gt3A_77 = arith.cmpi sgt, %add3A_52, %gt3A_76 : i32
      %and3A_78 = arith.andi %eq3A_75, %gt3A_77 : i1
      %convert_element_type3A_79 = arith.extui %and3A_78 : i1 to i32
      %cond3A_80 = arith.constant 0 : i32
      %cond3A_81 = arith.cmpi ne, %convert_element_type3A_79, %cond3A_80 : i32
      scf.if %cond3A_81 {
        %add3A_155 = arith.addi %multiple_of3A, %add3A_52 : i32
        %multiple_of3A_156 = tpu.assume_multiple %add3A_155, 8 : i32
        "tpu.region"() ({
          %run_scoped3A = tpu.sem_alloc : memref<!tpu.dma_semaphore, #tpu.memory_space<semaphore_mem>>
          %dma_start3A_157 = arith.constant 0 : i32
          %dma_start3A_158 = tpu.memref_slice %arg4[%multiple_of3A_156, %dma_start3A_157] : memref<2560x128xi32, #tpu.memory_space<hbm>> -> memref<40x128xi32, #tpu.memory_space<hbm>>
          %dma_start3A_159 = arith.constant 0 : i32
          %dma_start3A_160 = tpu.memref_slice %arg4[%multiple_of3A_156, %dma_start3A_159] : memref<2560x128xi32, #tpu.memory_space<hbm>> -> memref<40x128xi32, #tpu.memory_space<hbm>>
          tpu.enqueue_dma source(%dma_start3A_160 : memref<40x128xi32, #tpu.memory_space<hbm>>) target(%arg10 : memref<40x128xi32, #tpu.memory_space<vmem>>) target_semaphore(%run_scoped3A : memref<!tpu.dma_semaphore, #tpu.memory_space<semaphore_mem>>)
          %dma_wait3A_161 = arith.constant 0 : i32
          %dma_wait3A_162 = tpu.memref_slice %arg4[%multiple_of3A_156, %dma_wait3A_161] : memref<2560x128xi32, #tpu.memory_space<hbm>> -> memref<40x128xi32, #tpu.memory_space<hbm>>
          %dma_wait3A_163 = arith.constant 0 : i32
          %dma_wait3A_164 = tpu.memref_slice %arg4[%multiple_of3A_156, %dma_wait3A_163] : memref<2560x128xi32, #tpu.memory_space<hbm>> -> memref<40x128xi32, #tpu.memory_space<hbm>>
          tpu.wait_dma2 semaphore(%run_scoped3A : memref<!tpu.dma_semaphore, #tpu.memory_space<semaphore_mem>>) src(%dma_wait3A_164 : memref<40x128xi32, #tpu.memory_space<hbm>>) dst(%arg10 : memref<40x128xi32, #tpu.memory_space<vmem>>)
          tpu.yield
        }) : () -> ()
      } else {
      }
      %dma_start3A_82 = arith.constant 0 : i32
      %dma_start3A_83 = arith.constant 0 : i32
      %dma_start3A_84 = arith.constant 0 : i32
      %dma_start3A_85 = tpu.memref_slice %arg8[%dma_start3A_82, %dma_start3A_83, %dma_start3A_84] : memref<2x128x128xf32, #tpu.memory_space<vmem>> -> memref<1x128x128xf32, #tpu.memory_space<vmem>>
      %dma_start3A_86 = tpu.memref_squeeze %dma_start3A_85 : memref<1x128x128xf32, #tpu.memory_space<vmem>> -> memref<128x128xf32, #tpu.memory_space<vmem>>
      %dma_start3A_87 = arith.constant 0 : i32
      %dma_start3A_88 = tpu.memref_slice %arg10[%rem3A_53, %dma_start3A_87] : memref<40x128xi32, #tpu.memory_space<vmem>> -> memref<1x128xi32, #tpu.memory_space<vmem>>
      %dma_start3A_89 = tpu.memref_squeeze %dma_start3A_88 : memref<1x128xi32, #tpu.memory_space<vmem>> -> memref<128xi32, #tpu.memory_space<vmem>>
      %dma_start3A_90 = arith.constant 0 : i32
      %dma_start3A_91 = arith.constant 0 : i32
      %dma_start3A_92 = tpu.memref_slice %arg7[%dma_start3A_90, %dma_start3A_91] : memref<10240x128xf32, #tpu.memory_space<vmem_shared>> -> memref<10240x128xf32, #tpu.memory_space<vmem_shared>>
      tpu.enqueue_indirect_dma source(%dma_start3A_86 : memref<128x128xf32, #tpu.memory_space<vmem>>) target(%dma_start3A_92 : memref<10240x128xf32, #tpu.memory_space<vmem_shared>>) offsets(%dma_start3A_89 : memref<128xi32, #tpu.memory_space<vmem>>) semaphore(%arg12 : memref<!tpu.dma_semaphore, #tpu.memory_space<semaphore_mem>>) {add = true}
      %add3A_93 = arith.constant 1 : i32
      %add3A_94 = arith.addi %add3A_52, %add3A_93 : i32
      %lt3A_95 = arith.cmpi slt, %add3A_94, %select_n3A_6 : i32
      %convert_element_type3A_96 = arith.extui %lt3A_95 : i1 to i32
      %cond3A_97 = arith.constant 0 : i32
      %cond3A_98 = arith.cmpi ne, %convert_element_type3A_96, %cond3A_97 : i32
      scf.if %cond3A_98 {
        %add3A_155 = arith.constant 1 : i32
        %add3A_156 = arith.addi %add3A_52, %add3A_155 : i32
        %rem3A_157 = arith.constant 40 : i32
        %rem3A_158 = arith.remsi %add3A_156, %rem3A_157 : i32
        %dma_start3A_159 = arith.constant 1 : i32
        %dma_start3A_160 = arith.constant 0 : i32
        %dma_start3A_161 = arith.constant 0 : i32
        %dma_start3A_162 = tpu.memref_slice %arg8[%dma_start3A_159, %dma_start3A_160, %dma_start3A_161] : memref<2x128x128xf32, #tpu.memory_space<vmem>> -> memref<1x128x128xf32, #tpu.memory_space<vmem>>
        %dma_start3A_163 = tpu.memref_squeeze %dma_start3A_162 : memref<1x128x128xf32, #tpu.memory_space<vmem>> -> memref<128x128xf32, #tpu.memory_space<vmem>>
        %dma_start3A_164 = arith.constant 0 : i32
        %dma_start3A_165 = tpu.memref_slice %arg9[%rem3A_158, %dma_start3A_164] : memref<40x128xi32, #tpu.memory_space<vmem>> -> memref<1x128xi32, #tpu.memory_space<vmem>>
        %dma_start3A_166 = tpu.memref_squeeze %dma_start3A_165 : memref<1x128xi32, #tpu.memory_space<vmem>> -> memref<128xi32, #tpu.memory_space<vmem>>
        %dma_start3A_167 = arith.constant 0 : i32
        %dma_start3A_168 = arith.constant 0 : i32
        %dma_start3A_169 = tpu.memref_slice %arg2[%dma_start3A_167, %dma_start3A_168] : memref<10000x128xf32, #tpu.memory_space<hbm>> -> memref<10000x128xf32, #tpu.memory_space<hbm>>
        tpu.enqueue_indirect_dma source(%dma_start3A_169 : memref<10000x128xf32, #tpu.memory_space<hbm>>) target(%dma_start3A_163 : memref<128x128xf32, #tpu.memory_space<vmem>>) offsets(%dma_start3A_166 : memref<128xi32, #tpu.memory_space<vmem>>) semaphore(%arg11 : memref<!tpu.dma_semaphore, #tpu.memory_space<semaphore_mem>>)
      } else {
      }
      %mul3A_99 = arith.constant 2 : i32
      %mul3A_100 = arith.muli %while3A_48, %mul3A_99 : i32
      %add3A_101 = arith.constant 1 : i32
      %add3A_102 = arith.addi %mul3A_100, %add3A_101 : i32
      %rem3A_103 = arith.constant 40 : i32
      %rem3A_104 = arith.remsi %add3A_102, %rem3A_103 : i32
      %dma_wait3A_105 = arith.constant 1 : i32
      %dma_wait3A_106 = arith.constant 0 : i32
      %dma_wait3A_107 = arith.constant 0 : i32
      %dma_wait3A_108 = tpu.memref_slice %arg8[%dma_wait3A_105, %dma_wait3A_106, %dma_wait3A_107] : memref<2x128x128xf32, #tpu.memory_space<vmem>> -> memref<1x128x128xf32, #tpu.memory_space<vmem>>
      %dma_wait3A_109 = tpu.memref_squeeze %dma_wait3A_108 : memref<1x128x128xf32, #tpu.memory_space<vmem>> -> memref<128x128xf32, #tpu.memory_space<vmem>>
      %dma_wait3A_110 = arith.constant 0 : i32
      %dma_wait3A_111 = tpu.memref_slice %arg9[%rem3A_104, %dma_wait3A_110] : memref<40x128xi32, #tpu.memory_space<vmem>> -> memref<1x128xi32, #tpu.memory_space<vmem>>
      %dma_wait3A_112 = tpu.memref_squeeze %dma_wait3A_111 : memref<1x128xi32, #tpu.memory_space<vmem>> -> memref<128xi32, #tpu.memory_space<vmem>>
      %dma_wait3A_113 = arith.constant 0 : i32
      %dma_wait3A_114 = arith.constant 0 : i32
      %dma_wait3A_115 = tpu.memref_slice %arg2[%dma_wait3A_113, %dma_wait3A_114] : memref<10000x128xf32, #tpu.memory_space<hbm>> -> memref<10000x128xf32, #tpu.memory_space<hbm>>
      tpu.wait_indirect_dma semaphore(%arg11 : memref<!tpu.dma_semaphore, #tpu.memory_space<semaphore_mem>>) src(%dma_wait3A_115 : memref<10000x128xf32, #tpu.memory_space<hbm>>) dst(%dma_wait3A_109 : memref<128x128xf32, #tpu.memory_space<vmem>>)
      %eq3A_116 = arith.constant 39 : i32
      %eq3A_117 = arith.cmpi eq, %rem3A_104, %eq3A_116 : i32
      %add3A_118 = arith.constant 1 : i32
      %add3A_119 = arith.addi %add3A_102, %add3A_118 : i32
      %lt3A_120 = arith.cmpi slt, %add3A_119, %select_n3A_6 : i32
      %and3A_121 = arith.andi %eq3A_117, %lt3A_120 : i1
      %convert_element_type3A_122 = arith.extui %and3A_121 : i1 to i32
      %cond3A_123 = arith.constant 0 : i32
      %cond3A_124 = arith.cmpi ne, %convert_element_type3A_122, %cond3A_123 : i32
      scf.if %cond3A_124 {
        %add3A_155 = arith.addi %multiple_of3A, %add3A_102 : i32
        %add3A_156 = arith.constant 1 : i32
        %add3A_157 = arith.addi %add3A_155, %add3A_156 : i32
        %multiple_of3A_158 = tpu.assume_multiple %add3A_157, 8 : i32
        "tpu.region"() ({
          %run_scoped3A = tpu.sem_alloc : memref<!tpu.dma_semaphore, #tpu.memory_space<semaphore_mem>>
          %dma_start3A_159 = arith.constant 0 : i32
          %dma_start3A_160 = tpu.memref_slice %arg3[%multiple_of3A_158, %dma_start3A_159] : memref<2560x128xi32, #tpu.memory_space<hbm>> -> memref<40x128xi32, #tpu.memory_space<hbm>>
          %dma_start3A_161 = arith.constant 0 : i32
          %dma_start3A_162 = tpu.memref_slice %arg3[%multiple_of3A_158, %dma_start3A_161] : memref<2560x128xi32, #tpu.memory_space<hbm>> -> memref<40x128xi32, #tpu.memory_space<hbm>>
          tpu.enqueue_dma source(%dma_start3A_162 : memref<40x128xi32, #tpu.memory_space<hbm>>) target(%arg9 : memref<40x128xi32, #tpu.memory_space<vmem>>) target_semaphore(%run_scoped3A : memref<!tpu.dma_semaphore, #tpu.memory_space<semaphore_mem>>)
          %dma_wait3A_163 = arith.constant 0 : i32
          %dma_wait3A_164 = tpu.memref_slice %arg3[%multiple_of3A_158, %dma_wait3A_163] : memref<2560x128xi32, #tpu.memory_space<hbm>> -> memref<40x128xi32, #tpu.memory_space<hbm>>
          %dma_wait3A_165 = arith.constant 0 : i32
          %dma_wait3A_166 = tpu.memref_slice %arg3[%multiple_of3A_158, %dma_wait3A_165] : memref<2560x128xi32, #tpu.memory_space<hbm>> -> memref<40x128xi32, #tpu.memory_space<hbm>>
          tpu.wait_dma2 semaphore(%run_scoped3A : memref<!tpu.dma_semaphore, #tpu.memory_space<semaphore_mem>>) src(%dma_wait3A_166 : memref<40x128xi32, #tpu.memory_space<hbm>>) dst(%arg9 : memref<40x128xi32, #tpu.memory_space<vmem>>)
          tpu.yield
        }) : () -> ()
      } else {
      }
      %gt3A_125 = arith.constant 0 : i32
      %gt3A_126 = arith.cmpi sgt, %add3A_102, %gt3A_125 : i32
      %convert_element_type3A_127 = arith.extui %gt3A_126 : i1 to i32
      %cond3A_128 = arith.constant 0 : i32
      %cond3A_129 = arith.cmpi ne, %convert_element_type3A_127, %cond3A_128 : i32
      scf.if %cond3A_129 {
        %dma_wait3A_155 = arith.constant 0 : i32
        %dma_wait3A_156 = arith.constant 0 : i32
        %dma_wait3A_157 = arith.constant 0 : i32
        %dma_wait3A_158 = arith.constant 0 : i32
        %dma_wait3A_159 = tpu.memref_slice %arg8[%dma_wait3A_155, %dma_wait3A_157, %dma_wait3A_158] : memref<2x128x128xf32, #tpu.memory_space<vmem>> -> memref<1x128x128xf32, #tpu.memory_space<vmem>>
        %dma_wait3A_160 = tpu.memref_squeeze %dma_wait3A_159 : memref<1x128x128xf32, #tpu.memory_space<vmem>> -> memref<128x128xf32, #tpu.memory_space<vmem>>
        %dma_wait3A_161 = arith.constant 0 : i32
        %dma_wait3A_162 = tpu.memref_slice %arg10[%dma_wait3A_156, %dma_wait3A_161] : memref<40x128xi32, #tpu.memory_space<vmem>> -> memref<1x128xi32, #tpu.memory_space<vmem>>
        %dma_wait3A_163 = tpu.memref_squeeze %dma_wait3A_162 : memref<1x128xi32, #tpu.memory_space<vmem>> -> memref<128xi32, #tpu.memory_space<vmem>>
        %dma_wait3A_164 = arith.constant 0 : i32
        %dma_wait3A_165 = arith.constant 0 : i32
        %dma_wait3A_166 = tpu.memref_slice %arg7[%dma_wait3A_164, %dma_wait3A_165] : memref<10240x128xf32, #tpu.memory_space<vmem_shared>> -> memref<10240x128xf32, #tpu.memory_space<vmem_shared>>
        tpu.wait_indirect_dma semaphore(%arg12 : memref<!tpu.dma_semaphore, #tpu.memory_space<semaphore_mem>>) src(%dma_wait3A_160 : memref<128x128xf32, #tpu.memory_space<vmem>>) dst(%dma_wait3A_166 : memref<10240x128xf32, #tpu.memory_space<vmem_shared>>)
      } else {
      }
      %eq3A_130 = arith.constant 0 : i32
      %eq3A_131 = arith.cmpi eq, %rem3A_104, %eq3A_130 : i32
      %gt3A_132 = arith.constant 0 : i32
      %gt3A_133 = arith.cmpi sgt, %add3A_102, %gt3A_132 : i32
      %and3A_134 = arith.andi %eq3A_131, %gt3A_133 : i1
      %convert_element_type3A_135 = arith.extui %and3A_134 : i1 to i32
      %cond3A_136 = arith.constant 0 : i32
      %cond3A_137 = arith.cmpi ne, %convert_element_type3A_135, %cond3A_136 : i32
      scf.if %cond3A_137 {
        %add3A_155 = arith.addi %multiple_of3A, %add3A_102 : i32
        %multiple_of3A_156 = tpu.assume_multiple %add3A_155, 8 : i32
        "tpu.region"() ({
          %run_scoped3A = tpu.sem_alloc : memref<!tpu.dma_semaphore, #tpu.memory_space<semaphore_mem>>
          %dma_start3A_157 = arith.constant 0 : i32
          %dma_start3A_158 = tpu.memref_slice %arg4[%multiple_of3A_156, %dma_start3A_157] : memref<2560x128xi32, #tpu.memory_space<hbm>> -> memref<40x128xi32, #tpu.memory_space<hbm>>
          %dma_start3A_159 = arith.constant 0 : i32
          %dma_start3A_160 = tpu.memref_slice %arg4[%multiple_of3A_156, %dma_start3A_159] : memref<2560x128xi32, #tpu.memory_space<hbm>> -> memref<40x128xi32, #tpu.memory_space<hbm>>
          tpu.enqueue_dma source(%dma_start3A_160 : memref<40x128xi32, #tpu.memory_space<hbm>>) target(%arg10 : memref<40x128xi32, #tpu.memory_space<vmem>>) target_semaphore(%run_scoped3A : memref<!tpu.dma_semaphore, #tpu.memory_space<semaphore_mem>>)
          %dma_wait3A_161 = arith.constant 0 : i32
          %dma_wait3A_162 = tpu.memref_slice %arg4[%multiple_of3A_156, %dma_wait3A_161] : memref<2560x128xi32, #tpu.memory_space<hbm>> -> memref<40x128xi32, #tpu.memory_space<hbm>>
          %dma_wait3A_163 = arith.constant 0 : i32
          %dma_wait3A_164 = tpu.memref_slice %arg4[%multiple_of3A_156, %dma_wait3A_163] : memref<2560x128xi32, #tpu.memory_space<hbm>> -> memref<40x128xi32, #tpu.memory_space<hbm>>
          tpu.wait_dma2 semaphore(%run_scoped3A : memref<!tpu.dma_semaphore, #tpu.memory_space<semaphore_mem>>) src(%dma_wait3A_164 : memref<40x128xi32, #tpu.memory_space<hbm>>) dst(%arg10 : memref<40x128xi32, #tpu.memory_space<vmem>>)
          tpu.yield
        }) : () -> ()
      } else {
      }
      %dma_start3A_138 = arith.constant 1 : i32
      %dma_start3A_139 = arith.constant 0 : i32
      %dma_start3A_140 = arith.constant 0 : i32
      %dma_start3A_141 = tpu.memref_slice %arg8[%dma_start3A_138, %dma_start3A_139, %dma_start3A_140] : memref<2x128x128xf32, #tpu.memory_space<vmem>> -> memref<1x128x128xf32, #tpu.memory_space<vmem>>
      %dma_start3A_142 = tpu.memref_squeeze %dma_start3A_141 : memref<1x128x128xf32, #tpu.memory_space<vmem>> -> memref<128x128xf32, #tpu.memory_space<vmem>>
      %dma_start3A_143 = arith.constant 0 : i32
      %dma_start3A_144 = tpu.memref_slice %arg10[%rem3A_104, %dma_start3A_143] : memref<40x128xi32, #tpu.memory_space<vmem>> -> memref<1x128xi32, #tpu.memory_space<vmem>>
      %dma_start3A_145 = tpu.memref_squeeze %dma_start3A_144 : memref<1x128xi32, #tpu.memory_space<vmem>> -> memref<128xi32, #tpu.memory_space<vmem>>
      %dma_start3A_146 = arith.constant 0 : i32
      %dma_start3A_147 = arith.constant 0 : i32
      %dma_start3A_148 = tpu.memref_slice %arg7[%dma_start3A_146, %dma_start3A_147] : memref<10240x128xf32, #tpu.memory_space<vmem_shared>> -> memref<10240x128xf32, #tpu.memory_space<vmem_shared>>
      tpu.enqueue_indirect_dma source(%dma_start3A_142 : memref<128x128xf32, #tpu.memory_space<vmem>>) target(%dma_start3A_148 : memref<10240x128xf32, #tpu.memory_space<vmem_shared>>) offsets(%dma_start3A_145 : memref<128xi32, #tpu.memory_space<vmem>>) semaphore(%arg12 : memref<!tpu.dma_semaphore, #tpu.memory_space<semaphore_mem>>) {add = true}
      %add3A_149 = arith.constant 1 : i32
      %add3A_150 = arith.addi %add3A_102, %add3A_149 : i32
      %lt3A_151 = arith.cmpi slt, %add3A_150, %select_n3A_6 : i32
      %convert_element_type3A_152 = arith.extui %lt3A_151 : i1 to i32
      %cond3A_153 = arith.constant 0 : i32
      %cond3A_154 = arith.cmpi ne, %convert_element_type3A_152, %cond3A_153 : i32
      scf.if %cond3A_154 {
        %add3A_155 = arith.constant 1 : i32
        %add3A_156 = arith.addi %add3A_102, %add3A_155 : i32
        %rem3A_157 = arith.constant 40 : i32
        %rem3A_158 = arith.remsi %add3A_156, %rem3A_157 : i32
        %dma_start3A_159 = arith.constant 0 : i32
        %dma_start3A_160 = arith.constant 0 : i32
        %dma_start3A_161 = arith.constant 0 : i32
        %dma_start3A_162 = tpu.memref_slice %arg8[%dma_start3A_159, %dma_start3A_160, %dma_start3A_161] : memref<2x128x128xf32, #tpu.memory_space<vmem>> -> memref<1x128x128xf32, #tpu.memory_space<vmem>>
        %dma_start3A_163 = tpu.memref_squeeze %dma_start3A_162 : memref<1x128x128xf32, #tpu.memory_space<vmem>> -> memref<128x128xf32, #tpu.memory_space<vmem>>
        %dma_start3A_164 = arith.constant 0 : i32
        %dma_start3A_165 = tpu.memref_slice %arg9[%rem3A_158, %dma_start3A_164] : memref<40x128xi32, #tpu.memory_space<vmem>> -> memref<1x128xi32, #tpu.memory_space<vmem>>
        %dma_start3A_166 = tpu.memref_squeeze %dma_start3A_165 : memref<1x128xi32, #tpu.memory_space<vmem>> -> memref<128xi32, #tpu.memory_space<vmem>>
        %dma_start3A_167 = arith.constant 0 : i32
        %dma_start3A_168 = arith.constant 0 : i32
        %dma_start3A_169 = tpu.memref_slice %arg2[%dma_start3A_167, %dma_start3A_168] : memref<10000x128xf32, #tpu.memory_space<hbm>> -> memref<10000x128xf32, #tpu.memory_space<hbm>>
        tpu.enqueue_indirect_dma source(%dma_start3A_169 : memref<10000x128xf32, #tpu.memory_space<hbm>>) target(%dma_start3A_163 : memref<128x128xf32, #tpu.memory_space<vmem>>) offsets(%dma_start3A_166 : memref<128xi32, #tpu.memory_space<vmem>>) semaphore(%arg11 : memref<!tpu.dma_semaphore, #tpu.memory_space<semaphore_mem>>)
      } else {
      }
    }
    %while3A_31 = arith.constant 1 : i32
    scf.for %while3A_48 = %while3A_29 to %while3A_25 step %while3A_31  : i32 {
      %mul3A_49 = arith.constant 2 : i32
      %mul3A_50 = arith.muli %while3A_48, %mul3A_49 : i32
      %add3A_51 = arith.constant 0 : i32
      %add3A_52 = arith.addi %mul3A_50, %add3A_51 : i32
      %rem3A = arith.constant 40 : i32
      %rem3A_53 = arith.remsi %add3A_52, %rem3A : i32
      %dma_wait3A_54 = arith.constant 0 : i32
      %dma_wait3A_55 = arith.constant 0 : i32
      %dma_wait3A_56 = arith.constant 0 : i32
      %dma_wait3A_57 = tpu.memref_slice %arg8[%dma_wait3A_54, %dma_wait3A_55, %dma_wait3A_56] : memref<2x128x128xf32, #tpu.memory_space<vmem>> -> memref<1x128x128xf32, #tpu.memory_space<vmem>>
      %dma_wait3A_58 = tpu.memref_squeeze %dma_wait3A_57 : memref<1x128x128xf32, #tpu.memory_space<vmem>> -> memref<128x128xf32, #tpu.memory_space<vmem>>
      %dma_wait3A_59 = arith.constant 0 : i32
      %dma_wait3A_60 = tpu.memref_slice %arg9[%rem3A_53, %dma_wait3A_59] : memref<40x128xi32, #tpu.memory_space<vmem>> -> memref<1x128xi32, #tpu.memory_space<vmem>>
      %dma_wait3A_61 = tpu.memref_squeeze %dma_wait3A_60 : memref<1x128xi32, #tpu.memory_space<vmem>> -> memref<128xi32, #tpu.memory_space<vmem>>
      %dma_wait3A_62 = arith.constant 0 : i32
      %dma_wait3A_63 = arith.constant 0 : i32
      %dma_wait3A_64 = tpu.memref_slice %arg2[%dma_wait3A_62, %dma_wait3A_63] : memref<10000x128xf32, #tpu.memory_space<hbm>> -> memref<10000x128xf32, #tpu.memory_space<hbm>>
      tpu.wait_indirect_dma semaphore(%arg11 : memref<!tpu.dma_semaphore, #tpu.memory_space<semaphore_mem>>) src(%dma_wait3A_64 : memref<10000x128xf32, #tpu.memory_space<hbm>>) dst(%dma_wait3A_58 : memref<128x128xf32, #tpu.memory_space<vmem>>)
      %eq3A_65 = arith.constant 39 : i32
      %eq3A_66 = arith.cmpi eq, %rem3A_53, %eq3A_65 : i32
      %add3A_67 = arith.constant 1 : i32
      %add3A_68 = arith.addi %add3A_52, %add3A_67 : i32
      %lt3A = arith.cmpi slt, %add3A_68, %select_n3A_6 : i32
      %and3A = arith.andi %eq3A_66, %lt3A : i1
      %convert_element_type3A = arith.extui %and3A : i1 to i32
      %cond3A = arith.constant 0 : i32
      %cond3A_69 = arith.cmpi ne, %convert_element_type3A, %cond3A : i32
      scf.if %cond3A_69 {
        %add3A_155 = arith.addi %multiple_of3A, %add3A_52 : i32
        %add3A_156 = arith.constant 1 : i32
        %add3A_157 = arith.addi %add3A_155, %add3A_156 : i32
        %multiple_of3A_158 = tpu.assume_multiple %add3A_157, 8 : i32
        "tpu.region"() ({
          %run_scoped3A = tpu.sem_alloc : memref<!tpu.dma_semaphore, #tpu.memory_space<semaphore_mem>>
          %dma_start3A_159 = arith.constant 0 : i32
          %dma_start3A_160 = tpu.memref_slice %arg3[%multiple_of3A_158, %dma_start3A_159] : memref<2560x128xi32, #tpu.memory_space<hbm>> -> memref<40x128xi32, #tpu.memory_space<hbm>>
          %dma_start3A_161 = arith.constant 0 : i32
          %dma_start3A_162 = tpu.memref_slice %arg3[%multiple_of3A_158, %dma_start3A_161] : memref<2560x128xi32, #tpu.memory_space<hbm>> -> memref<40x128xi32, #tpu.memory_space<hbm>>
          tpu.enqueue_dma source(%dma_start3A_162 : memref<40x128xi32, #tpu.memory_space<hbm>>) target(%arg9 : memref<40x128xi32, #tpu.memory_space<vmem>>) target_semaphore(%run_scoped3A : memref<!tpu.dma_semaphore, #tpu.memory_space<semaphore_mem>>)
          %dma_wait3A_163 = arith.constant 0 : i32
          %dma_wait3A_164 = tpu.memref_slice %arg3[%multiple_of3A_158, %dma_wait3A_163] : memref<2560x128xi32, #tpu.memory_space<hbm>> -> memref<40x128xi32, #tpu.memory_space<hbm>>
          %dma_wait3A_165 = arith.constant 0 : i32
          %dma_wait3A_166 = tpu.memref_slice %arg3[%multiple_of3A_158, %dma_wait3A_165] : memref<2560x128xi32, #tpu.memory_space<hbm>> -> memref<40x128xi32, #tpu.memory_space<hbm>>
          tpu.wait_dma2 semaphore(%run_scoped3A : memref<!tpu.dma_semaphore, #tpu.memory_space<semaphore_mem>>) src(%dma_wait3A_166 : memref<40x128xi32, #tpu.memory_space<hbm>>) dst(%arg9 : memref<40x128xi32, #tpu.memory_space<vmem>>)
          tpu.yield
        }) : () -> ()
      } else {
      }
      %gt3A = arith.constant 0 : i32
      %gt3A_70 = arith.cmpi sgt, %add3A_52, %gt3A : i32
      %convert_element_type3A_71 = arith.extui %gt3A_70 : i1 to i32
      %cond3A_72 = arith.constant 0 : i32
      %cond3A_73 = arith.cmpi ne, %convert_element_type3A_71, %cond3A_72 : i32
      scf.if %cond3A_73 {
        %dma_wait3A_155 = arith.constant 1 : i32
        %dma_wait3A_156 = arith.constant 0 : i32
        %dma_wait3A_157 = arith.constant 0 : i32
        %dma_wait3A_158 = arith.constant 0 : i32
        %dma_wait3A_159 = tpu.memref_slice %arg8[%dma_wait3A_155, %dma_wait3A_157, %dma_wait3A_158] : memref<2x128x128xf32, #tpu.memory_space<vmem>> -> memref<1x128x128xf32, #tpu.memory_space<vmem>>
        %dma_wait3A_160 = tpu.memref_squeeze %dma_wait3A_159 : memref<1x128x128xf32, #tpu.memory_space<vmem>> -> memref<128x128xf32, #tpu.memory_space<vmem>>
        %dma_wait3A_161 = arith.constant 0 : i32
        %dma_wait3A_162 = tpu.memref_slice %arg10[%dma_wait3A_156, %dma_wait3A_161] : memref<40x128xi32, #tpu.memory_space<vmem>> -> memref<1x128xi32, #tpu.memory_space<vmem>>
        %dma_wait3A_163 = tpu.memref_squeeze %dma_wait3A_162 : memref<1x128xi32, #tpu.memory_space<vmem>> -> memref<128xi32, #tpu.memory_space<vmem>>
        %dma_wait3A_164 = arith.constant 0 : i32
        %dma_wait3A_165 = arith.constant 0 : i32
        %dma_wait3A_166 = tpu.memref_slice %arg7[%dma_wait3A_164, %dma_wait3A_165] : memref<10240x128xf32, #tpu.memory_space<vmem_shared>> -> memref<10240x128xf32, #tpu.memory_space<vmem_shared>>
        tpu.wait_indirect_dma semaphore(%arg12 : memref<!tpu.dma_semaphore, #tpu.memory_space<semaphore_mem>>) src(%dma_wait3A_160 : memref<128x128xf32, #tpu.memory_space<vmem>>) dst(%dma_wait3A_166 : memref<10240x128xf32, #tpu.memory_space<vmem_shared>>)
      } else {
      }
      %eq3A_74 = arith.constant 0 : i32
      %eq3A_75 = arith.cmpi eq, %rem3A_53, %eq3A_74 : i32
      %gt3A_76 = arith.constant 0 : i32
      %gt3A_77 = arith.cmpi sgt, %add3A_52, %gt3A_76 : i32
      %and3A_78 = arith.andi %eq3A_75, %gt3A_77 : i1
      %convert_element_type3A_79 = arith.extui %and3A_78 : i1 to i32
      %cond3A_80 = arith.constant 0 : i32
      %cond3A_81 = arith.cmpi ne, %convert_element_type3A_79, %cond3A_80 : i32
      scf.if %cond3A_81 {
        %add3A_155 = arith.addi %multiple_of3A, %add3A_52 : i32
        %multiple_of3A_156 = tpu.assume_multiple %add3A_155, 8 : i32
        "tpu.region"() ({
          %run_scoped3A = tpu.sem_alloc : memref<!tpu.dma_semaphore, #tpu.memory_space<semaphore_mem>>
          %dma_start3A_157 = arith.constant 0 : i32
          %dma_start3A_158 = tpu.memref_slice %arg4[%multiple_of3A_156, %dma_start3A_157] : memref<2560x128xi32, #tpu.memory_space<hbm>> -> memref<40x128xi32, #tpu.memory_space<hbm>>
          %dma_start3A_159 = arith.constant 0 : i32
          %dma_start3A_160 = tpu.memref_slice %arg4[%multiple_of3A_156, %dma_start3A_159] : memref<2560x128xi32, #tpu.memory_space<hbm>> -> memref<40x128xi32, #tpu.memory_space<hbm>>
          tpu.enqueue_dma source(%dma_start3A_160 : memref<40x128xi32, #tpu.memory_space<hbm>>) target(%arg10 : memref<40x128xi32, #tpu.memory_space<vmem>>) target_semaphore(%run_scoped3A : memref<!tpu.dma_semaphore, #tpu.memory_space<semaphore_mem>>)
          %dma_wait3A_161 = arith.constant 0 : i32
          %dma_wait3A_162 = tpu.memref_slice %arg4[%multiple_of3A_156, %dma_wait3A_161] : memref<2560x128xi32, #tpu.memory_space<hbm>> -> memref<40x128xi32, #tpu.memory_space<hbm>>
          %dma_wait3A_163 = arith.constant 0 : i32
          %dma_wait3A_164 = tpu.memref_slice %arg4[%multiple_of3A_156, %dma_wait3A_163] : memref<2560x128xi32, #tpu.memory_space<hbm>> -> memref<40x128xi32, #tpu.memory_space<hbm>>
          tpu.wait_dma2 semaphore(%run_scoped3A : memref<!tpu.dma_semaphore, #tpu.memory_space<semaphore_mem>>) src(%dma_wait3A_164 : memref<40x128xi32, #tpu.memory_space<hbm>>) dst(%arg10 : memref<40x128xi32, #tpu.memory_space<vmem>>)
          tpu.yield
        }) : () -> ()
      } else {
      }
      %dma_start3A_82 = arith.constant 0 : i32
      %dma_start3A_83 = arith.constant 0 : i32
      %dma_start3A_84 = arith.constant 0 : i32
      %dma_start3A_85 = tpu.memref_slice %arg8[%dma_start3A_82, %dma_start3A_83, %dma_start3A_84] : memref<2x128x128xf32, #tpu.memory_space<vmem>> -> memref<1x128x128xf32, #tpu.memory_space<vmem>>
      %dma_start3A_86 = tpu.memref_squeeze %dma_start3A_85 : memref<1x128x128xf32, #tpu.memory_space<vmem>> -> memref<128x128xf32, #tpu.memory_space<vmem>>
      %dma_start3A_87 = arith.constant 0 : i32
      %dma_start3A_88 = tpu.memref_slice %arg10[%rem3A_53, %dma_start3A_87] : memref<40x128xi32, #tpu.memory_space<vmem>> -> memref<1x128xi32, #tpu.memory_space<vmem>>
      %dma_start3A_89 = tpu.memref_squeeze %dma_start3A_88 : memref<1x128xi32, #tpu.memory_space<vmem>> -> memref<128xi32, #tpu.memory_space<vmem>>
      %dma_start3A_90 = arith.constant 0 : i32
      %dma_start3A_91 = arith.constant 0 : i32
      %dma_start3A_92 = tpu.memref_slice %arg7[%dma_start3A_90, %dma_start3A_91] : memref<10240x128xf32, #tpu.memory_space<vmem_shared>> -> memref<10240x128xf32, #tpu.memory_space<vmem_shared>>
      tpu.enqueue_indirect_dma source(%dma_start3A_86 : memref<128x128xf32, #tpu.memory_space<vmem>>) target(%dma_start3A_92 : memref<10240x128xf32, #tpu.memory_space<vmem_shared>>) offsets(%dma_start3A_89 : memref<128xi32, #tpu.memory_space<vmem>>) semaphore(%arg12 : memref<!tpu.dma_semaphore, #tpu.memory_space<semaphore_mem>>) {add = true}
      %add3A_93 = arith.constant 1 : i32
      %add3A_94 = arith.addi %add3A_52, %add3A_93 : i32
      %lt3A_95 = arith.cmpi slt, %add3A_94, %select_n3A_6 : i32
      %convert_element_type3A_96 = arith.extui %lt3A_95 : i1 to i32
      %cond3A_97 = arith.constant 0 : i32
      %cond3A_98 = arith.cmpi ne, %convert_element_type3A_96, %cond3A_97 : i32
      scf.if %cond3A_98 {
        %add3A_155 = arith.constant 1 : i32
        %add3A_156 = arith.addi %add3A_52, %add3A_155 : i32
        %rem3A_157 = arith.constant 40 : i32
        %rem3A_158 = arith.remsi %add3A_156, %rem3A_157 : i32
        %dma_start3A_159 = arith.constant 1 : i32
        %dma_start3A_160 = arith.constant 0 : i32
        %dma_start3A_161 = arith.constant 0 : i32
        %dma_start3A_162 = tpu.memref_slice %arg8[%dma_start3A_159, %dma_start3A_160, %dma_start3A_161] : memref<2x128x128xf32, #tpu.memory_space<vmem>> -> memref<1x128x128xf32, #tpu.memory_space<vmem>>
        %dma_start3A_163 = tpu.memref_squeeze %dma_start3A_162 : memref<1x128x128xf32, #tpu.memory_space<vmem>> -> memref<128x128xf32, #tpu.memory_space<vmem>>
        %dma_start3A_164 = arith.constant 0 : i32
        %dma_start3A_165 = tpu.memref_slice %arg9[%rem3A_158, %dma_start3A_164] : memref<40x128xi32, #tpu.memory_space<vmem>> -> memref<1x128xi32, #tpu.memory_space<vmem>>
        %dma_start3A_166 = tpu.memref_squeeze %dma_start3A_165 : memref<1x128xi32, #tpu.memory_space<vmem>> -> memref<128xi32, #tpu.memory_space<vmem>>
        %dma_start3A_167 = arith.constant 0 : i32
        %dma_start3A_168 = arith.constant 0 : i32
        %dma_start3A_169 = tpu.memref_slice %arg2[%dma_start3A_167, %dma_start3A_168] : memref<10000x128xf32, #tpu.memory_space<hbm>> -> memref<10000x128xf32, #tpu.memory_space<hbm>>
        tpu.enqueue_indirect_dma source(%dma_start3A_169 : memref<10000x128xf32, #tpu.memory_space<hbm>>) target(%dma_start3A_163 : memref<128x128xf32, #tpu.memory_space<vmem>>) offsets(%dma_start3A_166 : memref<128xi32, #tpu.memory_space<vmem>>) semaphore(%arg11 : memref<!tpu.dma_semaphore, #tpu.memory_space<semaphore_mem>>)
      } else {
      }
      %mul3A_99 = arith.constant 2 : i32
      %mul3A_100 = arith.muli %while3A_48, %mul3A_99 : i32
      %add3A_101 = arith.constant 1 : i32
      %add3A_102 = arith.addi %mul3A_100, %add3A_101 : i32
      %rem3A_103 = arith.constant 40 : i32
      %rem3A_104 = arith.remsi %add3A_102, %rem3A_103 : i32
      %dma_wait3A_105 = arith.constant 1 : i32
      %dma_wait3A_106 = arith.constant 0 : i32
      %dma_wait3A_107 = arith.constant 0 : i32
      %dma_wait3A_108 = tpu.memref_slice %arg8[%dma_wait3A_105, %dma_wait3A_106, %dma_wait3A_107] : memref<2x128x128xf32, #tpu.memory_space<vmem>> -> memref<1x128x128xf32, #tpu.memory_space<vmem>>
      %dma_wait3A_109 = tpu.memref_squeeze %dma_wait3A_108 : memref<1x128x128xf32, #tpu.memory_space<vmem>> -> memref<128x128xf32, #tpu.memory_space<vmem>>
      %dma_wait3A_110 = arith.constant 0 : i32
      %dma_wait3A_111 = tpu.memref_slice %arg9[%rem3A_104, %dma_wait3A_110] : memref<40x128xi32, #tpu.memory_space<vmem>> -> memref<1x128xi32, #tpu.memory_space<vmem>>
      %dma_wait3A_112 = tpu.memref_squeeze %dma_wait3A_111 : memref<1x128xi32, #tpu.memory_space<vmem>> -> memref<128xi32, #tpu.memory_space<vmem>>
      %dma_wait3A_113 = arith.constant 0 : i32
      %dma_wait3A_114 = arith.constant 0 : i32
      %dma_wait3A_115 = tpu.memref_slice %arg2[%dma_wait3A_113, %dma_wait3A_114] : memref<10000x128xf32, #tpu.memory_space<hbm>> -> memref<10000x128xf32, #tpu.memory_space<hbm>>
      tpu.wait_indirect_dma semaphore(%arg11 : memref<!tpu.dma_semaphore, #tpu.memory_space<semaphore_mem>>) src(%dma_wait3A_115 : memref<10000x128xf32, #tpu.memory_space<hbm>>) dst(%dma_wait3A_109 : memref<128x128xf32, #tpu.memory_space<vmem>>)
      %eq3A_116 = arith.constant 39 : i32
      %eq3A_117 = arith.cmpi eq, %rem3A_104, %eq3A_116 : i32
      %add3A_118 = arith.constant 1 : i32
      %add3A_119 = arith.addi %add3A_102, %add3A_118 : i32
      %lt3A_120 = arith.cmpi slt, %add3A_119, %select_n3A_6 : i32
      %and3A_121 = arith.andi %eq3A_117, %lt3A_120 : i1
      %convert_element_type3A_122 = arith.extui %and3A_121 : i1 to i32
      %cond3A_123 = arith.constant 0 : i32
      %cond3A_124 = arith.cmpi ne, %convert_element_type3A_122, %cond3A_123 : i32
      scf.if %cond3A_124 {
        %add3A_155 = arith.addi %multiple_of3A, %add3A_102 : i32
        %add3A_156 = arith.constant 1 : i32
        %add3A_157 = arith.addi %add3A_155, %add3A_156 : i32
        %multiple_of3A_158 = tpu.assume_multiple %add3A_157, 8 : i32
        "tpu.region"() ({
          %run_scoped3A = tpu.sem_alloc : memref<!tpu.dma_semaphore, #tpu.memory_space<semaphore_mem>>
          %dma_start3A_159 = arith.constant 0 : i32
          %dma_start3A_160 = tpu.memref_slice %arg3[%multiple_of3A_158, %dma_start3A_159] : memref<2560x128xi32, #tpu.memory_space<hbm>> -> memref<40x128xi32, #tpu.memory_space<hbm>>
          %dma_start3A_161 = arith.constant 0 : i32
          %dma_start3A_162 = tpu.memref_slice %arg3[%multiple_of3A_158, %dma_start3A_161] : memref<2560x128xi32, #tpu.memory_space<hbm>> -> memref<40x128xi32, #tpu.memory_space<hbm>>
          tpu.enqueue_dma source(%dma_start3A_162 : memref<40x128xi32, #tpu.memory_space<hbm>>) target(%arg9 : memref<40x128xi32, #tpu.memory_space<vmem>>) target_semaphore(%run_scoped3A : memref<!tpu.dma_semaphore, #tpu.memory_space<semaphore_mem>>)
          %dma_wait3A_163 = arith.constant 0 : i32
          %dma_wait3A_164 = tpu.memref_slice %arg3[%multiple_of3A_158, %dma_wait3A_163] : memref<2560x128xi32, #tpu.memory_space<hbm>> -> memref<40x128xi32, #tpu.memory_space<hbm>>
          %dma_wait3A_165 = arith.constant 0 : i32
          %dma_wait3A_166 = tpu.memref_slice %arg3[%multiple_of3A_158, %dma_wait3A_165] : memref<2560x128xi32, #tpu.memory_space<hbm>> -> memref<40x128xi32, #tpu.memory_space<hbm>>
          tpu.wait_dma2 semaphore(%run_scoped3A : memref<!tpu.dma_semaphore, #tpu.memory_space<semaphore_mem>>) src(%dma_wait3A_166 : memref<40x128xi32, #tpu.memory_space<hbm>>) dst(%arg9 : memref<40x128xi32, #tpu.memory_space<vmem>>)
          tpu.yield
        }) : () -> ()
      } else {
      }
      %gt3A_125 = arith.constant 0 : i32
      %gt3A_126 = arith.cmpi sgt, %add3A_102, %gt3A_125 : i32
      %convert_element_type3A_127 = arith.extui %gt3A_126 : i1 to i32
      %cond3A_128 = arith.constant 0 : i32
      %cond3A_129 = arith.cmpi ne, %convert_element_type3A_127, %cond3A_128 : i32
      scf.if %cond3A_129 {
        %dma_wait3A_155 = arith.constant 0 : i32
        %dma_wait3A_156 = arith.constant 0 : i32
        %dma_wait3A_157 = arith.constant 0 : i32
        %dma_wait3A_158 = arith.constant 0 : i32
        %dma_wait3A_159 = tpu.memref_slice %arg8[%dma_wait3A_155, %dma_wait3A_157, %dma_wait3A_158] : memref<2x128x128xf32, #tpu.memory_space<vmem>> -> memref<1x128x128xf32, #tpu.memory_space<vmem>>
        %dma_wait3A_160 = tpu.memref_squeeze %dma_wait3A_159 : memref<1x128x128xf32, #tpu.memory_space<vmem>> -> memref<128x128xf32, #tpu.memory_space<vmem>>
        %dma_wait3A_161 = arith.constant 0 : i32
        %dma_wait3A_162 = tpu.memref_slice %arg10[%dma_wait3A_156, %dma_wait3A_161] : memref<40x128xi32, #tpu.memory_space<vmem>> -> memref<1x128xi32, #tpu.memory_space<vmem>>
        %dma_wait3A_163 = tpu.memref_squeeze %dma_wait3A_162 : memref<1x128xi32, #tpu.memory_space<vmem>> -> memref<128xi32, #tpu.memory_space<vmem>>
        %dma_wait3A_164 = arith.constant 0 : i32
        %dma_wait3A_165 = arith.constant 0 : i32
        %dma_wait3A_166 = tpu.memref_slice %arg7[%dma_wait3A_164, %dma_wait3A_165] : memref<10240x128xf32, #tpu.memory_space<vmem_shared>> -> memref<10240x128xf32, #tpu.memory_space<vmem_shared>>
        tpu.wait_indirect_dma semaphore(%arg12 : memref<!tpu.dma_semaphore, #tpu.memory_space<semaphore_mem>>) src(%dma_wait3A_160 : memref<128x128xf32, #tpu.memory_space<vmem>>) dst(%dma_wait3A_166 : memref<10240x128xf32, #tpu.memory_space<vmem_shared>>)
      } else {
      }
      %eq3A_130 = arith.constant 0 : i32
      %eq3A_131 = arith.cmpi eq, %rem3A_104, %eq3A_130 : i32
      %gt3A_132 = arith.constant 0 : i32
      %gt3A_133 = arith.cmpi sgt, %add3A_102, %gt3A_132 : i32
      %and3A_134 = arith.andi %eq3A_131, %gt3A_133 : i1
      %convert_element_type3A_135 = arith.extui %and3A_134 : i1 to i32
      %cond3A_136 = arith.constant 0 : i32
      %cond3A_137 = arith.cmpi ne, %convert_element_type3A_135, %cond3A_136 : i32
      scf.if %cond3A_137 {
        %add3A_155 = arith.addi %multiple_of3A, %add3A_102 : i32
        %multiple_of3A_156 = tpu.assume_multiple %add3A_155, 8 : i32
        "tpu.region"() ({
          %run_scoped3A = tpu.sem_alloc : memref<!tpu.dma_semaphore, #tpu.memory_space<semaphore_mem>>
          %dma_start3A_157 = arith.constant 0 : i32
          %dma_start3A_158 = tpu.memref_slice %arg4[%multiple_of3A_156, %dma_start3A_157] : memref<2560x128xi32, #tpu.memory_space<hbm>> -> memref<40x128xi32, #tpu.memory_space<hbm>>
          %dma_start3A_159 = arith.constant 0 : i32
          %dma_start3A_160 = tpu.memref_slice %arg4[%multiple_of3A_156, %dma_start3A_159] : memref<2560x128xi32, #tpu.memory_space<hbm>> -> memref<40x128xi32, #tpu.memory_space<hbm>>
          tpu.enqueue_dma source(%dma_start3A_160 : memref<40x128xi32, #tpu.memory_space<hbm>>) target(%arg10 : memref<40x128xi32, #tpu.memory_space<vmem>>) target_semaphore(%run_scoped3A : memref<!tpu.dma_semaphore, #tpu.memory_space<semaphore_mem>>)
          %dma_wait3A_161 = arith.constant 0 : i32
          %dma_wait3A_162 = tpu.memref_slice %arg4[%multiple_of3A_156, %dma_wait3A_161] : memref<2560x128xi32, #tpu.memory_space<hbm>> -> memref<40x128xi32, #tpu.memory_space<hbm>>
          %dma_wait3A_163 = arith.constant 0 : i32
          %dma_wait3A_164 = tpu.memref_slice %arg4[%multiple_of3A_156, %dma_wait3A_163] : memref<2560x128xi32, #tpu.memory_space<hbm>> -> memref<40x128xi32, #tpu.memory_space<hbm>>
          tpu.wait_dma2 semaphore(%run_scoped3A : memref<!tpu.dma_semaphore, #tpu.memory_space<semaphore_mem>>) src(%dma_wait3A_164 : memref<40x128xi32, #tpu.memory_space<hbm>>) dst(%arg10 : memref<40x128xi32, #tpu.memory_space<vmem>>)
          tpu.yield
        }) : () -> ()
      } else {
      }
      %dma_start3A_138 = arith.constant 1 : i32
      %dma_start3A_139 = arith.constant 0 : i32
      %dma_start3A_140 = arith.constant 0 : i32
      %dma_start3A_141 = tpu.memref_slice %arg8[%dma_start3A_138, %dma_start3A_139, %dma_start3A_140] : memref<2x128x128xf32, #tpu.memory_space<vmem>> -> memref<1x128x128xf32, #tpu.memory_space<vmem>>
      %dma_start3A_142 = tpu.memref_squeeze %dma_start3A_141 : memref<1x128x128xf32, #tpu.memory_space<vmem>> -> memref<128x128xf32, #tpu.memory_space<vmem>>
      %dma_start3A_143 = arith.constant 0 : i32
      %dma_start3A_144 = tpu.memref_slice %arg10[%rem3A_104, %dma_start3A_143] : memref<40x128xi32, #tpu.memory_space<vmem>> -> memref<1x128xi32, #tpu.memory_space<vmem>>
      %dma_start3A_145 = tpu.memref_squeeze %dma_start3A_144 : memref<1x128xi32, #tpu.memory_space<vmem>> -> memref<128xi32, #tpu.memory_space<vmem>>
      %dma_start3A_146 = arith.constant 0 : i32
      %dma_start3A_147 = arith.constant 0 : i32
      %dma_start3A_148 = tpu.memref_slice %arg7[%dma_start3A_146, %dma_start3A_147] : memref<10240x128xf32, #tpu.memory_space<vmem_shared>> -> memref<10240x128xf32, #tpu.memory_space<vmem_shared>>
      tpu.enqueue_indirect_dma source(%dma_start3A_142 : memref<128x128xf32, #tpu.memory_space<vmem>>) target(%dma_start3A_148 : memref<10240x128xf32, #tpu.memory_space<vmem_shared>>) offsets(%dma_start3A_145 : memref<128xi32, #tpu.memory_space<vmem>>) semaphore(%arg12 : memref<!tpu.dma_semaphore, #tpu.memory_space<semaphore_mem>>) {add = true}
      %add3A_149 = arith.constant 1 : i32
      %add3A_150 = arith.addi %add3A_102, %add3A_149 : i32
      %lt3A_151 = arith.cmpi slt, %add3A_150, %select_n3A_6 : i32
      %convert_element_type3A_152 = arith.extui %lt3A_151 : i1 to i32
      %cond3A_153 = arith.constant 0 : i32
      %cond3A_154 = arith.cmpi ne, %convert_element_type3A_152, %cond3A_153 : i32
      scf.if %cond3A_154 {
        %add3A_155 = arith.constant 1 : i32
        %add3A_156 = arith.addi %add3A_102, %add3A_155 : i32
        %rem3A_157 = arith.constant 40 : i32
        %rem3A_158 = arith.remsi %add3A_156, %rem3A_157 : i32
        %dma_start3A_159 = arith.constant 0 : i32
        %dma_start3A_160 = arith.constant 0 : i32
        %dma_start3A_161 = arith.constant 0 : i32
        %dma_start3A_162 = tpu.memref_slice %arg8[%dma_start3A_159, %dma_start3A_160, %dma_start3A_161] : memref<2x128x128xf32, #tpu.memory_space<vmem>> -> memref<1x128x128xf32, #tpu.memory_space<vmem>>
        %dma_start3A_163 = tpu.memref_squeeze %dma_start3A_162 : memref<1x128x128xf32, #tpu.memory_space<vmem>> -> memref<128x128xf32, #tpu.memory_space<vmem>>
        %dma_start3A_164 = arith.constant 0 : i32
        %dma_start3A_165 = tpu.memref_slice %arg9[%rem3A_158, %dma_start3A_164] : memref<40x128xi32, #tpu.memory_space<vmem>> -> memref<1x128xi32, #tpu.memory_space<vmem>>
        %dma_start3A_166 = tpu.memref_squeeze %dma_start3A_165 : memref<1x128xi32, #tpu.memory_space<vmem>> -> memref<128xi32, #tpu.memory_space<vmem>>
        %dma_start3A_167 = arith.constant 0 : i32
        %dma_start3A_168 = arith.constant 0 : i32
        %dma_start3A_169 = tpu.memref_slice %arg2[%dma_start3A_167, %dma_start3A_168] : memref<10000x128xf32, #tpu.memory_space<hbm>> -> memref<10000x128xf32, #tpu.memory_space<hbm>>
        tpu.enqueue_indirect_dma source(%dma_start3A_169 : memref<10000x128xf32, #tpu.memory_space<hbm>>) target(%dma_start3A_163 : memref<128x128xf32, #tpu.memory_space<vmem>>) offsets(%dma_start3A_166 : memref<128xi32, #tpu.memory_space<vmem>>) semaphore(%arg11 : memref<!tpu.dma_semaphore, #tpu.memory_space<semaphore_mem>>)
      } else {
      }
    }
    %dma_wait3A = arith.constant 1 : i32
    %dma_wait3A_32 = arith.constant 0 : i32
    %dma_wait3A_33 = arith.constant 0 : i32
    %dma_wait3A_34 = arith.constant 0 : i32
    %dma_wait3A_35 = tpu.memref_slice %arg8[%dma_wait3A, %dma_wait3A_33, %dma_wait3A_34] : memref<2x128x128xf32, #tpu.memory_space<vmem>> -> memref<1x128x128xf32, #tpu.memory_space<vmem>>
    %dma_wait3A_36 = tpu.memref_squeeze %dma_wait3A_35 : memref<1x128x128xf32, #tpu.memory_space<vmem>> -> memref<128x128xf32, #tpu.memory_space<vmem>>
    %dma_wait3A_37 = arith.constant 0 : i32
    %dma_wait3A_38 = tpu.memref_slice %arg10[%dma_wait3A_32, %dma_wait3A_37] : memref<40x128xi32, #tpu.memory_space<vmem>> -> memref<1x128xi32, #tpu.memory_space<vmem>>
    %dma_wait3A_39 = tpu.memref_squeeze %dma_wait3A_38 : memref<1x128xi32, #tpu.memory_space<vmem>> -> memref<128xi32, #tpu.memory_space<vmem>>
    %dma_wait3A_40 = arith.constant 0 : i32
    %dma_wait3A_41 = arith.constant 0 : i32
    %dma_wait3A_42 = tpu.memref_slice %arg7[%dma_wait3A_40, %dma_wait3A_41] : memref<10240x128xf32, #tpu.memory_space<vmem_shared>> -> memref<10240x128xf32, #tpu.memory_space<vmem_shared>>
    tpu.wait_indirect_dma semaphore(%arg12 : memref<!tpu.dma_semaphore, #tpu.memory_space<semaphore_mem>>) src(%dma_wait3A_36 : memref<128x128xf32, #tpu.memory_space<vmem>>) dst(%dma_wait3A_42 : memref<10240x128xf32, #tpu.memory_space<vmem_shared>>)
    %barrier3A_43 = arith.constant 0 : index
    tpu.barrier barrier_id(%barrier3A_43)
    %mul3A_44 = arith.constant 640 : i32
    %mul3A_45 = arith.muli %arg1, %mul3A_44 : i32
    %mul3A_46 = arith.constant 640 : i32
    %mul3A_47 = arith.muli %arg1, %mul3A_46 : i32
    "tpu.region"() ({
      %run_scoped3A = tpu.sem_alloc : memref<!tpu.dma_semaphore, #tpu.memory_space<semaphore_mem>>
      %dma_start3A_48 = arith.constant 0 : i32
      %dma_start3A_49 = tpu.memref_slice %arg6[%arg0, %mul3A_47, %dma_start3A_48] : memref<2x10240x128xf32, #tpu.memory_space<hbm>> -> memref<1x640x128xf32, #tpu.memory_space<hbm>>
      %dma_start3A_50 = tpu.memref_squeeze %dma_start3A_49 : memref<1x640x128xf32, #tpu.memory_space<hbm>> -> memref<640x128xf32, #tpu.memory_space<hbm>>
      %dma_start3A_51 = arith.constant 0 : i32
      %dma_start3A_52 = tpu.memref_slice %arg7[%mul3A_45, %dma_start3A_51] : memref<10240x128xf32, #tpu.memory_space<vmem_shared>> -> memref<640x128xf32, #tpu.memory_space<vmem_shared>>
      tpu.enqueue_dma source(%dma_start3A_52 : memref<640x128xf32, #tpu.memory_space<vmem_shared>>) target(%dma_start3A_50 : memref<640x128xf32, #tpu.memory_space<hbm>>) target_semaphore(%run_scoped3A : memref<!tpu.dma_semaphore, #tpu.memory_space<semaphore_mem>>)
      %dma_wait3A_53 = arith.constant 0 : i32
      %dma_wait3A_54 = tpu.memref_slice %arg6[%arg0, %mul3A_47, %dma_wait3A_53] : memref<2x10240x128xf32, #tpu.memory_space<hbm>> -> memref<1x640x128xf32, #tpu.memory_space<hbm>>
      %dma_wait3A_55 = tpu.memref_squeeze %dma_wait3A_54 : memref<1x640x128xf32, #tpu.memory_space<hbm>> -> memref<640x128xf32, #tpu.memory_space<hbm>>
      %dma_wait3A_56 = arith.constant 0 : i32
      %dma_wait3A_57 = tpu.memref_slice %arg7[%mul3A_45, %dma_wait3A_56] : memref<10240x128xf32, #tpu.memory_space<vmem_shared>> -> memref<640x128xf32, #tpu.memory_space<vmem_shared>>
      tpu.wait_dma2 semaphore(%run_scoped3A : memref<!tpu.dma_semaphore, #tpu.memory_space<semaphore_mem>>) src(%dma_wait3A_57 : memref<640x128xf32, #tpu.memory_space<vmem_shared>>) dst(%dma_wait3A_55 : memref<640x128xf32, #tpu.memory_space<hbm>>)
      tpu.yield
    }) : () -> ()
    return
  }
}

#map = affine_map<(d0, d1) -> (0, 0)>
#map1 = affine_map<(d0, d1) -> (0, 0, 0)>
module attributes {stable_mosaic.version = 14 : i64} {
  func.func @_agg_body(%arg0: i32, %arg1: i32, %arg2: memref<10000x128xf32, #tpu.memory_space<hbm>>, %arg3: memref<2560x128xi32, #tpu.memory_space<hbm>>, %arg4: memref<2560x128xi32, #tpu.memory_space<hbm>>, %arg5: memref<10240x128xf32, #tpu.memory_space<hbm>>, %arg6: memref<2x10240x128xf32, #tpu.memory_space<hbm>>, %arg7: memref<10240x128xf32, #tpu.memory_space<vmem_shared>>, %arg8: memref<2x128x128xf32, #tpu.memory_space<vmem>>, %arg9: memref<40x128xi32, #tpu.memory_space<vmem>>, %arg10: memref<40x128xi32, #tpu.memory_space<vmem>>, %arg11: memref<!tpu.dma_semaphore, #tpu.memory_space<semaphore_mem>>, %arg12: memref<!tpu.dma_semaphore, #tpu.memory_space<semaphore_mem>>) attributes {dimension_semantics = [#tpu.dimension_semantics<core_parallel>, #tpu.dimension_semantics<subcore_parallel>], iteration_bounds = array<i64: 2, 16>, scalar_prefetch = 0 : i64, scratch_operands = 6 : i64, tpu.core_type = #tpu.core_type<sc_vector_subcore>, window_params = [{transform_indices = #map}, {transform_indices = #map}, {transform_indices = #map}, {transform_indices = #map}, {transform_indices = #map1}]} {
    %eq3A = arith.constant 1 : i32
    %eq3A_0 = arith.cmpi eq, %arg0, %eq3A : i32
    %mul3A = arith.constant 152 : i32
    %mul3A_1 = arith.muli %arg1, %mul3A : i32
    %mul3A_2 = arith.constant 8 : i32
    %mul3A_3 = arith.muli %arg1, %mul3A_2 : i32
    %add3A = arith.constant 2432 : i32
    %add3A_4 = arith.addi %add3A, %mul3A_3 : i32
    %select_n3A = arith.select %eq3A_0, %mul3A_1, %add3A_4 : i32
    %multiple_of3A = tpu.assume_multiple %select_n3A, 8 : i32
    %jit3A = arith.constant 152 : i32
    %jit3A_5 = arith.constant 8 : i32
    %select_n3A_6 = arith.select %eq3A_0, %jit3A, %jit3A_5 : i32
    %mul3A_7 = arith.constant 640 : i32
    %mul3A_8 = arith.muli %arg1, %mul3A_7 : i32
    %mul3A_9 = arith.constant 640 : i32
    %mul3A_10 = arith.muli %arg1, %mul3A_9 : i32
    "tpu.region"() ({
      %run_scoped3A = tpu.sem_alloc : memref<!tpu.dma_semaphore, #tpu.memory_space<semaphore_mem>>
      %dma_start3A_48 = arith.constant 0 : i32
      %dma_start3A_49 = tpu.memref_slice %arg7[%mul3A_10, %dma_start3A_48] : memref<10240x128xf32, #tpu.memory_space<vmem_shared>> -> memref<640x128xf32, #tpu.memory_space<vmem_shared>>
      %dma_start3A_50 = arith.constant 0 : i32
      %dma_start3A_51 = tpu.memref_slice %arg5[%mul3A_8, %dma_start3A_50] : memref<10240x128xf32, #tpu.memory_space<hbm>> -> memref<640x128xf32, #tpu.memory_space<hbm>>
      tpu.enqueue_dma source(%dma_start3A_51 : memref<640x128xf32, #tpu.memory_space<hbm>>) target(%dma_start3A_49 : memref<640x128xf32, #tpu.memory_space<vmem_shared>>) target_semaphore(%run_scoped3A : memref<!tpu.dma_semaphore, #tpu.memory_space<semaphore_mem>>)
      %dma_wait3A_52 = arith.constant 0 : i32
      %dma_wait3A_53 = tpu.memref_slice %arg7[%mul3A_10, %dma_wait3A_52] : memref<10240x128xf32, #tpu.memory_space<vmem_shared>> -> memref<640x128xf32, #tpu.memory_space<vmem_shared>>
      %dma_wait3A_54 = arith.constant 0 : i32
      %dma_wait3A_55 = tpu.memref_slice %arg5[%mul3A_8, %dma_wait3A_54] : memref<10240x128xf32, #tpu.memory_space<hbm>> -> memref<640x128xf32, #tpu.memory_space<hbm>>
      tpu.wait_dma2 semaphore(%run_scoped3A : memref<!tpu.dma_semaphore, #tpu.memory_space<semaphore_mem>>) src(%dma_wait3A_55 : memref<640x128xf32, #tpu.memory_space<hbm>>) dst(%dma_wait3A_53 : memref<640x128xf32, #tpu.memory_space<vmem_shared>>)
      tpu.yield
    }) : () -> ()
    "tpu.region"() ({
      %run_scoped3A = tpu.sem_alloc : memref<!tpu.dma_semaphore, #tpu.memory_space<semaphore_mem>>
      %dma_start3A_48 = arith.constant 0 : i32
      %dma_start3A_49 = tpu.memref_slice %arg3[%multiple_of3A, %dma_start3A_48] : memref<2560x128xi32, #tpu.memory_space<hbm>> -> memref<40x128xi32, #tpu.memory_space<hbm>>
      %dma_start3A_50 = arith.constant 0 : i32
      %dma_start3A_51 = tpu.memref_slice %arg3[%multiple_of3A, %dma_start3A_50] : memref<2560x128xi32, #tpu.memory_space<hbm>> -> memref<40x128xi32, #tpu.memory_space<hbm>>
      tpu.enqueue_dma source(%dma_start3A_51 : memref<40x128xi32, #tpu.memory_space<hbm>>) target(%arg9 : memref<40x128xi32, #tpu.memory_space<vmem>>) target_semaphore(%run_scoped3A : memref<!tpu.dma_semaphore, #tpu.memory_space<semaphore_mem>>)
      %dma_wait3A_52 = arith.constant 0 : i32
      %dma_wait3A_53 = tpu.memref_slice %arg3[%multiple_of3A, %dma_wait3A_52] : memref<2560x128xi32, #tpu.memory_space<hbm>> -> memref<40x128xi32, #tpu.memory_space<hbm>>
      %dma_wait3A_54 = arith.constant 0 : i32
      %dma_wait3A_55 = tpu.memref_slice %arg3[%multiple_of3A, %dma_wait3A_54] : memref<2560x128xi32, #tpu.memory_space<hbm>> -> memref<40x128xi32, #tpu.memory_space<hbm>>
      tpu.wait_dma2 semaphore(%run_scoped3A : memref<!tpu.dma_semaphore, #tpu.memory_space<semaphore_mem>>) src(%dma_wait3A_55 : memref<40x128xi32, #tpu.memory_space<hbm>>) dst(%arg9 : memref<40x128xi32, #tpu.memory_space<vmem>>)
      tpu.yield
    }) : () -> ()
    "tpu.region"() ({
      %run_scoped3A = tpu.sem_alloc : memref<!tpu.dma_semaphore, #tpu.memory_space<semaphore_mem>>
      %dma_start3A_48 = arith.constant 0 : i32
      %dma_start3A_49 = tpu.memref_slice %arg4[%multiple_of3A, %dma_start3A_48] : memref<2560x128xi32, #tpu.memory_space<hbm>> -> memref<40x128xi32, #tpu.memory_space<hbm>>
      %dma_start3A_50 = arith.constant 0 : i32
      %dma_start3A_51 = tpu.memref_slice %arg4[%multiple_of3A, %dma_start3A_50] : memref<2560x128xi32, #tpu.memory_space<hbm>> -> memref<40x128xi32, #tpu.memory_space<hbm>>
      tpu.enqueue_dma source(%dma_start3A_51 : memref<40x128xi32, #tpu.memory_space<hbm>>) target(%arg10 : memref<40x128xi32, #tpu.memory_space<vmem>>) target_semaphore(%run_scoped3A : memref<!tpu.dma_semaphore, #tpu.memory_space<semaphore_mem>>)
      %dma_wait3A_52 = arith.constant 0 : i32
      %dma_wait3A_53 = tpu.memref_slice %arg4[%multiple_of3A, %dma_wait3A_52] : memref<2560x128xi32, #tpu.memory_space<hbm>> -> memref<40x128xi32, #tpu.memory_space<hbm>>
      %dma_wait3A_54 = arith.constant 0 : i32
      %dma_wait3A_55 = tpu.memref_slice %arg4[%multiple_of3A, %dma_wait3A_54] : memref<2560x128xi32, #tpu.memory_space<hbm>> -> memref<40x128xi32, #tpu.memory_space<hbm>>
      tpu.wait_dma2 semaphore(%run_scoped3A : memref<!tpu.dma_semaphore, #tpu.memory_space<semaphore_mem>>) src(%dma_wait3A_55 : memref<40x128xi32, #tpu.memory_space<hbm>>) dst(%arg10 : memref<40x128xi32, #tpu.memory_space<vmem>>)
      tpu.yield
    }) : () -> ()
    %barrier3A = arith.constant 0 : index
    tpu.barrier barrier_id(%barrier3A)
    %dma_start3A = arith.constant 0 : i32
    %dma_start3A_11 = arith.constant 0 : i32
    %dma_start3A_12 = arith.constant 0 : i32
    %dma_start3A_13 = arith.constant 0 : i32
    %dma_start3A_14 = tpu.memref_slice %arg8[%dma_start3A_11, %dma_start3A_12, %dma_start3A_13] : memref<2x128x128xf32, #tpu.memory_space<vmem>> -> memref<1x128x128xf32, #tpu.memory_space<vmem>>
    %dma_start3A_15 = tpu.memref_squeeze %dma_start3A_14 : memref<1x128x128xf32, #tpu.memory_space<vmem>> -> memref<128x128xf32, #tpu.memory_space<vmem>>
    %dma_start3A_16 = arith.constant 0 : i32
    %dma_start3A_17 = tpu.memref_slice %arg9[%dma_start3A, %dma_start3A_16] : memref<40x128xi32, #tpu.memory_space<vmem>> -> memref<1x128xi32, #tpu.memory_space<vmem>>
    %dma_start3A_18 = tpu.memref_squeeze %dma_start3A_17 : memref<1x128xi32, #tpu.memory_space<vmem>> -> memref<128xi32, #tpu.memory_space<vmem>>
    %dma_start3A_19 = arith.constant 0 : i32
    %dma_start3A_20 = arith.constant 0 : i32
    %dma_start3A_21 = tpu.memref_slice %arg2[%dma_start3A_19, %dma_start3A_20] : memref<10000x128xf32, #tpu.memory_space<hbm>> -> memref<10000x128xf32, #tpu.memory_space<hbm>>
    tpu.enqueue_indirect_dma source(%dma_start3A_21 : memref<10000x128xf32, #tpu.memory_space<hbm>>) target(%dma_start3A_15 : memref<128x128xf32, #tpu.memory_space<vmem>>) offsets(%dma_start3A_18 : memref<128xi32, #tpu.memory_space<vmem>>) semaphore(%arg11 : memref<!tpu.dma_semaphore, #tpu.memory_space<semaphore_mem>>)
    %div3A = arith.constant 2 : i32
    %div3A_22 = arith.divsi %select_n3A_6, %div3A : i32
    %while3A = arith.constant 0 : i32
    %while3A_23 = arith.constant 0 : i32
    %while3A_24 = arith.subi %div3A_22, %while3A_23 : i32
    %while3A_25 = arith.addi %while3A_23, %while3A_24 : i32
    %while3A_26 = arith.constant 1 : i32
    %while3A_27 = arith.divsi %while3A_24, %while3A_26 : i32
    %while3A_28 = arith.muli %while3A_27, %while3A_26 : i32
    %while3A_29 = arith.addi %while3A_23, %while3A_28 : i32
    %while3A_30 = arith.constant 1 : i32
    scf.for %while3A_48 = %while3A_23 to %while3A_29 step %while3A_30  : i32 {
      %mul3A_49 = arith.constant 2 : i32
      %mul3A_50 = arith.muli %while3A_48, %mul3A_49 : i32
      %add3A_51 = arith.constant 0 : i32
      %add3A_52 = arith.addi %mul3A_50, %add3A_51 : i32
      %rem3A = arith.constant 40 : i32
      %rem3A_53 = arith.remsi %add3A_52, %rem3A : i32
      %dma_wait3A_54 = arith.constant 0 : i32
      %dma_wait3A_55 = arith.constant 0 : i32
      %dma_wait3A_56 = arith.constant 0 : i32
      %dma_wait3A_57 = tpu.memref_slice %arg8[%dma_wait3A_54, %dma_wait3A_55, %dma_wait3A_56] : memref<2x128x128xf32, #tpu.memory_space<vmem>> -> memref<1x128x128xf32, #tpu.memory_space<vmem>>
      %dma_wait3A_58 = tpu.memref_squeeze %dma_wait3A_57 : memref<1x128x128xf32, #tpu.memory_space<vmem>> -> memref<128x128xf32, #tpu.memory_space<vmem>>
      %dma_wait3A_59 = arith.constant 0 : i32
      %dma_wait3A_60 = tpu.memref_slice %arg9[%rem3A_53, %dma_wait3A_59] : memref<40x128xi32, #tpu.memory_space<vmem>> -> memref<1x128xi32, #tpu.memory_space<vmem>>
      %dma_wait3A_61 = tpu.memref_squeeze %dma_wait3A_60 : memref<1x128xi32, #tpu.memory_space<vmem>> -> memref<128xi32, #tpu.memory_space<vmem>>
      %dma_wait3A_62 = arith.constant 0 : i32
      %dma_wait3A_63 = arith.constant 0 : i32
      %dma_wait3A_64 = tpu.memref_slice %arg2[%dma_wait3A_62, %dma_wait3A_63] : memref<10000x128xf32, #tpu.memory_space<hbm>> -> memref<10000x128xf32, #tpu.memory_space<hbm>>
      tpu.wait_indirect_dma semaphore(%arg11 : memref<!tpu.dma_semaphore, #tpu.memory_space<semaphore_mem>>) src(%dma_wait3A_64 : memref<10000x128xf32, #tpu.memory_space<hbm>>) dst(%dma_wait3A_58 : memref<128x128xf32, #tpu.memory_space<vmem>>)
      %eq3A_65 = arith.constant 39 : i32
      %eq3A_66 = arith.cmpi eq, %rem3A_53, %eq3A_65 : i32
      %add3A_67 = arith.constant 1 : i32
      %add3A_68 = arith.addi %add3A_52, %add3A_67 : i32
      %lt3A = arith.cmpi slt, %add3A_68, %select_n3A_6 : i32
      %and3A = arith.andi %eq3A_66, %lt3A : i1
      %convert_element_type3A = arith.extui %and3A : i1 to i32
      %cond3A = arith.constant 0 : i32
      %cond3A_69 = arith.cmpi ne, %convert_element_type3A, %cond3A : i32
      scf.if %cond3A_69 {
        %add3A_155 = arith.addi %multiple_of3A, %add3A_52 : i32
        %add3A_156 = arith.constant 1 : i32
        %add3A_157 = arith.addi %add3A_155, %add3A_156 : i32
        %multiple_of3A_158 = tpu.assume_multiple %add3A_157, 8 : i32
        "tpu.region"() ({
          %run_scoped3A = tpu.sem_alloc : memref<!tpu.dma_semaphore, #tpu.memory_space<semaphore_mem>>
          %dma_start3A_159 = arith.constant 0 : i32
          %dma_start3A_160 = tpu.memref_slice %arg3[%multiple_of3A_158, %dma_start3A_159] : memref<2560x128xi32, #tpu.memory_space<hbm>> -> memref<40x128xi32, #tpu.memory_space<hbm>>
          %dma_start3A_161 = arith.constant 0 : i32
          %dma_start3A_162 = tpu.memref_slice %arg3[%multiple_of3A_158, %dma_start3A_161] : memref<2560x128xi32, #tpu.memory_space<hbm>> -> memref<40x128xi32, #tpu.memory_space<hbm>>
          tpu.enqueue_dma source(%dma_start3A_162 : memref<40x128xi32, #tpu.memory_space<hbm>>) target(%arg9 : memref<40x128xi32, #tpu.memory_space<vmem>>) target_semaphore(%run_scoped3A : memref<!tpu.dma_semaphore, #tpu.memory_space<semaphore_mem>>)
          %dma_wait3A_163 = arith.constant 0 : i32
          %dma_wait3A_164 = tpu.memref_slice %arg3[%multiple_of3A_158, %dma_wait3A_163] : memref<2560x128xi32, #tpu.memory_space<hbm>> -> memref<40x128xi32, #tpu.memory_space<hbm>>
          %dma_wait3A_165 = arith.constant 0 : i32
          %dma_wait3A_166 = tpu.memref_slice %arg3[%multiple_of3A_158, %dma_wait3A_165] : memref<2560x128xi32, #tpu.memory_space<hbm>> -> memref<40x128xi32, #tpu.memory_space<hbm>>
          tpu.wait_dma2 semaphore(%run_scoped3A : memref<!tpu.dma_semaphore, #tpu.memory_space<semaphore_mem>>) src(%dma_wait3A_166 : memref<40x128xi32, #tpu.memory_space<hbm>>) dst(%arg9 : memref<40x128xi32, #tpu.memory_space<vmem>>)
          tpu.yield
        }) : () -> ()
      } else {
      }
      %gt3A = arith.constant 0 : i32
      %gt3A_70 = arith.cmpi sgt, %add3A_52, %gt3A : i32
      %convert_element_type3A_71 = arith.extui %gt3A_70 : i1 to i32
      %cond3A_72 = arith.constant 0 : i32
      %cond3A_73 = arith.cmpi ne, %convert_element_type3A_71, %cond3A_72 : i32
      scf.if %cond3A_73 {
        %dma_wait3A_155 = arith.constant 1 : i32
        %dma_wait3A_156 = arith.constant 0 : i32
        %dma_wait3A_157 = arith.constant 0 : i32
        %dma_wait3A_158 = arith.constant 0 : i32
        %dma_wait3A_159 = tpu.memref_slice %arg8[%dma_wait3A_155, %dma_wait3A_157, %dma_wait3A_158] : memref<2x128x128xf32, #tpu.memory_space<vmem>> -> memref<1x128x128xf32, #tpu.memory_space<vmem>>
        %dma_wait3A_160 = tpu.memref_squeeze %dma_wait3A_159 : memref<1x128x128xf32, #tpu.memory_space<vmem>> -> memref<128x128xf32, #tpu.memory_space<vmem>>
        %dma_wait3A_161 = arith.constant 0 : i32
        %dma_wait3A_162 = tpu.memref_slice %arg10[%dma_wait3A_156, %dma_wait3A_161] : memref<40x128xi32, #tpu.memory_space<vmem>> -> memref<1x128xi32, #tpu.memory_space<vmem>>
        %dma_wait3A_163 = tpu.memref_squeeze %dma_wait3A_162 : memref<1x128xi32, #tpu.memory_space<vmem>> -> memref<128xi32, #tpu.memory_space<vmem>>
        %dma_wait3A_164 = arith.constant 0 : i32
        %dma_wait3A_165 = arith.constant 0 : i32
        %dma_wait3A_166 = tpu.memref_slice %arg7[%dma_wait3A_164, %dma_wait3A_165] : memref<10240x128xf32, #tpu.memory_space<vmem_shared>> -> memref<10240x128xf32, #tpu.memory_space<vmem_shared>>
        tpu.wait_indirect_dma semaphore(%arg12 : memref<!tpu.dma_semaphore, #tpu.memory_space<semaphore_mem>>) src(%dma_wait3A_160 : memref<128x128xf32, #tpu.memory_space<vmem>>) dst(%dma_wait3A_166 : memref<10240x128xf32, #tpu.memory_space<vmem_shared>>)
      } else {
      }
      %eq3A_74 = arith.constant 0 : i32
      %eq3A_75 = arith.cmpi eq, %rem3A_53, %eq3A_74 : i32
      %gt3A_76 = arith.constant 0 : i32
      %gt3A_77 = arith.cmpi sgt, %add3A_52, %gt3A_76 : i32
      %and3A_78 = arith.andi %eq3A_75, %gt3A_77 : i1
      %convert_element_type3A_79 = arith.extui %and3A_78 : i1 to i32
      %cond3A_80 = arith.constant 0 : i32
      %cond3A_81 = arith.cmpi ne, %convert_element_type3A_79, %cond3A_80 : i32
      scf.if %cond3A_81 {
        %add3A_155 = arith.addi %multiple_of3A, %add3A_52 : i32
        %multiple_of3A_156 = tpu.assume_multiple %add3A_155, 8 : i32
        "tpu.region"() ({
          %run_scoped3A = tpu.sem_alloc : memref<!tpu.dma_semaphore, #tpu.memory_space<semaphore_mem>>
          %dma_start3A_157 = arith.constant 0 : i32
          %dma_start3A_158 = tpu.memref_slice %arg4[%multiple_of3A_156, %dma_start3A_157] : memref<2560x128xi32, #tpu.memory_space<hbm>> -> memref<40x128xi32, #tpu.memory_space<hbm>>
          %dma_start3A_159 = arith.constant 0 : i32
          %dma_start3A_160 = tpu.memref_slice %arg4[%multiple_of3A_156, %dma_start3A_159] : memref<2560x128xi32, #tpu.memory_space<hbm>> -> memref<40x128xi32, #tpu.memory_space<hbm>>
          tpu.enqueue_dma source(%dma_start3A_160 : memref<40x128xi32, #tpu.memory_space<hbm>>) target(%arg10 : memref<40x128xi32, #tpu.memory_space<vmem>>) target_semaphore(%run_scoped3A : memref<!tpu.dma_semaphore, #tpu.memory_space<semaphore_mem>>)
          %dma_wait3A_161 = arith.constant 0 : i32
          %dma_wait3A_162 = tpu.memref_slice %arg4[%multiple_of3A_156, %dma_wait3A_161] : memref<2560x128xi32, #tpu.memory_space<hbm>> -> memref<40x128xi32, #tpu.memory_space<hbm>>
          %dma_wait3A_163 = arith.constant 0 : i32
          %dma_wait3A_164 = tpu.memref_slice %arg4[%multiple_of3A_156, %dma_wait3A_163] : memref<2560x128xi32, #tpu.memory_space<hbm>> -> memref<40x128xi32, #tpu.memory_space<hbm>>
          tpu.wait_dma2 semaphore(%run_scoped3A : memref<!tpu.dma_semaphore, #tpu.memory_space<semaphore_mem>>) src(%dma_wait3A_164 : memref<40x128xi32, #tpu.memory_space<hbm>>) dst(%arg10 : memref<40x128xi32, #tpu.memory_space<vmem>>)
          tpu.yield
        }) : () -> ()
      } else {
      }
      %dma_start3A_82 = arith.constant 0 : i32
      %dma_start3A_83 = arith.constant 0 : i32
      %dma_start3A_84 = arith.constant 0 : i32
      %dma_start3A_85 = tpu.memref_slice %arg8[%dma_start3A_82, %dma_start3A_83, %dma_start3A_84] : memref<2x128x128xf32, #tpu.memory_space<vmem>> -> memref<1x128x128xf32, #tpu.memory_space<vmem>>
      %dma_start3A_86 = tpu.memref_squeeze %dma_start3A_85 : memref<1x128x128xf32, #tpu.memory_space<vmem>> -> memref<128x128xf32, #tpu.memory_space<vmem>>
      %dma_start3A_87 = arith.constant 0 : i32
      %dma_start3A_88 = tpu.memref_slice %arg10[%rem3A_53, %dma_start3A_87] : memref<40x128xi32, #tpu.memory_space<vmem>> -> memref<1x128xi32, #tpu.memory_space<vmem>>
      %dma_start3A_89 = tpu.memref_squeeze %dma_start3A_88 : memref<1x128xi32, #tpu.memory_space<vmem>> -> memref<128xi32, #tpu.memory_space<vmem>>
      %dma_start3A_90 = arith.constant 0 : i32
      %dma_start3A_91 = arith.constant 0 : i32
      %dma_start3A_92 = tpu.memref_slice %arg7[%dma_start3A_90, %dma_start3A_91] : memref<10240x128xf32, #tpu.memory_space<vmem_shared>> -> memref<10240x128xf32, #tpu.memory_space<vmem_shared>>
      tpu.enqueue_indirect_dma source(%dma_start3A_86 : memref<128x128xf32, #tpu.memory_space<vmem>>) target(%dma_start3A_92 : memref<10240x128xf32, #tpu.memory_space<vmem_shared>>) offsets(%dma_start3A_89 : memref<128xi32, #tpu.memory_space<vmem>>) semaphore(%arg12 : memref<!tpu.dma_semaphore, #tpu.memory_space<semaphore_mem>>) {add = true}
      %add3A_93 = arith.constant 1 : i32
      %add3A_94 = arith.addi %add3A_52, %add3A_93 : i32
      %lt3A_95 = arith.cmpi slt, %add3A_94, %select_n3A_6 : i32
      %convert_element_type3A_96 = arith.extui %lt3A_95 : i1 to i32
      %cond3A_97 = arith.constant 0 : i32
      %cond3A_98 = arith.cmpi ne, %convert_element_type3A_96, %cond3A_97 : i32
      scf.if %cond3A_98 {
        %add3A_155 = arith.constant 1 : i32
        %add3A_156 = arith.addi %add3A_52, %add3A_155 : i32
        %rem3A_157 = arith.constant 40 : i32
        %rem3A_158 = arith.remsi %add3A_156, %rem3A_157 : i32
        %dma_start3A_159 = arith.constant 1 : i32
        %dma_start3A_160 = arith.constant 0 : i32
        %dma_start3A_161 = arith.constant 0 : i32
        %dma_start3A_162 = tpu.memref_slice %arg8[%dma_start3A_159, %dma_start3A_160, %dma_start3A_161] : memref<2x128x128xf32, #tpu.memory_space<vmem>> -> memref<1x128x128xf32, #tpu.memory_space<vmem>>
        %dma_start3A_163 = tpu.memref_squeeze %dma_start3A_162 : memref<1x128x128xf32, #tpu.memory_space<vmem>> -> memref<128x128xf32, #tpu.memory_space<vmem>>
        %dma_start3A_164 = arith.constant 0 : i32
        %dma_start3A_165 = tpu.memref_slice %arg9[%rem3A_158, %dma_start3A_164] : memref<40x128xi32, #tpu.memory_space<vmem>> -> memref<1x128xi32, #tpu.memory_space<vmem>>
        %dma_start3A_166 = tpu.memref_squeeze %dma_start3A_165 : memref<1x128xi32, #tpu.memory_space<vmem>> -> memref<128xi32, #tpu.memory_space<vmem>>
        %dma_start3A_167 = arith.constant 0 : i32
        %dma_start3A_168 = arith.constant 0 : i32
        %dma_start3A_169 = tpu.memref_slice %arg2[%dma_start3A_167, %dma_start3A_168] : memref<10000x128xf32, #tpu.memory_space<hbm>> -> memref<10000x128xf32, #tpu.memory_space<hbm>>
        tpu.enqueue_indirect_dma source(%dma_start3A_169 : memref<10000x128xf32, #tpu.memory_space<hbm>>) target(%dma_start3A_163 : memref<128x128xf32, #tpu.memory_space<vmem>>) offsets(%dma_start3A_166 : memref<128xi32, #tpu.memory_space<vmem>>) semaphore(%arg11 : memref<!tpu.dma_semaphore, #tpu.memory_space<semaphore_mem>>)
      } else {
      }
      %mul3A_99 = arith.constant 2 : i32
      %mul3A_100 = arith.muli %while3A_48, %mul3A_99 : i32
      %add3A_101 = arith.constant 1 : i32
      %add3A_102 = arith.addi %mul3A_100, %add3A_101 : i32
      %rem3A_103 = arith.constant 40 : i32
      %rem3A_104 = arith.remsi %add3A_102, %rem3A_103 : i32
      %dma_wait3A_105 = arith.constant 1 : i32
      %dma_wait3A_106 = arith.constant 0 : i32
      %dma_wait3A_107 = arith.constant 0 : i32
      %dma_wait3A_108 = tpu.memref_slice %arg8[%dma_wait3A_105, %dma_wait3A_106, %dma_wait3A_107] : memref<2x128x128xf32, #tpu.memory_space<vmem>> -> memref<1x128x128xf32, #tpu.memory_space<vmem>>
      %dma_wait3A_109 = tpu.memref_squeeze %dma_wait3A_108 : memref<1x128x128xf32, #tpu.memory_space<vmem>> -> memref<128x128xf32, #tpu.memory_space<vmem>>
      %dma_wait3A_110 = arith.constant 0 : i32
      %dma_wait3A_111 = tpu.memref_slice %arg9[%rem3A_104, %dma_wait3A_110] : memref<40x128xi32, #tpu.memory_space<vmem>> -> memref<1x128xi32, #tpu.memory_space<vmem>>
      %dma_wait3A_112 = tpu.memref_squeeze %dma_wait3A_111 : memref<1x128xi32, #tpu.memory_space<vmem>> -> memref<128xi32, #tpu.memory_space<vmem>>
      %dma_wait3A_113 = arith.constant 0 : i32
      %dma_wait3A_114 = arith.constant 0 : i32
      %dma_wait3A_115 = tpu.memref_slice %arg2[%dma_wait3A_113, %dma_wait3A_114] : memref<10000x128xf32, #tpu.memory_space<hbm>> -> memref<10000x128xf32, #tpu.memory_space<hbm>>
      tpu.wait_indirect_dma semaphore(%arg11 : memref<!tpu.dma_semaphore, #tpu.memory_space<semaphore_mem>>) src(%dma_wait3A_115 : memref<10000x128xf32, #tpu.memory_space<hbm>>) dst(%dma_wait3A_109 : memref<128x128xf32, #tpu.memory_space<vmem>>)
      %eq3A_116 = arith.constant 39 : i32
      %eq3A_117 = arith.cmpi eq, %rem3A_104, %eq3A_116 : i32
      %add3A_118 = arith.constant 1 : i32
      %add3A_119 = arith.addi %add3A_102, %add3A_118 : i32
      %lt3A_120 = arith.cmpi slt, %add3A_119, %select_n3A_6 : i32
      %and3A_121 = arith.andi %eq3A_117, %lt3A_120 : i1
      %convert_element_type3A_122 = arith.extui %and3A_121 : i1 to i32
      %cond3A_123 = arith.constant 0 : i32
      %cond3A_124 = arith.cmpi ne, %convert_element_type3A_122, %cond3A_123 : i32
      scf.if %cond3A_124 {
        %add3A_155 = arith.addi %multiple_of3A, %add3A_102 : i32
        %add3A_156 = arith.constant 1 : i32
        %add3A_157 = arith.addi %add3A_155, %add3A_156 : i32
        %multiple_of3A_158 = tpu.assume_multiple %add3A_157, 8 : i32
        "tpu.region"() ({
          %run_scoped3A = tpu.sem_alloc : memref<!tpu.dma_semaphore, #tpu.memory_space<semaphore_mem>>
          %dma_start3A_159 = arith.constant 0 : i32
          %dma_start3A_160 = tpu.memref_slice %arg3[%multiple_of3A_158, %dma_start3A_159] : memref<2560x128xi32, #tpu.memory_space<hbm>> -> memref<40x128xi32, #tpu.memory_space<hbm>>
          %dma_start3A_161 = arith.constant 0 : i32
          %dma_start3A_162 = tpu.memref_slice %arg3[%multiple_of3A_158, %dma_start3A_161] : memref<2560x128xi32, #tpu.memory_space<hbm>> -> memref<40x128xi32, #tpu.memory_space<hbm>>
          tpu.enqueue_dma source(%dma_start3A_162 : memref<40x128xi32, #tpu.memory_space<hbm>>) target(%arg9 : memref<40x128xi32, #tpu.memory_space<vmem>>) target_semaphore(%run_scoped3A : memref<!tpu.dma_semaphore, #tpu.memory_space<semaphore_mem>>)
          %dma_wait3A_163 = arith.constant 0 : i32
          %dma_wait3A_164 = tpu.memref_slice %arg3[%multiple_of3A_158, %dma_wait3A_163] : memref<2560x128xi32, #tpu.memory_space<hbm>> -> memref<40x128xi32, #tpu.memory_space<hbm>>
          %dma_wait3A_165 = arith.constant 0 : i32
          %dma_wait3A_166 = tpu.memref_slice %arg3[%multiple_of3A_158, %dma_wait3A_165] : memref<2560x128xi32, #tpu.memory_space<hbm>> -> memref<40x128xi32, #tpu.memory_space<hbm>>
          tpu.wait_dma2 semaphore(%run_scoped3A : memref<!tpu.dma_semaphore, #tpu.memory_space<semaphore_mem>>) src(%dma_wait3A_166 : memref<40x128xi32, #tpu.memory_space<hbm>>) dst(%arg9 : memref<40x128xi32, #tpu.memory_space<vmem>>)
          tpu.yield
        }) : () -> ()
      } else {
      }
      %gt3A_125 = arith.constant 0 : i32
      %gt3A_126 = arith.cmpi sgt, %add3A_102, %gt3A_125 : i32
      %convert_element_type3A_127 = arith.extui %gt3A_126 : i1 to i32
      %cond3A_128 = arith.constant 0 : i32
      %cond3A_129 = arith.cmpi ne, %convert_element_type3A_127, %cond3A_128 : i32
      scf.if %cond3A_129 {
        %dma_wait3A_155 = arith.constant 0 : i32
        %dma_wait3A_156 = arith.constant 0 : i32
        %dma_wait3A_157 = arith.constant 0 : i32
        %dma_wait3A_158 = arith.constant 0 : i32
        %dma_wait3A_159 = tpu.memref_slice %arg8[%dma_wait3A_155, %dma_wait3A_157, %dma_wait3A_158] : memref<2x128x128xf32, #tpu.memory_space<vmem>> -> memref<1x128x128xf32, #tpu.memory_space<vmem>>
        %dma_wait3A_160 = tpu.memref_squeeze %dma_wait3A_159 : memref<1x128x128xf32, #tpu.memory_space<vmem>> -> memref<128x128xf32, #tpu.memory_space<vmem>>
        %dma_wait3A_161 = arith.constant 0 : i32
        %dma_wait3A_162 = tpu.memref_slice %arg10[%dma_wait3A_156, %dma_wait3A_161] : memref<40x128xi32, #tpu.memory_space<vmem>> -> memref<1x128xi32, #tpu.memory_space<vmem>>
        %dma_wait3A_163 = tpu.memref_squeeze %dma_wait3A_162 : memref<1x128xi32, #tpu.memory_space<vmem>> -> memref<128xi32, #tpu.memory_space<vmem>>
        %dma_wait3A_164 = arith.constant 0 : i32
        %dma_wait3A_165 = arith.constant 0 : i32
        %dma_wait3A_166 = tpu.memref_slice %arg7[%dma_wait3A_164, %dma_wait3A_165] : memref<10240x128xf32, #tpu.memory_space<vmem_shared>> -> memref<10240x128xf32, #tpu.memory_space<vmem_shared>>
        tpu.wait_indirect_dma semaphore(%arg12 : memref<!tpu.dma_semaphore, #tpu.memory_space<semaphore_mem>>) src(%dma_wait3A_160 : memref<128x128xf32, #tpu.memory_space<vmem>>) dst(%dma_wait3A_166 : memref<10240x128xf32, #tpu.memory_space<vmem_shared>>)
      } else {
      }
      %eq3A_130 = arith.constant 0 : i32
      %eq3A_131 = arith.cmpi eq, %rem3A_104, %eq3A_130 : i32
      %gt3A_132 = arith.constant 0 : i32
      %gt3A_133 = arith.cmpi sgt, %add3A_102, %gt3A_132 : i32
      %and3A_134 = arith.andi %eq3A_131, %gt3A_133 : i1
      %convert_element_type3A_135 = arith.extui %and3A_134 : i1 to i32
      %cond3A_136 = arith.constant 0 : i32
      %cond3A_137 = arith.cmpi ne, %convert_element_type3A_135, %cond3A_136 : i32
      scf.if %cond3A_137 {
        %add3A_155 = arith.addi %multiple_of3A, %add3A_102 : i32
        %multiple_of3A_156 = tpu.assume_multiple %add3A_155, 8 : i32
        "tpu.region"() ({
          %run_scoped3A = tpu.sem_alloc : memref<!tpu.dma_semaphore, #tpu.memory_space<semaphore_mem>>
          %dma_start3A_157 = arith.constant 0 : i32
          %dma_start3A_158 = tpu.memref_slice %arg4[%multiple_of3A_156, %dma_start3A_157] : memref<2560x128xi32, #tpu.memory_space<hbm>> -> memref<40x128xi32, #tpu.memory_space<hbm>>
          %dma_start3A_159 = arith.constant 0 : i32
          %dma_start3A_160 = tpu.memref_slice %arg4[%multiple_of3A_156, %dma_start3A_159] : memref<2560x128xi32, #tpu.memory_space<hbm>> -> memref<40x128xi32, #tpu.memory_space<hbm>>
          tpu.enqueue_dma source(%dma_start3A_160 : memref<40x128xi32, #tpu.memory_space<hbm>>) target(%arg10 : memref<40x128xi32, #tpu.memory_space<vmem>>) target_semaphore(%run_scoped3A : memref<!tpu.dma_semaphore, #tpu.memory_space<semaphore_mem>>)
          %dma_wait3A_161 = arith.constant 0 : i32
          %dma_wait3A_162 = tpu.memref_slice %arg4[%multiple_of3A_156, %dma_wait3A_161] : memref<2560x128xi32, #tpu.memory_space<hbm>> -> memref<40x128xi32, #tpu.memory_space<hbm>>
          %dma_wait3A_163 = arith.constant 0 : i32
          %dma_wait3A_164 = tpu.memref_slice %arg4[%multiple_of3A_156, %dma_wait3A_163] : memref<2560x128xi32, #tpu.memory_space<hbm>> -> memref<40x128xi32, #tpu.memory_space<hbm>>
          tpu.wait_dma2 semaphore(%run_scoped3A : memref<!tpu.dma_semaphore, #tpu.memory_space<semaphore_mem>>) src(%dma_wait3A_164 : memref<40x128xi32, #tpu.memory_space<hbm>>) dst(%arg10 : memref<40x128xi32, #tpu.memory_space<vmem>>)
          tpu.yield
        }) : () -> ()
      } else {
      }
      %dma_start3A_138 = arith.constant 1 : i32
      %dma_start3A_139 = arith.constant 0 : i32
      %dma_start3A_140 = arith.constant 0 : i32
      %dma_start3A_141 = tpu.memref_slice %arg8[%dma_start3A_138, %dma_start3A_139, %dma_start3A_140] : memref<2x128x128xf32, #tpu.memory_space<vmem>> -> memref<1x128x128xf32, #tpu.memory_space<vmem>>
      %dma_start3A_142 = tpu.memref_squeeze %dma_start3A_141 : memref<1x128x128xf32, #tpu.memory_space<vmem>> -> memref<128x128xf32, #tpu.memory_space<vmem>>
      %dma_start3A_143 = arith.constant 0 : i32
      %dma_start3A_144 = tpu.memref_slice %arg10[%rem3A_104, %dma_start3A_143] : memref<40x128xi32, #tpu.memory_space<vmem>> -> memref<1x128xi32, #tpu.memory_space<vmem>>
      %dma_start3A_145 = tpu.memref_squeeze %dma_start3A_144 : memref<1x128xi32, #tpu.memory_space<vmem>> -> memref<128xi32, #tpu.memory_space<vmem>>
      %dma_start3A_146 = arith.constant 0 : i32
      %dma_start3A_147 = arith.constant 0 : i32
      %dma_start3A_148 = tpu.memref_slice %arg7[%dma_start3A_146, %dma_start3A_147] : memref<10240x128xf32, #tpu.memory_space<vmem_shared>> -> memref<10240x128xf32, #tpu.memory_space<vmem_shared>>
      tpu.enqueue_indirect_dma source(%dma_start3A_142 : memref<128x128xf32, #tpu.memory_space<vmem>>) target(%dma_start3A_148 : memref<10240x128xf32, #tpu.memory_space<vmem_shared>>) offsets(%dma_start3A_145 : memref<128xi32, #tpu.memory_space<vmem>>) semaphore(%arg12 : memref<!tpu.dma_semaphore, #tpu.memory_space<semaphore_mem>>) {add = true}
      %add3A_149 = arith.constant 1 : i32
      %add3A_150 = arith.addi %add3A_102, %add3A_149 : i32
      %lt3A_151 = arith.cmpi slt, %add3A_150, %select_n3A_6 : i32
      %convert_element_type3A_152 = arith.extui %lt3A_151 : i1 to i32
      %cond3A_153 = arith.constant 0 : i32
      %cond3A_154 = arith.cmpi ne, %convert_element_type3A_152, %cond3A_153 : i32
      scf.if %cond3A_154 {
        %add3A_155 = arith.constant 1 : i32
        %add3A_156 = arith.addi %add3A_102, %add3A_155 : i32
        %rem3A_157 = arith.constant 40 : i32
        %rem3A_158 = arith.remsi %add3A_156, %rem3A_157 : i32
        %dma_start3A_159 = arith.constant 0 : i32
        %dma_start3A_160 = arith.constant 0 : i32
        %dma_start3A_161 = arith.constant 0 : i32
        %dma_start3A_162 = tpu.memref_slice %arg8[%dma_start3A_159, %dma_start3A_160, %dma_start3A_161] : memref<2x128x128xf32, #tpu.memory_space<vmem>> -> memref<1x128x128xf32, #tpu.memory_space<vmem>>
        %dma_start3A_163 = tpu.memref_squeeze %dma_start3A_162 : memref<1x128x128xf32, #tpu.memory_space<vmem>> -> memref<128x128xf32, #tpu.memory_space<vmem>>
        %dma_start3A_164 = arith.constant 0 : i32
        %dma_start3A_165 = tpu.memref_slice %arg9[%rem3A_158, %dma_start3A_164] : memref<40x128xi32, #tpu.memory_space<vmem>> -> memref<1x128xi32, #tpu.memory_space<vmem>>
        %dma_start3A_166 = tpu.memref_squeeze %dma_start3A_165 : memref<1x128xi32, #tpu.memory_space<vmem>> -> memref<128xi32, #tpu.memory_space<vmem>>
        %dma_start3A_167 = arith.constant 0 : i32
        %dma_start3A_168 = arith.constant 0 : i32
        %dma_start3A_169 = tpu.memref_slice %arg2[%dma_start3A_167, %dma_start3A_168] : memref<10000x128xf32, #tpu.memory_space<hbm>> -> memref<10000x128xf32, #tpu.memory_space<hbm>>
        tpu.enqueue_indirect_dma source(%dma_start3A_169 : memref<10000x128xf32, #tpu.memory_space<hbm>>) target(%dma_start3A_163 : memref<128x128xf32, #tpu.memory_space<vmem>>) offsets(%dma_start3A_166 : memref<128xi32, #tpu.memory_space<vmem>>) semaphore(%arg11 : memref<!tpu.dma_semaphore, #tpu.memory_space<semaphore_mem>>)
      } else {
      }
    }
    %while3A_31 = arith.constant 1 : i32
    scf.for %while3A_48 = %while3A_29 to %while3A_25 step %while3A_31  : i32 {
      %mul3A_49 = arith.constant 2 : i32
      %mul3A_50 = arith.muli %while3A_48, %mul3A_49 : i32
      %add3A_51 = arith.constant 0 : i32
      %add3A_52 = arith.addi %mul3A_50, %add3A_51 : i32
      %rem3A = arith.constant 40 : i32
      %rem3A_53 = arith.remsi %add3A_52, %rem3A : i32
      %dma_wait3A_54 = arith.constant 0 : i32
      %dma_wait3A_55 = arith.constant 0 : i32
      %dma_wait3A_56 = arith.constant 0 : i32
      %dma_wait3A_57 = tpu.memref_slice %arg8[%dma_wait3A_54, %dma_wait3A_55, %dma_wait3A_56] : memref<2x128x128xf32, #tpu.memory_space<vmem>> -> memref<1x128x128xf32, #tpu.memory_space<vmem>>
      %dma_wait3A_58 = tpu.memref_squeeze %dma_wait3A_57 : memref<1x128x128xf32, #tpu.memory_space<vmem>> -> memref<128x128xf32, #tpu.memory_space<vmem>>
      %dma_wait3A_59 = arith.constant 0 : i32
      %dma_wait3A_60 = tpu.memref_slice %arg9[%rem3A_53, %dma_wait3A_59] : memref<40x128xi32, #tpu.memory_space<vmem>> -> memref<1x128xi32, #tpu.memory_space<vmem>>
      %dma_wait3A_61 = tpu.memref_squeeze %dma_wait3A_60 : memref<1x128xi32, #tpu.memory_space<vmem>> -> memref<128xi32, #tpu.memory_space<vmem>>
      %dma_wait3A_62 = arith.constant 0 : i32
      %dma_wait3A_63 = arith.constant 0 : i32
      %dma_wait3A_64 = tpu.memref_slice %arg2[%dma_wait3A_62, %dma_wait3A_63] : memref<10000x128xf32, #tpu.memory_space<hbm>> -> memref<10000x128xf32, #tpu.memory_space<hbm>>
      tpu.wait_indirect_dma semaphore(%arg11 : memref<!tpu.dma_semaphore, #tpu.memory_space<semaphore_mem>>) src(%dma_wait3A_64 : memref<10000x128xf32, #tpu.memory_space<hbm>>) dst(%dma_wait3A_58 : memref<128x128xf32, #tpu.memory_space<vmem>>)
      %eq3A_65 = arith.constant 39 : i32
      %eq3A_66 = arith.cmpi eq, %rem3A_53, %eq3A_65 : i32
      %add3A_67 = arith.constant 1 : i32
      %add3A_68 = arith.addi %add3A_52, %add3A_67 : i32
      %lt3A = arith.cmpi slt, %add3A_68, %select_n3A_6 : i32
      %and3A = arith.andi %eq3A_66, %lt3A : i1
      %convert_element_type3A = arith.extui %and3A : i1 to i32
      %cond3A = arith.constant 0 : i32
      %cond3A_69 = arith.cmpi ne, %convert_element_type3A, %cond3A : i32
      scf.if %cond3A_69 {
        %add3A_155 = arith.addi %multiple_of3A, %add3A_52 : i32
        %add3A_156 = arith.constant 1 : i32
        %add3A_157 = arith.addi %add3A_155, %add3A_156 : i32
        %multiple_of3A_158 = tpu.assume_multiple %add3A_157, 8 : i32
        "tpu.region"() ({
          %run_scoped3A = tpu.sem_alloc : memref<!tpu.dma_semaphore, #tpu.memory_space<semaphore_mem>>
          %dma_start3A_159 = arith.constant 0 : i32
          %dma_start3A_160 = tpu.memref_slice %arg3[%multiple_of3A_158, %dma_start3A_159] : memref<2560x128xi32, #tpu.memory_space<hbm>> -> memref<40x128xi32, #tpu.memory_space<hbm>>
          %dma_start3A_161 = arith.constant 0 : i32
          %dma_start3A_162 = tpu.memref_slice %arg3[%multiple_of3A_158, %dma_start3A_161] : memref<2560x128xi32, #tpu.memory_space<hbm>> -> memref<40x128xi32, #tpu.memory_space<hbm>>
          tpu.enqueue_dma source(%dma_start3A_162 : memref<40x128xi32, #tpu.memory_space<hbm>>) target(%arg9 : memref<40x128xi32, #tpu.memory_space<vmem>>) target_semaphore(%run_scoped3A : memref<!tpu.dma_semaphore, #tpu.memory_space<semaphore_mem>>)
          %dma_wait3A_163 = arith.constant 0 : i32
          %dma_wait3A_164 = tpu.memref_slice %arg3[%multiple_of3A_158, %dma_wait3A_163] : memref<2560x128xi32, #tpu.memory_space<hbm>> -> memref<40x128xi32, #tpu.memory_space<hbm>>
          %dma_wait3A_165 = arith.constant 0 : i32
          %dma_wait3A_166 = tpu.memref_slice %arg3[%multiple_of3A_158, %dma_wait3A_165] : memref<2560x128xi32, #tpu.memory_space<hbm>> -> memref<40x128xi32, #tpu.memory_space<hbm>>
          tpu.wait_dma2 semaphore(%run_scoped3A : memref<!tpu.dma_semaphore, #tpu.memory_space<semaphore_mem>>) src(%dma_wait3A_166 : memref<40x128xi32, #tpu.memory_space<hbm>>) dst(%arg9 : memref<40x128xi32, #tpu.memory_space<vmem>>)
          tpu.yield
        }) : () -> ()
      } else {
      }
      %gt3A = arith.constant 0 : i32
      %gt3A_70 = arith.cmpi sgt, %add3A_52, %gt3A : i32
      %convert_element_type3A_71 = arith.extui %gt3A_70 : i1 to i32
      %cond3A_72 = arith.constant 0 : i32
      %cond3A_73 = arith.cmpi ne, %convert_element_type3A_71, %cond3A_72 : i32
      scf.if %cond3A_73 {
        %dma_wait3A_155 = arith.constant 1 : i32
        %dma_wait3A_156 = arith.constant 0 : i32
        %dma_wait3A_157 = arith.constant 0 : i32
        %dma_wait3A_158 = arith.constant 0 : i32
        %dma_wait3A_159 = tpu.memref_slice %arg8[%dma_wait3A_155, %dma_wait3A_157, %dma_wait3A_158] : memref<2x128x128xf32, #tpu.memory_space<vmem>> -> memref<1x128x128xf32, #tpu.memory_space<vmem>>
        %dma_wait3A_160 = tpu.memref_squeeze %dma_wait3A_159 : memref<1x128x128xf32, #tpu.memory_space<vmem>> -> memref<128x128xf32, #tpu.memory_space<vmem>>
        %dma_wait3A_161 = arith.constant 0 : i32
        %dma_wait3A_162 = tpu.memref_slice %arg10[%dma_wait3A_156, %dma_wait3A_161] : memref<40x128xi32, #tpu.memory_space<vmem>> -> memref<1x128xi32, #tpu.memory_space<vmem>>
        %dma_wait3A_163 = tpu.memref_squeeze %dma_wait3A_162 : memref<1x128xi32, #tpu.memory_space<vmem>> -> memref<128xi32, #tpu.memory_space<vmem>>
        %dma_wait3A_164 = arith.constant 0 : i32
        %dma_wait3A_165 = arith.constant 0 : i32
        %dma_wait3A_166 = tpu.memref_slice %arg7[%dma_wait3A_164, %dma_wait3A_165] : memref<10240x128xf32, #tpu.memory_space<vmem_shared>> -> memref<10240x128xf32, #tpu.memory_space<vmem_shared>>
        tpu.wait_indirect_dma semaphore(%arg12 : memref<!tpu.dma_semaphore, #tpu.memory_space<semaphore_mem>>) src(%dma_wait3A_160 : memref<128x128xf32, #tpu.memory_space<vmem>>) dst(%dma_wait3A_166 : memref<10240x128xf32, #tpu.memory_space<vmem_shared>>)
      } else {
      }
      %eq3A_74 = arith.constant 0 : i32
      %eq3A_75 = arith.cmpi eq, %rem3A_53, %eq3A_74 : i32
      %gt3A_76 = arith.constant 0 : i32
      %gt3A_77 = arith.cmpi sgt, %add3A_52, %gt3A_76 : i32
      %and3A_78 = arith.andi %eq3A_75, %gt3A_77 : i1
      %convert_element_type3A_79 = arith.extui %and3A_78 : i1 to i32
      %cond3A_80 = arith.constant 0 : i32
      %cond3A_81 = arith.cmpi ne, %convert_element_type3A_79, %cond3A_80 : i32
      scf.if %cond3A_81 {
        %add3A_155 = arith.addi %multiple_of3A, %add3A_52 : i32
        %multiple_of3A_156 = tpu.assume_multiple %add3A_155, 8 : i32
        "tpu.region"() ({
          %run_scoped3A = tpu.sem_alloc : memref<!tpu.dma_semaphore, #tpu.memory_space<semaphore_mem>>
          %dma_start3A_157 = arith.constant 0 : i32
          %dma_start3A_158 = tpu.memref_slice %arg4[%multiple_of3A_156, %dma_start3A_157] : memref<2560x128xi32, #tpu.memory_space<hbm>> -> memref<40x128xi32, #tpu.memory_space<hbm>>
          %dma_start3A_159 = arith.constant 0 : i32
          %dma_start3A_160 = tpu.memref_slice %arg4[%multiple_of3A_156, %dma_start3A_159] : memref<2560x128xi32, #tpu.memory_space<hbm>> -> memref<40x128xi32, #tpu.memory_space<hbm>>
          tpu.enqueue_dma source(%dma_start3A_160 : memref<40x128xi32, #tpu.memory_space<hbm>>) target(%arg10 : memref<40x128xi32, #tpu.memory_space<vmem>>) target_semaphore(%run_scoped3A : memref<!tpu.dma_semaphore, #tpu.memory_space<semaphore_mem>>)
          %dma_wait3A_161 = arith.constant 0 : i32
          %dma_wait3A_162 = tpu.memref_slice %arg4[%multiple_of3A_156, %dma_wait3A_161] : memref<2560x128xi32, #tpu.memory_space<hbm>> -> memref<40x128xi32, #tpu.memory_space<hbm>>
          %dma_wait3A_163 = arith.constant 0 : i32
          %dma_wait3A_164 = tpu.memref_slice %arg4[%multiple_of3A_156, %dma_wait3A_163] : memref<2560x128xi32, #tpu.memory_space<hbm>> -> memref<40x128xi32, #tpu.memory_space<hbm>>
          tpu.wait_dma2 semaphore(%run_scoped3A : memref<!tpu.dma_semaphore, #tpu.memory_space<semaphore_mem>>) src(%dma_wait3A_164 : memref<40x128xi32, #tpu.memory_space<hbm>>) dst(%arg10 : memref<40x128xi32, #tpu.memory_space<vmem>>)
          tpu.yield
        }) : () -> ()
      } else {
      }
      %dma_start3A_82 = arith.constant 0 : i32
      %dma_start3A_83 = arith.constant 0 : i32
      %dma_start3A_84 = arith.constant 0 : i32
      %dma_start3A_85 = tpu.memref_slice %arg8[%dma_start3A_82, %dma_start3A_83, %dma_start3A_84] : memref<2x128x128xf32, #tpu.memory_space<vmem>> -> memref<1x128x128xf32, #tpu.memory_space<vmem>>
      %dma_start3A_86 = tpu.memref_squeeze %dma_start3A_85 : memref<1x128x128xf32, #tpu.memory_space<vmem>> -> memref<128x128xf32, #tpu.memory_space<vmem>>
      %dma_start3A_87 = arith.constant 0 : i32
      %dma_start3A_88 = tpu.memref_slice %arg10[%rem3A_53, %dma_start3A_87] : memref<40x128xi32, #tpu.memory_space<vmem>> -> memref<1x128xi32, #tpu.memory_space<vmem>>
      %dma_start3A_89 = tpu.memref_squeeze %dma_start3A_88 : memref<1x128xi32, #tpu.memory_space<vmem>> -> memref<128xi32, #tpu.memory_space<vmem>>
      %dma_start3A_90 = arith.constant 0 : i32
      %dma_start3A_91 = arith.constant 0 : i32
      %dma_start3A_92 = tpu.memref_slice %arg7[%dma_start3A_90, %dma_start3A_91] : memref<10240x128xf32, #tpu.memory_space<vmem_shared>> -> memref<10240x128xf32, #tpu.memory_space<vmem_shared>>
      tpu.enqueue_indirect_dma source(%dma_start3A_86 : memref<128x128xf32, #tpu.memory_space<vmem>>) target(%dma_start3A_92 : memref<10240x128xf32, #tpu.memory_space<vmem_shared>>) offsets(%dma_start3A_89 : memref<128xi32, #tpu.memory_space<vmem>>) semaphore(%arg12 : memref<!tpu.dma_semaphore, #tpu.memory_space<semaphore_mem>>) {add = true}
      %add3A_93 = arith.constant 1 : i32
      %add3A_94 = arith.addi %add3A_52, %add3A_93 : i32
      %lt3A_95 = arith.cmpi slt, %add3A_94, %select_n3A_6 : i32
      %convert_element_type3A_96 = arith.extui %lt3A_95 : i1 to i32
      %cond3A_97 = arith.constant 0 : i32
      %cond3A_98 = arith.cmpi ne, %convert_element_type3A_96, %cond3A_97 : i32
      scf.if %cond3A_98 {
        %add3A_155 = arith.constant 1 : i32
        %add3A_156 = arith.addi %add3A_52, %add3A_155 : i32
        %rem3A_157 = arith.constant 40 : i32
        %rem3A_158 = arith.remsi %add3A_156, %rem3A_157 : i32
        %dma_start3A_159 = arith.constant 1 : i32
        %dma_start3A_160 = arith.constant 0 : i32
        %dma_start3A_161 = arith.constant 0 : i32
        %dma_start3A_162 = tpu.memref_slice %arg8[%dma_start3A_159, %dma_start3A_160, %dma_start3A_161] : memref<2x128x128xf32, #tpu.memory_space<vmem>> -> memref<1x128x128xf32, #tpu.memory_space<vmem>>
        %dma_start3A_163 = tpu.memref_squeeze %dma_start3A_162 : memref<1x128x128xf32, #tpu.memory_space<vmem>> -> memref<128x128xf32, #tpu.memory_space<vmem>>
        %dma_start3A_164 = arith.constant 0 : i32
        %dma_start3A_165 = tpu.memref_slice %arg9[%rem3A_158, %dma_start3A_164] : memref<40x128xi32, #tpu.memory_space<vmem>> -> memref<1x128xi32, #tpu.memory_space<vmem>>
        %dma_start3A_166 = tpu.memref_squeeze %dma_start3A_165 : memref<1x128xi32, #tpu.memory_space<vmem>> -> memref<128xi32, #tpu.memory_space<vmem>>
        %dma_start3A_167 = arith.constant 0 : i32
        %dma_start3A_168 = arith.constant 0 : i32
        %dma_start3A_169 = tpu.memref_slice %arg2[%dma_start3A_167, %dma_start3A_168] : memref<10000x128xf32, #tpu.memory_space<hbm>> -> memref<10000x128xf32, #tpu.memory_space<hbm>>
        tpu.enqueue_indirect_dma source(%dma_start3A_169 : memref<10000x128xf32, #tpu.memory_space<hbm>>) target(%dma_start3A_163 : memref<128x128xf32, #tpu.memory_space<vmem>>) offsets(%dma_start3A_166 : memref<128xi32, #tpu.memory_space<vmem>>) semaphore(%arg11 : memref<!tpu.dma_semaphore, #tpu.memory_space<semaphore_mem>>)
      } else {
      }
      %mul3A_99 = arith.constant 2 : i32
      %mul3A_100 = arith.muli %while3A_48, %mul3A_99 : i32
      %add3A_101 = arith.constant 1 : i32
      %add3A_102 = arith.addi %mul3A_100, %add3A_101 : i32
      %rem3A_103 = arith.constant 40 : i32
      %rem3A_104 = arith.remsi %add3A_102, %rem3A_103 : i32
      %dma_wait3A_105 = arith.constant 1 : i32
      %dma_wait3A_106 = arith.constant 0 : i32
      %dma_wait3A_107 = arith.constant 0 : i32
      %dma_wait3A_108 = tpu.memref_slice %arg8[%dma_wait3A_105, %dma_wait3A_106, %dma_wait3A_107] : memref<2x128x128xf32, #tpu.memory_space<vmem>> -> memref<1x128x128xf32, #tpu.memory_space<vmem>>
      %dma_wait3A_109 = tpu.memref_squeeze %dma_wait3A_108 : memref<1x128x128xf32, #tpu.memory_space<vmem>> -> memref<128x128xf32, #tpu.memory_space<vmem>>
      %dma_wait3A_110 = arith.constant 0 : i32
      %dma_wait3A_111 = tpu.memref_slice %arg9[%rem3A_104, %dma_wait3A_110] : memref<40x128xi32, #tpu.memory_space<vmem>> -> memref<1x128xi32, #tpu.memory_space<vmem>>
      %dma_wait3A_112 = tpu.memref_squeeze %dma_wait3A_111 : memref<1x128xi32, #tpu.memory_space<vmem>> -> memref<128xi32, #tpu.memory_space<vmem>>
      %dma_wait3A_113 = arith.constant 0 : i32
      %dma_wait3A_114 = arith.constant 0 : i32
      %dma_wait3A_115 = tpu.memref_slice %arg2[%dma_wait3A_113, %dma_wait3A_114] : memref<10000x128xf32, #tpu.memory_space<hbm>> -> memref<10000x128xf32, #tpu.memory_space<hbm>>
      tpu.wait_indirect_dma semaphore(%arg11 : memref<!tpu.dma_semaphore, #tpu.memory_space<semaphore_mem>>) src(%dma_wait3A_115 : memref<10000x128xf32, #tpu.memory_space<hbm>>) dst(%dma_wait3A_109 : memref<128x128xf32, #tpu.memory_space<vmem>>)
      %eq3A_116 = arith.constant 39 : i32
      %eq3A_117 = arith.cmpi eq, %rem3A_104, %eq3A_116 : i32
      %add3A_118 = arith.constant 1 : i32
      %add3A_119 = arith.addi %add3A_102, %add3A_118 : i32
      %lt3A_120 = arith.cmpi slt, %add3A_119, %select_n3A_6 : i32
      %and3A_121 = arith.andi %eq3A_117, %lt3A_120 : i1
      %convert_element_type3A_122 = arith.extui %and3A_121 : i1 to i32
      %cond3A_123 = arith.constant 0 : i32
      %cond3A_124 = arith.cmpi ne, %convert_element_type3A_122, %cond3A_123 : i32
      scf.if %cond3A_124 {
        %add3A_155 = arith.addi %multiple_of3A, %add3A_102 : i32
        %add3A_156 = arith.constant 1 : i32
        %add3A_157 = arith.addi %add3A_155, %add3A_156 : i32
        %multiple_of3A_158 = tpu.assume_multiple %add3A_157, 8 : i32
        "tpu.region"() ({
          %run_scoped3A = tpu.sem_alloc : memref<!tpu.dma_semaphore, #tpu.memory_space<semaphore_mem>>
          %dma_start3A_159 = arith.constant 0 : i32
          %dma_start3A_160 = tpu.memref_slice %arg3[%multiple_of3A_158, %dma_start3A_159] : memref<2560x128xi32, #tpu.memory_space<hbm>> -> memref<40x128xi32, #tpu.memory_space<hbm>>
          %dma_start3A_161 = arith.constant 0 : i32
          %dma_start3A_162 = tpu.memref_slice %arg3[%multiple_of3A_158, %dma_start3A_161] : memref<2560x128xi32, #tpu.memory_space<hbm>> -> memref<40x128xi32, #tpu.memory_space<hbm>>
          tpu.enqueue_dma source(%dma_start3A_162 : memref<40x128xi32, #tpu.memory_space<hbm>>) target(%arg9 : memref<40x128xi32, #tpu.memory_space<vmem>>) target_semaphore(%run_scoped3A : memref<!tpu.dma_semaphore, #tpu.memory_space<semaphore_mem>>)
          %dma_wait3A_163 = arith.constant 0 : i32
          %dma_wait3A_164 = tpu.memref_slice %arg3[%multiple_of3A_158, %dma_wait3A_163] : memref<2560x128xi32, #tpu.memory_space<hbm>> -> memref<40x128xi32, #tpu.memory_space<hbm>>
          %dma_wait3A_165 = arith.constant 0 : i32
          %dma_wait3A_166 = tpu.memref_slice %arg3[%multiple_of3A_158, %dma_wait3A_165] : memref<2560x128xi32, #tpu.memory_space<hbm>> -> memref<40x128xi32, #tpu.memory_space<hbm>>
          tpu.wait_dma2 semaphore(%run_scoped3A : memref<!tpu.dma_semaphore, #tpu.memory_space<semaphore_mem>>) src(%dma_wait3A_166 : memref<40x128xi32, #tpu.memory_space<hbm>>) dst(%arg9 : memref<40x128xi32, #tpu.memory_space<vmem>>)
          tpu.yield
        }) : () -> ()
      } else {
      }
      %gt3A_125 = arith.constant 0 : i32
      %gt3A_126 = arith.cmpi sgt, %add3A_102, %gt3A_125 : i32
      %convert_element_type3A_127 = arith.extui %gt3A_126 : i1 to i32
      %cond3A_128 = arith.constant 0 : i32
      %cond3A_129 = arith.cmpi ne, %convert_element_type3A_127, %cond3A_128 : i32
      scf.if %cond3A_129 {
        %dma_wait3A_155 = arith.constant 0 : i32
        %dma_wait3A_156 = arith.constant 0 : i32
        %dma_wait3A_157 = arith.constant 0 : i32
        %dma_wait3A_158 = arith.constant 0 : i32
        %dma_wait3A_159 = tpu.memref_slice %arg8[%dma_wait3A_155, %dma_wait3A_157, %dma_wait3A_158] : memref<2x128x128xf32, #tpu.memory_space<vmem>> -> memref<1x128x128xf32, #tpu.memory_space<vmem>>
        %dma_wait3A_160 = tpu.memref_squeeze %dma_wait3A_159 : memref<1x128x128xf32, #tpu.memory_space<vmem>> -> memref<128x128xf32, #tpu.memory_space<vmem>>
        %dma_wait3A_161 = arith.constant 0 : i32
        %dma_wait3A_162 = tpu.memref_slice %arg10[%dma_wait3A_156, %dma_wait3A_161] : memref<40x128xi32, #tpu.memory_space<vmem>> -> memref<1x128xi32, #tpu.memory_space<vmem>>
        %dma_wait3A_163 = tpu.memref_squeeze %dma_wait3A_162 : memref<1x128xi32, #tpu.memory_space<vmem>> -> memref<128xi32, #tpu.memory_space<vmem>>
        %dma_wait3A_164 = arith.constant 0 : i32
        %dma_wait3A_165 = arith.constant 0 : i32
        %dma_wait3A_166 = tpu.memref_slice %arg7[%dma_wait3A_164, %dma_wait3A_165] : memref<10240x128xf32, #tpu.memory_space<vmem_shared>> -> memref<10240x128xf32, #tpu.memory_space<vmem_shared>>
        tpu.wait_indirect_dma semaphore(%arg12 : memref<!tpu.dma_semaphore, #tpu.memory_space<semaphore_mem>>) src(%dma_wait3A_160 : memref<128x128xf32, #tpu.memory_space<vmem>>) dst(%dma_wait3A_166 : memref<10240x128xf32, #tpu.memory_space<vmem_shared>>)
      } else {
      }
      %eq3A_130 = arith.constant 0 : i32
      %eq3A_131 = arith.cmpi eq, %rem3A_104, %eq3A_130 : i32
      %gt3A_132 = arith.constant 0 : i32
      %gt3A_133 = arith.cmpi sgt, %add3A_102, %gt3A_132 : i32
      %and3A_134 = arith.andi %eq3A_131, %gt3A_133 : i1
      %convert_element_type3A_135 = arith.extui %and3A_134 : i1 to i32
      %cond3A_136 = arith.constant 0 : i32
      %cond3A_137 = arith.cmpi ne, %convert_element_type3A_135, %cond3A_136 : i32
      scf.if %cond3A_137 {
        %add3A_155 = arith.addi %multiple_of3A, %add3A_102 : i32
        %multiple_of3A_156 = tpu.assume_multiple %add3A_155, 8 : i32
        "tpu.region"() ({
          %run_scoped3A = tpu.sem_alloc : memref<!tpu.dma_semaphore, #tpu.memory_space<semaphore_mem>>
          %dma_start3A_157 = arith.constant 0 : i32
          %dma_start3A_158 = tpu.memref_slice %arg4[%multiple_of3A_156, %dma_start3A_157] : memref<2560x128xi32, #tpu.memory_space<hbm>> -> memref<40x128xi32, #tpu.memory_space<hbm>>
          %dma_start3A_159 = arith.constant 0 : i32
          %dma_start3A_160 = tpu.memref_slice %arg4[%multiple_of3A_156, %dma_start3A_159] : memref<2560x128xi32, #tpu.memory_space<hbm>> -> memref<40x128xi32, #tpu.memory_space<hbm>>
          tpu.enqueue_dma source(%dma_start3A_160 : memref<40x128xi32, #tpu.memory_space<hbm>>) target(%arg10 : memref<40x128xi32, #tpu.memory_space<vmem>>) target_semaphore(%run_scoped3A : memref<!tpu.dma_semaphore, #tpu.memory_space<semaphore_mem>>)
          %dma_wait3A_161 = arith.constant 0 : i32
          %dma_wait3A_162 = tpu.memref_slice %arg4[%multiple_of3A_156, %dma_wait3A_161] : memref<2560x128xi32, #tpu.memory_space<hbm>> -> memref<40x128xi32, #tpu.memory_space<hbm>>
          %dma_wait3A_163 = arith.constant 0 : i32
          %dma_wait3A_164 = tpu.memref_slice %arg4[%multiple_of3A_156, %dma_wait3A_163] : memref<2560x128xi32, #tpu.memory_space<hbm>> -> memref<40x128xi32, #tpu.memory_space<hbm>>
          tpu.wait_dma2 semaphore(%run_scoped3A : memref<!tpu.dma_semaphore, #tpu.memory_space<semaphore_mem>>) src(%dma_wait3A_164 : memref<40x128xi32, #tpu.memory_space<hbm>>) dst(%arg10 : memref<40x128xi32, #tpu.memory_space<vmem>>)
          tpu.yield
        }) : () -> ()
      } else {
      }
      %dma_start3A_138 = arith.constant 1 : i32
      %dma_start3A_139 = arith.constant 0 : i32
      %dma_start3A_140 = arith.constant 0 : i32
      %dma_start3A_141 = tpu.memref_slice %arg8[%dma_start3A_138, %dma_start3A_139, %dma_start3A_140] : memref<2x128x128xf32, #tpu.memory_space<vmem>> -> memref<1x128x128xf32, #tpu.memory_space<vmem>>
      %dma_start3A_142 = tpu.memref_squeeze %dma_start3A_141 : memref<1x128x128xf32, #tpu.memory_space<vmem>> -> memref<128x128xf32, #tpu.memory_space<vmem>>
      %dma_start3A_143 = arith.constant 0 : i32
      %dma_start3A_144 = tpu.memref_slice %arg10[%rem3A_104, %dma_start3A_143] : memref<40x128xi32, #tpu.memory_space<vmem>> -> memref<1x128xi32, #tpu.memory_space<vmem>>
      %dma_start3A_145 = tpu.memref_squeeze %dma_start3A_144 : memref<1x128xi32, #tpu.memory_space<vmem>> -> memref<128xi32, #tpu.memory_space<vmem>>
      %dma_start3A_146 = arith.constant 0 : i32
      %dma_start3A_147 = arith.constant 0 : i32
      %dma_start3A_148 = tpu.memref_slice %arg7[%dma_start3A_146, %dma_start3A_147] : memref<10240x128xf32, #tpu.memory_space<vmem_shared>> -> memref<10240x128xf32, #tpu.memory_space<vmem_shared>>
      tpu.enqueue_indirect_dma source(%dma_start3A_142 : memref<128x128xf32, #tpu.memory_space<vmem>>) target(%dma_start3A_148 : memref<10240x128xf32, #tpu.memory_space<vmem_shared>>) offsets(%dma_start3A_145 : memref<128xi32, #tpu.memory_space<vmem>>) semaphore(%arg12 : memref<!tpu.dma_semaphore, #tpu.memory_space<semaphore_mem>>) {add = true}
      %add3A_149 = arith.constant 1 : i32
      %add3A_150 = arith.addi %add3A_102, %add3A_149 : i32
      %lt3A_151 = arith.cmpi slt, %add3A_150, %select_n3A_6 : i32
      %convert_element_type3A_152 = arith.extui %lt3A_151 : i1 to i32
      %cond3A_153 = arith.constant 0 : i32
      %cond3A_154 = arith.cmpi ne, %convert_element_type3A_152, %cond3A_153 : i32
      scf.if %cond3A_154 {
        %add3A_155 = arith.constant 1 : i32
        %add3A_156 = arith.addi %add3A_102, %add3A_155 : i32
        %rem3A_157 = arith.constant 40 : i32
        %rem3A_158 = arith.remsi %add3A_156, %rem3A_157 : i32
        %dma_start3A_159 = arith.constant 0 : i32
        %dma_start3A_160 = arith.constant 0 : i32
        %dma_start3A_161 = arith.constant 0 : i32
        %dma_start3A_162 = tpu.memref_slice %arg8[%dma_start3A_159, %dma_start3A_160, %dma_start3A_161] : memref<2x128x128xf32, #tpu.memory_space<vmem>> -> memref<1x128x128xf32, #tpu.memory_space<vmem>>
        %dma_start3A_163 = tpu.memref_squeeze %dma_start3A_162 : memref<1x128x128xf32, #tpu.memory_space<vmem>> -> memref<128x128xf32, #tpu.memory_space<vmem>>
        %dma_start3A_164 = arith.constant 0 : i32
        %dma_start3A_165 = tpu.memref_slice %arg9[%rem3A_158, %dma_start3A_164] : memref<40x128xi32, #tpu.memory_space<vmem>> -> memref<1x128xi32, #tpu.memory_space<vmem>>
        %dma_start3A_166 = tpu.memref_squeeze %dma_start3A_165 : memref<1x128xi32, #tpu.memory_space<vmem>> -> memref<128xi32, #tpu.memory_space<vmem>>
        %dma_start3A_167 = arith.constant 0 : i32
        %dma_start3A_168 = arith.constant 0 : i32
        %dma_start3A_169 = tpu.memref_slice %arg2[%dma_start3A_167, %dma_start3A_168] : memref<10000x128xf32, #tpu.memory_space<hbm>> -> memref<10000x128xf32, #tpu.memory_space<hbm>>
        tpu.enqueue_indirect_dma source(%dma_start3A_169 : memref<10000x128xf32, #tpu.memory_space<hbm>>) target(%dma_start3A_163 : memref<128x128xf32, #tpu.memory_space<vmem>>) offsets(%dma_start3A_166 : memref<128xi32, #tpu.memory_space<vmem>>) semaphore(%arg11 : memref<!tpu.dma_semaphore, #tpu.memory_space<semaphore_mem>>)
      } else {
      }
    }
    %dma_wait3A = arith.constant 1 : i32
    %dma_wait3A_32 = arith.constant 0 : i32
    %dma_wait3A_33 = arith.constant 0 : i32
    %dma_wait3A_34 = arith.constant 0 : i32
    %dma_wait3A_35 = tpu.memref_slice %arg8[%dma_wait3A, %dma_wait3A_33, %dma_wait3A_34] : memref<2x128x128xf32, #tpu.memory_space<vmem>> -> memref<1x128x128xf32, #tpu.memory_space<vmem>>
    %dma_wait3A_36 = tpu.memref_squeeze %dma_wait3A_35 : memref<1x128x128xf32, #tpu.memory_space<vmem>> -> memref<128x128xf32, #tpu.memory_space<vmem>>
    %dma_wait3A_37 = arith.constant 0 : i32
    %dma_wait3A_38 = tpu.memref_slice %arg10[%dma_wait3A_32, %dma_wait3A_37] : memref<40x128xi32, #tpu.memory_space<vmem>> -> memref<1x128xi32, #tpu.memory_space<vmem>>
    %dma_wait3A_39 = tpu.memref_squeeze %dma_wait3A_38 : memref<1x128xi32, #tpu.memory_space<vmem>> -> memref<128xi32, #tpu.memory_space<vmem>>
    %dma_wait3A_40 = arith.constant 0 : i32
    %dma_wait3A_41 = arith.constant 0 : i32
    %dma_wait3A_42 = tpu.memref_slice %arg7[%dma_wait3A_40, %dma_wait3A_41] : memref<10240x128xf32, #tpu.memory_space<vmem_shared>> -> memref<10240x128xf32, #tpu.memory_space<vmem_shared>>
    tpu.wait_indirect_dma semaphore(%arg12 : memref<!tpu.dma_semaphore, #tpu.memory_space<semaphore_mem>>) src(%dma_wait3A_36 : memref<128x128xf32, #tpu.memory_space<vmem>>) dst(%dma_wait3A_42 : memref<10240x128xf32, #tpu.memory_space<vmem_shared>>)
    %barrier3A_43 = arith.constant 0 : index
    tpu.barrier barrier_id(%barrier3A_43)
    %mul3A_44 = arith.constant 640 : i32
    %mul3A_45 = arith.muli %arg1, %mul3A_44 : i32
    %mul3A_46 = arith.constant 640 : i32
    %mul3A_47 = arith.muli %arg1, %mul3A_46 : i32
    "tpu.region"() ({
      %run_scoped3A = tpu.sem_alloc : memref<!tpu.dma_semaphore, #tpu.memory_space<semaphore_mem>>
      %dma_start3A_48 = arith.constant 0 : i32
      %dma_start3A_49 = tpu.memref_slice %arg6[%arg0, %mul3A_47, %dma_start3A_48] : memref<2x10240x128xf32, #tpu.memory_space<hbm>> -> memref<1x640x128xf32, #tpu.memory_space<hbm>>
      %dma_start3A_50 = tpu.memref_squeeze %dma_start3A_49 : memref<1x640x128xf32, #tpu.memory_space<hbm>> -> memref<640x128xf32, #tpu.memory_space<hbm>>
      %dma_start3A_51 = arith.constant 0 : i32
      %dma_start3A_52 = tpu.memref_slice %arg7[%mul3A_45, %dma_start3A_51] : memref<10240x128xf32, #tpu.memory_space<vmem_shared>> -> memref<640x128xf32, #tpu.memory_space<vmem_shared>>
      tpu.enqueue_dma source(%dma_start3A_52 : memref<640x128xf32, #tpu.memory_space<vmem_shared>>) target(%dma_start3A_50 : memref<640x128xf32, #tpu.memory_space<hbm>>) target_semaphore(%run_scoped3A : memref<!tpu.dma_semaphore, #tpu.memory_space<semaphore_mem>>)
      %dma_wait3A_53 = arith.constant 0 : i32
      %dma_wait3A_54 = tpu.memref_slice %arg6[%arg0, %mul3A_47, %dma_wait3A_53] : memref<2x10240x128xf32, #tpu.memory_space<hbm>> -> memref<1x640x128xf32, #tpu.memory_space<hbm>>
      %dma_wait3A_55 = tpu.memref_squeeze %dma_wait3A_54 : memref<1x640x128xf32, #tpu.memory_space<hbm>> -> memref<640x128xf32, #tpu.memory_space<hbm>>
      %dma_wait3A_56 = arith.constant 0 : i32
      %dma_wait3A_57 = tpu.memref_slice %arg7[%mul3A_45, %dma_wait3A_56] : memref<10240x128xf32, #tpu.memory_space<vmem_shared>> -> memref<640x128xf32, #tpu.memory_space<vmem_shared>>
      tpu.wait_dma2 semaphore(%run_scoped3A : memref<!tpu.dma_semaphore, #tpu.memory_space<semaphore_mem>>) src(%dma_wait3A_57 : memref<640x128xf32, #tpu.memory_space<vmem_shared>>) dst(%dma_wait3A_55 : memref<640x128xf32, #tpu.memory_space<hbm>>)
      tpu.yield
    }) : () -> ()
    return
  }
}

module attributes {stable_mosaic.version = 14 : i64} {
  func.func @_tc0_body(%arg0: i32, %arg1: memref<1000x128xf32, #tpu.memory_space<vmem>>, %arg2: memref<128x128xf32, #tpu.memory_space<vmem>>, %arg3: memref<1x128xf32, #tpu.memory_space<vmem>>, %arg4: memref<2x1000x128xf32, #tpu.memory_space<vmem>>, %arg5: memref<1000x1xf32, #tpu.memory_space<vmem>>, %arg6: memref<1000x128xf32, #tpu.memory_space<vmem>>) attributes {dimension_semantics = [#tpu.dimension_semantics<arbitrary>], iteration_bounds = array<i64: 10>, scalar_prefetch = 0 : i64, scratch_operands = 0 : i64, tpu.core_type = #tpu.core_type<tc>, window_params = [{transform_indices = @transform_0, window_bounds = array<i64: 1000, 128>}, {pipeline_mode = #tpu.pipeline_mode<synchronous>, transform_indices = @transform_1, window_bounds = array<i64: 128, 128>}, {pipeline_mode = #tpu.pipeline_mode<synchronous>, transform_indices = @transform_2, window_bounds = array<i64: 1, 128>}, {transform_indices = @transform_3, window_bounds = array<i64: 2, 1000, 128>}, {transform_indices = @transform_4, window_bounds = array<i64: 1000, 1>}, {transform_indices = @transform_5, window_bounds = array<i64: 1000, 128>}]} {
    %get3A = arith.constant 0 : index
    %get3A_0 = arith.constant 0 : index
    %get3A_1 = arith.constant 0 : index
    %get3A_2 = vector.load %arg4[%get3A, %get3A_0, %get3A_1] : memref<2x1000x128xf32, #tpu.memory_space<vmem>>, vector<1x1000x1xf32>
    %get3A_3 = vector.shape_cast %get3A_2 : vector<1x1000x1xf32> to vector<1000x1xf32>
    %get3A_4 = arith.constant 1 : index
    %get3A_5 = arith.constant 0 : index
    %get3A_6 = arith.constant 0 : index
    %get3A_7 = vector.load %arg4[%get3A_4, %get3A_5, %get3A_6] : memref<2x1000x128xf32, #tpu.memory_space<vmem>>, vector<1x1000x1xf32>
    %get3A_8 = vector.shape_cast %get3A_7 : vector<1x1000x1xf32> to vector<1000x1xf32>
    %add3A = arith.addf %get3A_3, %get3A_8 : vector<1000x1xf32>
    %add3A_9 = arith.constant 1.000000e+00 : f32
    %add3A_10 = vector.broadcast %add3A_9 : f32 to vector<1000x1xf32>
    %add3A_11 = arith.addf %add3A, %add3A_10 : vector<1000x1xf32>
    %rsqrt3A = math.rsqrt %add3A_11 : vector<1000x1xf32>
    %swap3A = arith.constant 0 : index
    %swap3A_12 = arith.constant 0 : index
    %swap3A_13 = vector.load %arg5[%swap3A, %swap3A_12] : memref<1000x1xf32, #tpu.memory_space<vmem>>, vector<1000x1xf32>
    tpu.vector_store %arg5[%swap3A, %swap3A_12], %rsqrt3A {strides = array<i32>} : memref<1000x1xf32, #tpu.memory_space<vmem>>, vector<1000x1xf32>,
    %get3A_14 = arith.constant 0 : index
    %get3A_15 = arith.constant 0 : index
    %get3A_16 = vector.load %arg1[%get3A_14, %get3A_15] : memref<1000x128xf32, #tpu.memory_space<vmem>>, vector<1000x128xf32>
    %get3A_17 = arith.constant 0 : index
    %get3A_18 = arith.constant 0 : index
    %get3A_19 = vector.load %arg2[%get3A_17, %get3A_18] : memref<128x128xf32, #tpu.memory_space<vmem>>, vector<128x128xf32>
    %dot_general3A = arith.constant dense<0.000000e+00> : vector<1000x128xf32>
    %dot_general3A_20 = tpu.matmul %get3A_16, %get3A_19, %dot_general3A {dimension_numbers = #tpu.dot_dimension_numbers<[1], [0], [0], [1], [0, 0, 1, 1], [], []>, transpose_lhs_hint = false} : vector<1000x128xf32>, vector<128x128xf32>, vector<1000x128xf32> -> vector<1000x128xf32>
    %get3A_21 = arith.constant 0 : index
    %get3A_22 = arith.constant 0 : index
    %get3A_23 = vector.load %arg3[%get3A_21, %get3A_22] : memref<1x128xf32, #tpu.memory_space<vmem>>, vector<1x128xf32>
    %add3A_24 = vector.broadcast %get3A_23 : vector<1x128xf32> to vector<1000x128xf32>
    %add3A_25 = arith.addf %dot_general3A_20, %add3A_24 : vector<1000x128xf32>
    %mul3A = vector.broadcast %rsqrt3A : vector<1000x1xf32> to vector<1000x128xf32>
    %mul3A_26 = arith.mulf %add3A_25, %mul3A : vector<1000x128xf32>
    %swap3A_27 = arith.constant 0 : index
    %swap3A_28 = arith.constant 0 : index
    %swap3A_29 = vector.load %arg6[%swap3A_27, %swap3A_28] : memref<1000x128xf32, #tpu.memory_space<vmem>>, vector<1000x128xf32>
    tpu.vector_store %arg6[%swap3A_27, %swap3A_28], %mul3A_26 {strides = array<i32>} : memref<1000x128xf32, #tpu.memory_space<vmem>>, vector<1000x128xf32>,
    return
  }
  func.func @transform_0(%arg0: i32) -> (i32, i32) {
    %c0_i32 = arith.constant 0 : i32
    %c0_i32_0 = arith.constant 0 : i32
    return %arg0, %c0_i32 : i32, i32
  }
  func.func @transform_1(%arg0: i32) -> (i32, i32) {
    %c0_i32 = arith.constant 0 : i32
    %c0_i32_0 = arith.constant 0 : i32
    %c0_i32_1 = arith.constant 0 : i32
    return %c0_i32, %c0_i32_0 : i32, i32
  }
  func.func @transform_2(%arg0: i32) -> (i32, i32) {
    %c0_i32 = arith.constant 0 : i32
    %c0_i32_0 = arith.constant 0 : i32
    %c0_i32_1 = arith.constant 0 : i32
    return %c0_i32, %c0_i32_0 : i32, i32
  }
  func.func @transform_3(%arg0: i32) -> (i32, i32, i32) {
    %c0_i32 = arith.constant 0 : i32
    %c0_i32_0 = arith.constant 0 : i32
    %c0_i32_1 = arith.constant 0 : i32
    return %c0_i32, %arg0, %c0_i32_0 : i32, i32, i32
  }
  func.func @transform_4(%arg0: i32) -> (i32, i32) {
    %c0_i32 = arith.constant 0 : i32
    %c0_i32_0 = arith.constant 0 : i32
    return %arg0, %c0_i32 : i32, i32
  }
  func.func @transform_5(%arg0: i32) -> (i32, i32) {
    %c0_i32 = arith.constant 0 : i32
    %c0_i32_0 = arith.constant 0 : i32
    return %arg0, %c0_i32 : i32, i32
  }
}

module attributes {stable_mosaic.version = 14 : i64} {
  func.func @_tc_mid_body(%arg0: i32, %arg1: memref<2x1000x128xf32, #tpu.memory_space<vmem>>, %arg2: memref<1000x128xf32, #tpu.memory_space<vmem>>, %arg3: memref<1000x1xf32, #tpu.memory_space<vmem>>, %arg4: memref<128x128xf32, #tpu.memory_space<vmem>>, %arg5: memref<1x128xf32, #tpu.memory_space<vmem>>, %arg6: memref<1000x128xf32, #tpu.memory_space<vmem>>, %arg7: memref<1000x128xf32, #tpu.memory_space<vmem>>) attributes {dimension_semantics = [#tpu.dimension_semantics<arbitrary>], iteration_bounds = array<i64: 10>, scalar_prefetch = 0 : i64, scratch_operands = 0 : i64, tpu.core_type = #tpu.core_type<tc>, window_params = [{transform_indices = @transform_0, window_bounds = array<i64: 2, 1000, 128>}, {transform_indices = @transform_1, window_bounds = array<i64: 1000, 128>}, {transform_indices = @transform_2, window_bounds = array<i64: 1000, 1>}, {pipeline_mode = #tpu.pipeline_mode<synchronous>, transform_indices = @transform_3, window_bounds = array<i64: 128, 128>}, {pipeline_mode = #tpu.pipeline_mode<synchronous>, transform_indices = @transform_4, window_bounds = array<i64: 1, 128>}, {transform_indices = @transform_5, window_bounds = array<i64: 1000, 128>}, {transform_indices = @transform_6, window_bounds = array<i64: 1000, 128>}]} {
    %get3A = arith.constant 0 : index
    %get3A_0 = arith.constant 0 : index
    %get3A_1 = vector.load %arg3[%get3A, %get3A_0] : memref<1000x1xf32, #tpu.memory_space<vmem>>, vector<1000x1xf32>
    %get3A_2 = arith.constant 0 : index
    %get3A_3 = arith.constant 0 : index
    %get3A_4 = arith.constant 0 : index
    %get3A_5 = vector.load %arg1[%get3A_2, %get3A_3, %get3A_4] : memref<2x1000x128xf32, #tpu.memory_space<vmem>>, vector<1x1000x128xf32>
    %get3A_6 = vector.shape_cast %get3A_5 : vector<1x1000x128xf32> to vector<1000x128xf32>
    %get3A_7 = arith.constant 1 : index
    %get3A_8 = arith.constant 0 : index
    %get3A_9 = arith.constant 0 : index
    %get3A_10 = vector.load %arg1[%get3A_7, %get3A_8, %get3A_9] : memref<2x1000x128xf32, #tpu.memory_space<vmem>>, vector<1x1000x128xf32>
    %get3A_11 = vector.shape_cast %get3A_10 : vector<1x1000x128xf32> to vector<1000x128xf32>
    %add3A = arith.addf %get3A_6, %get3A_11 : vector<1000x128xf32>
    %get3A_12 = arith.constant 0 : index
    %get3A_13 = arith.constant 0 : index
    %get3A_14 = vector.load %arg2[%get3A_12, %get3A_13] : memref<1000x128xf32, #tpu.memory_space<vmem>>, vector<1000x128xf32>
    %add3A_15 = arith.addf %add3A, %get3A_14 : vector<1000x128xf32>
    %mul3A = vector.broadcast %get3A_1 : vector<1000x1xf32> to vector<1000x128xf32>
    %mul3A_16 = arith.mulf %add3A_15, %mul3A : vector<1000x128xf32>
    %ge3A = arith.constant 0.000000e+00 : f32
    %ge3A_17 = vector.broadcast %ge3A : f32 to vector<1000x128xf32>
    %ge3A_18 = arith.cmpf oge, %mul3A_16, %ge3A_17 : vector<1000x128xf32>
    %mul3A_19 = arith.constant 0.00999999977 : f32
    %mul3A_20 = vector.broadcast %mul3A_19 : f32 to vector<1000x128xf32>
    %mul3A_21 = arith.mulf %mul3A_20, %mul3A_16 : vector<1000x128xf32>
    %select_n3A = arith.select %ge3A_18, %mul3A_16, %mul3A_21 : vector<1000x128xi1>, vector<1000x128xf32>
    %swap3A = arith.constant 0 : index
    %swap3A_22 = arith.constant 0 : index
    %swap3A_23 = vector.load %arg6[%swap3A, %swap3A_22] : memref<1000x128xf32, #tpu.memory_space<vmem>>, vector<1000x128xf32>
    tpu.vector_store %arg6[%swap3A, %swap3A_22], %select_n3A {strides = array<i32>} : memref<1000x128xf32, #tpu.memory_space<vmem>>, vector<1000x128xf32>,
    %get3A_24 = arith.constant 0 : index
    %get3A_25 = arith.constant 0 : index
    %get3A_26 = vector.load %arg4[%get3A_24, %get3A_25] : memref<128x128xf32, #tpu.memory_space<vmem>>, vector<128x128xf32>
    %dot_general3A = arith.constant dense<0.000000e+00> : vector<1000x128xf32>
    %dot_general3A_27 = tpu.matmul %select_n3A, %get3A_26, %dot_general3A {dimension_numbers = #tpu.dot_dimension_numbers<[1], [0], [0], [1], [0, 0, 1, 1], [], []>, transpose_lhs_hint = false} : vector<1000x128xf32>, vector<128x128xf32>, vector<1000x128xf32> -> vector<1000x128xf32>
    %get3A_28 = arith.constant 0 : index
    %get3A_29 = arith.constant 0 : index
    %get3A_30 = vector.load %arg5[%get3A_28, %get3A_29] : memref<1x128xf32, #tpu.memory_space<vmem>>, vector<1x128xf32>
    %add3A_31 = vector.broadcast %get3A_30 : vector<1x128xf32> to vector<1000x128xf32>
    %add3A_32 = arith.addf %dot_general3A_27, %add3A_31 : vector<1000x128xf32>
    %mul3A_33 = vector.broadcast %get3A_1 : vector<1000x1xf32> to vector<1000x128xf32>
    %mul3A_34 = arith.mulf %add3A_32, %mul3A_33 : vector<1000x128xf32>
    %swap3A_35 = arith.constant 0 : index
    %swap3A_36 = arith.constant 0 : index
    %swap3A_37 = vector.load %arg7[%swap3A_35, %swap3A_36] : memref<1000x128xf32, #tpu.memory_space<vmem>>, vector<1000x128xf32>
    tpu.vector_store %arg7[%swap3A_35, %swap3A_36], %mul3A_34 {strides = array<i32>} : memref<1000x128xf32, #tpu.memory_space<vmem>>, vector<1000x128xf32>,
    return
  }
  func.func @transform_0(%arg0: i32) -> (i32, i32, i32) {
    %c0_i32 = arith.constant 0 : i32
    %c0_i32_0 = arith.constant 0 : i32
    %c0_i32_1 = arith.constant 0 : i32
    return %c0_i32, %arg0, %c0_i32_0 : i32, i32, i32
  }
  func.func @transform_1(%arg0: i32) -> (i32, i32) {
    %c0_i32 = arith.constant 0 : i32
    %c0_i32_0 = arith.constant 0 : i32
    return %arg0, %c0_i32 : i32, i32
  }
  func.func @transform_2(%arg0: i32) -> (i32, i32) {
    %c0_i32 = arith.constant 0 : i32
    %c0_i32_0 = arith.constant 0 : i32
    return %arg0, %c0_i32 : i32, i32
  }
  func.func @transform_3(%arg0: i32) -> (i32, i32) {
    %c0_i32 = arith.constant 0 : i32
    %c0_i32_0 = arith.constant 0 : i32
    %c0_i32_1 = arith.constant 0 : i32
    return %c0_i32, %c0_i32_0 : i32, i32
  }
  func.func @transform_4(%arg0: i32) -> (i32, i32) {
    %c0_i32 = arith.constant 0 : i32
    %c0_i32_0 = arith.constant 0 : i32
    %c0_i32_1 = arith.constant 0 : i32
    return %c0_i32, %c0_i32_0 : i32, i32
  }
  func.func @transform_5(%arg0: i32) -> (i32, i32) {
    %c0_i32 = arith.constant 0 : i32
    %c0_i32_0 = arith.constant 0 : i32
    return %arg0, %c0_i32 : i32, i32
  }
  func.func @transform_6(%arg0: i32) -> (i32, i32) {
    %c0_i32 = arith.constant 0 : i32
    %c0_i32_0 = arith.constant 0 : i32
    return %arg0, %c0_i32 : i32, i32
  }
}

module attributes {stable_mosaic.version = 14 : i64} {
  func.func @_tc_l3_body(%arg0: i32, %arg1: memref<2x1000x128xf32, #tpu.memory_space<vmem>>, %arg2: memref<1000x128xf32, #tpu.memory_space<vmem>>, %arg3: memref<1000x1xf32, #tpu.memory_space<vmem>>, %arg4: memref<1000x128xf32, #tpu.memory_space<vmem>>, %arg5: memref<128x128xf32, #tpu.memory_space<vmem>>, %arg6: memref<1x128xf32, #tpu.memory_space<vmem>>, %arg7: memref<1000x128xf32, #tpu.memory_space<vmem>>, %arg8: memref<1000x128xf32, #tpu.memory_space<vmem>>, %arg9: memref<1000x128xf32, #tpu.memory_space<vmem>>) attributes {dimension_semantics = [#tpu.dimension_semantics<arbitrary>], iteration_bounds = array<i64: 10>, scalar_prefetch = 0 : i64, scratch_operands = 0 : i64, tpu.core_type = #tpu.core_type<tc>, window_params = [{transform_indices = @transform_0, window_bounds = array<i64: 2, 1000, 128>}, {transform_indices = @transform_1, window_bounds = array<i64: 1000, 128>}, {transform_indices = @transform_2, window_bounds = array<i64: 1000, 1>}, {transform_indices = @transform_3, window_bounds = array<i64: 1000, 128>}, {pipeline_mode = #tpu.pipeline_mode<synchronous>, transform_indices = @transform_4, window_bounds = array<i64: 128, 128>}, {pipeline_mode = #tpu.pipeline_mode<synchronous>, transform_indices = @transform_5, window_bounds = array<i64: 1, 128>}, {transform_indices = @transform_6, window_bounds = array<i64: 1000, 128>}, {transform_indices = @transform_7, window_bounds = array<i64: 1000, 128>}, {transform_indices = @transform_8, window_bounds = array<i64: 1000, 128>}]} {
    %get3A = arith.constant 0 : index
    %get3A_0 = arith.constant 0 : index
    %get3A_1 = vector.load %arg3[%get3A, %get3A_0] : memref<1000x1xf32, #tpu.memory_space<vmem>>, vector<1000x1xf32>
    %get3A_2 = arith.constant 0 : index
    %get3A_3 = arith.constant 0 : index
    %get3A_4 = arith.constant 0 : index
    %get3A_5 = vector.load %arg1[%get3A_2, %get3A_3, %get3A_4] : memref<2x1000x128xf32, #tpu.memory_space<vmem>>, vector<1x1000x128xf32>
    %get3A_6 = vector.shape_cast %get3A_5 : vector<1x1000x128xf32> to vector<1000x128xf32>
    %get3A_7 = arith.constant 1 : index
    %get3A_8 = arith.constant 0 : index
    %get3A_9 = arith.constant 0 : index
    %get3A_10 = vector.load %arg1[%get3A_7, %get3A_8, %get3A_9] : memref<2x1000x128xf32, #tpu.memory_space<vmem>>, vector<1x1000x128xf32>
    %get3A_11 = vector.shape_cast %get3A_10 : vector<1x1000x128xf32> to vector<1000x128xf32>
    %add3A = arith.addf %get3A_6, %get3A_11 : vector<1000x128xf32>
    %get3A_12 = arith.constant 0 : index
    %get3A_13 = arith.constant 0 : index
    %get3A_14 = vector.load %arg2[%get3A_12, %get3A_13] : memref<1000x128xf32, #tpu.memory_space<vmem>>, vector<1000x128xf32>
    %add3A_15 = arith.addf %add3A, %get3A_14 : vector<1000x128xf32>
    %mul3A = vector.broadcast %get3A_1 : vector<1000x1xf32> to vector<1000x128xf32>
    %mul3A_16 = arith.mulf %add3A_15, %mul3A : vector<1000x128xf32>
    %ge3A = arith.constant 0.000000e+00 : f32
    %ge3A_17 = vector.broadcast %ge3A : f32 to vector<1000x128xf32>
    %ge3A_18 = arith.cmpf oge, %mul3A_16, %ge3A_17 : vector<1000x128xf32>
    %mul3A_19 = arith.constant 0.00999999977 : f32
    %mul3A_20 = vector.broadcast %mul3A_19 : f32 to vector<1000x128xf32>
    %mul3A_21 = arith.mulf %mul3A_20, %mul3A_16 : vector<1000x128xf32>
    %select_n3A = arith.select %ge3A_18, %mul3A_16, %mul3A_21 : vector<1000x128xi1>, vector<1000x128xf32>
    %swap3A = arith.constant 0 : index
    %swap3A_22 = arith.constant 0 : index
    %swap3A_23 = vector.load %arg7[%swap3A, %swap3A_22] : memref<1000x128xf32, #tpu.memory_space<vmem>>, vector<1000x128xf32>
    tpu.vector_store %arg7[%swap3A, %swap3A_22], %select_n3A {strides = array<i32>} : memref<1000x128xf32, #tpu.memory_space<vmem>>, vector<1000x128xf32>,
    %get3A_24 = arith.constant 0 : index
    %get3A_25 = arith.constant 0 : index
    %get3A_26 = vector.load %arg4[%get3A_24, %get3A_25] : memref<1000x128xf32, #tpu.memory_space<vmem>>, vector<1000x128xf32>
    %add3A_27 = arith.addf %get3A_26, %select_n3A : vector<1000x128xf32>
    %swap3A_28 = arith.constant 0 : index
    %swap3A_29 = arith.constant 0 : index
    %swap3A_30 = vector.load %arg8[%swap3A_28, %swap3A_29] : memref<1000x128xf32, #tpu.memory_space<vmem>>, vector<1000x128xf32>
    tpu.vector_store %arg8[%swap3A_28, %swap3A_29], %add3A_27 {strides = array<i32>} : memref<1000x128xf32, #tpu.memory_space<vmem>>, vector<1000x128xf32>,
    %get3A_31 = arith.constant 0 : index
    %get3A_32 = arith.constant 0 : index
    %get3A_33 = vector.load %arg5[%get3A_31, %get3A_32] : memref<128x128xf32, #tpu.memory_space<vmem>>, vector<128x128xf32>
    %dot_general3A = arith.constant dense<0.000000e+00> : vector<1000x128xf32>
    %dot_general3A_34 = tpu.matmul %add3A_27, %get3A_33, %dot_general3A {dimension_numbers = #tpu.dot_dimension_numbers<[1], [0], [0], [1], [0, 0, 1, 1], [], []>, transpose_lhs_hint = false} : vector<1000x128xf32>, vector<128x128xf32>, vector<1000x128xf32> -> vector<1000x128xf32>
    %get3A_35 = arith.constant 0 : index
    %get3A_36 = arith.constant 0 : index
    %get3A_37 = vector.load %arg6[%get3A_35, %get3A_36] : memref<1x128xf32, #tpu.memory_space<vmem>>, vector<1x128xf32>
    %add3A_38 = vector.broadcast %get3A_37 : vector<1x128xf32> to vector<1000x128xf32>
    %add3A_39 = arith.addf %dot_general3A_34, %add3A_38 : vector<1000x128xf32>
    %mul3A_40 = vector.broadcast %get3A_1 : vector<1000x1xf32> to vector<1000x128xf32>
    %mul3A_41 = arith.mulf %add3A_39, %mul3A_40 : vector<1000x128xf32>
    %swap3A_42 = arith.constant 0 : index
    %swap3A_43 = arith.constant 0 : index
    %swap3A_44 = vector.load %arg9[%swap3A_42, %swap3A_43] : memref<1000x128xf32, #tpu.memory_space<vmem>>, vector<1000x128xf32>
    tpu.vector_store %arg9[%swap3A_42, %swap3A_43], %mul3A_41 {strides = array<i32>} : memref<1000x128xf32, #tpu.memory_space<vmem>>, vector<1000x128xf32>,
    return
  }
  func.func @transform_0(%arg0: i32) -> (i32, i32, i32) {
    %c0_i32 = arith.constant 0 : i32
    %c0_i32_0 = arith.constant 0 : i32
    %c0_i32_1 = arith.constant 0 : i32
    return %c0_i32, %arg0, %c0_i32_0 : i32, i32, i32
  }
  func.func @transform_1(%arg0: i32) -> (i32, i32) {
    %c0_i32 = arith.constant 0 : i32
    %c0_i32_0 = arith.constant 0 : i32
    return %arg0, %c0_i32 : i32, i32
  }
  func.func @transform_2(%arg0: i32) -> (i32, i32) {
    %c0_i32 = arith.constant 0 : i32
    %c0_i32_0 = arith.constant 0 : i32
    return %arg0, %c0_i32 : i32, i32
  }
  func.func @transform_3(%arg0: i32) -> (i32, i32) {
    %c0_i32 = arith.constant 0 : i32
    %c0_i32_0 = arith.constant 0 : i32
    return %arg0, %c0_i32 : i32, i32
  }
  func.func @transform_4(%arg0: i32) -> (i32, i32) {
    %c0_i32 = arith.constant 0 : i32
    %c0_i32_0 = arith.constant 0 : i32
    %c0_i32_1 = arith.constant 0 : i32
    return %c0_i32, %c0_i32_0 : i32, i32
  }
  func.func @transform_5(%arg0: i32) -> (i32, i32) {
    %c0_i32 = arith.constant 0 : i32
    %c0_i32_0 = arith.constant 0 : i32
    %c0_i32_1 = arith.constant 0 : i32
    return %c0_i32, %c0_i32_0 : i32, i32
  }
  func.func @transform_6(%arg0: i32) -> (i32, i32) {
    %c0_i32 = arith.constant 0 : i32
    %c0_i32_0 = arith.constant 0 : i32
    return %arg0, %c0_i32 : i32, i32
  }
  func.func @transform_7(%arg0: i32) -> (i32, i32) {
    %c0_i32 = arith.constant 0 : i32
    %c0_i32_0 = arith.constant 0 : i32
    return %arg0, %c0_i32 : i32, i32
  }
  func.func @transform_8(%arg0: i32) -> (i32, i32) {
    %c0_i32 = arith.constant 0 : i32
    %c0_i32_0 = arith.constant 0 : i32
    return %arg0, %c0_i32 : i32, i32
  }
}

module attributes {stable_mosaic.version = 14 : i64} {
  func.func @_final_body(%arg0: memref<2x10240x128xf32, #tpu.memory_space<vmem>>, %arg1: memref<10000x128xf32, #tpu.memory_space<vmem>>, %arg2: memref<10000x1xf32, #tpu.memory_space<vmem>>, %arg3: memref<10000x128xf32, #tpu.memory_space<vmem>>, %arg4: memref<10000x128xf32, #tpu.memory_space<vmem>>, %arg5: memref<10000x128xf32, #tpu.memory_space<vmem>>, %arg6: memref<10000x1xi32, #tpu.memory_space<vmem>>, %arg7: memref<512x128xf32, #tpu.memory_space<vmem>>, %arg8: memref<1x128xf32, #tpu.memory_space<vmem>>, %arg9: memref<1x128xf32, #tpu.memory_space<vmem>>, %arg10: memref<1x128xf32, #tpu.memory_space<vmem>>, %arg11: memref<128x10xf32, #tpu.memory_space<vmem>>, %arg12: memref<1x10xf32, #tpu.memory_space<vmem>>, %arg13: memref<64x10xf32, #tpu.memory_space<vmem>>, %arg14: memref<10000x128xf32, #tpu.memory_space<vmem>>) attributes {dimension_semantics = [], scalar_prefetch = 0 : i64, scratch_operands = 1 : i64, tpu.core_type = #tpu.core_type<tc>} {
    %scan3A = arith.constant 0 : i32
    %scan3A_0 = arith.constant 10 : i32
    %scan3A_1 = arith.addi %scan3A, %scan3A_0 : i32
    %scan3A_2 = arith.constant 1 : i32
    scf.for %scan3A_83 = %scan3A to %scan3A_1 step %scan3A_2  : i32 {
      %mul3A_84 = arith.constant 1000 : i32
      %mul3A_85 = arith.muli %scan3A_83, %mul3A_84 : i32
      %get3A_86 = arith.constant 0 : index
      %get3A_87 = arith.index_cast %mul3A_85 : i32 to index
      %get3A_88 = arith.constant 0 : index
      %get3A_89 = vector.load %arg0[%get3A_86, %get3A_87, %get3A_88] : memref<2x10240x128xf32, #tpu.memory_space<vmem>>, vector<1x1000x128xf32>
      %get3A_90 = vector.shape_cast %get3A_89 : vector<1x1000x128xf32> to vector<1000x128xf32>
      %get3A_91 = arith.constant 1 : index
      %get3A_92 = arith.index_cast %mul3A_85 : i32 to index
      %get3A_93 = arith.constant 0 : index
      %get3A_94 = vector.load %arg0[%get3A_91, %get3A_92, %get3A_93] : memref<2x10240x128xf32, #tpu.memory_space<vmem>>, vector<1x1000x128xf32>
      %get3A_95 = vector.shape_cast %get3A_94 : vector<1x1000x128xf32> to vector<1000x128xf32>
      %add3A_96 = arith.addf %get3A_90, %get3A_95 : vector<1000x128xf32>
      %get3A_97 = arith.index_cast %mul3A_85 : i32 to index
      %get3A_98 = arith.constant 0 : index
      %get3A_99 = vector.load %arg1[%get3A_97, %get3A_98] : memref<10000x128xf32, #tpu.memory_space<vmem>>, vector<1000x128xf32>
      %add3A_100 = arith.addf %add3A_96, %get3A_99 : vector<1000x128xf32>
      %get3A_101 = arith.index_cast %mul3A_85 : i32 to index
      %get3A_102 = arith.constant 0 : index
      %get3A_103 = vector.load %arg2[%get3A_101, %get3A_102] : memref<10000x1xf32, #tpu.memory_space<vmem>>, vector<1000x1xf32>
      %mul3A_104 = vector.broadcast %get3A_103 : vector<1000x1xf32> to vector<1000x128xf32>
      %mul3A_105 = arith.mulf %add3A_100, %mul3A_104 : vector<1000x128xf32>
      %ge3A = arith.constant 0.000000e+00 : f32
      %ge3A_106 = vector.broadcast %ge3A : f32 to vector<1000x128xf32>
      %ge3A_107 = arith.cmpf oge, %mul3A_105, %ge3A_106 : vector<1000x128xf32>
      %mul3A_108 = arith.constant 0.00999999977 : f32
      %mul3A_109 = vector.broadcast %mul3A_108 : f32 to vector<1000x128xf32>
      %mul3A_110 = arith.mulf %mul3A_109, %mul3A_105 : vector<1000x128xf32>
      %select_n3A = arith.select %ge3A_107, %mul3A_105, %mul3A_110 : vector<1000x128xi1>, vector<1000x128xf32>
      %swap3A_111 = arith.index_cast %mul3A_85 : i32 to index
      %swap3A_112 = arith.constant 0 : index
      %swap3A_113 = vector.load %arg14[%swap3A_111, %swap3A_112] : memref<10000x128xf32, #tpu.memory_space<vmem>>, vector<1000x128xf32>
      tpu.vector_store %arg14[%swap3A_111, %swap3A_112], %select_n3A {strides = array<i32>} : memref<10000x128xf32, #tpu.memory_space<vmem>>, vector<1000x128xf32>,
    }
    %scan3A_3 = arith.constant 10 : i32
    %broadcast_in_dim3A = arith.constant -3.000000e+38 : f32
    %broadcast_in_dim3A_4 = vector.broadcast %broadcast_in_dim3A : f32 to vector<64x128xf32>
    %scan3A_5 = arith.constant 0 : i32
    %scan3A_6 = arith.constant 10 : i32
    %scan3A_7 = arith.addi %scan3A_5, %scan3A_6 : i32
    %scan3A_8 = arith.constant 1 : i32
    %scan3A_9 = scf.for %scan3A_83 = %scan3A_5 to %scan3A_7 step %scan3A_8 iter_args(%scan3A_84 = %broadcast_in_dim3A_4) -> (vector<64x128xf32>)  : i32 {
      %mul3A_85 = arith.constant 1000 : i32
      %mul3A_86 = arith.muli %scan3A_83, %mul3A_85 : i32
      %get3A_87 = arith.index_cast %mul3A_86 : i32 to index
      %get3A_88 = arith.constant 0 : index
      %get3A_89 = vector.load %arg14[%get3A_87, %get3A_88] : memref<10000x128xf32, #tpu.memory_space<vmem>>, vector<1000x128xf32>
      %get3A_90 = arith.index_cast %mul3A_86 : i32 to index
      %get3A_91 = arith.constant 0 : index
      %get3A_92 = vector.load %arg6[%get3A_90, %get3A_91] : memref<10000x1xi32, #tpu.memory_space<vmem>>, vector<1000x1xi32>
      %reduce_min3A = vector.shape_cast %get3A_92 : vector<1000x1xi32> to vector<1x1000x1xi32>
      %reduce_min3A_93 = arith.constant dense<2147483647> : vector<1xi32>
      %reduce_min3A_94 = vector.multi_reduction <minsi>, %reduce_min3A, %reduce_min3A_93 [1, 2] : vector<1x1000x1xi32> to vector<1xi32>
      %reduce_min3A_95 = vector.shape_cast %reduce_min3A_94 : vector<1xi32> to vector<1x1x1xi32>
      %reduce_min3A_96 = vector.extract %reduce_min3A_95[0, 0, 0] : i32 from vector<1x1x1xi32>
      %reduce_max3A = vector.shape_cast %get3A_92 : vector<1000x1xi32> to vector<1x1000x1xi32>
      %reduce_max3A_97 = arith.constant dense<-2147483648> : vector<1xi32>
      %reduce_max3A_98 = vector.multi_reduction <maxsi>, %reduce_max3A, %reduce_max3A_97 [1, 2] : vector<1x1000x1xi32> to vector<1xi32>
      %reduce_max3A_99 = vector.shape_cast %reduce_max3A_98 : vector<1xi32> to vector<1x1x1xi32>
      %reduce_max3A_100 = vector.extract %reduce_max3A_99[0, 0, 0] : i32 from vector<1x1x1xi32>
      %add3A_101 = arith.constant 1 : i32
      %add3A_102 = arith.addi %reduce_max3A_100, %add3A_101 : i32
      %while3A = arith.subi %add3A_102, %reduce_min3A_96 : i32
      %while3A_103 = arith.addi %reduce_min3A_96, %while3A : i32
      %while3A_104 = arith.constant 1 : i32
      %while3A_105 = arith.divsi %while3A, %while3A_104 : i32
      %while3A_106 = arith.muli %while3A_105, %while3A_104 : i32
      %while3A_107 = arith.addi %reduce_min3A_96, %while3A_106 : i32
      %while3A_108 = arith.constant 1 : i32
      %while3A_109 = scf.for %while3A_112 = %reduce_min3A_96 to %while3A_107 step %while3A_108 iter_args(%while3A_113 = %scan3A_84) -> (vector<64x128xf32>)  : i32 {
        %eq3A = vector.broadcast %while3A_112 : i32 to vector<1000x1xi32>
        %eq3A_114 = arith.cmpi eq, %get3A_92, %eq3A : vector<1000x1xi32>
        %jit3A = arith.constant -3.000000e+38 : f32
        %broadcast_in_dim3A_115 = vector.shape_cast %eq3A_114 : vector<1000x1xi1> to vector<1000x1xi1>
        %broadcast_in_dim3A_116 = vector.broadcast %broadcast_in_dim3A_115 : vector<1000x1xi1> to vector<1000x128xi1>
        %broadcast_in_dim3A_117 = vector.broadcast %jit3A : f32 to vector<1000x128xf32>
        %select_n3A = arith.select %broadcast_in_dim3A_116, %get3A_89, %broadcast_in_dim3A_117 : vector<1000x128xi1>, vector<1000x128xf32>
        %reduce_max3A_118 = arith.constant dense<0xFF800000> : vector<128xf32>
        %reduce_max3A_119 = vector.multi_reduction <maximumf>, %select_n3A, %reduce_max3A_118 [0] : vector<1000x128xf32> to vector<128xf32>
        %broadcast_in_dim3A_120 = vector.shape_cast %reduce_max3A_119 : vector<128xf32> to vector<1x128xf32>
        %iota3A = tpu.iota {dimensions = array<i32: 0>} : vector<64x1xi32>
        %eq3A_121 = vector.broadcast %while3A_112 : i32 to vector<64x1xi32>
        %eq3A_122 = arith.cmpi eq, %iota3A, %eq3A_121 : vector<64x1xi32>
        %max3A_123 = vector.broadcast %broadcast_in_dim3A_120 : vector<1x128xf32> to vector<64x128xf32>
        %max3A_124 = arith.maximumf %while3A_113, %max3A_123 : vector<64x128xf32>
        %broadcast_in_dim3A_125 = vector.shape_cast %eq3A_122 : vector<64x1xi1> to vector<64x1xi1>
        %broadcast_in_dim3A_126 = vector.broadcast %broadcast_in_dim3A_125 : vector<64x1xi1> to vector<64x128xi1>
        %select_n3A_127 = arith.select %broadcast_in_dim3A_126, %max3A_124, %while3A_113 : vector<64x128xi1>, vector<64x128xf32>
        scf.yield %select_n3A_127 : vector<64x128xf32>
      }
      %while3A_110 = arith.constant 1 : i32
      %while3A_111 = scf.for %while3A_112 = %while3A_107 to %while3A_103 step %while3A_110 iter_args(%while3A_113 = %while3A_109) -> (vector<64x128xf32>)  : i32 {
        %eq3A = vector.broadcast %while3A_112 : i32 to vector<1000x1xi32>
        %eq3A_114 = arith.cmpi eq, %get3A_92, %eq3A : vector<1000x1xi32>
        %jit3A = arith.constant -3.000000e+38 : f32
        %broadcast_in_dim3A_115 = vector.shape_cast %eq3A_114 : vector<1000x1xi1> to vector<1000x1xi1>
        %broadcast_in_dim3A_116 = vector.broadcast %broadcast_in_dim3A_115 : vector<1000x1xi1> to vector<1000x128xi1>
        %broadcast_in_dim3A_117 = vector.broadcast %jit3A : f32 to vector<1000x128xf32>
        %select_n3A = arith.select %broadcast_in_dim3A_116, %get3A_89, %broadcast_in_dim3A_117 : vector<1000x128xi1>, vector<1000x128xf32>
        %reduce_max3A_118 = arith.constant dense<0xFF800000> : vector<128xf32>
        %reduce_max3A_119 = vector.multi_reduction <maximumf>, %select_n3A, %reduce_max3A_118 [0] : vector<1000x128xf32> to vector<128xf32>
        %broadcast_in_dim3A_120 = vector.shape_cast %reduce_max3A_119 : vector<128xf32> to vector<1x128xf32>
        %iota3A = tpu.iota {dimensions = array<i32: 0>} : vector<64x1xi32>
        %eq3A_121 = vector.broadcast %while3A_112 : i32 to vector<64x1xi32>
        %eq3A_122 = arith.cmpi eq, %iota3A, %eq3A_121 : vector<64x1xi32>
        %max3A_123 = vector.broadcast %broadcast_in_dim3A_120 : vector<1x128xf32> to vector<64x128xf32>
        %max3A_124 = arith.maximumf %while3A_113, %max3A_123 : vector<64x128xf32>
        %broadcast_in_dim3A_125 = vector.shape_cast %eq3A_122 : vector<64x1xi1> to vector<64x1xi1>
        %broadcast_in_dim3A_126 = vector.broadcast %broadcast_in_dim3A_125 : vector<64x1xi1> to vector<64x128xi1>
        %select_n3A_127 = arith.select %broadcast_in_dim3A_126, %max3A_124, %while3A_113 : vector<64x128xi1>, vector<64x128xf32>
        scf.yield %select_n3A_127 : vector<64x128xf32>
      }
      scf.yield %while3A_111 : vector<64x128xf32>
    }
    %scan3A_10 = arith.constant 10 : i32
    %broadcast_in_dim3A_11 = arith.constant -3.000000e+38 : f32
    %broadcast_in_dim3A_12 = vector.broadcast %broadcast_in_dim3A_11 : f32 to vector<64x128xf32>
    %scan3A_13 = arith.constant 0 : i32
    %scan3A_14 = arith.constant 10 : i32
    %scan3A_15 = arith.addi %scan3A_13, %scan3A_14 : i32
    %scan3A_16 = arith.constant 1 : i32
    %scan3A_17 = scf.for %scan3A_83 = %scan3A_13 to %scan3A_15 step %scan3A_16 iter_args(%scan3A_84 = %broadcast_in_dim3A_12) -> (vector<64x128xf32>)  : i32 {
      %mul3A_85 = arith.constant 1000 : i32
      %mul3A_86 = arith.muli %scan3A_83, %mul3A_85 : i32
      %get3A_87 = arith.index_cast %mul3A_86 : i32 to index
      %get3A_88 = arith.constant 0 : index
      %get3A_89 = vector.load %arg3[%get3A_87, %get3A_88] : memref<10000x128xf32, #tpu.memory_space<vmem>>, vector<1000x128xf32>
      %get3A_90 = arith.index_cast %mul3A_86 : i32 to index
      %get3A_91 = arith.constant 0 : index
      %get3A_92 = vector.load %arg6[%get3A_90, %get3A_91] : memref<10000x1xi32, #tpu.memory_space<vmem>>, vector<1000x1xi32>
      %reduce_min3A = vector.shape_cast %get3A_92 : vector<1000x1xi32> to vector<1x1000x1xi32>
      %reduce_min3A_93 = arith.constant dense<2147483647> : vector<1xi32>
      %reduce_min3A_94 = vector.multi_reduction <minsi>, %reduce_min3A, %reduce_min3A_93 [1, 2] : vector<1x1000x1xi32> to vector<1xi32>
      %reduce_min3A_95 = vector.shape_cast %reduce_min3A_94 : vector<1xi32> to vector<1x1x1xi32>
      %reduce_min3A_96 = vector.extract %reduce_min3A_95[0, 0, 0] : i32 from vector<1x1x1xi32>
      %reduce_max3A = vector.shape_cast %get3A_92 : vector<1000x1xi32> to vector<1x1000x1xi32>
      %reduce_max3A_97 = arith.constant dense<-2147483648> : vector<1xi32>
      %reduce_max3A_98 = vector.multi_reduction <maxsi>, %reduce_max3A, %reduce_max3A_97 [1, 2] : vector<1x1000x1xi32> to vector<1xi32>
      %reduce_max3A_99 = vector.shape_cast %reduce_max3A_98 : vector<1xi32> to vector<1x1x1xi32>
      %reduce_max3A_100 = vector.extract %reduce_max3A_99[0, 0, 0] : i32 from vector<1x1x1xi32>
      %add3A_101 = arith.constant 1 : i32
      %add3A_102 = arith.addi %reduce_max3A_100, %add3A_101 : i32
      %while3A = arith.subi %add3A_102, %reduce_min3A_96 : i32
      %while3A_103 = arith.addi %reduce_min3A_96, %while3A : i32
      %while3A_104 = arith.constant 1 : i32
      %while3A_105 = arith.divsi %while3A, %while3A_104 : i32
      %while3A_106 = arith.muli %while3A_105, %while3A_104 : i32
      %while3A_107 = arith.addi %reduce_min3A_96, %while3A_106 : i32
      %while3A_108 = arith.constant 1 : i32
      %while3A_109 = scf.for %while3A_112 = %reduce_min3A_96 to %while3A_107 step %while3A_108 iter_args(%while3A_113 = %scan3A_84) -> (vector<64x128xf32>)  : i32 {
        %eq3A = vector.broadcast %while3A_112 : i32 to vector<1000x1xi32>
        %eq3A_114 = arith.cmpi eq, %get3A_92, %eq3A : vector<1000x1xi32>
        %jit3A = arith.constant -3.000000e+38 : f32
        %broadcast_in_dim3A_115 = vector.shape_cast %eq3A_114 : vector<1000x1xi1> to vector<1000x1xi1>
        %broadcast_in_dim3A_116 = vector.broadcast %broadcast_in_dim3A_115 : vector<1000x1xi1> to vector<1000x128xi1>
        %broadcast_in_dim3A_117 = vector.broadcast %jit3A : f32 to vector<1000x128xf32>
        %select_n3A = arith.select %broadcast_in_dim3A_116, %get3A_89, %broadcast_in_dim3A_117 : vector<1000x128xi1>, vector<1000x128xf32>
        %reduce_max3A_118 = arith.constant dense<0xFF800000> : vector<128xf32>
        %reduce_max3A_119 = vector.multi_reduction <maximumf>, %select_n3A, %reduce_max3A_118 [0] : vector<1000x128xf32> to vector<128xf32>
        %broadcast_in_dim3A_120 = vector.shape_cast %reduce_max3A_119 : vector<128xf32> to vector<1x128xf32>
        %iota3A = tpu.iota {dimensions = array<i32: 0>} : vector<64x1xi32>
        %eq3A_121 = vector.broadcast %while3A_112 : i32 to vector<64x1xi32>
        %eq3A_122 = arith.cmpi eq, %iota3A, %eq3A_121 : vector<64x1xi32>
        %max3A_123 = vector.broadcast %broadcast_in_dim3A_120 : vector<1x128xf32> to vector<64x128xf32>
        %max3A_124 = arith.maximumf %while3A_113, %max3A_123 : vector<64x128xf32>
        %broadcast_in_dim3A_125 = vector.shape_cast %eq3A_122 : vector<64x1xi1> to vector<64x1xi1>
        %broadcast_in_dim3A_126 = vector.broadcast %broadcast_in_dim3A_125 : vector<64x1xi1> to vector<64x128xi1>
        %select_n3A_127 = arith.select %broadcast_in_dim3A_126, %max3A_124, %while3A_113 : vector<64x128xi1>, vector<64x128xf32>
        scf.yield %select_n3A_127 : vector<64x128xf32>
      }
      %while3A_110 = arith.constant 1 : i32
      %while3A_111 = scf.for %while3A_112 = %while3A_107 to %while3A_103 step %while3A_110 iter_args(%while3A_113 = %while3A_109) -> (vector<64x128xf32>)  : i32 {
        %eq3A = vector.broadcast %while3A_112 : i32 to vector<1000x1xi32>
        %eq3A_114 = arith.cmpi eq, %get3A_92, %eq3A : vector<1000x1xi32>
        %jit3A = arith.constant -3.000000e+38 : f32
        %broadcast_in_dim3A_115 = vector.shape_cast %eq3A_114 : vector<1000x1xi1> to vector<1000x1xi1>
        %broadcast_in_dim3A_116 = vector.broadcast %broadcast_in_dim3A_115 : vector<1000x1xi1> to vector<1000x128xi1>
        %broadcast_in_dim3A_117 = vector.broadcast %jit3A : f32 to vector<1000x128xf32>
        %select_n3A = arith.select %broadcast_in_dim3A_116, %get3A_89, %broadcast_in_dim3A_117 : vector<1000x128xi1>, vector<1000x128xf32>
        %reduce_max3A_118 = arith.constant dense<0xFF800000> : vector<128xf32>
        %reduce_max3A_119 = vector.multi_reduction <maximumf>, %select_n3A, %reduce_max3A_118 [0] : vector<1000x128xf32> to vector<128xf32>
        %broadcast_in_dim3A_120 = vector.shape_cast %reduce_max3A_119 : vector<128xf32> to vector<1x128xf32>
        %iota3A = tpu.iota {dimensions = array<i32: 0>} : vector<64x1xi32>
        %eq3A_121 = vector.broadcast %while3A_112 : i32 to vector<64x1xi32>
        %eq3A_122 = arith.cmpi eq, %iota3A, %eq3A_121 : vector<64x1xi32>
        %max3A_123 = vector.broadcast %broadcast_in_dim3A_120 : vector<1x128xf32> to vector<64x128xf32>
        %max3A_124 = arith.maximumf %while3A_113, %max3A_123 : vector<64x128xf32>
        %broadcast_in_dim3A_125 = vector.shape_cast %eq3A_122 : vector<64x1xi1> to vector<64x1xi1>
        %broadcast_in_dim3A_126 = vector.broadcast %broadcast_in_dim3A_125 : vector<64x1xi1> to vector<64x128xi1>
        %select_n3A_127 = arith.select %broadcast_in_dim3A_126, %max3A_124, %while3A_113 : vector<64x128xi1>, vector<64x128xf32>
        scf.yield %select_n3A_127 : vector<64x128xf32>
      }
      scf.yield %while3A_111 : vector<64x128xf32>
    }
    %scan3A_18 = arith.constant 10 : i32
    %broadcast_in_dim3A_19 = arith.constant -3.000000e+38 : f32
    %broadcast_in_dim3A_20 = vector.broadcast %broadcast_in_dim3A_19 : f32 to vector<64x128xf32>
    %scan3A_21 = arith.constant 0 : i32
    %scan3A_22 = arith.constant 10 : i32
    %scan3A_23 = arith.addi %scan3A_21, %scan3A_22 : i32
    %scan3A_24 = arith.constant 1 : i32
    %scan3A_25 = scf.for %scan3A_83 = %scan3A_21 to %scan3A_23 step %scan3A_24 iter_args(%scan3A_84 = %broadcast_in_dim3A_20) -> (vector<64x128xf32>)  : i32 {
      %mul3A_85 = arith.constant 1000 : i32
      %mul3A_86 = arith.muli %scan3A_83, %mul3A_85 : i32
      %get3A_87 = arith.index_cast %mul3A_86 : i32 to index
      %get3A_88 = arith.constant 0 : index
      %get3A_89 = vector.load %arg4[%get3A_87, %get3A_88] : memref<10000x128xf32, #tpu.memory_space<vmem>>, vector<1000x128xf32>
      %get3A_90 = arith.index_cast %mul3A_86 : i32 to index
      %get3A_91 = arith.constant 0 : index
      %get3A_92 = vector.load %arg6[%get3A_90, %get3A_91] : memref<10000x1xi32, #tpu.memory_space<vmem>>, vector<1000x1xi32>
      %reduce_min3A = vector.shape_cast %get3A_92 : vector<1000x1xi32> to vector<1x1000x1xi32>
      %reduce_min3A_93 = arith.constant dense<2147483647> : vector<1xi32>
      %reduce_min3A_94 = vector.multi_reduction <minsi>, %reduce_min3A, %reduce_min3A_93 [1, 2] : vector<1x1000x1xi32> to vector<1xi32>
      %reduce_min3A_95 = vector.shape_cast %reduce_min3A_94 : vector<1xi32> to vector<1x1x1xi32>
      %reduce_min3A_96 = vector.extract %reduce_min3A_95[0, 0, 0] : i32 from vector<1x1x1xi32>
      %reduce_max3A = vector.shape_cast %get3A_92 : vector<1000x1xi32> to vector<1x1000x1xi32>
      %reduce_max3A_97 = arith.constant dense<-2147483648> : vector<1xi32>
      %reduce_max3A_98 = vector.multi_reduction <maxsi>, %reduce_max3A, %reduce_max3A_97 [1, 2] : vector<1x1000x1xi32> to vector<1xi32>
      %reduce_max3A_99 = vector.shape_cast %reduce_max3A_98 : vector<1xi32> to vector<1x1x1xi32>
      %reduce_max3A_100 = vector.extract %reduce_max3A_99[0, 0, 0] : i32 from vector<1x1x1xi32>
      %add3A_101 = arith.constant 1 : i32
      %add3A_102 = arith.addi %reduce_max3A_100, %add3A_101 : i32
      %while3A = arith.subi %add3A_102, %reduce_min3A_96 : i32
      %while3A_103 = arith.addi %reduce_min3A_96, %while3A : i32
      %while3A_104 = arith.constant 1 : i32
      %while3A_105 = arith.divsi %while3A, %while3A_104 : i32
      %while3A_106 = arith.muli %while3A_105, %while3A_104 : i32
      %while3A_107 = arith.addi %reduce_min3A_96, %while3A_106 : i32
      %while3A_108 = arith.constant 1 : i32
      %while3A_109 = scf.for %while3A_112 = %reduce_min3A_96 to %while3A_107 step %while3A_108 iter_args(%while3A_113 = %scan3A_84) -> (vector<64x128xf32>)  : i32 {
        %eq3A = vector.broadcast %while3A_112 : i32 to vector<1000x1xi32>
        %eq3A_114 = arith.cmpi eq, %get3A_92, %eq3A : vector<1000x1xi32>
        %jit3A = arith.constant -3.000000e+38 : f32
        %broadcast_in_dim3A_115 = vector.shape_cast %eq3A_114 : vector<1000x1xi1> to vector<1000x1xi1>
        %broadcast_in_dim3A_116 = vector.broadcast %broadcast_in_dim3A_115 : vector<1000x1xi1> to vector<1000x128xi1>
        %broadcast_in_dim3A_117 = vector.broadcast %jit3A : f32 to vector<1000x128xf32>
        %select_n3A = arith.select %broadcast_in_dim3A_116, %get3A_89, %broadcast_in_dim3A_117 : vector<1000x128xi1>, vector<1000x128xf32>
        %reduce_max3A_118 = arith.constant dense<0xFF800000> : vector<128xf32>
        %reduce_max3A_119 = vector.multi_reduction <maximumf>, %select_n3A, %reduce_max3A_118 [0] : vector<1000x128xf32> to vector<128xf32>
        %broadcast_in_dim3A_120 = vector.shape_cast %reduce_max3A_119 : vector<128xf32> to vector<1x128xf32>
        %iota3A = tpu.iota {dimensions = array<i32: 0>} : vector<64x1xi32>
        %eq3A_121 = vector.broadcast %while3A_112 : i32 to vector<64x1xi32>
        %eq3A_122 = arith.cmpi eq, %iota3A, %eq3A_121 : vector<64x1xi32>
        %max3A_123 = vector.broadcast %broadcast_in_dim3A_120 : vector<1x128xf32> to vector<64x128xf32>
        %max3A_124 = arith.maximumf %while3A_113, %max3A_123 : vector<64x128xf32>
        %broadcast_in_dim3A_125 = vector.shape_cast %eq3A_122 : vector<64x1xi1> to vector<64x1xi1>
        %broadcast_in_dim3A_126 = vector.broadcast %broadcast_in_dim3A_125 : vector<64x1xi1> to vector<64x128xi1>
        %select_n3A_127 = arith.select %broadcast_in_dim3A_126, %max3A_124, %while3A_113 : vector<64x128xi1>, vector<64x128xf32>
        scf.yield %select_n3A_127 : vector<64x128xf32>
      }
      %while3A_110 = arith.constant 1 : i32
      %while3A_111 = scf.for %while3A_112 = %while3A_107 to %while3A_103 step %while3A_110 iter_args(%while3A_113 = %while3A_109) -> (vector<64x128xf32>)  : i32 {
        %eq3A = vector.broadcast %while3A_112 : i32 to vector<1000x1xi32>
        %eq3A_114 = arith.cmpi eq, %get3A_92, %eq3A : vector<1000x1xi32>
        %jit3A = arith.constant -3.000000e+38 : f32
        %broadcast_in_dim3A_115 = vector.shape_cast %eq3A_114 : vector<1000x1xi1> to vector<1000x1xi1>
        %broadcast_in_dim3A_116 = vector.broadcast %broadcast_in_dim3A_115 : vector<1000x1xi1> to vector<1000x128xi1>
        %broadcast_in_dim3A_117 = vector.broadcast %jit3A : f32 to vector<1000x128xf32>
        %select_n3A = arith.select %broadcast_in_dim3A_116, %get3A_89, %broadcast_in_dim3A_117 : vector<1000x128xi1>, vector<1000x128xf32>
        %reduce_max3A_118 = arith.constant dense<0xFF800000> : vector<128xf32>
        %reduce_max3A_119 = vector.multi_reduction <maximumf>, %select_n3A, %reduce_max3A_118 [0] : vector<1000x128xf32> to vector<128xf32>
        %broadcast_in_dim3A_120 = vector.shape_cast %reduce_max3A_119 : vector<128xf32> to vector<1x128xf32>
        %iota3A = tpu.iota {dimensions = array<i32: 0>} : vector<64x1xi32>
        %eq3A_121 = vector.broadcast %while3A_112 : i32 to vector<64x1xi32>
        %eq3A_122 = arith.cmpi eq, %iota3A, %eq3A_121 : vector<64x1xi32>
        %max3A_123 = vector.broadcast %broadcast_in_dim3A_120 : vector<1x128xf32> to vector<64x128xf32>
        %max3A_124 = arith.maximumf %while3A_113, %max3A_123 : vector<64x128xf32>
        %broadcast_in_dim3A_125 = vector.shape_cast %eq3A_122 : vector<64x1xi1> to vector<64x1xi1>
        %broadcast_in_dim3A_126 = vector.broadcast %broadcast_in_dim3A_125 : vector<64x1xi1> to vector<64x128xi1>
        %select_n3A_127 = arith.select %broadcast_in_dim3A_126, %max3A_124, %while3A_113 : vector<64x128xi1>, vector<64x128xf32>
        scf.yield %select_n3A_127 : vector<64x128xf32>
      }
      scf.yield %while3A_111 : vector<64x128xf32>
    }
    %scan3A_26 = arith.constant 10 : i32
    %broadcast_in_dim3A_27 = arith.constant -3.000000e+38 : f32
    %broadcast_in_dim3A_28 = vector.broadcast %broadcast_in_dim3A_27 : f32 to vector<64x128xf32>
    %scan3A_29 = arith.constant 0 : i32
    %scan3A_30 = arith.constant 10 : i32
    %scan3A_31 = arith.addi %scan3A_29, %scan3A_30 : i32
    %scan3A_32 = arith.constant 1 : i32
    %scan3A_33 = scf.for %scan3A_83 = %scan3A_29 to %scan3A_31 step %scan3A_32 iter_args(%scan3A_84 = %broadcast_in_dim3A_28) -> (vector<64x128xf32>)  : i32 {
      %mul3A_85 = arith.constant 1000 : i32
      %mul3A_86 = arith.muli %scan3A_83, %mul3A_85 : i32
      %get3A_87 = arith.index_cast %mul3A_86 : i32 to index
      %get3A_88 = arith.constant 0 : index
      %get3A_89 = vector.load %arg5[%get3A_87, %get3A_88] : memref<10000x128xf32, #tpu.memory_space<vmem>>, vector<1000x128xf32>
      %get3A_90 = arith.index_cast %mul3A_86 : i32 to index
      %get3A_91 = arith.constant 0 : index
      %get3A_92 = vector.load %arg6[%get3A_90, %get3A_91] : memref<10000x1xi32, #tpu.memory_space<vmem>>, vector<1000x1xi32>
      %reduce_min3A = vector.shape_cast %get3A_92 : vector<1000x1xi32> to vector<1x1000x1xi32>
      %reduce_min3A_93 = arith.constant dense<2147483647> : vector<1xi32>
      %reduce_min3A_94 = vector.multi_reduction <minsi>, %reduce_min3A, %reduce_min3A_93 [1, 2] : vector<1x1000x1xi32> to vector<1xi32>
      %reduce_min3A_95 = vector.shape_cast %reduce_min3A_94 : vector<1xi32> to vector<1x1x1xi32>
      %reduce_min3A_96 = vector.extract %reduce_min3A_95[0, 0, 0] : i32 from vector<1x1x1xi32>
      %reduce_max3A = vector.shape_cast %get3A_92 : vector<1000x1xi32> to vector<1x1000x1xi32>
      %reduce_max3A_97 = arith.constant dense<-2147483648> : vector<1xi32>
      %reduce_max3A_98 = vector.multi_reduction <maxsi>, %reduce_max3A, %reduce_max3A_97 [1, 2] : vector<1x1000x1xi32> to vector<1xi32>
      %reduce_max3A_99 = vector.shape_cast %reduce_max3A_98 : vector<1xi32> to vector<1x1x1xi32>
      %reduce_max3A_100 = vector.extract %reduce_max3A_99[0, 0, 0] : i32 from vector<1x1x1xi32>
      %add3A_101 = arith.constant 1 : i32
      %add3A_102 = arith.addi %reduce_max3A_100, %add3A_101 : i32
      %while3A = arith.subi %add3A_102, %reduce_min3A_96 : i32
      %while3A_103 = arith.addi %reduce_min3A_96, %while3A : i32
      %while3A_104 = arith.constant 1 : i32
      %while3A_105 = arith.divsi %while3A, %while3A_104 : i32
      %while3A_106 = arith.muli %while3A_105, %while3A_104 : i32
      %while3A_107 = arith.addi %reduce_min3A_96, %while3A_106 : i32
      %while3A_108 = arith.constant 1 : i32
      %while3A_109 = scf.for %while3A_112 = %reduce_min3A_96 to %while3A_107 step %while3A_108 iter_args(%while3A_113 = %scan3A_84) -> (vector<64x128xf32>)  : i32 {
        %eq3A = vector.broadcast %while3A_112 : i32 to vector<1000x1xi32>
        %eq3A_114 = arith.cmpi eq, %get3A_92, %eq3A : vector<1000x1xi32>
        %jit3A = arith.constant -3.000000e+38 : f32
        %broadcast_in_dim3A_115 = vector.shape_cast %eq3A_114 : vector<1000x1xi1> to vector<1000x1xi1>
        %broadcast_in_dim3A_116 = vector.broadcast %broadcast_in_dim3A_115 : vector<1000x1xi1> to vector<1000x128xi1>
        %broadcast_in_dim3A_117 = vector.broadcast %jit3A : f32 to vector<1000x128xf32>
        %select_n3A = arith.select %broadcast_in_dim3A_116, %get3A_89, %broadcast_in_dim3A_117 : vector<1000x128xi1>, vector<1000x128xf32>
        %reduce_max3A_118 = arith.constant dense<0xFF800000> : vector<128xf32>
        %reduce_max3A_119 = vector.multi_reduction <maximumf>, %select_n3A, %reduce_max3A_118 [0] : vector<1000x128xf32> to vector<128xf32>
        %broadcast_in_dim3A_120 = vector.shape_cast %reduce_max3A_119 : vector<128xf32> to vector<1x128xf32>
        %iota3A = tpu.iota {dimensions = array<i32: 0>} : vector<64x1xi32>
        %eq3A_121 = vector.broadcast %while3A_112 : i32 to vector<64x1xi32>
        %eq3A_122 = arith.cmpi eq, %iota3A, %eq3A_121 : vector<64x1xi32>
        %max3A_123 = vector.broadcast %broadcast_in_dim3A_120 : vector<1x128xf32> to vector<64x128xf32>
        %max3A_124 = arith.maximumf %while3A_113, %max3A_123 : vector<64x128xf32>
        %broadcast_in_dim3A_125 = vector.shape_cast %eq3A_122 : vector<64x1xi1> to vector<64x1xi1>
        %broadcast_in_dim3A_126 = vector.broadcast %broadcast_in_dim3A_125 : vector<64x1xi1> to vector<64x128xi1>
        %select_n3A_127 = arith.select %broadcast_in_dim3A_126, %max3A_124, %while3A_113 : vector<64x128xi1>, vector<64x128xf32>
        scf.yield %select_n3A_127 : vector<64x128xf32>
      }
      %while3A_110 = arith.constant 1 : i32
      %while3A_111 = scf.for %while3A_112 = %while3A_107 to %while3A_103 step %while3A_110 iter_args(%while3A_113 = %while3A_109) -> (vector<64x128xf32>)  : i32 {
        %eq3A = vector.broadcast %while3A_112 : i32 to vector<1000x1xi32>
        %eq3A_114 = arith.cmpi eq, %get3A_92, %eq3A : vector<1000x1xi32>
        %jit3A = arith.constant -3.000000e+38 : f32
        %broadcast_in_dim3A_115 = vector.shape_cast %eq3A_114 : vector<1000x1xi1> to vector<1000x1xi1>
        %broadcast_in_dim3A_116 = vector.broadcast %broadcast_in_dim3A_115 : vector<1000x1xi1> to vector<1000x128xi1>
        %broadcast_in_dim3A_117 = vector.broadcast %jit3A : f32 to vector<1000x128xf32>
        %select_n3A = arith.select %broadcast_in_dim3A_116, %get3A_89, %broadcast_in_dim3A_117 : vector<1000x128xi1>, vector<1000x128xf32>
        %reduce_max3A_118 = arith.constant dense<0xFF800000> : vector<128xf32>
        %reduce_max3A_119 = vector.multi_reduction <maximumf>, %select_n3A, %reduce_max3A_118 [0] : vector<1000x128xf32> to vector<128xf32>
        %broadcast_in_dim3A_120 = vector.shape_cast %reduce_max3A_119 : vector<128xf32> to vector<1x128xf32>
        %iota3A = tpu.iota {dimensions = array<i32: 0>} : vector<64x1xi32>
        %eq3A_121 = vector.broadcast %while3A_112 : i32 to vector<64x1xi32>
        %eq3A_122 = arith.cmpi eq, %iota3A, %eq3A_121 : vector<64x1xi32>
        %max3A_123 = vector.broadcast %broadcast_in_dim3A_120 : vector<1x128xf32> to vector<64x128xf32>
        %max3A_124 = arith.maximumf %while3A_113, %max3A_123 : vector<64x128xf32>
        %broadcast_in_dim3A_125 = vector.shape_cast %eq3A_122 : vector<64x1xi1> to vector<64x1xi1>
        %broadcast_in_dim3A_126 = vector.broadcast %broadcast_in_dim3A_125 : vector<64x1xi1> to vector<64x128xi1>
        %select_n3A_127 = arith.select %broadcast_in_dim3A_126, %max3A_124, %while3A_113 : vector<64x128xi1>, vector<64x128xf32>
        scf.yield %select_n3A_127 : vector<64x128xf32>
      }
      scf.yield %while3A_111 : vector<64x128xf32>
    }
    %scan3A_34 = arith.constant 10 : i32
    %concatenate3A = tpu.concatenate %scan3A_9, %scan3A_17, %scan3A_25, %scan3A_33 in 1 : vector<64x128xf32>, vector<64x128xf32>, vector<64x128xf32>, vector<64x128xf32> -> vector<64x512xf32>
    %get3A = arith.constant 0 : index
    %get3A_35 = arith.constant 0 : index
    %get3A_36 = vector.load %arg7[%get3A, %get3A_35] : memref<512x128xf32, #tpu.memory_space<vmem>>, vector<512x128xf32>
    %dot_general3A = arith.constant dense<0.000000e+00> : vector<64x128xf32>
    %dot_general3A_37 = tpu.matmul %concatenate3A, %get3A_36, %dot_general3A {dimension_numbers = #tpu.dot_dimension_numbers<[1], [0], [0], [1], [0, 0, 1, 1], [], []>, transpose_lhs_hint = false} : vector<64x512xf32>, vector<512x128xf32>, vector<64x128xf32> -> vector<64x128xf32>
    %get3A_38 = arith.constant 0 : index
    %get3A_39 = arith.constant 0 : index
    %get3A_40 = vector.load %arg8[%get3A_38, %get3A_39] : memref<1x128xf32, #tpu.memory_space<vmem>>, vector<1x128xf32>
    %add3A = vector.broadcast %get3A_40 : vector<1x128xf32> to vector<64x128xf32>
    %add3A_41 = arith.addf %dot_general3A_37, %add3A : vector<64x128xf32>
    %reduce_sum3A = arith.constant dense<0.000000e+00> : vector<128xf32>
    %reduce_sum3A_42 = vector.multi_reduction <add>, %add3A_41, %reduce_sum3A [0] : vector<64x128xf32> to vector<128xf32>
    %broadcast_in_dim3A_43 = vector.shape_cast %reduce_sum3A_42 : vector<128xf32> to vector<1x128xf32>
    %div3A = arith.constant 6.400000e+01 : f32
    %div3A_44 = vector.broadcast %div3A : f32 to vector<1x128xf32>
    %div3A_45 = arith.divf %broadcast_in_dim3A_43, %div3A_44 : vector<1x128xf32>
    %sub3A = vector.broadcast %div3A_45 : vector<1x128xf32> to vector<64x128xf32>
    %sub3A_46 = arith.subf %add3A_41, %sub3A : vector<64x128xf32>
    %integer_pow3A = arith.mulf %sub3A_46, %sub3A_46 : vector<64x128xf32>
    %reduce_sum3A_47 = arith.constant dense<0.000000e+00> : vector<128xf32>
    %reduce_sum3A_48 = vector.multi_reduction <add>, %integer_pow3A, %reduce_sum3A_47 [0] : vector<64x128xf32> to vector<128xf32>
    %broadcast_in_dim3A_49 = vector.shape_cast %reduce_sum3A_48 : vector<128xf32> to vector<1x128xf32>
    %div3A_50 = arith.constant 6.400000e+01 : f32
    %div3A_51 = vector.broadcast %div3A_50 : f32 to vector<1x128xf32>
    %div3A_52 = arith.divf %broadcast_in_dim3A_49, %div3A_51 : vector<1x128xf32>
    %sub3A_53 = vector.broadcast %div3A_45 : vector<1x128xf32> to vector<64x128xf32>
    %sub3A_54 = arith.subf %add3A_41, %sub3A_53 : vector<64x128xf32>
    %add3A_55 = arith.constant 9.99999974E-6 : f32
    %add3A_56 = vector.broadcast %add3A_55 : f32 to vector<1x128xf32>
    %add3A_57 = arith.addf %div3A_52, %add3A_56 : vector<1x128xf32>
    %rsqrt3A = math.rsqrt %add3A_57 : vector<1x128xf32>
    %mul3A = vector.broadcast %rsqrt3A : vector<1x128xf32> to vector<64x128xf32>
    %mul3A_58 = arith.mulf %sub3A_54, %mul3A : vector<64x128xf32>
    %get3A_59 = arith.constant 0 : index
    %get3A_60 = arith.constant 0 : index
    %get3A_61 = vector.load %arg9[%get3A_59, %get3A_60] : memref<1x128xf32, #tpu.memory_space<vmem>>, vector<1x128xf32>
    %mul3A_62 = vector.broadcast %get3A_61 : vector<1x128xf32> to vector<64x128xf32>
    %mul3A_63 = arith.mulf %mul3A_58, %mul3A_62 : vector<64x128xf32>
    %get3A_64 = arith.constant 0 : index
    %get3A_65 = arith.constant 0 : index
    %get3A_66 = vector.load %arg10[%get3A_64, %get3A_65] : memref<1x128xf32, #tpu.memory_space<vmem>>, vector<1x128xf32>
    %add3A_67 = vector.broadcast %get3A_66 : vector<1x128xf32> to vector<64x128xf32>
    %add3A_68 = arith.addf %mul3A_63, %add3A_67 : vector<64x128xf32>
    %max3A = arith.constant 0.000000e+00 : f32
    %max3A_69 = vector.broadcast %max3A : f32 to vector<64x128xf32>
    %max3A_70 = arith.maximumf %add3A_68, %max3A_69 : vector<64x128xf32>
    %get3A_71 = arith.constant 0 : index
    %get3A_72 = arith.constant 0 : index
    %get3A_73 = vector.load %arg11[%get3A_71, %get3A_72] : memref<128x10xf32, #tpu.memory_space<vmem>>, vector<128x10xf32>
    %dot_general3A_74 = arith.constant dense<0.000000e+00> : vector<64x10xf32>
    %dot_general3A_75 = tpu.matmul %max3A_70, %get3A_73, %dot_general3A_74 {dimension_numbers = #tpu.dot_dimension_numbers<[1], [0], [0], [1], [0, 0, 1, 1], [], []>, transpose_lhs_hint = false} : vector<64x128xf32>, vector<128x10xf32>, vector<64x10xf32> -> vector<64x10xf32>
    %get3A_76 = arith.constant 0 : index
    %get3A_77 = arith.constant 0 : index
    %get3A_78 = vector.load %arg12[%get3A_76, %get3A_77] : memref<1x10xf32, #tpu.memory_space<vmem>>, vector<1x10xf32>
    %add3A_79 = vector.broadcast %get3A_78 : vector<1x10xf32> to vector<64x10xf32>
    %add3A_80 = arith.addf %dot_general3A_75, %add3A_79 : vector<64x10xf32>
    %swap3A = arith.constant 0 : index
    %swap3A_81 = arith.constant 0 : index
    %swap3A_82 = vector.load %arg13[%swap3A, %swap3A_81] : memref<64x10xf32, #tpu.memory_space<vmem>>, vector<64x10xf32>
    tpu.vector_store %arg13[%swap3A, %swap3A_81], %add3A_80 {strides = array<i32>} : memref<64x10xf32, #tpu.memory_space<vmem>>, vector<64x10xf32>,
    return
  }
}

</mosaic_0001>

<sc_bundles>
// kernel: kernel.12.cloned.1.call-start
scs
__scs_entry_jumppad:
0x0: {  	(pc) =	sbr.rel $0x88, $3  }
0x1: {  	(tag) =	ssettag $0x0;
	lr =	simm.s32 $0x1  }
0x2: {  	[smem:$0x3F90] =	sst lr;
	_ =	strace $0xD0000000  }
0x3: {  	_ = 	snop  }
0x4: {  	_ = 	snop  }
0x5: {  	_ = 	snop  }
0x6: {  	_ = 	snop  }
0x7: {  	_ = 	snop  }
__scs_overlays_trampoline_lowered:
0x8: {  	[smem:$0x3F9F] =	sst s0  }
0x9: {  	[smem:$0x3FA0] =	sst s1  }
0xa: {  	[smem:$0x3FA1] =	sst s2  }
0xb: {  	[smem:$0x3FA2] =	sst s3  }
0xc: {  	[smem:$0x3FA3] =	sst s4  }
0xd: {  	[smem:$0x3FA4] =	sst s5  }
0xe: {  	[smem:$0x3FA5] =	sst s6  }
0xf: {  	[smem:$0x3FA6] =	sst s7  }
0x10: {  	[smem:$0x3FA7] =	sst s8  }
0x11: {  	[smem:$0x3FA8] =	sst s9;
	s0 =	simm.s32 @!p0 $0x0  }
0x12: {  	s1 =	sld [smem:$0x3F8E];
	s0 =	simm.s32 @p0 $0x1  }
0x13: {  	[smem:$0x3FA9] =	sst s0;
	s0 =	simm.s32 @!p1 $0x0  }
0x14: {  	s2 =	sld [smem:$0x3F8D];
	s0 =	simm.s32 @p1 $0x1  }
0x15: {  	[smem:$0x3FAA] =	sst s0;
	s0 =	simm.s32 @!p2 $0x0  }
0x16: {  	s3 =	sld [smem:$0x3FDB];
	s0 =	simm.s32 @p2 $0x1  }
0x17: {  	s4 =	simm.s32 $0x1BF5;
	[smem:$0x3FAC] =	sst s0  }
0x18: {  	s0 =	sld [smem:$0x3F8F];
	_ =	swait.ge [sflag:s4], $0x0  }
0x19: {  	s7 =	sld [smem:$0x3F90]  }
0x1a: {  	s8 =	sadd.s32 $0xFFFFE003, lr  }
0x1b: {  	s9 =	sadd.s32 $0xFFFFFEF7, lr;
	s5 =	simm.s32 $0xFFFFFFFF;
	p2 =	slt.u32 s8, $0xFFFFF086  }
0x1c: {  	p1 =	slt.u32 s9, $0xF7A;
	s5 =	simm.s32 @!p2 $0x0  }
0x1d: {  	s5 =	simm.s32 @p1 $0x1;
	p0 =	seq.s32 s7, s2  }
0x1e: {  	s7 =	smul.u32 @!p0 $0xF7A, s2;
	p2 =	seq.s32 @!p0 s5, $0x0  }
0x1f: {  	s9 =	smul.u32 $0xF7A, s1;
	s8 =	simm.s32 @!p0 $0x1BF5;
	p2 =	por !p2, p0  }
0x20: {  	[sflag:s8] =	ssyncset.s32 @!p0 $0xFFFFF086;
	s6 =	sadd.s32 @!p0 s3, s7;
	s7 =	simm.s32 @!p0 $0x108  }
0x21: {  	s3 =	sadd.s32 s3, s9;
	s6 =	sadd.s32 @!p0 $0x88, s6;
	s7 =	simm.s32 @p2 $0x1082  }
0x22: {  	[simem:s7], [sflag:s8] =	dma.local @!p0 [hbm:s6], $0xF7A  }
0x23: {  	s9 =	sor.u32 $0xD0000000, s2;
	s6 =	simm.s32 $0x108;
	_ =	swait.ge @!p0 [sflag:s8], $0x0  }
0x24: {  	s3 =	sadd.s32 $0x88, s3;
	s6 =	simm.s32 @!p1 $0x1082;
	[sflag:s4] =	ssyncset.s32 $0xFFFFF086  }
0x25: {  	[simem:s6], [sflag:s4] =	dma.local [hbm:s3], $0xF7A  }
0x26: {  	[smem:$0x3F90] =	sst s1;
	(tag) =	ssettag s2;
	_ =	strace s9  }
0x27: {  	s1 =	sld [smem:$0x3FA0]  }
0x28: {  	s2 =	sld [smem:$0x3FA1]  }
0x29: {  	s4 =	sld [smem:$0x3FA3]  }
0x2a: {  	p0 =	seq.s32 s5, $0x0;
	s5 =	sld [smem:$0x3FA4]  }
0x2b: {  	s6 =	sld [smem:$0x3FA5]  }
0x2c: {  	s7 =	sld [smem:$0x3FA6]  }
0x2d: {  	s3 =	simm.s32 $0x108;
	s8 =	sld [smem:$0x3FA7]  }
0x2e: {  	s3 =	simm.s32 @!p0 $0x1082;
	s9 =	sld [smem:$0x3FA8]  }
0x2f: {  	lr =	sadd.s32 s0, s3;
	s0 =	sld [smem:$0x3F9F]  }
0x30: {  	s3 =	sld [smem:$0x3FA2]  }
0x31: {  	[smem:$0x3FAB] =	sst s10  }
0x32: {  	s10 =	sld [smem:$0x3FA9];
	_ =	sdelay $0x3  }
0x33: {  	p0 =	seq.s32 s10, $0x1;
	s10 =	sld [smem:$0x3FAB];
	_ =	sdelay $0x3  }
0x34: {  	[smem:$0x3FAB] =	sst s10  }
0x35: {  	s10 =	sld [smem:$0x3FAA];
	_ =	sdelay $0x3  }
0x36: {  	p1 =	seq.s32 s10, $0x1;
	s10 =	sld [smem:$0x3FAB];
	_ =	sdelay $0x3  }
0x37: {  	[smem:$0x3FAB] =	sst s10  }
0x38: {  	s10 =	sld [smem:$0x3FAC]  }
0x39: {  	_ = 	snop;
	(pc) =	sbr.ind lr, $3  }
0x3a: {  	_ = 	snop  }
0x3b: {  	_ = 	snop  }
0x3c: {  	p2 =	seq.s32 s10, $0x1;
	s10 =	sld [smem:$0x3FAB]  }
0x3d: {  	_ =	shalt  }
0x3e: {  	_ =	shalt  }
0x3f: {  	_ =	shalt  }
0x40: {  	_ =	shalt  }
0x41: {  	_ =	shalt  }
0x42: {  	_ =	shalt  }
0x43: {  	_ =	shalt  }
0x44: {  	_ =	shalt  }
0x45: {  	_ =	shalt  }
0x46: {  	_ =	shalt  }
0x47: {  	_ =	shalt  }
0x48: {  	_ =	shalt  }
0x49: {  	_ =	shalt  }
0x4a: {  	_ =	shalt  }
0x4b: {  	_ =	shalt  }
0x4c: {  	_ =	shalt  }
0x4d: {  	_ =	shalt  }
0x4e: {  	_ =	shalt  }
0x4f: {  	_ =	shalt  }
0x50: {  	_ =	shalt  }
0x51: {  	_ =	shalt  }
0x52: {  	_ =	shalt  }
0x53: {  	_ =	shalt  }
0x54: {  	_ =	shalt  }
0x55: {  	_ =	shalt  }
0x56: {  	_ =	shalt  }
0x57: {  	_ =	shalt  }
0x58: {  	_ =	shalt  }
0x59: {  	_ =	shalt  }
0x5a: {  	_ =	shalt  }
0x5b: {  	_ =	shalt  }
0x5c: {  	_ =	shalt  }
0x5d: {  	_ =	shalt  }
0x5e: {  	_ =	shalt  }
0x5f: {  	_ =	shalt  }
0x60: {  	_ =	shalt  }
0x61: {  	_ =	shalt  }
0x62: {  	_ =	shalt  }
0x63: {  	_ =	shalt  }
0x64: {  	_ =	shalt  }
0x65: {  	_ =	shalt  }
0x66: {  	_ =	shalt  }
0x67: {  	_ =	shalt  }
0x68: {  	_ =	shalt  }
0x69: {  	_ =	shalt  }
0x6a: {  	_ =	shalt  }
0x6b: {  	_ =	shalt  }
0x6c: {  	_ =	shalt  }
0x6d: {  	_ =	shalt  }
0x6e: {  	_ =	shalt  }
0x6f: {  	_ =	shalt  }
0x70: {  	_ =	shalt  }
0x71: {  	_ =	shalt  }
0x72: {  	_ =	shalt  }
0x73: {  	_ =	shalt  }
0x74: {  	_ =	shalt  }
0x75: {  	_ =	shalt  }
0x76: {  	_ =	shalt  }
0x77: {  	_ =	shalt  }
0x78: {  	_ =	shalt  }
0x79: {  	_ =	shalt  }
0x7a: {  	_ =	shalt  }
0x7b: {  	_ =	shalt  }
0x7c: {  	_ =	shalt  }
0x7d: {  	_ =	shalt  }
0x7e: {  	_ =	shalt  }
0x7f: {  	_ =	shalt  }
0x80: {  	_ =	shalt  }
0x81: {  	_ =	shalt  }
0x82: {  	_ =	shalt  }
0x83: {  	_ =	shalt  }
0x84: {  	_ =	shalt  }
0x85: {  	_ =	shalt  }
0x86: {  	_ =	shalt  }
0x87: {  	_ =	shalt  }
.Lfunc_end0:
.L_simem_size_0:
called_computation_lowered:
.L_overlay_start_0:
0x88: {  	s2 =	sld [smem:$0x3FD9]  }
0x89: {  	s3 =	sld [smem:$0x3FFE];
	_ =	sdelay $0x1  }
0x8a: {  	s1 =	srdreg.scid  }
0x8b: {  	s0 =	sand.u32 $0x1, s1  }
0x8c: {  	s16 =	sshll.u32 s0, $0xA;
	s2 =	sadd.s32 s3, s2  }
0x8d: {  	s2 =	sadd.s32 s2, s16  }
0x8e: {  	[smem:$0x3FB7] =	sst s2  }
0x8f: {  	_ = 	snop  }
0x90: {  	(tm) =	ssettm $0x1  }
0x91: {  	s17 =	sld [smem:$0x3FFB];
	_ =	sdelay $0x3  }
0x92: {  	_ =	strace s17  }
0x93: {  	s2 =	sld [smem:$0x3FFC];
	_ =	sdelay $0x3  }
0x94: {  	_ =	strace s2  }
0x95: {  	s2 =	sld [smem:$0x3FFD];
	_ =	sdelay $0x3  }
0x96: {  	_ =	strace s2  }
0x97: {  	_ =	strace $0x8FFFFFFF  }
0x98: {  	s18 =	sld [smem:$0x3FDB];
	_ =	sdelay $0x1  }
0x99: {  	s19 =	simm.s32 $_scs_section_size  }
0x9a: {  	s4 =	simm.s32 $_size__tile_overlayer_lowered;
	s5 =	simm.s32 $_tile_overlayer_lowered  }
0x9b: {  	s22 =	simm.s32 $0x1BFF;
	s21 =	sshll.u32 s5, $0x1;
	s2 =	sadd.s32 s19, s18  }
0x9c: {  	s6 =	simm.s32 $0x0;
	s20 =	sshll.u32 s4, $0x1;
	s4 =	sadd.s32 s21, s2  }
0x9d: {  	[timem:s6], [sflag:s22] =	dma.local [hbm:s4], s20  }
0x9e: {  	_ =	swait.ge [sflag:s22], s20  }
0x9f: {  	s3 =	ssub.s32 $0x0, s20;
	[sflag:s22] =	ssyncset.done $0x0  }
0xa0: {  	[sflag:s22] =	ssyncadd.s32 s3;
	_ =	sdelay $0x1  }
0xa1: {  	s23 =	simm.s32 $0x1B8B  }
0xa2: {  	_ =	swait.ge [sflag:s23], $0x1  }
0xa3: {  	[sflag:s23] =	ssyncset.done $0x0  }
0xa4: {  	s25 =	simm.s32 $0x1B8E;
	s24 =	sld [smem:$0x3FFE];
	[sflag:s23] =	ssyncadd.s32 $0xFFFFFFFF  }
0xa5: {  	s26 =	simm.s32 $execute0_lowered;
	[smem:$0x3FD2] =	sst s25  }
0xa6: {  	s4 =	sshll.u32 s26, $0x1;
	_ =	strace $0x80000046;
	[dreg:$0x1] =	wrdreg $0xFFFFFFFF  }
0xa7: {  	s28 =	simm.s32 $_size_execute0_lowered;
	s2 =	sadd.s32 s2, s4;
	[dreg:$0x0] =	wrdreg $0x0  }
0xa8: {  	s4 =	sshll.u32 s28, $0x1;
	[dreg:$0x2] =	wrdreg s2  }
0xa9: {  	[dreg:$0x3] =	wrdreg s4  }
0xaa: {  	[dreg:$0x4] =	wrdreg $0xC0  }
0xab: {  	_ =	task [dreg:s6], $0x5FFFF  }
0xac: {  	[dreg:$0x1] =	wrdreg $0xFFFFFFFF  }
0xad: {  	[dreg:$0x0] =	wrdreg $0x60  }
0xae: {  	[dreg:$0x2] =	wrdreg s24  }
0xaf: {  	[dreg:$0x3] =	wrdreg $0x0  }
0xb0: {  	[dreg:$0x4] =	wrdreg $0x9  }
0xb1: {  	_ =	task.clear_ibuf [dreg:s6], $0x5FFFF;
	_ =	strace $0x90000046  }
0xb2: {  	s29 =	simm.s32 $0x9;
	_ =	strace $0x80000048  }
0xb3: {  	_ =	swait.ge [sflag:s29], $0x1  }
0xb4: {  	[sflag:s29] =	ssyncadd.s32 $0xFFFFFFFF  }
0xb5: {  	_ =	strace $0x90000048  }
0xb6: {  	_ =	sfence  }
0xb7: {  	s30 =	sld [smem:$0x0];
	_ =	sdelay $0x2  }
0xb8: {  	s31 =	sshll.u32 s1, $0xD;
	s1 =	sshrl.u32 s1, $0x2  }
0xb9: {  	s3 =	sand.u32 $0x4000, s31;
	s1 =	sadd.s32 s1, s30  }
0xba: {  	s0 =	sor.u32 s3, s0;
	s1 =	sshll.u32 s1, $0x11  }
0xbb: {  	s0 =	sor.u32 s1, s0  }
0xbc: {  	s0 =	sadd.s32 $0x8F2B, s0  }
0xbd: {  	[sflag:s0] =	ssyncadd.remote.s32 $0x1  }
0xbe: {  	_ =	sfence.sel $0xFFFF  }
0xbf: {  	[dreg:$0x0] =	wrdreg $0xFFFFFFFF;
	(pc) =	sbr.abs _section_cstart, $3  }
0xc0: {  	[dreg:$0x1] =	wrdreg $0xFFFFFFFF  }
0xc1: {  	_ =	task.clear_ibuf [dreg:s6], $0x2FFFF;
	_ =	strace $0x9FFFFFFF  }
0xc2: {  	(tm) =	ssettm $0x7FFFFFFF  }
0xc3: {  	_ =	shalt  }
tec
execute0_lowered:
.L_overlay_start_1:
0x0: {  	(tag) =	ssettag $0x1  }
0x1: {  	s6 =	rddreg [dreg:$0x0]  }
0x2: {  	s2 =	rddreg [dreg:$0x1]  }
0x3: {  	s0 =	rddreg [dreg:$0x2]  }
0x4: {  	s1 =	stileid.u32;
	s4 =	srdreg.scid;
	s3 =	simm.s32 $0x0  }
0x5: {  	s15 =	simm.s32 $0x80;
	s16 =	simm.s32 $0x18080;
	s7 =	smul.u32 $0x14000, s1  }
0x6: {  	s17 =	simm.s32 $0x0;
	s8 =	sand.u32 $0x1, s4;
	s28 =	smul.u32 $0x50000, s1  }
0x7: {  	[smem:$0x7FF] =	sst s3;
	s4 =	sadd.s32 $0xFA00, s6;
	s11 =	smul.u32 $0x5000, s1  }
0x8: {  	s5 =	sadd.s32 $0x41A00, s6;
	s31 =	sshll.u32 s1, $0x6;
	s9 =	smul.u32 $0x140000, s8  }
0x9: {  	_ =	strace $0x80000047;
	s29 =	ssub.s32 $0x2, s8;
	s13 =	smul.u32 $0x2800, s8  }
0xa: {  	s10 =	sshrl.u32 s7, $0x3;
	s12 =	sshrl.u32 s29, $0x1;
	s7 =	sadd.s32 s7, s9  }
0xb: {  	s26 =	sadd.s32 s10, s6;
	s10 =	sshrl.u32 s28, $0x2;
	s30 =	ssub.s32 s29, s12  }
0xc: {  	s9 =	sadd.s32 s13, s11;
	s11 =	simm.s32 $0x1;
	s12 =	sor.u32 $0x1C01, s31  }
0xd: {  	s7 =	sshrl.u32 s7, $0x3;
	s14 =	sadd.s32 s10, s2;
	s8 =	smax.u32 s30, $0x1  }
0xe: {  	s10 =	simm.s32 $0x14000;
	s7 =	sadd.s32 s7, s6;
	s6 =	sadd.s32 $0x19A00, s26  }
0xf: {  	s13 =	sshrl.u32 s14, $0x3;
	s14 =	simm.s32 $0x18000;
	s7 =	sadd.s32 $0x42200, s7  }
.LBB2_1:
0x10: {  	[tilespmem:s10], [sflag:$0x1] =	stream.linear.gather [hbm4b:s5+s3], $0x4000, $0x38;
	[tilespmem:$0x18100] =	vst v63  }
0x11: {  	_ =	swait.ge [sflag:s11], $0x4000  }
0x12: {  	[sflag:s11] =	ssyncset.done $0x0  }
0x13: {  	s18 =	sadd.s32 $0x0, s9;
	[sflag:s11] =	ssyncadd.s32 $0xFFFFC000  }
0x14: {  	[spmem:s13], [sflag:s12] =	dma.local [hbm:s6], $0x2800  }
0x15: {  	s19 =	sand.u32 $0x300, s3;
	s18 =	sand.u32 $0xFFC00, s18;
	_ =	swait.ge [sflag:s11], $0x2800  }
0x16: {  	s18 =	sor.u32 s19, s18;
	[sflag:s11] =	ssyncset.done $0x0  }
0x17: {  	s18 =	sshrl.u32 s18, $0x3;
	[sflag:s11] =	ssyncadd.s32 $0xFFFFD800  }
0x18: {  	s18 =	sadd.s32 s4, s18;
	[bflag:$0x0] =	sbarrier.arrive $0xFFFF  }
0x19: {  	[tilespmem:s14], [sflag:$0x1] =	stream.linear.gather [hbm4b:s18+s3], $0x100, $0x38;
	[tilespmem:$0x18100] =	vst v63  }
0x1a: {  	_ =	swait.ge [sflag:s11], $0x100  }
0x1b: {  	[sflag:s11] =	ssyncset.done $0x0  }
0x1c: {  	[sflag:s11] =	ssyncadd.s32 $0xFFFFFF00  }
0x1d: {  	[spmem:s2] =	stream.indirect.scatter.add.f32 [tilespmem:s10], [sflag:$0x1], $0x80, s14, s15, $0xb8;
	[tilespmem:$0x18100] =	vst v63  }
0x1e: {  	_ =	swait.ge [sflag:s11], $0x4000  }
0x1f: {  	[sflag:s11] =	ssyncset.done $0x0  }
0x20: {  	s30 =	simm.s32 $0x100;
	s31 =	sadd.s32 $0x100, s9;
	[sflag:s11] =	ssyncadd.s32 $0xFFFFC000  }
0x21: {  	[spmem:s2] =	stream.indirect.scatter.add.f32 [tilespmem:s10], [sflag:$0x1], $0x80, s16, s15, $0xb8;
	[tilespmem:$0x18100] =	vst v63  }
0x22: {  	s20 =	sand.u32 $0x300, s30;
	s19 =	sand.u32 $0xFFC00, s31;
	_ =	swait.ge [sflag:s11], $0x4000  }
0x23: {  	s19 =	sor.u32 s20, s19;
	s18 =	simm.s32 $0x200;
	[sflag:s11] =	ssyncset.done $0x0  }
.LBB2_2:
0x24: {  	s19 =	sshrl.u32 s19, $0x3  }
0x25: {  	[sflag:s11] =	ssyncadd.s32 $0xFFFFC000;
	s20 =	smov.u32 s18;
	s21 =	sadd.s32 $0x100, s18  }
0x26: {  	p0 =	sne.s32 s18, $0x2700;
	s18 =	sadd.s32 s4, s19  }
0x27: {  	[tilespmem:s14], [sflag:$0x1] =	stream.linear.gather [hbm4b:s18+s3], $0x100, $0x38;
	[tilespmem:$0x18100] =	vst v63  }
0x28: {  	_ =	swait.ge [sflag:s11], $0x100  }
0x29: {  	[sflag:s11] =	ssyncset.done $0x0  }
0x2a: {  	[sflag:s11] =	ssyncadd.s32 $0xFFFFFF00  }
0x2b: {  	[spmem:s2] =	stream.indirect.scatter.add.f32 [tilespmem:s10], [sflag:$0x1], $0x80, s14, s15, $0xb8;
	[tilespmem:$0x18100] =	vst v63  }
0x2c: {  	_ =	swait.ge [sflag:s11], $0x4000  }
.Ltmp0:
0x2d: {  	[sflag:s11] =	ssyncset.done $0x0;
	(pc) =	sbr.rel @p0 .LBB2_2-.Ltmp0, $4  }
0x2e: {  	s18 =	sadd.s32 s20, s9;
	[sflag:s11] =	ssyncadd.s32 $0xFFFFC000  }
0x2f: {  	[spmem:s2] =	stream.indirect.scatter.add.f32 [tilespmem:s10], [sflag:$0x1], $0x80, s16, s15, $0xb8;
	[tilespmem:$0x18100] =	vst v63  }
0x30: {  	s19 =	sand.u32 $0x300, s20;
	s18 =	sand.u32 $0xFFC00, s18;
	_ =	swait.ge [sflag:s11], $0x4000  }
0x31: {  	s19 =	sor.u32 s19, s18;
	s18 =	smov.u32 s21;
	[sflag:s11] =	ssyncset.done $0x0  }
0x32: {  	s18 =	sshrl.u32 s19, $0x3  }
0x33: {  	[sflag:s11] =	ssyncadd.s32 $0xFFFFC000;
	s18 =	sadd.s32 s4, s18  }
0x34: {  	[tilespmem:s14], [sflag:$0x1] =	stream.linear.gather [hbm4b:s18+s3], $0x100, $0x38;
	[tilespmem:$0x18100] =	vst v63  }
0x35: {  	_ =	swait.ge [sflag:s11], $0x100  }
0x36: {  	[sflag:s11] =	ssyncset.done $0x0  }
0x37: {  	[sflag:s11] =	ssyncadd.s32 $0xFFFFFF00  }
0x38: {  	[spmem:s2] =	stream.indirect.scatter.add.f32 [tilespmem:s10], [sflag:$0x1], $0x80, s14, s15, $0xb8;
	[tilespmem:$0x18100] =	vst v63  }
0x39: {  	_ =	swait.ge [sflag:s11], $0x4000  }
0x3a: {  	[sflag:s11] =	ssyncset.done $0x0  }
0x3b: {  	[sflag:s11] =	ssyncadd.s32 $0xFFFFC000  }
0x3c: {  	[spmem:s2] =	stream.indirect.scatter.add.f32 [tilespmem:s10], [sflag:$0x1], $0x80, s16, s15, $0xb8;
	[tilespmem:$0x18100] =	vst v63  }
0x3d: {  	_ =	swait.ge [sflag:s11], $0x4000  }
0x3e: {  	s17 =	sadd.s32 $0x1, s17;
	[sflag:s11] =	ssyncset.done $0x0  }
0x3f: {  	p0 =	sne.s32 s17, s8;
	[sflag:s11] =	ssyncadd.s32 $0xFFFFC000  }
.Ltmp1:
0x40: {  	[bflag:$0x0] =	sbarrier.arrive $0xFFFF;
	(pc) =	sbr.rel @p0 .LBB2_1-.Ltmp1, $4  }
0x41: {  	[hbm:s7], [sflag:s12] =	dma.local [spmem:s13], $0x2800  }
0x42: {  	_ =	swait.ge [sflag:s11], $0x2800  }
0x43: {  	[sflag:s11] =	ssyncset.done $0x0  }
0x44: {  	[sflag:s11] =	ssyncadd.s32 $0xFFFFD800  }
0x45: {  	_ =	sfence.sel $0x180000  }
0x46: {  	[bflag:$0x0] =	sbarrier.arrive $0xFFFF  }
0x47: {  	p0 =	sne.s32 s1, $0x0;
	_ =	strace $0x90000047  }
0x48: {  	s0 =	sadd.s32 @!p0 $0x100000, s0;
	[bflag:$0x2] =	sbarrier.arrive $0xFFFF  }
0x49: {  	[sflag:s0] =	ssyncadd.tile.s32 @!p0 $0x1;
	_ =	shalt  }
.Lfunc_end2:
_tile_overlayer_lowered:
.L_overlay_start_2:
0x4a: {  	(tag) =	ssettag $0x2  }
0x4b: {  	s0 =	rddreg [dreg:$0x0];
	s2 =	stileid.u32  }
0x4c: {  	s1 =	rddreg [dreg:$0x1];
	p0 =	sne.s32 s2, $0x0  }
0x4d: {  	s3 =	rddreg [dreg:$0x2];
	[bflag:$0x3] =	sbarrier.arrive $0xFFFF;
	s2 =	simm.s32 @!p0 $0x1C01  }
0x4e: {  	[timem:s3], [sflag:s2] =	dma.local @!p0 [hbm:s0], s1  }
0x4f: {  	s0 =	simm.s32 @!p0 $0x1  }
0x50: {  	_ =	swait.ge @!p0 [sflag:s0], s1  }
0x51: {  	s1 =	ssub.s32 @!p0 $0x0, s1;
	[sflag:s0] =	ssyncset.done @!p0 $0x0  }
0x52: {  	[sflag:s0] =	ssyncadd.s32 @!p0 s1  }
0x53: {  	[bflag:$0x3] =	sbarrier.arrive $0xFFFF  }
0x54: {  	_ =	shalt  }

// kernel: kernel.15.cloned.1.call-start
scs
__scs_entry_jumppad:
0x0: {  	(pc) =	sbr.rel $0x88, $3  }
0x1: {  	(tag) =	ssettag $0x0;
	lr =	simm.s32 $0x1  }
0x2: {  	[smem:$0x3F90] =	sst lr;
	_ =	strace $0xD0000000  }
0x3: {  	_ = 	snop  }
0x4: {  	_ = 	snop  }
0x5: {  	_ = 	snop  }
0x6: {  	_ = 	snop  }
0x7: {  	_ = 	snop  }
__scs_overlays_trampoline_lowered:
0x8: {  	[smem:$0x3F9F] =	sst s0  }
0x9: {  	[smem:$0x3FA0] =	sst s1  }
0xa: {  	[smem:$0x3FA1] =	sst s2  }
0xb: {  	[smem:$0x3FA2] =	sst s3  }
0xc: {  	[smem:$0x3FA3] =	sst s4  }
0xd: {  	[smem:$0x3FA4] =	sst s5  }
0xe: {  	[smem:$0x3FA5] =	sst s6  }
0xf: {  	[smem:$0x3FA6] =	sst s7  }
0x10: {  	[smem:$0x3FA7] =	sst s8  }
0x11: {  	[smem:$0x3FA8] =	sst s9;
	s0 =	simm.s32 @!p0 $0x0  }
0x12: {  	s1 =	sld [smem:$0x3F8E];
	s0 =	simm.s32 @p0 $0x1  }
0x13: {  	[smem:$0x3FA9] =	sst s0;
	s0 =	simm.s32 @!p1 $0x0  }
0x14: {  	s2 =	sld [smem:$0x3F8D];
	s0 =	simm.s32 @p1 $0x1  }
0x15: {  	[smem:$0x3FAA] =	sst s0;
	s0 =	simm.s32 @!p2 $0x0  }
0x16: {  	s3 =	sld [smem:$0x3FDB];
	s0 =	simm.s32 @p2 $0x1  }
0x17: {  	s4 =	simm.s32 $0x1BF5;
	[smem:$0x3FAC] =	sst s0  }
0x18: {  	s0 =	sld [smem:$0x3F8F];
	_ =	swait.ge [sflag:s4], $0x0  }
0x19: {  	s7 =	sld [smem:$0x3F90]  }
0x1a: {  	s8 =	sadd.s32 $0xFFFFE003, lr  }
0x1b: {  	s9 =	sadd.s32 $0xFFFFFEF7, lr;
	s5 =	simm.s32 $0xFFFFFFFF;
	p2 =	slt.u32 s8, $0xFFFFF086  }
0x1c: {  	p1 =	slt.u32 s9, $0xF7A;
	s5 =	simm.s32 @!p2 $0x0  }
0x1d: {  	s5 =	simm.s32 @p1 $0x1;
	p0 =	seq.s32 s7, s2  }
0x1e: {  	s7 =	smul.u32 @!p0 $0xF7A, s2;
	p2 =	seq.s32 @!p0 s5, $0x0  }
0x1f: {  	s9 =	smul.u32 $0xF7A, s1;
	s8 =	simm.s32 @!p0 $0x1BF5;
	p2 =	por !p2, p0  }
0x20: {  	[sflag:s8] =	ssyncset.s32 @!p0 $0xFFFFF086;
	s6 =	sadd.s32 @!p0 s3, s7;
	s7 =	simm.s32 @!p0 $0x108  }
0x21: {  	s3 =	sadd.s32 s3, s9;
	s6 =	sadd.s32 @!p0 $0x88, s6;
	s7 =	simm.s32 @p2 $0x1082  }
0x22: {  	[simem:s7], [sflag:s8] =	dma.local @!p0 [hbm:s6], $0xF7A  }
0x23: {  	s9 =	sor.u32 $0xD0000000, s2;
	s6 =	simm.s32 $0x108;
	_ =	swait.ge @!p0 [sflag:s8], $0x0  }
0x24: {  	s3 =	sadd.s32 $0x88, s3;
	s6 =	simm.s32 @!p1 $0x1082;
	[sflag:s4] =	ssyncset.s32 $0xFFFFF086  }
0x25: {  	[simem:s6], [sflag:s4] =	dma.local [hbm:s3], $0xF7A  }
0x26: {  	[smem:$0x3F90] =	sst s1;
	(tag) =	ssettag s2;
	_ =	strace s9  }
0x27: {  	s1 =	sld [smem:$0x3FA0]  }
0x28: {  	s2 =	sld [smem:$0x3FA1]  }
0x29: {  	s4 =	sld [smem:$0x3FA3]  }
0x2a: {  	p0 =	seq.s32 s5, $0x0;
	s5 =	sld [smem:$0x3FA4]  }
0x2b: {  	s6 =	sld [smem:$0x3FA5]  }
0x2c: {  	s7 =	sld [smem:$0x3FA6]  }
0x2d: {  	s3 =	simm.s32 $0x108;
	s8 =	sld [smem:$0x3FA7]  }
0x2e: {  	s3 =	simm.s32 @!p0 $0x1082;
	s9 =	sld [smem:$0x3FA8]  }
0x2f: {  	lr =	sadd.s32 s0, s3;
	s0 =	sld [smem:$0x3F9F]  }
0x30: {  	s3 =	sld [smem:$0x3FA2]  }
0x31: {  	[smem:$0x3FAB] =	sst s10  }
0x32: {  	s10 =	sld [smem:$0x3FA9];
	_ =	sdelay $0x3  }
0x33: {  	p0 =	seq.s32 s10, $0x1;
	s10 =	sld [smem:$0x3FAB];
	_ =	sdelay $0x3  }
0x34: {  	[smem:$0x3FAB] =	sst s10  }
0x35: {  	s10 =	sld [smem:$0x3FAA];
	_ =	sdelay $0x3  }
0x36: {  	p1 =	seq.s32 s10, $0x1;
	s10 =	sld [smem:$0x3FAB];
	_ =	sdelay $0x3  }
0x37: {  	[smem:$0x3FAB] =	sst s10  }
0x38: {  	s10 =	sld [smem:$0x3FAC]  }
0x39: {  	_ = 	snop;
	(pc) =	sbr.ind lr, $3  }
0x3a: {  	_ = 	snop  }
0x3b: {  	_ = 	snop  }
0x3c: {  	p2 =	seq.s32 s10, $0x1;
	s10 =	sld [smem:$0x3FAB]  }
0x3d: {  	_ =	shalt  }
0x3e: {  	_ =	shalt  }
0x3f: {  	_ =	shalt  }
0x40: {  	_ =	shalt  }
0x41: {  	_ =	shalt  }
0x42: {  	_ =	shalt  }
0x43: {  	_ =	shalt  }
0x44: {  	_ =	shalt  }
0x45: {  	_ =	shalt  }
0x46: {  	_ =	shalt  }
0x47: {  	_ =	shalt  }
0x48: {  	_ =	shalt  }
0x49: {  	_ =	shalt  }
0x4a: {  	_ =	shalt  }
0x4b: {  	_ =	shalt  }
0x4c: {  	_ =	shalt  }
0x4d: {  	_ =	shalt  }
0x4e: {  	_ =	shalt  }
0x4f: {  	_ =	shalt  }
0x50: {  	_ =	shalt  }
0x51: {  	_ =	shalt  }
0x52: {  	_ =	shalt  }
0x53: {  	_ =	shalt  }
0x54: {  	_ =	shalt  }
0x55: {  	_ =	shalt  }
0x56: {  	_ =	shalt  }
0x57: {  	_ =	shalt  }
0x58: {  	_ =	shalt  }
0x59: {  	_ =	shalt  }
0x5a: {  	_ =	shalt  }
0x5b: {  	_ =	shalt  }
0x5c: {  	_ =	shalt  }
0x5d: {  	_ =	shalt  }
0x5e: {  	_ =	shalt  }
0x5f: {  	_ =	shalt  }
0x60: {  	_ =	shalt  }
0x61: {  	_ =	shalt  }
0x62: {  	_ =	shalt  }
0x63: {  	_ =	shalt  }
0x64: {  	_ =	shalt  }
0x65: {  	_ =	shalt  }
0x66: {  	_ =	shalt  }
0x67: {  	_ =	shalt  }
0x68: {  	_ =	shalt  }
0x69: {  	_ =	shalt  }
0x6a: {  	_ =	shalt  }
0x6b: {  	_ =	shalt  }
0x6c: {  	_ =	shalt  }
0x6d: {  	_ =	shalt  }
0x6e: {  	_ =	shalt  }
0x6f: {  	_ =	shalt  }
0x70: {  	_ =	shalt  }
0x71: {  	_ =	shalt  }
0x72: {  	_ =	shalt  }
0x73: {  	_ =	shalt  }
0x74: {  	_ =	shalt  }
0x75: {  	_ =	shalt  }
0x76: {  	_ =	shalt  }
0x77: {  	_ =	shalt  }
0x78: {  	_ =	shalt  }
0x79: {  	_ =	shalt  }
0x7a: {  	_ =	shalt  }
0x7b: {  	_ =	shalt  }
0x7c: {  	_ =	shalt  }
0x7d: {  	_ =	shalt  }
0x7e: {  	_ =	shalt  }
0x7f: {  	_ =	shalt  }
0x80: {  	_ =	shalt  }
0x81: {  	_ =	shalt  }
0x82: {  	_ =	shalt  }
0x83: {  	_ =	shalt  }
0x84: {  	_ =	shalt  }
0x85: {  	_ =	shalt  }
0x86: {  	_ =	shalt  }
0x87: {  	_ =	shalt  }
.Lfunc_end0:
.L_simem_size_0:
called_computation.1_lowered:
.L_overlay_start_0:
0x88: {  	s2 =	sld [smem:$0x3FD9]  }
0x89: {  	s3 =	sld [smem:$0x3FFE];
	_ =	sdelay $0x1  }
0x8a: {  	s1 =	srdreg.scid  }
0x8b: {  	s0 =	sand.u32 $0x1, s1  }
0x8c: {  	s16 =	sshll.u32 s0, $0xA;
	s2 =	sadd.s32 s3, s2  }
0x8d: {  	s2 =	sadd.s32 s2, s16  }
0x8e: {  	[smem:$0x3FB7] =	sst s2  }
0x8f: {  	_ = 	snop  }
0x90: {  	(tm) =	ssettm $0x1  }
0x91: {  	s17 =	sld [smem:$0x3FFB];
	_ =	sdelay $0x3  }
0x92: {  	_ =	strace s17  }
0x93: {  	s2 =	sld [smem:$0x3FFC];
	_ =	sdelay $0x3  }
0x94: {  	_ =	strace s2  }
0x95: {  	s2 =	sld [smem:$0x3FFD];
	_ =	sdelay $0x3  }
0x96: {  	_ =	strace s2  }
0x97: {  	_ =	strace $0x8FFFFFFF  }
0x98: {  	s18 =	sld [smem:$0x3FDB];
	_ =	sdelay $0x1  }
0x99: {  	s19 =	simm.s32 $_scs_section_size  }
0x9a: {  	s4 =	simm.s32 $_size__tile_overlayer_lowered;
	s5 =	simm.s32 $_tile_overlayer_lowered  }
0x9b: {  	s22 =	simm.s32 $0x1BFF;
	s21 =	sshll.u32 s5, $0x1;
	s2 =	sadd.s32 s19, s18  }
0x9c: {  	s6 =	simm.s32 $0x0;
	s20 =	sshll.u32 s4, $0x1;
	s4 =	sadd.s32 s21, s2  }
0x9d: {  	[timem:s6], [sflag:s22] =	dma.local [hbm:s4], s20  }
0x9e: {  	_ =	swait.ge [sflag:s22], s20  }
0x9f: {  	s3 =	ssub.s32 $0x0, s20;
	[sflag:s22] =	ssyncset.done $0x0  }
0xa0: {  	[sflag:s22] =	ssyncadd.s32 s3;
	_ =	sdelay $0x1  }
0xa1: {  	s23 =	simm.s32 $0x1B8B  }
0xa2: {  	_ =	swait.ge [sflag:s23], $0x1  }
0xa3: {  	[sflag:s23] =	ssyncset.done $0x0  }
0xa4: {  	s25 =	simm.s32 $0x1B8E;
	s24 =	sld [smem:$0x3FFE];
	[sflag:s23] =	ssyncadd.s32 $0xFFFFFFFF  }
0xa5: {  	s26 =	simm.s32 $execute0_lowered;
	[smem:$0x3FD2] =	sst s25  }
0xa6: {  	s4 =	sshll.u32 s26, $0x1;
	_ =	strace $0x80000049;
	[dreg:$0x1] =	wrdreg $0xFFFFFFFF  }
0xa7: {  	s28 =	simm.s32 $_size_execute0_lowered;
	s2 =	sadd.s32 s2, s4;
	[dreg:$0x0] =	wrdreg $0x0  }
0xa8: {  	s4 =	sshll.u32 s28, $0x1;
	[dreg:$0x2] =	wrdreg s2  }
0xa9: {  	[dreg:$0x3] =	wrdreg s4  }
0xaa: {  	[dreg:$0x4] =	wrdreg $0xC0  }
0xab: {  	_ =	task [dreg:s6], $0x5FFFF  }
0xac: {  	[dreg:$0x1] =	wrdreg $0xFFFFFFFF  }
0xad: {  	[dreg:$0x0] =	wrdreg $0x60  }
0xae: {  	[dreg:$0x2] =	wrdreg s24  }
0xaf: {  	[dreg:$0x3] =	wrdreg $0x0  }
0xb0: {  	[dreg:$0x4] =	wrdreg $0x9  }
0xb1: {  	_ =	task.clear_ibuf [dreg:s6], $0x5FFFF;
	_ =	strace $0x90000049  }
0xb2: {  	s29 =	simm.s32 $0x9;
	_ =	strace $0x8000004B  }
0xb3: {  	_ =	swait.ge [sflag:s29], $0x1  }
0xb4: {  	[sflag:s29] =	ssyncadd.s32 $0xFFFFFFFF  }
0xb5: {  	_ =	strace $0x9000004B  }
0xb6: {  	_ =	sfence  }
0xb7: {  	s30 =	sld [smem:$0x0];
	_ =	sdelay $0x2  }
0xb8: {  	s31 =	sshll.u32 s1, $0xD;
	s1 =	sshrl.u32 s1, $0x2  }
0xb9: {  	s3 =	sand.u32 $0x4000, s31;
	s1 =	sadd.s32 s1, s30  }
0xba: {  	s0 =	sor.u32 s3, s0;
	s1 =	sshll.u32 s1, $0x11  }
0xbb: {  	s0 =	sor.u32 s1, s0  }
0xbc: {  	s0 =	sadd.s32 $0x8F2B, s0  }
0xbd: {  	[sflag:s0] =	ssyncadd.remote.s32 $0x1  }
0xbe: {  	_ =	sfence.sel $0xFFFF  }
0xbf: {  	[dreg:$0x0] =	wrdreg $0xFFFFFFFF;
	(pc) =	sbr.abs _section_cstart, $3  }
0xc0: {  	[dreg:$0x1] =	wrdreg $0xFFFFFFFF  }
0xc1: {  	_ =	task.clear_ibuf [dreg:s6], $0x2FFFF;
	_ =	strace $0x9FFFFFFF  }
0xc2: {  	(tm) =	ssettm $0x7FFFFFFF  }
0xc3: {  	_ =	shalt  }
tec
execute0_lowered:
.L_overlay_start_1:
0x0: {  	(tag) =	ssettag $0x1  }
0x1: {  	s7 =	rddreg [dreg:$0x0]  }
0x2: {  	s2 =	rddreg [dreg:$0x1];
	s3 =	simm.s32 $0x0  }
0x3: {  	s0 =	stileid.u32;
	s4 =	srdreg.scid;
	s17 =	simm.s32 $0x1C000  }
0x4: {  	s19 =	simm.s32 $0x80;
	s20 =	simm.s32 $0x14000;
	s21 =	simm.s32 $0x1  }
0x5: {  	s23 =	simm.s32 $0x18000;
	s22 =	simm.s32 $0x2;
	[smem:$0x7FF] =	sst s3  }
0x6: {  	s8 =	smul.u32 $0x14000, s0;
	s9 =	sand.u32 $0x1, s4;
	s4 =	sadd.s32 $0x41A00, s7  }
0x7: {  	s5 =	sadd.s32 $0x5A00, s7;
	s6 =	sadd.s32 $0xFA00, s7;
	s29 =	smul.u32 $0x50000, s0  }
0x8: {  	s30 =	sshll.u32 s0, $0x3;
	s31 =	sshll.u32 s0, $0x6;
	_ =	strace $0x8000004A  }
0x9: {  	s10 =	smul.u32 $0x140000, s9;
	s28 =	ssub.s32 $0x2, s9;
	p0 =	seq.s32 s9, $0x0  }
0xa: {  	s9 =	smul.u32 $0x98, s0;
	[dreg:$0x3] =	wrdreg s23;
	s23 =	simm.s32 $0x0  }
0xb: {  	s11 =	sshrl.u32 s8, $0x3;
	s12 =	sshrl.u32 s28, $0x1;
	s8 =	sadd.s32 s8, s10  }
0xc: {  	s11 =	sadd.s32 s11, s7;
	s14 =	ssub.s32 s28, s12;
	s10 =	sor.u32 $0x980, s30  }
0xd: {  	s8 =	sshrl.u32 s8, $0x3;
	s9 =	smov.u32 @p0 s10;
	s10 =	sor.u32 $0x1C03, s31  }
0xe: {  	s14 =	smax.u32 s14, $0x1;
	s13 =	sadd.s32 s8, s7;
	s7 =	simm.s32 $0x8  }
0xf: {  	s8 =	sshrl.u32 s29, $0x2;
	s9 =	sshll.u32 s9, $0x4;
	s7 =	simm.s32 @!p0 $0x98  }
0x10: {  	s15 =	sadd.s32 s8, s2;
	s8 =	sadd.s32 $0x19A00, s11;
	s11 =	sadd.s32 s5, s9  }
0x11: {  	s12 =	sadd.s32 s6, s9;
	s13 =	sadd.s32 $0x8FE00, s13;
	s16 =	sshll.u32 s7, $0x9  }
0x12: {  	s15 =	sshrl.u32 s15, $0x3;
	[dreg:$0x4] =	wrdreg s16;
	s16 =	simm.s32 $0x3  }
.LBB2_1:
0x13: {  	[spmem:s15], [sflag:s10] =	dma.local [hbm:s8], $0x2800  }
0x14: {  	_ =	swait.ge [sflag:s16], $0x2800  }
0x15: {  	[sflag:s16] =	ssyncset.done $0x0  }
0x16: {  	[sflag:s16] =	ssyncadd.s32 $0xFFFFD800  }
0x17: {  	[tilespmem:s17], [sflag:$0x3] =	stream.linear.gather [hbm4b:s11+s3], $0x1400, $0x38;
	[tilespmem:$0x1E800] =	vst v63  }
0x18: {  	_ =	swait.ge [sflag:s16], $0x1400  }
0x19: {  	[sflag:s16] =	ssyncset.done $0x0  }
0x1a: {  	s0 =	simm.s32 $0x1D400;
	[sflag:s16] =	ssyncadd.s32 $0xFFFFEC00  }
0x1b: {  	[tilespmem:s0], [sflag:$0x3] =	stream.linear.gather [hbm4b:s12+s3], $0x1400, $0x38;
	[tilespmem:$0x1E800] =	vst v63  }
0x1c: {  	_ =	swait.ge [sflag:s16], $0x1400  }
0x1d: {  	[sflag:s16] =	ssyncset.done $0x0  }
0x1e: {  	s24 =	simm.s32 $0x2;
	s25 =	simm.s32 $0x0;
	[sflag:s16] =	ssyncadd.s32 $0xFFFFEC00  }
0x1f: {  	s26 =	smov.u32 s9;
	s28 =	simm.s32 $0x0;
	[bflag:$0x0] =	sbarrier.arrive $0xFFFF  }
0x20: {  	[tilespmem:s20], [sflag:$0x1] =	stream.indirect.gather [hbm4b:s4+s19], $0x80, s17, s19, $0xb8;
	[tilespmem:$0x1E800] =	vst v63  }
.LBB2_2:
0x21: {  	s29 =	smulhi.u32 $0xCCCCCCCD, s25;
	_ =	sdelay $0x1  }
0x22: {  	_ =	swait.ge [sflag:s21], $0x4000;
	s29 =	sshrl.u32 s29, $0x5  }
0x23: {  	p1 =	seq.s32 s28, $0x0;
	[sflag:s21] =	ssyncset.done $0x0;
	s30 =	smul.u32 $0x5000, s29  }
0x24: {  	s31 =	simm.s32 @!p1 $0x2;
	[sflag:s21] =	ssyncadd.s32 $0xFFFFC000  }
0x25: {  	_ =	swait.ge @!p1 [sflag:s31], $0x4000;
	p0 =	sne.s32 @!p1 s30, s28  }
0x26: {  	[sflag:s31] =	ssyncset.done @!p1 $0x0;
	p0 =	por p0, p1  }
0x27: {  	s29 =	smul.u32 $0xFFFFB000, s29;
	[sflag:s31] =	ssyncadd.s32 @!p1 $0xFFFFC000;
	s31 =	sand.u32 @!p0 $0xFFFFF80, s26  }
0x28: {  	s0 =	simm.s32 @!p0 $0x0;
	s1 =	simm.s32 @!p0 $0x1D400;
	s31 =	sadd.s32 @!p0 s6, s31  }
0x29: {  	[tilespmem:s1], [sflag:$0x3] =	stream.linear.gather @!p0 [hbm4b:s31+s0], $0x1400, $0x38;
	[tilespmem:$0x1E800] =	vst v63  }
0x2a: {  	s1 =	simm.s32 @!p0 $0x3  }
0x2b: {  	s18 =	sshra.s32 s28, $0x2;
	s0 =	sshra.s32 s29, $0x2;
	_ =	swait.ge @!p0 [sflag:s1], $0x1400  }
0x2c: {  	s31 =	sadd.s32 $0xFFFFFFFF, s24;
	s29 =	sadd.s32 $0x1D400, s0;
	[sflag:s1] =	ssyncset.done @!p0 $0x0  }
0x2d: {  	[sflag:s1] =	ssyncadd.s32 @!p0 $0xFFFFEC00;
	p0 =	sge.u32 s31, s7;
	s1 =	sadd.s32 s18, s29  }
0x2e: {  	[spmem:s2] =	stream.indirect.scatter.add.f32 [tilespmem:s20], [sflag:$0x2], $0x80, s1, s19, $0xb8;
	[tilespmem:$0x1E800] =	vst v63  }
0x2f: {  	s0 =	sadd.s32 $0x1C080, s0;
	s18 =	sshra.s32 @!p0 s28, $0x2  }
0x30: {  	s29 =	simm.s32 @!p0 $0x18000;
	s0 =	sadd.s32 @!p0 s18, s0;
	s18 =	simm.s32 @!p0 $0x80  }
0x31: {  	[tilespmem:s29], [sflag:$0x1] =	stream.indirect.gather @!p0 [hbm4b:s4+s18], $0x80, s0, s18, $0xb8;
	[tilespmem:$0x1E800] =	vst v63  }
0x32: {  	s0 =	sadd.s32 $0x4C00, s30;
	p0 =	sge.u32 s24, s7  }
0x33: {  	p1 =	sne.s32 @!p0 s0, s28  }
0x34: {  	_ =	swait.ge [sflag:s21], $0x4000;
	p1 =	por p1, p0  }
0x35: {  	[sflag:s21] =	ssyncset.done $0x0;
	s0 =	sadd.s32 @!p1 $0x20, s26  }
0x36: {  	[sflag:s21] =	ssyncadd.s32 $0xFFFFC000;
	s0 =	sand.u32 @!p1 $0x1FFFFF80, s0  }
0x37: {  	s18 =	simm.s32 @!p1 $0x0;
	s29 =	simm.s32 @!p1 $0x1C000;
	s0 =	sadd.s32 @!p1 s5, s0  }
0x38: {  	[tilespmem:s29], [sflag:$0x3] =	stream.linear.gather @!p1 [hbm4b:s0+s18], $0x1400, $0x38;
	[tilespmem:$0x1E800] =	vst v63  }
0x39: {  	s0 =	simm.s32 @!p1 $0x3  }
0x3a: {  	s31 =	smulhi.u32 $0xCCCCCCCD, s24;
	_ =	swait.ge @!p1 [sflag:s0], $0x1400  }
0x3b: {  	[sflag:s0] =	ssyncset.done @!p1 $0x0  }
0x3c: {  	s29 =	sshrl.u32 s31, $0x5;
	[sflag:s0] =	ssyncadd.s32 @!p1 $0xFFFFEC00  }
0x3d: {  	s0 =	smul.u32 $0xFFFFB000, s29;
	_ =	swait.ge [sflag:s22], $0x4000  }
0x3e: {  	s1 =	sadd.s32 $0x80, s1;
	s18 =	simm.s32 @!p0 $0x14000;
	[sflag:s22] =	ssyncset.done $0x0  }
0x3f: {  	s30 =	rddreg [dreg:$0x3];
	s0 =	sshra.s32 s0, $0x2;
	[sflag:s22] =	ssyncadd.s32 $0xFFFFC000  }
0x40: {  	[spmem:s2] =	stream.indirect.scatter.add.f32 [tilespmem:s30], [sflag:$0x2], $0x80, s1, s19, $0xb8;
	[tilespmem:$0x1E800] =	vst v63  }
0x41: {  	s31 =	rddreg [dreg:$0x4];
	s0 =	sadd.s32 $0x1C100, s0;
	s1 =	sshra.s32 @!p0 s28, $0x2  }
0x42: {  	s28 =	sadd.s32 $0x400, s28;
	s0 =	sadd.s32 @!p0 s1, s0;
	s1 =	simm.s32 @!p0 $0x80  }
0x43: {  	[tilespmem:s18], [sflag:$0x1] =	stream.indirect.gather @!p0 [hbm4b:s4+s1], $0x80, s0, s1, $0xb8;
	[tilespmem:$0x1E800] =	vst v63  }
0x44: {  	p0 =	sne.s32 s31, s28  }
.Ltmp0:
0x45: {  	_ = 	snop;
	(pc) =	sbr.rel @p0 .LBB2_2-.Ltmp0, $2  }
0x46: {  	_ =	sdelay $0x2  }
0x47: {  	s25 =	sadd.s32 $0x2, s25;
	s24 =	sadd.s32 $0x2, s24;
	s26 =	sadd.s32 $0x20, s26  }
0x48: {  	_ =	swait.ge [sflag:s22], $0x4000  }
0x49: {  	s23 =	sadd.s32 $0x1, s23;
	[sflag:s22] =	ssyncset.done $0x0  }
0x4a: {  	p0 =	sne.s32 s23, s14;
	[sflag:s22] =	ssyncadd.s32 $0xFFFFC000  }
.Ltmp1:
0x4b: {  	[bflag:$0x0] =	sbarrier.arrive $0xFFFF;
	(pc) =	sbr.rel @p0 .LBB2_1-.Ltmp1, $4  }
0x4c: {  	[hbm:s13], [sflag:s10] =	dma.local [spmem:s15], $0x2800  }
0x4d: {  	_ =	swait.ge [sflag:s16], $0x2800  }
0x4e: {  	[sflag:s16] =	ssyncset.done $0x0  }
0x4f: {  	[sflag:s16] =	ssyncadd.s32 $0xFFFFD800  }
0x50: {  	_ =	sfence.sel $0x180000  }
0x51: {  	[bflag:$0x0] =	sbarrier.arrive $0xFFFF  }
0x52: {  	_ =	strace $0x9000004A  }
0x53: {  	s0 =	stileid.u32;
	[bflag:$0x2] =	sbarrier.arrive $0xFFFF  }
0x54: {  	p0 =	sne.s32 s0, $0x0;
	s0 =	rddreg [dreg:$0x2]  }
0x55: {  	s0 =	sadd.s32 @!p0 $0x100000, s0  }
0x56: {  	[sflag:s0] =	ssyncadd.tile.s32 @!p0 $0x1;
	_ =	shalt  }
.Lfunc_end2:
_tile_overlayer_lowered:
.L_overlay_start_2:
0x57: {  	(tag) =	ssettag $0x2  }
0x58: {  	s0 =	rddreg [dreg:$0x0];
	s2 =	stileid.u32  }
0x59: {  	s1 =	rddreg [dreg:$0x1];
	p0 =	sne.s32 s2, $0x0  }
0x5a: {  	s3 =	rddreg [dreg:$0x2];
	[bflag:$0x3] =	sbarrier.arrive $0xFFFF;
	s2 =	simm.s32 @!p0 $0x1C03  }
0x5b: {  	[timem:s3], [sflag:s2] =	dma.local @!p0 [hbm:s0], s1  }
0x5c: {  	s0 =	simm.s32 @!p0 $0x3  }
0x5d: {  	_ =	swait.ge @!p0 [sflag:s0], s1  }
0x5e: {  	s1 =	ssub.s32 @!p0 $0x0, s1;
	[sflag:s0] =	ssyncset.done @!p0 $0x0  }
0x5f: {  	[sflag:s0] =	ssyncadd.s32 @!p0 s1  }
0x60: {  	[bflag:$0x3] =	sbarrier.arrive $0xFFFF  }
0x61: {  	_ =	shalt  }

// kernel: kernel.18.cloned.1.call-start
scs
__scs_entry_jumppad:
0x0: {  	(pc) =	sbr.rel $0x88, $3  }
0x1: {  	(tag) =	ssettag $0x0;
	lr =	simm.s32 $0x1  }
0x2: {  	[smem:$0x3F90] =	sst lr;
	_ =	strace $0xD0000000  }
0x3: {  	_ = 	snop  }
0x4: {  	_ = 	snop  }
0x5: {  	_ = 	snop  }
0x6: {  	_ = 	snop  }
0x7: {  	_ = 	snop  }
__scs_overlays_trampoline_lowered:
0x8: {  	[smem:$0x3F9F] =	sst s0  }
0x9: {  	[smem:$0x3FA0] =	sst s1  }
0xa: {  	[smem:$0x3FA1] =	sst s2  }
0xb: {  	[smem:$0x3FA2] =	sst s3  }
0xc: {  	[smem:$0x3FA3] =	sst s4  }
0xd: {  	[smem:$0x3FA4] =	sst s5  }
0xe: {  	[smem:$0x3FA5] =	sst s6  }
0xf: {  	[smem:$0x3FA6] =	sst s7  }
0x10: {  	[smem:$0x3FA7] =	sst s8  }
0x11: {  	[smem:$0x3FA8] =	sst s9;
	s0 =	simm.s32 @!p0 $0x0  }
0x12: {  	s1 =	sld [smem:$0x3F8E];
	s0 =	simm.s32 @p0 $0x1  }
0x13: {  	[smem:$0x3FA9] =	sst s0;
	s0 =	simm.s32 @!p1 $0x0  }
0x14: {  	s2 =	sld [smem:$0x3F8D];
	s0 =	simm.s32 @p1 $0x1  }
0x15: {  	[smem:$0x3FAA] =	sst s0;
	s0 =	simm.s32 @!p2 $0x0  }
0x16: {  	s3 =	sld [smem:$0x3FDB];
	s0 =	simm.s32 @p2 $0x1  }
0x17: {  	s4 =	simm.s32 $0x1BF5;
	[smem:$0x3FAC] =	sst s0  }
0x18: {  	s0 =	sld [smem:$0x3F8F];
	_ =	swait.ge [sflag:s4], $0x0  }
0x19: {  	s7 =	sld [smem:$0x3F90]  }
0x1a: {  	s8 =	sadd.s32 $0xFFFFE003, lr  }
0x1b: {  	s9 =	sadd.s32 $0xFFFFFEF7, lr;
	s5 =	simm.s32 $0xFFFFFFFF;
	p2 =	slt.u32 s8, $0xFFFFF086  }
0x1c: {  	p1 =	slt.u32 s9, $0xF7A;
	s5 =	simm.s32 @!p2 $0x0  }
0x1d: {  	s5 =	simm.s32 @p1 $0x1;
	p0 =	seq.s32 s7, s2  }
0x1e: {  	s7 =	smul.u32 @!p0 $0xF7A, s2;
	p2 =	seq.s32 @!p0 s5, $0x0  }
0x1f: {  	s9 =	smul.u32 $0xF7A, s1;
	s8 =	simm.s32 @!p0 $0x1BF5;
	p2 =	por !p2, p0  }
0x20: {  	[sflag:s8] =	ssyncset.s32 @!p0 $0xFFFFF086;
	s6 =	sadd.s32 @!p0 s3, s7;
	s7 =	simm.s32 @!p0 $0x108  }
0x21: {  	s3 =	sadd.s32 s3, s9;
	s6 =	sadd.s32 @!p0 $0x88, s6;
	s7 =	simm.s32 @p2 $0x1082  }
0x22: {  	[simem:s7], [sflag:s8] =	dma.local @!p0 [hbm:s6], $0xF7A  }
0x23: {  	s9 =	sor.u32 $0xD0000000, s2;
	s6 =	simm.s32 $0x108;
	_ =	swait.ge @!p0 [sflag:s8], $0x0  }
0x24: {  	s3 =	sadd.s32 $0x88, s3;
	s6 =	simm.s32 @!p1 $0x1082;
	[sflag:s4] =	ssyncset.s32 $0xFFFFF086  }
0x25: {  	[simem:s6], [sflag:s4] =	dma.local [hbm:s3], $0xF7A  }
0x26: {  	[smem:$0x3F90] =	sst s1;
	(tag) =	ssettag s2;
	_ =	strace s9  }
0x27: {  	s1 =	sld [smem:$0x3FA0]  }
0x28: {  	s2 =	sld [smem:$0x3FA1]  }
0x29: {  	s4 =	sld [smem:$0x3FA3]  }
0x2a: {  	p0 =	seq.s32 s5, $0x0;
	s5 =	sld [smem:$0x3FA4]  }
0x2b: {  	s6 =	sld [smem:$0x3FA5]  }
0x2c: {  	s7 =	sld [smem:$0x3FA6]  }
0x2d: {  	s3 =	simm.s32 $0x108;
	s8 =	sld [smem:$0x3FA7]  }
0x2e: {  	s3 =	simm.s32 @!p0 $0x1082;
	s9 =	sld [smem:$0x3FA8]  }
0x2f: {  	lr =	sadd.s32 s0, s3;
	s0 =	sld [smem:$0x3F9F]  }
0x30: {  	s3 =	sld [smem:$0x3FA2]  }
0x31: {  	[smem:$0x3FAB] =	sst s10  }
0x32: {  	s10 =	sld [smem:$0x3FA9];
	_ =	sdelay $0x3  }
0x33: {  	p0 =	seq.s32 s10, $0x1;
	s10 =	sld [smem:$0x3FAB];
	_ =	sdelay $0x3  }
0x34: {  	[smem:$0x3FAB] =	sst s10  }
0x35: {  	s10 =	sld [smem:$0x3FAA];
	_ =	sdelay $0x3  }
0x36: {  	p1 =	seq.s32 s10, $0x1;
	s10 =	sld [smem:$0x3FAB];
	_ =	sdelay $0x3  }
0x37: {  	[smem:$0x3FAB] =	sst s10  }
0x38: {  	s10 =	sld [smem:$0x3FAC]  }
0x39: {  	_ = 	snop;
	(pc) =	sbr.ind lr, $3  }
0x3a: {  	_ = 	snop  }
0x3b: {  	_ = 	snop  }
0x3c: {  	p2 =	seq.s32 s10, $0x1;
	s10 =	sld [smem:$0x3FAB]  }
0x3d: {  	_ =	shalt  }
0x3e: {  	_ =	shalt  }
0x3f: {  	_ =	shalt  }
0x40: {  	_ =	shalt  }
0x41: {  	_ =	shalt  }
0x42: {  	_ =	shalt  }
0x43: {  	_ =	shalt  }
0x44: {  	_ =	shalt  }
0x45: {  	_ =	shalt  }
0x46: {  	_ =	shalt  }
0x47: {  	_ =	shalt  }
0x48: {  	_ =	shalt  }
0x49: {  	_ =	shalt  }
0x4a: {  	_ =	shalt  }
0x4b: {  	_ =	shalt  }
0x4c: {  	_ =	shalt  }
0x4d: {  	_ =	shalt  }
0x4e: {  	_ =	shalt  }
0x4f: {  	_ =	shalt  }
0x50: {  	_ =	shalt  }
0x51: {  	_ =	shalt  }
0x52: {  	_ =	shalt  }
0x53: {  	_ =	shalt  }
0x54: {  	_ =	shalt  }
0x55: {  	_ =	shalt  }
0x56: {  	_ =	shalt  }
0x57: {  	_ =	shalt  }
0x58: {  	_ =	shalt  }
0x59: {  	_ =	shalt  }
0x5a: {  	_ =	shalt  }
0x5b: {  	_ =	shalt  }
0x5c: {  	_ =	shalt  }
0x5d: {  	_ =	shalt  }
0x5e: {  	_ =	shalt  }
0x5f: {  	_ =	shalt  }
0x60: {  	_ =	shalt  }
0x61: {  	_ =	shalt  }
0x62: {  	_ =	shalt  }
0x63: {  	_ =	shalt  }
0x64: {  	_ =	shalt  }
0x65: {  	_ =	shalt  }
0x66: {  	_ =	shalt  }
0x67: {  	_ =	shalt  }
0x68: {  	_ =	shalt  }
0x69: {  	_ =	shalt  }
0x6a: {  	_ =	shalt  }
0x6b: {  	_ =	shalt  }
0x6c: {  	_ =	shalt  }
0x6d: {  	_ =	shalt  }
0x6e: {  	_ =	shalt  }
0x6f: {  	_ =	shalt  }
0x70: {  	_ =	shalt  }
0x71: {  	_ =	shalt  }
0x72: {  	_ =	shalt  }
0x73: {  	_ =	shalt  }
0x74: {  	_ =	shalt  }
0x75: {  	_ =	shalt  }
0x76: {  	_ =	shalt  }
0x77: {  	_ =	shalt  }
0x78: {  	_ =	shalt  }
0x79: {  	_ =	shalt  }
0x7a: {  	_ =	shalt  }
0x7b: {  	_ =	shalt  }
0x7c: {  	_ =	shalt  }
0x7d: {  	_ =	shalt  }
0x7e: {  	_ =	shalt  }
0x7f: {  	_ =	shalt  }
0x80: {  	_ =	shalt  }
0x81: {  	_ =	shalt  }
0x82: {  	_ =	shalt  }
0x83: {  	_ =	shalt  }
0x84: {  	_ =	shalt  }
0x85: {  	_ =	shalt  }
0x86: {  	_ =	shalt  }
0x87: {  	_ =	shalt  }
.Lfunc_end0:
.L_simem_size_0:
called_computation.2_lowered:
.L_overlay_start_0:
0x88: {  	s2 =	sld [smem:$0x3FD9]  }
0x89: {  	s3 =	sld [smem:$0x3FFE];
	_ =	sdelay $0x1  }
0x8a: {  	s1 =	srdreg.scid  }
0x8b: {  	s0 =	sand.u32 $0x1, s1  }
0x8c: {  	s16 =	sshll.u32 s0, $0xA;
	s2 =	sadd.s32 s3, s2  }
0x8d: {  	s2 =	sadd.s32 s2, s16  }
0x8e: {  	[smem:$0x3FB7] =	sst s2  }
0x8f: {  	_ = 	snop  }
0x90: {  	(tm) =	ssettm $0x1  }
0x91: {  	s17 =	sld [smem:$0x3FFB];
	_ =	sdelay $0x3  }
0x92: {  	_ =	strace s17  }
0x93: {  	s2 =	sld [smem:$0x3FFC];
	_ =	sdelay $0x3  }
0x94: {  	_ =	strace s2  }
0x95: {  	s2 =	sld [smem:$0x3FFD];
	_ =	sdelay $0x3  }
0x96: {  	_ =	strace s2  }
0x97: {  	_ =	strace $0x8FFFFFFF  }
0x98: {  	s18 =	sld [smem:$0x3FDB];
	_ =	sdelay $0x1  }
0x99: {  	s19 =	simm.s32 $_scs_section_size  }
0x9a: {  	s4 =	simm.s32 $_size__tile_overlayer_lowered;
	s5 =	simm.s32 $_tile_overlayer_lowered  }
0x9b: {  	s22 =	simm.s32 $0x1BFF;
	s21 =	sshll.u32 s5, $0x1;
	s2 =	sadd.s32 s19, s18  }
0x9c: {  	s6 =	simm.s32 $0x0;
	s20 =	sshll.u32 s4, $0x1;
	s4 =	sadd.s32 s21, s2  }
0x9d: {  	[timem:s6], [sflag:s22] =	dma.local [hbm:s4], s20  }
0x9e: {  	_ =	swait.ge [sflag:s22], s20  }
0x9f: {  	s3 =	ssub.s32 $0x0, s20;
	[sflag:s22] =	ssyncset.done $0x0  }
0xa0: {  	[sflag:s22] =	ssyncadd.s32 s3;
	_ =	sdelay $0x1  }
0xa1: {  	s23 =	simm.s32 $0x1B8B  }
0xa2: {  	_ =	swait.ge [sflag:s23], $0x1  }
0xa3: {  	[sflag:s23] =	ssyncset.done $0x0  }
0xa4: {  	s25 =	simm.s32 $0x1B8E;
	s24 =	sld [smem:$0x3FFE];
	[sflag:s23] =	ssyncadd.s32 $0xFFFFFFFF  }
0xa5: {  	s26 =	simm.s32 $execute0_lowered;
	[smem:$0x3FD2] =	sst s25  }
0xa6: {  	s4 =	sshll.u32 s26, $0x1;
	_ =	strace $0x8000004C;
	[dreg:$0x1] =	wrdreg $0xFFFFFFFF  }
0xa7: {  	s28 =	simm.s32 $_size_execute0_lowered;
	s2 =	sadd.s32 s2, s4;
	[dreg:$0x0] =	wrdreg $0x0  }
0xa8: {  	s4 =	sshll.u32 s28, $0x1;
	[dreg:$0x2] =	wrdreg s2  }
0xa9: {  	[dreg:$0x3] =	wrdreg s4  }
0xaa: {  	[dreg:$0x4] =	wrdreg $0xC0  }
0xab: {  	_ =	task [dreg:s6], $0x5FFFF  }
0xac: {  	[dreg:$0x1] =	wrdreg $0xFFFFFFFF  }
0xad: {  	[dreg:$0x0] =	wrdreg $0x60  }
0xae: {  	[dreg:$0x2] =	wrdreg s24  }
0xaf: {  	[dreg:$0x3] =	wrdreg $0x0  }
0xb0: {  	[dreg:$0x4] =	wrdreg $0x9  }
0xb1: {  	_ =	task.clear_ibuf [dreg:s6], $0x5FFFF;
	_ =	strace $0x9000004C  }
0xb2: {  	s29 =	simm.s32 $0x9;
	_ =	strace $0x8000004E  }
0xb3: {  	_ =	swait.ge [sflag:s29], $0x1  }
0xb4: {  	[sflag:s29] =	ssyncadd.s32 $0xFFFFFFFF  }
0xb5: {  	_ =	strace $0x9000004E  }
0xb6: {  	_ =	sfence  }
0xb7: {  	s30 =	sld [smem:$0x0];
	_ =	sdelay $0x2  }
0xb8: {  	s31 =	sshll.u32 s1, $0xD;
	s1 =	sshrl.u32 s1, $0x2  }
0xb9: {  	s3 =	sand.u32 $0x4000, s31;
	s1 =	sadd.s32 s1, s30  }
0xba: {  	s0 =	sor.u32 s3, s0;
	s1 =	sshll.u32 s1, $0x11  }
0xbb: {  	s0 =	sor.u32 s1, s0  }
0xbc: {  	s0 =	sadd.s32 $0x8F2B, s0  }
0xbd: {  	[sflag:s0] =	ssyncadd.remote.s32 $0x1  }
0xbe: {  	_ =	sfence.sel $0xFFFF  }
0xbf: {  	[dreg:$0x0] =	wrdreg $0xFFFFFFFF;
	(pc) =	sbr.abs _section_cstart, $3  }
0xc0: {  	[dreg:$0x1] =	wrdreg $0xFFFFFFFF  }
0xc1: {  	_ =	task.clear_ibuf [dreg:s6], $0x2FFFF;
	_ =	strace $0x9FFFFFFF  }
0xc2: {  	(tm) =	ssettm $0x7FFFFFFF  }
0xc3: {  	_ =	shalt  }
tec
execute0_lowered:
.L_overlay_start_1:
0x0: {  	(tag) =	ssettag $0x1  }
0x1: {  	s7 =	rddreg [dreg:$0x0]  }
0x2: {  	s2 =	rddreg [dreg:$0x1];
	s3 =	simm.s32 $0x0  }
0x3: {  	s0 =	stileid.u32;
	s4 =	srdreg.scid;
	s17 =	simm.s32 $0x1C000  }
0x4: {  	s19 =	simm.s32 $0x80;
	s20 =	simm.s32 $0x14000;
	s21 =	simm.s32 $0x1  }
0x5: {  	s23 =	simm.s32 $0x18000;
	s22 =	simm.s32 $0x2;
	[smem:$0x7FF] =	sst s3  }
0x6: {  	s8 =	smul.u32 $0x14000, s0;
	s9 =	sand.u32 $0x1, s4;
	s4 =	sadd.s32 $0x41A00, s7  }
0x7: {  	s5 =	sadd.s32 $0x5A00, s7;
	s6 =	sadd.s32 $0xFA00, s7;
	s29 =	smul.u32 $0x50000, s0  }
0x8: {  	s30 =	sshll.u32 s0, $0x3;
	s31 =	sshll.u32 s0, $0x6;
	_ =	strace $0x8000004D  }
0x9: {  	s10 =	smul.u32 $0x140000, s9;
	s28 =	ssub.s32 $0x2, s9;
	p0 =	seq.s32 s9, $0x0  }
0xa: {  	s9 =	smul.u32 $0x98, s0;
	[dreg:$0x3] =	wrdreg s23;
	s23 =	simm.s32 $0x0  }
0xb: {  	s11 =	sshrl.u32 s8, $0x3;
	s12 =	sshrl.u32 s28, $0x1;
	s8 =	sadd.s32 s8, s10  }
0xc: {  	s11 =	sadd.s32 s11, s7;
	s14 =	ssub.s32 s28, s12;
	s10 =	sor.u32 $0x980, s30  }
0xd: {  	s8 =	sshrl.u32 s8, $0x3;
	s9 =	smov.u32 @p0 s10;
	s10 =	sor.u32 $0x1C03, s31  }
0xe: {  	s14 =	smax.u32 s14, $0x1;
	s13 =	sadd.s32 s8, s7;
	s7 =	simm.s32 $0x8  }
0xf: {  	s8 =	sshrl.u32 s29, $0x2;
	s9 =	sshll.u32 s9, $0x4;
	s7 =	simm.s32 @!p0 $0x98  }
0x10: {  	s15 =	sadd.s32 s8, s2;
	s8 =	sadd.s32 $0x19A00, s11;
	s11 =	sadd.s32 s5, s9  }
0x11: {  	s12 =	sadd.s32 s6, s9;
	s13 =	sadd.s32 $0xB7000, s13;
	s16 =	sshll.u32 s7, $0x9  }
0x12: {  	s15 =	sshrl.u32 s15, $0x3;
	[dreg:$0x4] =	wrdreg s16;
	s16 =	simm.s32 $0x3  }
.LBB2_1:
0x13: {  	[spmem:s15], [sflag:s10] =	dma.local [hbm:s8], $0x2800  }
0x14: {  	_ =	swait.ge [sflag:s16], $0x2800  }
0x15: {  	[sflag:s16] =	ssyncset.done $0x0  }
0x16: {  	[sflag:s16] =	ssyncadd.s32 $0xFFFFD800  }
0x17: {  	[tilespmem:s17], [sflag:$0x3] =	stream.linear.gather [hbm4b:s11+s3], $0x1400, $0x38;
	[tilespmem:$0x1E800] =	vst v63  }
0x18: {  	_ =	swait.ge [sflag:s16], $0x1400  }
0x19: {  	[sflag:s16] =	ssyncset.done $0x0  }
0x1a: {  	s0 =	simm.s32 $0x1D400;
	[sflag:s16] =	ssyncadd.s32 $0xFFFFEC00  }
0x1b: {  	[tilespmem:s0], [sflag:$0x3] =	stream.linear.gather [hbm4b:s12+s3], $0x1400, $0x38;
	[tilespmem:$0x1E800] =	vst v63  }
0x1c: {  	_ =	swait.ge [sflag:s16], $0x1400  }
0x1d: {  	[sflag:s16] =	ssyncset.done $0x0  }
0x1e: {  	s24 =	simm.s32 $0x2;
	s25 =	simm.s32 $0x0;
	[sflag:s16] =	ssyncadd.s32 $0xFFFFEC00  }
0x1f: {  	s26 =	smov.u32 s9;
	s28 =	simm.s32 $0x0;
	[bflag:$0x0] =	sbarrier.arrive $0xFFFF  }
0x20: {  	[tilespmem:s20], [sflag:$0x1] =	stream.indirect.gather [hbm4b:s4+s19], $0x80, s17, s19, $0xb8;
	[tilespmem:$0x1E800] =	vst v63  }
.LBB2_2:
0x21: {  	s29 =	smulhi.u32 $0xCCCCCCCD, s25;
	_ =	sdelay $0x1  }
0x22: {  	_ =	swait.ge [sflag:s21], $0x4000;
	s29 =	sshrl.u32 s29, $0x5  }
0x23: {  	p1 =	seq.s32 s28, $0x0;
	[sflag:s21] =	ssyncset.done $0x0;
	s30 =	smul.u32 $0x5000, s29  }
0x24: {  	s31 =	simm.s32 @!p1 $0x2;
	[sflag:s21] =	ssyncadd.s32 $0xFFFFC000  }
0x25: {  	_ =	swait.ge @!p1 [sflag:s31], $0x4000;
	p0 =	sne.s32 @!p1 s30, s28  }
0x26: {  	[sflag:s31] =	ssyncset.done @!p1 $0x0;
	p0 =	por p0, p1  }
0x27: {  	s29 =	smul.u32 $0xFFFFB000, s29;
	[sflag:s31] =	ssyncadd.s32 @!p1 $0xFFFFC000;
	s31 =	sand.u32 @!p0 $0xFFFFF80, s26  }
0x28: {  	s0 =	simm.s32 @!p0 $0x0;
	s1 =	simm.s32 @!p0 $0x1D400;
	s31 =	sadd.s32 @!p0 s6, s31  }
0x29: {  	[tilespmem:s1], [sflag:$0x3] =	stream.linear.gather @!p0 [hbm4b:s31+s0], $0x1400, $0x38;
	[tilespmem:$0x1E800] =	vst v63  }
0x2a: {  	s1 =	simm.s32 @!p0 $0x3  }
0x2b: {  	s18 =	sshra.s32 s28, $0x2;
	s0 =	sshra.s32 s29, $0x2;
	_ =	swait.ge @!p0 [sflag:s1], $0x1400  }
0x2c: {  	s31 =	sadd.s32 $0xFFFFFFFF, s24;
	s29 =	sadd.s32 $0x1D400, s0;
	[sflag:s1] =	ssyncset.done @!p0 $0x0  }
0x2d: {  	[sflag:s1] =	ssyncadd.s32 @!p0 $0xFFFFEC00;
	p0 =	sge.u32 s31, s7;
	s1 =	sadd.s32 s18, s29  }
0x2e: {  	[spmem:s2] =	stream.indirect.scatter.add.f32 [tilespmem:s20], [sflag:$0x2], $0x80, s1, s19, $0xb8;
	[tilespmem:$0x1E800] =	vst v63  }
0x2f: {  	s0 =	sadd.s32 $0x1C080, s0;
	s18 =	sshra.s32 @!p0 s28, $0x2  }
0x30: {  	s29 =	simm.s32 @!p0 $0x18000;
	s0 =	sadd.s32 @!p0 s18, s0;
	s18 =	simm.s32 @!p0 $0x80  }
0x31: {  	[tilespmem:s29], [sflag:$0x1] =	stream.indirect.gather @!p0 [hbm4b:s4+s18], $0x80, s0, s18, $0xb8;
	[tilespmem:$0x1E800] =	vst v63  }
0x32: {  	s0 =	sadd.s32 $0x4C00, s30;
	p0 =	sge.u32 s24, s7  }
0x33: {  	p1 =	sne.s32 @!p0 s0, s28  }
0x34: {  	_ =	swait.ge [sflag:s21], $0x4000;
	p1 =	por p1, p0  }
0x35: {  	[sflag:s21] =	ssyncset.done $0x0;
	s0 =	sadd.s32 @!p1 $0x20, s26  }
0x36: {  	[sflag:s21] =	ssyncadd.s32 $0xFFFFC000;
	s0 =	sand.u32 @!p1 $0x1FFFFF80, s0  }
0x37: {  	s18 =	simm.s32 @!p1 $0x0;
	s29 =	simm.s32 @!p1 $0x1C000;
	s0 =	sadd.s32 @!p1 s5, s0  }
0x38: {  	[tilespmem:s29], [sflag:$0x3] =	stream.linear.gather @!p1 [hbm4b:s0+s18], $0x1400, $0x38;
	[tilespmem:$0x1E800] =	vst v63  }
0x39: {  	s0 =	simm.s32 @!p1 $0x3  }
0x3a: {  	s31 =	smulhi.u32 $0xCCCCCCCD, s24;
	_ =	swait.ge @!p1 [sflag:s0], $0x1400  }
0x3b: {  	[sflag:s0] =	ssyncset.done @!p1 $0x0  }
0x3c: {  	s29 =	sshrl.u32 s31, $0x5;
	[sflag:s0] =	ssyncadd.s32 @!p1 $0xFFFFEC00  }
0x3d: {  	s0 =	smul.u32 $0xFFFFB000, s29;
	_ =	swait.ge [sflag:s22], $0x4000  }
0x3e: {  	s1 =	sadd.s32 $0x80, s1;
	s18 =	simm.s32 @!p0 $0x14000;
	[sflag:s22] =	ssyncset.done $0x0  }
0x3f: {  	s30 =	rddreg [dreg:$0x3];
	s0 =	sshra.s32 s0, $0x2;
	[sflag:s22] =	ssyncadd.s32 $0xFFFFC000  }
0x40: {  	[spmem:s2] =	stream.indirect.scatter.add.f32 [tilespmem:s30], [sflag:$0x2], $0x80, s1, s19, $0xb8;
	[tilespmem:$0x1E800] =	vst v63  }
0x41: {  	s31 =	rddreg [dreg:$0x4];
	s0 =	sadd.s32 $0x1C100, s0;
	s1 =	sshra.s32 @!p0 s28, $0x2  }
0x42: {  	s28 =	sadd.s32 $0x400, s28;
	s0 =	sadd.s32 @!p0 s1, s0;
	s1 =	simm.s32 @!p0 $0x80  }
0x43: {  	[tilespmem:s18], [sflag:$0x1] =	stream.indirect.gather @!p0 [hbm4b:s4+s1], $0x80, s0, s1, $0xb8;
	[tilespmem:$0x1E800] =	vst v63  }
0x44: {  	p0 =	sne.s32 s31, s28  }
.Ltmp0:
0x45: {  	_ = 	snop;
	(pc) =	sbr.rel @p0 .LBB2_2-.Ltmp0, $2  }
0x46: {  	_ =	sdelay $0x2  }
0x47: {  	s25 =	sadd.s32 $0x2, s25;
	s24 =	sadd.s32 $0x2, s24;
	s26 =	sadd.s32 $0x20, s26  }
0x48: {  	_ =	swait.ge [sflag:s22], $0x4000  }
0x49: {  	s23 =	sadd.s32 $0x1, s23;
	[sflag:s22] =	ssyncset.done $0x0  }
0x4a: {  	p0 =	sne.s32 s23, s14;
	[sflag:s22] =	ssyncadd.s32 $0xFFFFC000  }
.Ltmp1:
0x4b: {  	[bflag:$0x0] =	sbarrier.arrive $0xFFFF;
	(pc) =	sbr.rel @p0 .LBB2_1-.Ltmp1, $4  }
0x4c: {  	[hbm:s13], [sflag:s10] =	dma.local [spmem:s15], $0x2800  }
0x4d: {  	_ =	swait.ge [sflag:s16], $0x2800  }
0x4e: {  	[sflag:s16] =	ssyncset.done $0x0  }
0x4f: {  	[sflag:s16] =	ssyncadd.s32 $0xFFFFD800  }
0x50: {  	_ =	sfence.sel $0x180000  }
0x51: {  	[bflag:$0x0] =	sbarrier.arrive $0xFFFF  }
0x52: {  	_ =	strace $0x9000004D  }
0x53: {  	s0 =	stileid.u32;
	[bflag:$0x2] =	sbarrier.arrive $0xFFFF  }
0x54: {  	p0 =	sne.s32 s0, $0x0;
	s0 =	rddreg [dreg:$0x2]  }
0x55: {  	s0 =	sadd.s32 @!p0 $0x100000, s0  }
0x56: {  	[sflag:s0] =	ssyncadd.tile.s32 @!p0 $0x1;
	_ =	shalt  }
.Lfunc_end2:
_tile_overlayer_lowered:
.L_overlay_start_2:
0x57: {  	(tag) =	ssettag $0x2  }
0x58: {  	s0 =	rddreg [dreg:$0x0];
	s2 =	stileid.u32  }
0x59: {  	s1 =	rddreg [dreg:$0x1];
	p0 =	sne.s32 s2, $0x0  }
0x5a: {  	s3 =	rddreg [dreg:$0x2];
	[bflag:$0x3] =	sbarrier.arrive $0xFFFF;
	s2 =	simm.s32 @!p0 $0x1C03  }
0x5b: {  	[timem:s3], [sflag:s2] =	dma.local @!p0 [hbm:s0], s1  }
0x5c: {  	s0 =	simm.s32 @!p0 $0x3  }
0x5d: {  	_ =	swait.ge @!p0 [sflag:s0], s1  }
0x5e: {  	s1 =	ssub.s32 @!p0 $0x0, s1;
	[sflag:s0] =	ssyncset.done @!p0 $0x0  }
0x5f: {  	[sflag:s0] =	ssyncadd.s32 @!p0 s1  }
0x60: {  	[bflag:$0x3] =	sbarrier.arrive $0xFFFF  }
0x61: {  	_ =	shalt  }

// kernel: kernel.21.cloned.1.call-start
scs
__scs_entry_jumppad:
0x0: {  	(pc) =	sbr.rel $0x88, $3  }
0x1: {  	(tag) =	ssettag $0x0;
	lr =	simm.s32 $0x1  }
0x2: {  	[smem:$0x3F90] =	sst lr;
	_ =	strace $0xD0000000  }
0x3: {  	_ = 	snop  }
0x4: {  	_ = 	snop  }
0x5: {  	_ = 	snop  }
0x6: {  	_ = 	snop  }
0x7: {  	_ = 	snop  }
__scs_overlays_trampoline_lowered:
0x8: {  	[smem:$0x3F9F] =	sst s0  }
0x9: {  	[smem:$0x3FA0] =	sst s1  }
0xa: {  	[smem:$0x3FA1] =	sst s2  }
0xb: {  	[smem:$0x3FA2] =	sst s3  }
0xc: {  	[smem:$0x3FA3] =	sst s4  }
0xd: {  	[smem:$0x3FA4] =	sst s5  }
0xe: {  	[smem:$0x3FA5] =	sst s6  }
0xf: {  	[smem:$0x3FA6] =	sst s7  }
0x10: {  	[smem:$0x3FA7] =	sst s8  }
0x11: {  	[smem:$0x3FA8] =	sst s9;
	s0 =	simm.s32 @!p0 $0x0  }
0x12: {  	s1 =	sld [smem:$0x3F8E];
	s0 =	simm.s32 @p0 $0x1  }
0x13: {  	[smem:$0x3FA9] =	sst s0;
	s0 =	simm.s32 @!p1 $0x0  }
0x14: {  	s2 =	sld [smem:$0x3F8D];
	s0 =	simm.s32 @p1 $0x1  }
0x15: {  	[smem:$0x3FAA] =	sst s0;
	s0 =	simm.s32 @!p2 $0x0  }
0x16: {  	s3 =	sld [smem:$0x3FDB];
	s0 =	simm.s32 @p2 $0x1  }
0x17: {  	s4 =	simm.s32 $0x1BF5;
	[smem:$0x3FAC] =	sst s0  }
0x18: {  	s0 =	sld [smem:$0x3F8F];
	_ =	swait.ge [sflag:s4], $0x0  }
0x19: {  	s7 =	sld [smem:$0x3F90]  }
0x1a: {  	s8 =	sadd.s32 $0xFFFFE003, lr  }
0x1b: {  	s9 =	sadd.s32 $0xFFFFFEF7, lr;
	s5 =	simm.s32 $0xFFFFFFFF;
	p2 =	slt.u32 s8, $0xFFFFF086  }
0x1c: {  	p1 =	slt.u32 s9, $0xF7A;
	s5 =	simm.s32 @!p2 $0x0  }
0x1d: {  	s5 =	simm.s32 @p1 $0x1;
	p0 =	seq.s32 s7, s2  }
0x1e: {  	s7 =	smul.u32 @!p0 $0xF7A, s2;
	p2 =	seq.s32 @!p0 s5, $0x0  }
0x1f: {  	s9 =	smul.u32 $0xF7A, s1;
	s8 =	simm.s32 @!p0 $0x1BF5;
	p2 =	por !p2, p0  }
0x20: {  	[sflag:s8] =	ssyncset.s32 @!p0 $0xFFFFF086;
	s6 =	sadd.s32 @!p0 s3, s7;
	s7 =	simm.s32 @!p0 $0x108  }
0x21: {  	s3 =	sadd.s32 s3, s9;
	s6 =	sadd.s32 @!p0 $0x88, s6;
	s7 =	simm.s32 @p2 $0x1082  }
0x22: {  	[simem:s7], [sflag:s8] =	dma.local @!p0 [hbm:s6], $0xF7A  }
0x23: {  	s9 =	sor.u32 $0xD0000000, s2;
	s6 =	simm.s32 $0x108;
	_ =	swait.ge @!p0 [sflag:s8], $0x0  }
0x24: {  	s3 =	sadd.s32 $0x88, s3;
	s6 =	simm.s32 @!p1 $0x1082;
	[sflag:s4] =	ssyncset.s32 $0xFFFFF086  }
0x25: {  	[simem:s6], [sflag:s4] =	dma.local [hbm:s3], $0xF7A  }
0x26: {  	[smem:$0x3F90] =	sst s1;
	(tag) =	ssettag s2;
	_ =	strace s9  }
0x27: {  	s1 =	sld [smem:$0x3FA0]  }
0x28: {  	s2 =	sld [smem:$0x3FA1]  }
0x29: {  	s4 =	sld [smem:$0x3FA3]  }
0x2a: {  	p0 =	seq.s32 s5, $0x0;
	s5 =	sld [smem:$0x3FA4]  }
0x2b: {  	s6 =	sld [smem:$0x3FA5]  }
0x2c: {  	s7 =	sld [smem:$0x3FA6]  }
0x2d: {  	s3 =	simm.s32 $0x108;
	s8 =	sld [smem:$0x3FA7]  }
0x2e: {  	s3 =	simm.s32 @!p0 $0x1082;
	s9 =	sld [smem:$0x3FA8]  }
0x2f: {  	lr =	sadd.s32 s0, s3;
	s0 =	sld [smem:$0x3F9F]  }
0x30: {  	s3 =	sld [smem:$0x3FA2]  }
0x31: {  	[smem:$0x3FAB] =	sst s10  }
0x32: {  	s10 =	sld [smem:$0x3FA9];
	_ =	sdelay $0x3  }
0x33: {  	p0 =	seq.s32 s10, $0x1;
	s10 =	sld [smem:$0x3FAB];
	_ =	sdelay $0x3  }
0x34: {  	[smem:$0x3FAB] =	sst s10  }
0x35: {  	s10 =	sld [smem:$0x3FAA];
	_ =	sdelay $0x3  }
0x36: {  	p1 =	seq.s32 s10, $0x1;
	s10 =	sld [smem:$0x3FAB];
	_ =	sdelay $0x3  }
0x37: {  	[smem:$0x3FAB] =	sst s10  }
0x38: {  	s10 =	sld [smem:$0x3FAC]  }
0x39: {  	_ = 	snop;
	(pc) =	sbr.ind lr, $3  }
0x3a: {  	_ = 	snop  }
0x3b: {  	_ = 	snop  }
0x3c: {  	p2 =	seq.s32 s10, $0x1;
	s10 =	sld [smem:$0x3FAB]  }
0x3d: {  	_ =	shalt  }
0x3e: {  	_ =	shalt  }
0x3f: {  	_ =	shalt  }
0x40: {  	_ =	shalt  }
0x41: {  	_ =	shalt  }
0x42: {  	_ =	shalt  }
0x43: {  	_ =	shalt  }
0x44: {  	_ =	shalt  }
0x45: {  	_ =	shalt  }
0x46: {  	_ =	shalt  }
0x47: {  	_ =	shalt  }
0x48: {  	_ =	shalt  }
0x49: {  	_ =	shalt  }
0x4a: {  	_ =	shalt  }
0x4b: {  	_ =	shalt  }
0x4c: {  	_ =	shalt  }
0x4d: {  	_ =	shalt  }
0x4e: {  	_ =	shalt  }
0x4f: {  	_ =	shalt  }
0x50: {  	_ =	shalt  }
0x51: {  	_ =	shalt  }
0x52: {  	_ =	shalt  }
0x53: {  	_ =	shalt  }
0x54: {  	_ =	shalt  }
0x55: {  	_ =	shalt  }
0x56: {  	_ =	shalt  }
0x57: {  	_ =	shalt  }
0x58: {  	_ =	shalt  }
0x59: {  	_ =	shalt  }
0x5a: {  	_ =	shalt  }
0x5b: {  	_ =	shalt  }
0x5c: {  	_ =	shalt  }
0x5d: {  	_ =	shalt  }
0x5e: {  	_ =	shalt  }
0x5f: {  	_ =	shalt  }
0x60: {  	_ =	shalt  }
0x61: {  	_ =	shalt  }
0x62: {  	_ =	shalt  }
0x63: {  	_ =	shalt  }
0x64: {  	_ =	shalt  }
0x65: {  	_ =	shalt  }
0x66: {  	_ =	shalt  }
0x67: {  	_ =	shalt  }
0x68: {  	_ =	shalt  }
0x69: {  	_ =	shalt  }
0x6a: {  	_ =	shalt  }
0x6b: {  	_ =	shalt  }
0x6c: {  	_ =	shalt  }
0x6d: {  	_ =	shalt  }
0x6e: {  	_ =	shalt  }
0x6f: {  	_ =	shalt  }
0x70: {  	_ =	shalt  }
0x71: {  	_ =	shalt  }
0x72: {  	_ =	shalt  }
0x73: {  	_ =	shalt  }
0x74: {  	_ =	shalt  }
0x75: {  	_ =	shalt  }
0x76: {  	_ =	shalt  }
0x77: {  	_ =	shalt  }
0x78: {  	_ =	shalt  }
0x79: {  	_ =	shalt  }
0x7a: {  	_ =	shalt  }
0x7b: {  	_ =	shalt  }
0x7c: {  	_ =	shalt  }
0x7d: {  	_ =	shalt  }
0x7e: {  	_ =	shalt  }
0x7f: {  	_ =	shalt  }
0x80: {  	_ =	shalt  }
0x81: {  	_ =	shalt  }
0x82: {  	_ =	shalt  }
0x83: {  	_ =	shalt  }
0x84: {  	_ =	shalt  }
0x85: {  	_ =	shalt  }
0x86: {  	_ =	shalt  }
0x87: {  	_ =	shalt  }
.Lfunc_end0:
.L_simem_size_0:
called_computation.3_lowered:
.L_overlay_start_0:
0x88: {  	s2 =	sld [smem:$0x3FD9]  }
0x89: {  	s3 =	sld [smem:$0x3FFE];
	_ =	sdelay $0x1  }
0x8a: {  	s1 =	srdreg.scid  }
0x8b: {  	s0 =	sand.u32 $0x1, s1  }
0x8c: {  	s16 =	sshll.u32 s0, $0xA;
	s2 =	sadd.s32 s3, s2  }
0x8d: {  	s2 =	sadd.s32 s2, s16  }
0x8e: {  	[smem:$0x3FB7] =	sst s2  }
0x8f: {  	_ = 	snop  }
0x90: {  	(tm) =	ssettm $0x1  }
0x91: {  	s17 =	sld [smem:$0x3FFB];
	_ =	sdelay $0x3  }
0x92: {  	_ =	strace s17  }
0x93: {  	s2 =	sld [smem:$0x3FFC];
	_ =	sdelay $0x3  }
0x94: {  	_ =	strace s2  }
0x95: {  	s2 =	sld [smem:$0x3FFD];
	_ =	sdelay $0x3  }
0x96: {  	_ =	strace s2  }
0x97: {  	_ =	strace $0x8FFFFFFF  }
0x98: {  	s18 =	sld [smem:$0x3FDB];
	_ =	sdelay $0x1  }
0x99: {  	s19 =	simm.s32 $_scs_section_size  }
0x9a: {  	s4 =	simm.s32 $_size__tile_overlayer_lowered;
	s5 =	simm.s32 $_tile_overlayer_lowered  }
0x9b: {  	s22 =	simm.s32 $0x1BFF;
	s21 =	sshll.u32 s5, $0x1;
	s2 =	sadd.s32 s19, s18  }
0x9c: {  	s6 =	simm.s32 $0x0;
	s20 =	sshll.u32 s4, $0x1;
	s4 =	sadd.s32 s21, s2  }
0x9d: {  	[timem:s6], [sflag:s22] =	dma.local [hbm:s4], s20  }
0x9e: {  	_ =	swait.ge [sflag:s22], s20  }
0x9f: {  	s3 =	ssub.s32 $0x0, s20;
	[sflag:s22] =	ssyncset.done $0x0  }
0xa0: {  	[sflag:s22] =	ssyncadd.s32 s3;
	_ =	sdelay $0x1  }
0xa1: {  	s23 =	simm.s32 $0x1B8B  }
0xa2: {  	_ =	swait.ge [sflag:s23], $0x1  }
0xa3: {  	[sflag:s23] =	ssyncset.done $0x0  }
0xa4: {  	s25 =	simm.s32 $0x1B8E;
	s24 =	sld [smem:$0x3FFE];
	[sflag:s23] =	ssyncadd.s32 $0xFFFFFFFF  }
0xa5: {  	s26 =	simm.s32 $execute0_lowered;
	[smem:$0x3FD2] =	sst s25  }
0xa6: {  	s4 =	sshll.u32 s26, $0x1;
	_ =	strace $0x8000004F;
	[dreg:$0x1] =	wrdreg $0xFFFFFFFF  }
0xa7: {  	s28 =	simm.s32 $_size_execute0_lowered;
	s2 =	sadd.s32 s2, s4;
	[dreg:$0x0] =	wrdreg $0x0  }
0xa8: {  	s4 =	sshll.u32 s28, $0x1;
	[dreg:$0x2] =	wrdreg s2  }
0xa9: {  	[dreg:$0x3] =	wrdreg s4  }
0xaa: {  	[dreg:$0x4] =	wrdreg $0xC0  }
0xab: {  	_ =	task [dreg:s6], $0x5FFFF  }
0xac: {  	[dreg:$0x1] =	wrdreg $0xFFFFFFFF  }
0xad: {  	[dreg:$0x0] =	wrdreg $0x60  }
0xae: {  	[dreg:$0x2] =	wrdreg s24  }
0xaf: {  	[dreg:$0x3] =	wrdreg $0x0  }
0xb0: {  	[dreg:$0x4] =	wrdreg $0x9  }
0xb1: {  	_ =	task.clear_ibuf [dreg:s6], $0x5FFFF;
	_ =	strace $0x9000004F  }
0xb2: {  	s29 =	simm.s32 $0x9;
	_ =	strace $0x80000051  }
0xb3: {  	_ =	swait.ge [sflag:s29], $0x1  }
0xb4: {  	[sflag:s29] =	ssyncadd.s32 $0xFFFFFFFF  }
0xb5: {  	_ =	strace $0x90000051  }
0xb6: {  	_ =	sfence  }
0xb7: {  	s30 =	sld [smem:$0x0];
	_ =	sdelay $0x2  }
0xb8: {  	s31 =	sshll.u32 s1, $0xD;
	s1 =	sshrl.u32 s1, $0x2  }
0xb9: {  	s3 =	sand.u32 $0x4000, s31;
	s1 =	sadd.s32 s1, s30  }
0xba: {  	s0 =	sor.u32 s3, s0;
	s1 =	sshll.u32 s1, $0x11  }
0xbb: {  	s0 =	sor.u32 s1, s0  }
0xbc: {  	s0 =	sadd.s32 $0x8F2B, s0  }
0xbd: {  	[sflag:s0] =	ssyncadd.remote.s32 $0x1  }
0xbe: {  	_ =	sfence.sel $0xFFFF  }
0xbf: {  	[dreg:$0x0] =	wrdreg $0xFFFFFFFF;
	(pc) =	sbr.abs _section_cstart, $3  }
0xc0: {  	[dreg:$0x1] =	wrdreg $0xFFFFFFFF  }
0xc1: {  	_ =	task.clear_ibuf [dreg:s6], $0x2FFFF;
	_ =	strace $0x9FFFFFFF  }
0xc2: {  	(tm) =	ssettm $0x7FFFFFFF  }
0xc3: {  	_ =	shalt  }
tec
execute0_lowered:
.L_overlay_start_1:
0x0: {  	(tag) =	ssettag $0x1  }
0x1: {  	s7 =	rddreg [dreg:$0x0]  }
0x2: {  	s2 =	rddreg [dreg:$0x1];
	s3 =	simm.s32 $0x0  }
0x3: {  	s0 =	stileid.u32;
	s4 =	srdreg.scid;
	s17 =	simm.s32 $0x1C000  }
0x4: {  	s19 =	simm.s32 $0x80;
	s20 =	simm.s32 $0x14000;
	s21 =	simm.s32 $0x1  }
0x5: {  	s23 =	simm.s32 $0x18000;
	s22 =	simm.s32 $0x2;
	[smem:$0x7FF] =	sst s3  }
0x6: {  	s8 =	smul.u32 $0x14000, s0;
	s9 =	sand.u32 $0x1, s4;
	s4 =	sadd.s32 $0x41A00, s7  }
0x7: {  	s5 =	sadd.s32 $0x5A00, s7;
	s6 =	sadd.s32 $0xFA00, s7;
	s29 =	smul.u32 $0x50000, s0  }
0x8: {  	s30 =	sshll.u32 s0, $0x3;
	s31 =	sshll.u32 s0, $0x6;
	_ =	strace $0x80000050  }
0x9: {  	s10 =	smul.u32 $0x140000, s9;
	s28 =	ssub.s32 $0x2, s9;
	p0 =	seq.s32 s9, $0x0  }
0xa: {  	s9 =	smul.u32 $0x98, s0;
	[dreg:$0x3] =	wrdreg s23;
	s23 =	simm.s32 $0x0  }
0xb: {  	s11 =	sshrl.u32 s8, $0x3;
	s12 =	sshrl.u32 s28, $0x1;
	s8 =	sadd.s32 s8, s10  }
0xc: {  	s11 =	sadd.s32 s11, s7;
	s14 =	ssub.s32 s28, s12;
	s10 =	sor.u32 $0x980, s30  }
0xd: {  	s8 =	sshrl.u32 s8, $0x3;
	s9 =	smov.u32 @p0 s10;
	s10 =	sor.u32 $0x1C03, s31  }
0xe: {  	s14 =	smax.u32 s14, $0x1;
	s13 =	sadd.s32 s8, s7;
	s7 =	simm.s32 $0x8  }
0xf: {  	s8 =	sshrl.u32 s29, $0x2;
	s9 =	sshll.u32 s9, $0x4;
	s7 =	simm.s32 @!p0 $0x98  }
0x10: {  	s15 =	sadd.s32 s8, s2;
	s8 =	sadd.s32 $0x19A00, s11;
	s11 =	sadd.s32 s5, s9  }
0x11: {  	s12 =	sadd.s32 s6, s9;
	s13 =	sadd.s32 $0xB7000, s13;
	s16 =	sshll.u32 s7, $0x9  }
0x12: {  	s15 =	sshrl.u32 s15, $0x3;
	[dreg:$0x4] =	wrdreg s16;
	s16 =	simm.s32 $0x3  }
.LBB2_1:
0x13: {  	[spmem:s15], [sflag:s10] =	dma.local [hbm:s8], $0x2800  }
0x14: {  	_ =	swait.ge [sflag:s16], $0x2800  }
0x15: {  	[sflag:s16] =	ssyncset.done $0x0  }
0x16: {  	[sflag:s16] =	ssyncadd.s32 $0xFFFFD800  }
0x17: {  	[tilespmem:s17], [sflag:$0x3] =	stream.linear.gather [hbm4b:s11+s3], $0x1400, $0x38;
	[tilespmem:$0x1E800] =	vst v63  }
0x18: {  	_ =	swait.ge [sflag:s16], $0x1400  }
0x19: {  	[sflag:s16] =	ssyncset.done $0x0  }
0x1a: {  	s0 =	simm.s32 $0x1D400;
	[sflag:s16] =	ssyncadd.s32 $0xFFFFEC00  }
0x1b: {  	[tilespmem:s0], [sflag:$0x3] =	stream.linear.gather [hbm4b:s12+s3], $0x1400, $0x38;
	[tilespmem:$0x1E800] =	vst v63  }
0x1c: {  	_ =	swait.ge [sflag:s16], $0x1400  }
0x1d: {  	[sflag:s16] =	ssyncset.done $0x0  }
0x1e: {  	s24 =	simm.s32 $0x2;
	s25 =	simm.s32 $0x0;
	[sflag:s16] =	ssyncadd.s32 $0xFFFFEC00  }
0x1f: {  	s26 =	smov.u32 s9;
	s28 =	simm.s32 $0x0;
	[bflag:$0x0] =	sbarrier.arrive $0xFFFF  }
0x20: {  	[tilespmem:s20], [sflag:$0x1] =	stream.indirect.gather [hbm4b:s4+s19], $0x80, s17, s19, $0xb8;
	[tilespmem:$0x1E800] =	vst v63  }
.LBB2_2:
0x21: {  	s29 =	smulhi.u32 $0xCCCCCCCD, s25;
	_ =	sdelay $0x1  }
0x22: {  	_ =	swait.ge [sflag:s21], $0x4000;
	s29 =	sshrl.u32 s29, $0x5  }
0x23: {  	p1 =	seq.s32 s28, $0x0;
	[sflag:s21] =	ssyncset.done $0x0;
	s30 =	smul.u32 $0x5000, s29  }
0x24: {  	s31 =	simm.s32 @!p1 $0x2;
	[sflag:s21] =	ssyncadd.s32 $0xFFFFC000  }
0x25: {  	_ =	swait.ge @!p1 [sflag:s31], $0x4000;
	p0 =	sne.s32 @!p1 s30, s28  }
0x26: {  	[sflag:s31] =	ssyncset.done @!p1 $0x0;
	p0 =	por p0, p1  }
0x27: {  	s29 =	smul.u32 $0xFFFFB000, s29;
	[sflag:s31] =	ssyncadd.s32 @!p1 $0xFFFFC000;
	s31 =	sand.u32 @!p0 $0xFFFFF80, s26  }
0x28: {  	s0 =	simm.s32 @!p0 $0x0;
	s1 =	simm.s32 @!p0 $0x1D400;
	s31 =	sadd.s32 @!p0 s6, s31  }
0x29: {  	[tilespmem:s1], [sflag:$0x3] =	stream.linear.gather @!p0 [hbm4b:s31+s0], $0x1400, $0x38;
	[tilespmem:$0x1E800] =	vst v63  }
0x2a: {  	s1 =	simm.s32 @!p0 $0x3  }
0x2b: {  	s18 =	sshra.s32 s28, $0x2;
	s0 =	sshra.s32 s29, $0x2;
	_ =	swait.ge @!p0 [sflag:s1], $0x1400  }
0x2c: {  	s31 =	sadd.s32 $0xFFFFFFFF, s24;
	s29 =	sadd.s32 $0x1D400, s0;
	[sflag:s1] =	ssyncset.done @!p0 $0x0  }
0x2d: {  	[sflag:s1] =	ssyncadd.s32 @!p0 $0xFFFFEC00;
	p0 =	sge.u32 s31, s7;
	s1 =	sadd.s32 s18, s29  }
0x2e: {  	[spmem:s2] =	stream.indirect.scatter.add.f32 [tilespmem:s20], [sflag:$0x2], $0x80, s1, s19, $0xb8;
	[tilespmem:$0x1E800] =	vst v63  }
0x2f: {  	s0 =	sadd.s32 $0x1C080, s0;
	s18 =	sshra.s32 @!p0 s28, $0x2  }
0x30: {  	s29 =	simm.s32 @!p0 $0x18000;
	s0 =	sadd.s32 @!p0 s18, s0;
	s18 =	simm.s32 @!p0 $0x80  }
0x31: {  	[tilespmem:s29], [sflag:$0x1] =	stream.indirect.gather @!p0 [hbm4b:s4+s18], $0x80, s0, s18, $0xb8;
	[tilespmem:$0x1E800] =	vst v63  }
0x32: {  	s0 =	sadd.s32 $0x4C00, s30;
	p0 =	sge.u32 s24, s7  }
0x33: {  	p1 =	sne.s32 @!p0 s0, s28  }
0x34: {  	_ =	swait.ge [sflag:s21], $0x4000;
	p1 =	por p1, p0  }
0x35: {  	[sflag:s21] =	ssyncset.done $0x0;
	s0 =	sadd.s32 @!p1 $0x20, s26  }
0x36: {  	[sflag:s21] =	ssyncadd.s32 $0xFFFFC000;
	s0 =	sand.u32 @!p1 $0x1FFFFF80, s0  }
0x37: {  	s18 =	simm.s32 @!p1 $0x0;
	s29 =	simm.s32 @!p1 $0x1C000;
	s0 =	sadd.s32 @!p1 s5, s0  }
0x38: {  	[tilespmem:s29], [sflag:$0x3] =	stream.linear.gather @!p1 [hbm4b:s0+s18], $0x1400, $0x38;
	[tilespmem:$0x1E800] =	vst v63  }
0x39: {  	s0 =	simm.s32 @!p1 $0x3  }
0x3a: {  	s31 =	smulhi.u32 $0xCCCCCCCD, s24;
	_ =	swait.ge @!p1 [sflag:s0], $0x1400  }
0x3b: {  	[sflag:s0] =	ssyncset.done @!p1 $0x0  }
0x3c: {  	s29 =	sshrl.u32 s31, $0x5;
	[sflag:s0] =	ssyncadd.s32 @!p1 $0xFFFFEC00  }
0x3d: {  	s0 =	smul.u32 $0xFFFFB000, s29;
	_ =	swait.ge [sflag:s22], $0x4000  }
0x3e: {  	s1 =	sadd.s32 $0x80, s1;
	s18 =	simm.s32 @!p0 $0x14000;
	[sflag:s22] =	ssyncset.done $0x0  }
0x3f: {  	s30 =	rddreg [dreg:$0x3];
	s0 =	sshra.s32 s0, $0x2;
	[sflag:s22] =	ssyncadd.s32 $0xFFFFC000  }
0x40: {  	[spmem:s2] =	stream.indirect.scatter.add.f32 [tilespmem:s30], [sflag:$0x2], $0x80, s1, s19, $0xb8;
	[tilespmem:$0x1E800] =	vst v63  }
0x41: {  	s31 =	rddreg [dreg:$0x4];
	s0 =	sadd.s32 $0x1C100, s0;
	s1 =	sshra.s32 @!p0 s28, $0x2  }
0x42: {  	s28 =	sadd.s32 $0x400, s28;
	s0 =	sadd.s32 @!p0 s1, s0;
	s1 =	simm.s32 @!p0 $0x80  }
0x43: {  	[tilespmem:s18], [sflag:$0x1] =	stream.indirect.gather @!p0 [hbm4b:s4+s1], $0x80, s0, s1, $0xb8;
	[tilespmem:$0x1E800] =	vst v63  }
0x44: {  	p0 =	sne.s32 s31, s28  }
.Ltmp0:
0x45: {  	_ = 	snop;
	(pc) =	sbr.rel @p0 .LBB2_2-.Ltmp0, $2  }
0x46: {  	_ =	sdelay $0x2  }
0x47: {  	s25 =	sadd.s32 $0x2, s25;
	s24 =	sadd.s32 $0x2, s24;
	s26 =	sadd.s32 $0x20, s26  }
0x48: {  	_ =	swait.ge [sflag:s22], $0x4000  }
0x49: {  	s23 =	sadd.s32 $0x1, s23;
	[sflag:s22] =	ssyncset.done $0x0  }
0x4a: {  	p0 =	sne.s32 s23, s14;
	[sflag:s22] =	ssyncadd.s32 $0xFFFFC000  }
.Ltmp1:
0x4b: {  	[bflag:$0x0] =	sbarrier.arrive $0xFFFF;
	(pc) =	sbr.rel @p0 .LBB2_1-.Ltmp1, $4  }
0x4c: {  	[hbm:s13], [sflag:s10] =	dma.local [spmem:s15], $0x2800  }
0x4d: {  	_ =	swait.ge [sflag:s16], $0x2800  }
0x4e: {  	[sflag:s16] =	ssyncset.done $0x0  }
0x4f: {  	[sflag:s16] =	ssyncadd.s32 $0xFFFFD800  }
0x50: {  	_ =	sfence.sel $0x180000  }
0x51: {  	[bflag:$0x0] =	sbarrier.arrive $0xFFFF  }
0x52: {  	_ =	strace $0x90000050  }
0x53: {  	s0 =	stileid.u32;
	[bflag:$0x2] =	sbarrier.arrive $0xFFFF  }
0x54: {  	p0 =	sne.s32 s0, $0x0;
	s0 =	rddreg [dreg:$0x2]  }
0x55: {  	s0 =	sadd.s32 @!p0 $0x100000, s0  }
0x56: {  	[sflag:s0] =	ssyncadd.tile.s32 @!p0 $0x1;
	_ =	shalt  }
.Lfunc_end2:
_tile_overlayer_lowered:
.L_overlay_start_2:
0x57: {  	(tag) =	ssettag $0x2  }
0x58: {  	s0 =	rddreg [dreg:$0x0];
	s2 =	stileid.u32  }
0x59: {  	s1 =	rddreg [dreg:$0x1];
	p0 =	sne.s32 s2, $0x0  }
0x5a: {  	s3 =	rddreg [dreg:$0x2];
	[bflag:$0x3] =	sbarrier.arrive $0xFFFF;
	s2 =	simm.s32 @!p0 $0x1C03  }
0x5b: {  	[timem:s3], [sflag:s2] =	dma.local @!p0 [hbm:s0], s1  }
0x5c: {  	s0 =	simm.s32 @!p0 $0x3  }
0x5d: {  	_ =	swait.ge @!p0 [sflag:s0], s1  }
0x5e: {  	s1 =	ssub.s32 @!p0 $0x0, s1;
	[sflag:s0] =	ssyncset.done @!p0 $0x0  }
0x5f: {  	[sflag:s0] =	ssyncadd.s32 @!p0 s1  }
0x60: {  	[bflag:$0x3] =	sbarrier.arrive $0xFFFF  }
0x61: {  	_ =	shalt  }

// kernel: kernel.24.cloned.1.call-start
scs
__scs_entry_jumppad:
0x0: {  	(pc) =	sbr.rel $0x88, $3  }
0x1: {  	(tag) =	ssettag $0x0;
	lr =	simm.s32 $0x1  }
0x2: {  	[smem:$0x3F90] =	sst lr;
	_ =	strace $0xD0000000  }
0x3: {  	_ = 	snop  }
0x4: {  	_ = 	snop  }
0x5: {  	_ = 	snop  }
0x6: {  	_ = 	snop  }
0x7: {  	_ = 	snop  }
__scs_overlays_trampoline_lowered:
0x8: {  	[smem:$0x3F9F] =	sst s0  }
0x9: {  	[smem:$0x3FA0] =	sst s1  }
0xa: {  	[smem:$0x3FA1] =	sst s2  }
0xb: {  	[smem:$0x3FA2] =	sst s3  }
0xc: {  	[smem:$0x3FA3] =	sst s4  }
0xd: {  	[smem:$0x3FA4] =	sst s5  }
0xe: {  	[smem:$0x3FA5] =	sst s6  }
0xf: {  	[smem:$0x3FA6] =	sst s7  }
0x10: {  	[smem:$0x3FA7] =	sst s8  }
0x11: {  	[smem:$0x3FA8] =	sst s9;
	s0 =	simm.s32 @!p0 $0x0  }
0x12: {  	s1 =	sld [smem:$0x3F8E];
	s0 =	simm.s32 @p0 $0x1  }
0x13: {  	[smem:$0x3FA9] =	sst s0;
	s0 =	simm.s32 @!p1 $0x0  }
0x14: {  	s2 =	sld [smem:$0x3F8D];
	s0 =	simm.s32 @p1 $0x1  }
0x15: {  	[smem:$0x3FAA] =	sst s0;
	s0 =	simm.s32 @!p2 $0x0  }
0x16: {  	s3 =	sld [smem:$0x3FDB];
	s0 =	simm.s32 @p2 $0x1  }
0x17: {  	s4 =	simm.s32 $0x1BF5;
	[smem:$0x3FAC] =	sst s0  }
0x18: {  	s0 =	sld [smem:$0x3F8F];
	_ =	swait.ge [sflag:s4], $0x0  }
0x19: {  	s7 =	sld [smem:$0x3F90]  }
0x1a: {  	s8 =	sadd.s32 $0xFFFFE003, lr  }
0x1b: {  	s9 =	sadd.s32 $0xFFFFFEF7, lr;
	s5 =	simm.s32 $0xFFFFFFFF;
	p2 =	slt.u32 s8, $0xFFFFF086  }
0x1c: {  	p1 =	slt.u32 s9, $0xF7A;
	s5 =	simm.s32 @!p2 $0x0  }
0x1d: {  	s5 =	simm.s32 @p1 $0x1;
	p0 =	seq.s32 s7, s2  }
0x1e: {  	s7 =	smul.u32 @!p0 $0xF7A, s2;
	p2 =	seq.s32 @!p0 s5, $0x0  }
0x1f: {  	s9 =	smul.u32 $0xF7A, s1;
	s8 =	simm.s32 @!p0 $0x1BF5;
	p2 =	por !p2, p0  }
0x20: {  	[sflag:s8] =	ssyncset.s32 @!p0 $0xFFFFF086;
	s6 =	sadd.s32 @!p0 s3, s7;
	s7 =	simm.s32 @!p0 $0x108  }
0x21: {  	s3 =	sadd.s32 s3, s9;
	s6 =	sadd.s32 @!p0 $0x88, s6;
	s7 =	simm.s32 @p2 $0x1082  }
0x22: {  	[simem:s7], [sflag:s8] =	dma.local @!p0 [hbm:s6], $0xF7A  }
0x23: {  	s9 =	sor.u32 $0xD0000000, s2;
	s6 =	simm.s32 $0x108;
	_ =	swait.ge @!p0 [sflag:s8], $0x0  }
0x24: {  	s3 =	sadd.s32 $0x88, s3;
	s6 =	simm.s32 @!p1 $0x1082;
	[sflag:s4] =	ssyncset.s32 $0xFFFFF086  }
0x25: {  	[simem:s6], [sflag:s4] =	dma.local [hbm:s3], $0xF7A  }
0x26: {  	[smem:$0x3F90] =	sst s1;
	(tag) =	ssettag s2;
	_ =	strace s9  }
0x27: {  	s1 =	sld [smem:$0x3FA0]  }
0x28: {  	s2 =	sld [smem:$0x3FA1]  }
0x29: {  	s4 =	sld [smem:$0x3FA3]  }
0x2a: {  	p0 =	seq.s32 s5, $0x0;
	s5 =	sld [smem:$0x3FA4]  }
0x2b: {  	s6 =	sld [smem:$0x3FA5]  }
0x2c: {  	s7 =	sld [smem:$0x3FA6]  }
0x2d: {  	s3 =	simm.s32 $0x108;
	s8 =	sld [smem:$0x3FA7]  }
0x2e: {  	s3 =	simm.s32 @!p0 $0x1082;
	s9 =	sld [smem:$0x3FA8]  }
0x2f: {  	lr =	sadd.s32 s0, s3;
	s0 =	sld [smem:$0x3F9F]  }
0x30: {  	s3 =	sld [smem:$0x3FA2]  }
0x31: {  	[smem:$0x3FAB] =	sst s10  }
0x32: {  	s10 =	sld [smem:$0x3FA9];
	_ =	sdelay $0x3  }
0x33: {  	p0 =	seq.s32 s10, $0x1;
	s10 =	sld [smem:$0x3FAB];
	_ =	sdelay $0x3  }
0x34: {  	[smem:$0x3FAB] =	sst s10  }
0x35: {  	s10 =	sld [smem:$0x3FAA];
	_ =	sdelay $0x3  }
0x36: {  	p1 =	seq.s32 s10, $0x1;
	s10 =	sld [smem:$0x3FAB];
	_ =	sdelay $0x3  }
0x37: {  	[smem:$0x3FAB] =	sst s10  }
0x38: {  	s10 =	sld [smem:$0x3FAC]  }
0x39: {  	_ = 	snop;
	(pc) =	sbr.ind lr, $3  }
0x3a: {  	_ = 	snop  }
0x3b: {  	_ = 	snop  }
0x3c: {  	p2 =	seq.s32 s10, $0x1;
	s10 =	sld [smem:$0x3FAB]  }
0x3d: {  	_ =	shalt  }
0x3e: {  	_ =	shalt  }
0x3f: {  	_ =	shalt  }
0x40: {  	_ =	shalt  }
0x41: {  	_ =	shalt  }
0x42: {  	_ =	shalt  }
0x43: {  	_ =	shalt  }
0x44: {  	_ =	shalt  }
0x45: {  	_ =	shalt  }
0x46: {  	_ =	shalt  }
0x47: {  	_ =	shalt  }
0x48: {  	_ =	shalt  }
0x49: {  	_ =	shalt  }
0x4a: {  	_ =	shalt  }
0x4b: {  	_ =	shalt  }
0x4c: {  	_ =	shalt  }
0x4d: {  	_ =	shalt  }
0x4e: {  	_ =	shalt  }
0x4f: {  	_ =	shalt  }
0x50: {  	_ =	shalt  }
0x51: {  	_ =	shalt  }
0x52: {  	_ =	shalt  }
0x53: {  	_ =	shalt  }
0x54: {  	_ =	shalt  }
0x55: {  	_ =	shalt  }
0x56: {  	_ =	shalt  }
0x57: {  	_ =	shalt  }
0x58: {  	_ =	shalt  }
0x59: {  	_ =	shalt  }
0x5a: {  	_ =	shalt  }
0x5b: {  	_ =	shalt  }
0x5c: {  	_ =	shalt  }
0x5d: {  	_ =	shalt  }
0x5e: {  	_ =	shalt  }
0x5f: {  	_ =	shalt  }
0x60: {  	_ =	shalt  }
0x61: {  	_ =	shalt  }
0x62: {  	_ =	shalt  }
0x63: {  	_ =	shalt  }
0x64: {  	_ =	shalt  }
0x65: {  	_ =	shalt  }
0x66: {  	_ =	shalt  }
0x67: {  	_ =	shalt  }
0x68: {  	_ =	shalt  }
0x69: {  	_ =	shalt  }
0x6a: {  	_ =	shalt  }
0x6b: {  	_ =	shalt  }
0x6c: {  	_ =	shalt  }
0x6d: {  	_ =	shalt  }
0x6e: {  	_ =	shalt  }
0x6f: {  	_ =	shalt  }
0x70: {  	_ =	shalt  }
0x71: {  	_ =	shalt  }
0x72: {  	_ =	shalt  }
0x73: {  	_ =	shalt  }
0x74: {  	_ =	shalt  }
0x75: {  	_ =	shalt  }
0x76: {  	_ =	shalt  }
0x77: {  	_ =	shalt  }
0x78: {  	_ =	shalt  }
0x79: {  	_ =	shalt  }
0x7a: {  	_ =	shalt  }
0x7b: {  	_ =	shalt  }
0x7c: {  	_ =	shalt  }
0x7d: {  	_ =	shalt  }
0x7e: {  	_ =	shalt  }
0x7f: {  	_ =	shalt  }
0x80: {  	_ =	shalt  }
0x81: {  	_ =	shalt  }
0x82: {  	_ =	shalt  }
0x83: {  	_ =	shalt  }
0x84: {  	_ =	shalt  }
0x85: {  	_ =	shalt  }
0x86: {  	_ =	shalt  }
0x87: {  	_ =	shalt  }
.Lfunc_end0:
.L_simem_size_0:
called_computation.4_lowered:
.L_overlay_start_0:
0x88: {  	s2 =	sld [smem:$0x3FD9]  }
0x89: {  	s3 =	sld [smem:$0x3FFE];
	_ =	sdelay $0x1  }
0x8a: {  	s1 =	srdreg.scid  }
0x8b: {  	s0 =	sand.u32 $0x1, s1  }
0x8c: {  	s16 =	sshll.u32 s0, $0xA;
	s2 =	sadd.s32 s3, s2  }
0x8d: {  	s2 =	sadd.s32 s2, s16  }
0x8e: {  	[smem:$0x3FB7] =	sst s2  }
0x8f: {  	_ = 	snop  }
0x90: {  	(tm) =	ssettm $0x1  }
0x91: {  	s17 =	sld [smem:$0x3FFB];
	_ =	sdelay $0x3  }
0x92: {  	_ =	strace s17  }
0x93: {  	s2 =	sld [smem:$0x3FFC];
	_ =	sdelay $0x3  }
0x94: {  	_ =	strace s2  }
0x95: {  	s2 =	sld [smem:$0x3FFD];
	_ =	sdelay $0x3  }
0x96: {  	_ =	strace s2  }
0x97: {  	_ =	strace $0x8FFFFFFF  }
0x98: {  	s18 =	sld [smem:$0x3FDB];
	_ =	sdelay $0x1  }
0x99: {  	s19 =	simm.s32 $_scs_section_size  }
0x9a: {  	s4 =	simm.s32 $_size__tile_overlayer_lowered;
	s5 =	simm.s32 $_tile_overlayer_lowered  }
0x9b: {  	s22 =	simm.s32 $0x1BFF;
	s21 =	sshll.u32 s5, $0x1;
	s2 =	sadd.s32 s19, s18  }
0x9c: {  	s6 =	simm.s32 $0x0;
	s20 =	sshll.u32 s4, $0x1;
	s4 =	sadd.s32 s21, s2  }
0x9d: {  	[timem:s6], [sflag:s22] =	dma.local [hbm:s4], s20  }
0x9e: {  	_ =	swait.ge [sflag:s22], s20  }
0x9f: {  	s3 =	ssub.s32 $0x0, s20;
	[sflag:s22] =	ssyncset.done $0x0  }
0xa0: {  	[sflag:s22] =	ssyncadd.s32 s3;
	_ =	sdelay $0x1  }
0xa1: {  	s23 =	simm.s32 $0x1B8B  }
0xa2: {  	_ =	swait.ge [sflag:s23], $0x1  }
0xa3: {  	[sflag:s23] =	ssyncset.done $0x0  }
0xa4: {  	s25 =	simm.s32 $0x1B8E;
	s24 =	sld [smem:$0x3FFE];
	[sflag:s23] =	ssyncadd.s32 $0xFFFFFFFF  }
0xa5: {  	s26 =	simm.s32 $execute0_lowered;
	[smem:$0x3FD2] =	sst s25  }
0xa6: {  	s4 =	sshll.u32 s26, $0x1;
	_ =	strace $0x80000052;
	[dreg:$0x1] =	wrdreg $0xFFFFFFFF  }
0xa7: {  	s28 =	simm.s32 $_size_execute0_lowered;
	s2 =	sadd.s32 s2, s4;
	[dreg:$0x0] =	wrdreg $0x0  }
0xa8: {  	s4 =	sshll.u32 s28, $0x1;
	[dreg:$0x2] =	wrdreg s2  }
0xa9: {  	[dreg:$0x3] =	wrdreg s4  }
0xaa: {  	[dreg:$0x4] =	wrdreg $0xC0  }
0xab: {  	_ =	task [dreg:s6], $0x5FFFF  }
0xac: {  	[dreg:$0x1] =	wrdreg $0xFFFFFFFF  }
0xad: {  	[dreg:$0x0] =	wrdreg $0x60  }
0xae: {  	[dreg:$0x2] =	wrdreg s24  }
0xaf: {  	[dreg:$0x3] =	wrdreg $0x0  }
0xb0: {  	[dreg:$0x4] =	wrdreg $0x9  }
0xb1: {  	_ =	task.clear_ibuf [dreg:s6], $0x5FFFF;
	_ =	strace $0x90000052  }
0xb2: {  	s29 =	simm.s32 $0x9;
	_ =	strace $0x80000054  }
0xb3: {  	_ =	swait.ge [sflag:s29], $0x1  }
0xb4: {  	[sflag:s29] =	ssyncadd.s32 $0xFFFFFFFF  }
0xb5: {  	_ =	strace $0x90000054  }
0xb6: {  	_ =	sfence  }
0xb7: {  	s30 =	sld [smem:$0x0];
	_ =	sdelay $0x2  }
0xb8: {  	s31 =	sshll.u32 s1, $0xD;
	s1 =	sshrl.u32 s1, $0x2  }
0xb9: {  	s3 =	sand.u32 $0x4000, s31;
	s1 =	sadd.s32 s1, s30  }
0xba: {  	s0 =	sor.u32 s3, s0;
	s1 =	sshll.u32 s1, $0x11  }
0xbb: {  	s0 =	sor.u32 s1, s0  }
0xbc: {  	s0 =	sadd.s32 $0x8F2B, s0  }
0xbd: {  	[sflag:s0] =	ssyncadd.remote.s32 $0x1  }
0xbe: {  	_ =	sfence.sel $0xFFFF  }
0xbf: {  	[dreg:$0x0] =	wrdreg $0xFFFFFFFF;
	(pc) =	sbr.abs _section_cstart, $3  }
0xc0: {  	[dreg:$0x1] =	wrdreg $0xFFFFFFFF  }
0xc1: {  	_ =	task.clear_ibuf [dreg:s6], $0x2FFFF;
	_ =	strace $0x9FFFFFFF  }
0xc2: {  	(tm) =	ssettm $0x7FFFFFFF  }
0xc3: {  	_ =	shalt  }
tec
execute0_lowered:
.L_overlay_start_1:
0x0: {  	(tag) =	ssettag $0x1  }
0x1: {  	s7 =	rddreg [dreg:$0x0]  }
0x2: {  	s2 =	rddreg [dreg:$0x1];
	s3 =	simm.s32 $0x0  }
0x3: {  	s0 =	stileid.u32;
	s4 =	srdreg.scid;
	s17 =	simm.s32 $0x1C000  }
0x4: {  	s19 =	simm.s32 $0x80;
	s20 =	simm.s32 $0x14000;
	s21 =	simm.s32 $0x1  }
0x5: {  	s23 =	simm.s32 $0x18000;
	s22 =	simm.s32 $0x2;
	[smem:$0x7FF] =	sst s3  }
0x6: {  	s8 =	smul.u32 $0x14000, s0;
	s9 =	sand.u32 $0x1, s4;
	s4 =	sadd.s32 $0x41A00, s7  }
0x7: {  	s5 =	sadd.s32 $0x5A00, s7;
	s6 =	sadd.s32 $0xFA00, s7;
	s29 =	smul.u32 $0x50000, s0  }
0x8: {  	s30 =	sshll.u32 s0, $0x3;
	s31 =	sshll.u32 s0, $0x6;
	_ =	strace $0x80000053  }
0x9: {  	s10 =	smul.u32 $0x140000, s9;
	s28 =	ssub.s32 $0x2, s9;
	p0 =	seq.s32 s9, $0x0  }
0xa: {  	s9 =	smul.u32 $0x98, s0;
	[dreg:$0x3] =	wrdreg s23;
	s23 =	simm.s32 $0x0  }
0xb: {  	s11 =	sshrl.u32 s8, $0x3;
	s12 =	sshrl.u32 s28, $0x1;
	s8 =	sadd.s32 s8, s10  }
0xc: {  	s11 =	sadd.s32 s11, s7;
	s14 =	ssub.s32 s28, s12;
	s10 =	sor.u32 $0x980, s30  }
0xd: {  	s8 =	sshrl.u32 s8, $0x3;
	s9 =	smov.u32 @p0 s10;
	s10 =	sor.u32 $0x1C03, s31  }
0xe: {  	s14 =	smax.u32 s14, $0x1;
	s13 =	sadd.s32 s8, s7;
	s7 =	simm.s32 $0x8  }
0xf: {  	s8 =	sshrl.u32 s29, $0x2;
	s9 =	sshll.u32 s9, $0x4;
	s7 =	simm.s32 @!p0 $0x98  }
0x10: {  	s15 =	sadd.s32 s8, s2;
	s8 =	sadd.s32 $0x19A00, s11;
	s11 =	sadd.s32 s5, s9  }
0x11: {  	s12 =	sadd.s32 s6, s9;
	s13 =	sadd.s32 $0xB7000, s13;
	s16 =	sshll.u32 s7, $0x9  }
0x12: {  	s15 =	sshrl.u32 s15, $0x3;
	[dreg:$0x4] =	wrdreg s16;
	s16 =	simm.s32 $0x3  }
.LBB2_1:
0x13: {  	[spmem:s15], [sflag:s10] =	dma.local [hbm:s8], $0x2800  }
0x14: {  	_ =	swait.ge [sflag:s16], $0x2800  }
0x15: {  	[sflag:s16] =	ssyncset.done $0x0  }
0x16: {  	[sflag:s16] =	ssyncadd.s32 $0xFFFFD800  }
0x17: {  	[tilespmem:s17], [sflag:$0x3] =	stream.linear.gather [hbm4b:s11+s3], $0x1400, $0x38;
	[tilespmem:$0x1E800] =	vst v63  }
0x18: {  	_ =	swait.ge [sflag:s16], $0x1400  }
0x19: {  	[sflag:s16] =	ssyncset.done $0x0  }
0x1a: {  	s0 =	simm.s32 $0x1D400;
	[sflag:s16] =	ssyncadd.s32 $0xFFFFEC00  }
0x1b: {  	[tilespmem:s0], [sflag:$0x3] =	stream.linear.gather [hbm4b:s12+s3], $0x1400, $0x38;
	[tilespmem:$0x1E800] =	vst v63  }
0x1c: {  	_ =	swait.ge [sflag:s16], $0x1400  }
0x1d: {  	[sflag:s16] =	ssyncset.done $0x0  }
0x1e: {  	s24 =	simm.s32 $0x2;
	s25 =	simm.s32 $0x0;
	[sflag:s16] =	ssyncadd.s32 $0xFFFFEC00  }
0x1f: {  	s26 =	smov.u32 s9;
	s28 =	simm.s32 $0x0;
	[bflag:$0x0] =	sbarrier.arrive $0xFFFF  }
0x20: {  	[tilespmem:s20], [sflag:$0x1] =	stream.indirect.gather [hbm4b:s4+s19], $0x80, s17, s19, $0xb8;
	[tilespmem:$0x1E800] =	vst v63  }
.LBB2_2:
0x21: {  	s29 =	smulhi.u32 $0xCCCCCCCD, s25;
	_ =	sdelay $0x1  }
0x22: {  	_ =	swait.ge [sflag:s21], $0x4000;
	s29 =	sshrl.u32 s29, $0x5  }
0x23: {  	p1 =	seq.s32 s28, $0x0;
	[sflag:s21] =	ssyncset.done $0x0;
	s30 =	smul.u32 $0x5000, s29  }
0x24: {  	s31 =	simm.s32 @!p1 $0x2;
	[sflag:s21] =	ssyncadd.s32 $0xFFFFC000  }
0x25: {  	_ =	swait.ge @!p1 [sflag:s31], $0x4000;
	p0 =	sne.s32 @!p1 s30, s28  }
0x26: {  	[sflag:s31] =	ssyncset.done @!p1 $0x0;
	p0 =	por p0, p1  }
0x27: {  	s29 =	smul.u32 $0xFFFFB000, s29;
	[sflag:s31] =	ssyncadd.s32 @!p1 $0xFFFFC000;
	s31 =	sand.u32 @!p0 $0xFFFFF80, s26  }
0x28: {  	s0 =	simm.s32 @!p0 $0x0;
	s1 =	simm.s32 @!p0 $0x1D400;
	s31 =	sadd.s32 @!p0 s6, s31  }
0x29: {  	[tilespmem:s1], [sflag:$0x3] =	stream.linear.gather @!p0 [hbm4b:s31+s0], $0x1400, $0x38;
	[tilespmem:$0x1E800] =	vst v63  }
0x2a: {  	s1 =	simm.s32 @!p0 $0x3  }
0x2b: {  	s18 =	sshra.s32 s28, $0x2;
	s0 =	sshra.s32 s29, $0x2;
	_ =	swait.ge @!p0 [sflag:s1], $0x1400  }
0x2c: {  	s31 =	sadd.s32 $0xFFFFFFFF, s24;
	s29 =	sadd.s32 $0x1D400, s0;
	[sflag:s1] =	ssyncset.done @!p0 $0x0  }
0x2d: {  	[sflag:s1] =	ssyncadd.s32 @!p0 $0xFFFFEC00;
	p0 =	sge.u32 s31, s7;
	s1 =	sadd.s32 s18, s29  }
0x2e: {  	[spmem:s2] =	stream.indirect.scatter.add.f32 [tilespmem:s20], [sflag:$0x2], $0x80, s1, s19, $0xb8;
	[tilespmem:$0x1E800] =	vst v63  }
0x2f: {  	s0 =	sadd.s32 $0x1C080, s0;
	s18 =	sshra.s32 @!p0 s28, $0x2  }
0x30: {  	s29 =	simm.s32 @!p0 $0x18000;
	s0 =	sadd.s32 @!p0 s18, s0;
	s18 =	simm.s32 @!p0 $0x80  }
0x31: {  	[tilespmem:s29], [sflag:$0x1] =	stream.indirect.gather @!p0 [hbm4b:s4+s18], $0x80, s0, s18, $0xb8;
	[tilespmem:$0x1E800] =	vst v63  }
0x32: {  	s0 =	sadd.s32 $0x4C00, s30;
	p0 =	sge.u32 s24, s7  }
0x33: {  	p1 =	sne.s32 @!p0 s0, s28  }
0x34: {  	_ =	swait.ge [sflag:s21], $0x4000;
	p1 =	por p1, p0  }
0x35: {  	[sflag:s21] =	ssyncset.done $0x0;
	s0 =	sadd.s32 @!p1 $0x20, s26  }
0x36: {  	[sflag:s21] =	ssyncadd.s32 $0xFFFFC000;
	s0 =	sand.u32 @!p1 $0x1FFFFF80, s0  }
0x37: {  	s18 =	simm.s32 @!p1 $0x0;
	s29 =	simm.s32 @!p1 $0x1C000;
	s0 =	sadd.s32 @!p1 s5, s0  }
0x38: {  	[tilespmem:s29], [sflag:$0x3] =	stream.linear.gather @!p1 [hbm4b:s0+s18], $0x1400, $0x38;
	[tilespmem:$0x1E800] =	vst v63  }
0x39: {  	s0 =	simm.s32 @!p1 $0x3  }
0x3a: {  	s31 =	smulhi.u32 $0xCCCCCCCD, s24;
	_ =	swait.ge @!p1 [sflag:s0], $0x1400  }
0x3b: {  	[sflag:s0] =	ssyncset.done @!p1 $0x0  }
0x3c: {  	s29 =	sshrl.u32 s31, $0x5;
	[sflag:s0] =	ssyncadd.s32 @!p1 $0xFFFFEC00  }
0x3d: {  	s0 =	smul.u32 $0xFFFFB000, s29;
	_ =	swait.ge [sflag:s22], $0x4000  }
0x3e: {  	s1 =	sadd.s32 $0x80, s1;
	s18 =	simm.s32 @!p0 $0x14000;
	[sflag:s22] =	ssyncset.done $0x0  }
0x3f: {  	s30 =	rddreg [dreg:$0x3];
	s0 =	sshra.s32 s0, $0x2;
	[sflag:s22] =	ssyncadd.s32 $0xFFFFC000  }
0x40: {  	[spmem:s2] =	stream.indirect.scatter.add.f32 [tilespmem:s30], [sflag:$0x2], $0x80, s1, s19, $0xb8;
	[tilespmem:$0x1E800] =	vst v63  }
0x41: {  	s31 =	rddreg [dreg:$0x4];
	s0 =	sadd.s32 $0x1C100, s0;
	s1 =	sshra.s32 @!p0 s28, $0x2  }
0x42: {  	s28 =	sadd.s32 $0x400, s28;
	s0 =	sadd.s32 @!p0 s1, s0;
	s1 =	simm.s32 @!p0 $0x80  }
0x43: {  	[tilespmem:s18], [sflag:$0x1] =	stream.indirect.gather @!p0 [hbm4b:s4+s1], $0x80, s0, s1, $0xb8;
	[tilespmem:$0x1E800] =	vst v63  }
0x44: {  	p0 =	sne.s32 s31, s28  }
.Ltmp0:
0x45: {  	_ = 	snop;
	(pc) =	sbr.rel @p0 .LBB2_2-.Ltmp0, $2  }
0x46: {  	_ =	sdelay $0x2  }
0x47: {  	s25 =	sadd.s32 $0x2, s25;
	s24 =	sadd.s32 $0x2, s24;
	s26 =	sadd.s32 $0x20, s26  }
0x48: {  	_ =	swait.ge [sflag:s22], $0x4000  }
0x49: {  	s23 =	sadd.s32 $0x1, s23;
	[sflag:s22] =	ssyncset.done $0x0  }
0x4a: {  	p0 =	sne.s32 s23, s14;
	[sflag:s22] =	ssyncadd.s32 $0xFFFFC000  }
.Ltmp1:
0x4b: {  	[bflag:$0x0] =	sbarrier.arrive $0xFFFF;
	(pc) =	sbr.rel @p0 .LBB2_1-.Ltmp1, $4  }
0x4c: {  	[hbm:s13], [sflag:s10] =	dma.local [spmem:s15], $0x2800  }
0x4d: {  	_ =	swait.ge [sflag:s16], $0x2800  }
0x4e: {  	[sflag:s16] =	ssyncset.done $0x0  }
0x4f: {  	[sflag:s16] =	ssyncadd.s32 $0xFFFFD800  }
0x50: {  	_ =	sfence.sel $0x180000  }
0x51: {  	[bflag:$0x0] =	sbarrier.arrive $0xFFFF  }
0x52: {  	_ =	strace $0x90000053  }
0x53: {  	s0 =	stileid.u32;
	[bflag:$0x2] =	sbarrier.arrive $0xFFFF  }
0x54: {  	p0 =	sne.s32 s0, $0x0;
	s0 =	rddreg [dreg:$0x2]  }
0x55: {  	s0 =	sadd.s32 @!p0 $0x100000, s0  }
0x56: {  	[sflag:s0] =	ssyncadd.tile.s32 @!p0 $0x1;
	_ =	shalt  }
.Lfunc_end2:
_tile_overlayer_lowered:
.L_overlay_start_2:
0x57: {  	(tag) =	ssettag $0x2  }
0x58: {  	s0 =	rddreg [dreg:$0x0];
	s2 =	stileid.u32  }
0x59: {  	s1 =	rddreg [dreg:$0x1];
	p0 =	sne.s32 s2, $0x0  }
0x5a: {  	s3 =	rddreg [dreg:$0x2];
	[bflag:$0x3] =	sbarrier.arrive $0xFFFF;
	s2 =	simm.s32 @!p0 $0x1C03  }
0x5b: {  	[timem:s3], [sflag:s2] =	dma.local @!p0 [hbm:s0], s1  }
0x5c: {  	s0 =	simm.s32 @!p0 $0x3  }
0x5d: {  	_ =	swait.ge @!p0 [sflag:s0], s1  }
0x5e: {  	s1 =	ssub.s32 @!p0 $0x0, s1;
	[sflag:s0] =	ssyncset.done @!p0 $0x0  }
0x5f: {  	[sflag:s0] =	ssyncadd.s32 @!p0 s1  }
0x60: {  	[bflag:$0x3] =	sbarrier.arrive $0xFFFF  }
0x61: {  	_ =	shalt  }

</sc_bundles>
